<compile_context>
chip_gen: v7x
topology: tpu7x:2x2x1
jax: 0.10.2.dev20260603
libtpu: 0.0.44.dev20260713+nightly
codegen_flags: <defaults>
</compile_context>

<pallas_src>
import dataclasses
import functools

import jax
import jax.numpy as jnp
from jax import lax
from jax.experimental import pallas as pl
from jax.experimental.pallas import tpu as pltpu
from jax.experimental.pallas import tpu_sc as plsc

_B, _D, _K, _C = 512, 256, 128, 1000
_M = 100000
_SIGMA = 10.0
_GC = 1.0 / (2.0 * _SIGMA ** 2)

_NC, _NS, _L = 2, 16, 16
_NW = _NC * _NS
_BPW = _B // _NW
_CP = 1024
_NS16 = _D // _L
_NG = _K // _L
_PS = 17


def _sc_body(feat_hbm, cent_hbm, lab_hbm, neigh_hbm, w_hbm, hist_hbm,
             idx_all, feat_all, rows_a, rows_b, w_a, w_b, lbl_a, lbl_b,
             pacc_v, hist_a, hist_b, sem_a, sem_b, sem_ha, sem_hb):
    wid = lax.axis_index("s") * _NC + lax.axis_index("c")
    base = wid * _BPW
    zero = jnp.zeros((_L,), jnp.float32)
    k17 = [(lax.iota(jnp.int32, _L) + _L * g) * _PS for g in range(_NG)]

    def issue(i, rows_v, w_v, lbl_v, sem):
        idx = idx_all.at[i]
        pltpu.make_async_copy(cent_hbm.at[idx], rows_v, sem).start()
        pltpu.make_async_copy(w_hbm.at[idx], w_v, sem).start()
        pltpu.make_async_copy(lab_hbm.at[idx], lbl_v, sem).start()

    def wait(i, rows_v, w_v, lbl_v, sem):
        idx = idx_all.at[i]
        pltpu.make_async_copy(cent_hbm.at[idx], rows_v, sem).wait()
        pltpu.make_async_copy(w_hbm.at[idx], w_v, sem).wait()
        pltpu.make_async_copy(lab_hbm.at[idx], lbl_v, sem).wait()

    def compute(i, j, rows_v, w_v, lbl_v, hist_v, sem_h):
        @pl.when(j > 0)
        def _():
            pltpu.make_async_copy(hist_v, hist_hbm.at[base + i - 2], sem_h
                                  ).wait()
        for t in range(_CP // _L):
            hist_v[pl.ds(_L * t, _L)] = zero

        fs = [feat_all[i, pl.ds(_L * s, _L)] for s in range(_NS16)]

        @plsc.parallel_loop(0, _K, unroll=2)
        def _per_neighbour(k):
            acc = [zero, zero, zero, zero]
            for s in range(_NS16):
                diff = fs[s] - rows_v[k, pl.ds(_L * s, _L)]
                acc[s % 4] = acc[s % 4] + diff * diff
            pacc_v[pl.ds(k * _PS, _L)] = (acc[0] + acc[1]) + (acc[2] + acc[3])

        for g in range(_NG):
            part = [None] * 4
            for s in range(_NS16):
                col = plsc.load_gather(pacc_v, [k17[g] + s])
                part[s % 4] = col if part[s % 4] is None else part[s % 4] + col
            dist = (part[0] + part[1]) + (part[2] + part[3])
            ev = jnp.exp(w_v[pl.ds(_L * g, _L)] - _GC * dist)
            plsc.addupdate_scatter(hist_v, [lbl_v[pl.ds(_L * g, _L)]], ev)

        pltpu.make_async_copy(hist_v, hist_hbm.at[base + i], sem_h).start()

    pltpu.sync_copy(neigh_hbm.at[pl.ds(base, _BPW)], idx_all)
    pltpu.sync_copy(feat_hbm.at[pl.ds(base, _BPW)], feat_all)
    issue(0, rows_a, w_a, lbl_a, sem_a)

    @pl.loop(0, _BPW // 2)
    def _pair(j):
        a = 2 * j
        issue(a + 1, rows_b, w_b, lbl_b, sem_b)
        wait(a, rows_a, w_a, lbl_a, sem_a)
        compute(a, j, rows_a, w_a, lbl_a, hist_a, sem_ha)

        @pl.when(j < _BPW // 2 - 1)
        def _():
            issue(a + 2, rows_a, w_a, lbl_a, sem_a)

        wait(a + 1, rows_b, w_b, lbl_b, sem_b)
        compute(a + 1, j, rows_b, w_b, lbl_b, hist_b, sem_hb)

    pltpu.make_async_copy(hist_a, hist_hbm.at[base + _BPW - 2], sem_ha).wait()
    pltpu.make_async_copy(hist_b, hist_hbm.at[base + _BPW - 1], sem_hb).wait()


def _sc_class_sums(features, centres, centre_labels, neighbours, weight):
    mesh = plsc.VectorSubcoreMesh(core_axis_name="c", subcore_axis_name="s")
    cp = pltpu.CompilerParams()
    if "needs_layout_passes" in pltpu.CompilerParams.__dataclass_fields__:
        cp = dataclasses.replace(cp, needs_layout_passes=False)
    run = functools.partial(
        pl.kernel,
        out_type=jax.ShapeDtypeStruct((_B, _CP), jnp.float32),
        mesh=mesh,
        compiler_params=cp,
        scratch_types=[
            pltpu.VMEM((_BPW, _K), jnp.int32),
            pltpu.VMEM((_BPW, _D), jnp.float32),
            pltpu.VMEM((_K, _D), jnp.float32),
            pltpu.VMEM((_K, _D), jnp.float32),
            pltpu.VMEM((_K,), jnp.float32),
            pltpu.VMEM((_K,), jnp.float32),
            pltpu.VMEM((_K,), jnp.int32),
            pltpu.VMEM((_K,), jnp.int32),
            pltpu.VMEM((_K * _PS,), jnp.float32),
            pltpu.VMEM((_CP,), jnp.float32),
            pltpu.VMEM((_CP,), jnp.float32),
            pltpu.SemaphoreType.DMA,
            pltpu.SemaphoreType.DMA,
            pltpu.SemaphoreType.DMA,
            pltpu.SemaphoreType.DMA,
        ],
    )(_sc_body)
    return run(features, centres, centre_labels, neighbours, weight)


def _finalize_body(h_ref, o_ref):
    p = h_ref[...]
    p = jnp.where(p == 0.0, 1e-10, p)
    real = jax.lax.broadcasted_iota(jnp.int32, p.shape, 1) < _C
    s = jnp.sum(jnp.where(real, p, 0.0), axis=1, keepdims=True)
    logp = jnp.log(p / s)
    o_ref[...] = logp[:, :_C]


_finalize = pl.pallas_call(
    _finalize_body,
    grid=(2,),
    in_specs=[pl.BlockSpec((_B // 2, _CP), lambda i: (i, 0))],
    out_specs=pl.BlockSpec((_B // 2, _C), lambda i: (i, 0)),
    out_shape=jax.ShapeDtypeStruct((_B, _C), jnp.float32),
)


def kernel(features, centres, centre_labels, neighbours, weight):
    hist = _sc_class_sums(
        features,
        centres,
        centre_labels.astype(jnp.int32),
        neighbours.astype(jnp.int32),
        weight,
    )
    return _finalize(hist)

# --- scband reference (transcript-rebuilt; emitter-appended) ---
"""Pipeline reference for scband-gaussian-kernels-84731114816366 (READ-ONLY COPY).

The authoritative reference and input builder live on the scoring server;
editing this copy changes nothing except your own understanding.
"""

import jax, jax.numpy as jnp
import numpy as np

NUM_CLASSES = 1000
NUM_NEIGHBOURS = 128
NUM_CENTRES = 100000
SIGMA = 10.0
GAUSSIAN_CONSTANT = 1.0 / (2.0 * SIGMA ** 2)

B, D = 512, 256


def setup_inputs(seed: int = 0) -> dict:
    key = jax.random.key(seed)
    k1, k2, k3, k4 = jax.random.split(key, 4)
    features = jax.random.normal(k1, (B, D), dtype=jnp.float32)
    centres = jax.random.normal(k2, (NUM_CENTRES, D), dtype=jnp.float32)
    centre_labels = jax.random.randint(k3, (NUM_CENTRES,), 0, NUM_CLASSES)
    neighbours = jax.random.randint(k4, (B, NUM_NEIGHBOURS), 0, NUM_CENTRES)
    weight = jnp.zeros((NUM_CENTRES,), dtype=jnp.float32)
    return {
        'features': features,
        'centres': centres,
        'centre_labels': centre_labels,
        'neighbours': neighbours,
        'weight': weight,
    }


def reference(features, centres, centre_labels, neighbours, weight):
    # Vectorized, mathematically faithful translation of the per-sample torch loop.
    kernel_weights = jnp.exp(weight)  # [M]
    gathered = jnp.take(centres, neighbours, axis=0)            # [B, K, D]
    d = jnp.sum((features[:, None, :] - gathered) ** 2, axis=-1)  # [B, K]
    d = jnp.exp(-d * GAUSSIAN_CONSTANT) * jnp.take(kernel_weights, neighbours, axis=0)  # [B, K]
    neighbour_labels = jnp.take(centre_labels, neighbours, axis=0)  # [B, K]
    onehot = jax.nn.one_hot(neighbour_labels, NUM_CLASSES, dtype=d.dtype)  # [B, K, C]
    p = jnp.einsum('bk,bkc->bc', d, onehot)                     # [B, C] class-wise kernel sums
    p = jnp.where(p == 0, 1e-10, p)
    p = p / jnp.sum(p, axis=1, keepdims=True)
    return jnp.log(p)

if __name__ == "__main__":
    import jax
    _d = setup_inputs()
    print(jax.jit(kernel)(*tuple(_d.values())))

</pallas_src>

<mosaic_0001>
#map = affine_map<(d0, d1) -> (0, 0)>
#map1 = affine_map<(d0, d1) -> (0)>
module attributes {stable_mosaic.version = 14 : i64} {
  func.func @_sc_body(%arg0: i32, %arg1: i32, %arg2: memref<512x256xf32, #tpu.memory_space<hbm>>, %arg3: memref<100000x256xf32, #tpu.memory_space<hbm>>, %arg4: memref<100000xi32, #tpu.memory_space<hbm>>, %arg5: memref<512x128xi32, #tpu.memory_space<hbm>>, %arg6: memref<100000xf32, #tpu.memory_space<hbm>>, %arg7: memref<512x1024xf32, #tpu.memory_space<hbm>>, %arg8: memref<16x128xi32, #tpu.memory_space<vmem>>, %arg9: memref<16x256xf32, #tpu.memory_space<vmem>>, %arg10: memref<128x256xf32, #tpu.memory_space<vmem>>, %arg11: memref<128x256xf32, #tpu.memory_space<vmem>>, %arg12: memref<128xf32, #tpu.memory_space<vmem>>, %arg13: memref<128xf32, #tpu.memory_space<vmem>>, %arg14: memref<128xi32, #tpu.memory_space<vmem>>, %arg15: memref<128xi32, #tpu.memory_space<vmem>>, %arg16: memref<2176xf32, #tpu.memory_space<vmem>>, %arg17: memref<1024xf32, #tpu.memory_space<vmem>>, %arg18: memref<1024xf32, #tpu.memory_space<vmem>>, %arg19: memref<!tpu.dma_semaphore, #tpu.memory_space<semaphore_mem>>, %arg20: memref<!tpu.dma_semaphore, #tpu.memory_space<semaphore_mem>>, %arg21: memref<!tpu.dma_semaphore, #tpu.memory_space<semaphore_mem>>, %arg22: memref<!tpu.dma_semaphore, #tpu.memory_space<semaphore_mem>>) attributes {dimension_semantics = [#tpu.dimension_semantics<core_parallel>, #tpu.dimension_semantics<subcore_parallel>], iteration_bounds = array<i64: 2, 16>, scalar_prefetch = 0 : i64, scratch_operands = 15 : i64, tpu.core_type = #tpu.core_type<sc_vector_subcore>, window_params = [{transform_indices = #map}, {transform_indices = #map}, {transform_indices = #map1}, {transform_indices = #map}, {transform_indices = #map1}, {transform_indices = #map}]} {
    %mul3A = arith.constant 2 : i32
    %mul3A_0 = arith.muli %arg1, %mul3A : i32
    %add3A = arith.addi %mul3A_0, %arg0 : i32
    %mul3A_1 = arith.constant 16 : i32
    %mul3A_2 = arith.muli %add3A, %mul3A_1 : i32
    %broadcast_in_dim3A = arith.constant 0.000000e+00 : f32
    %broadcast_in_dim3A_3 = vector.broadcast %broadcast_in_dim3A : f32 to vector<16xf32>
    %iota3A = tpu.iota {dimensions = array<i32: 0>} : vector<16xi32>
    %add3A_4 = arith.constant 0 : i32
    %add3A_5 = vector.broadcast %add3A_4 : i32 to vector<16xi32>
    %add3A_6 = arith.addi %iota3A, %add3A_5 : vector<16xi32>
    %mul3A_7 = arith.constant 17 : i32
    %mul3A_8 = vector.broadcast %mul3A_7 : i32 to vector<16xi32>
    %mul3A_9 = arith.muli %add3A_6, %mul3A_8 : vector<16xi32>
    %iota3A_10 = tpu.iota {dimensions = array<i32: 0>} : vector<16xi32>
    %add3A_11 = arith.constant 16 : i32
    %add3A_12 = vector.broadcast %add3A_11 : i32 to vector<16xi32>
    %add3A_13 = arith.addi %iota3A_10, %add3A_12 : vector<16xi32>
    %mul3A_14 = arith.constant 17 : i32
    %mul3A_15 = vector.broadcast %mul3A_14 : i32 to vector<16xi32>
    %mul3A_16 = arith.muli %add3A_13, %mul3A_15 : vector<16xi32>
    %iota3A_17 = tpu.iota {dimensions = array<i32: 0>} : vector<16xi32>
    %add3A_18 = arith.constant 32 : i32
    %add3A_19 = vector.broadcast %add3A_18 : i32 to vector<16xi32>
    %add3A_20 = arith.addi %iota3A_17, %add3A_19 : vector<16xi32>
    %mul3A_21 = arith.constant 17 : i32
    %mul3A_22 = vector.broadcast %mul3A_21 : i32 to vector<16xi32>
    %mul3A_23 = arith.muli %add3A_20, %mul3A_22 : vector<16xi32>
    %iota3A_24 = tpu.iota {dimensions = array<i32: 0>} : vector<16xi32>
    %add3A_25 = arith.constant 48 : i32
    %add3A_26 = vector.broadcast %add3A_25 : i32 to vector<16xi32>
    %add3A_27 = arith.addi %iota3A_24, %add3A_26 : vector<16xi32>
    %mul3A_28 = arith.constant 17 : i32
    %mul3A_29 = vector.broadcast %mul3A_28 : i32 to vector<16xi32>
    %mul3A_30 = arith.muli %add3A_27, %mul3A_29 : vector<16xi32>
    %iota3A_31 = tpu.iota {dimensions = array<i32: 0>} : vector<16xi32>
    %add3A_32 = arith.constant 64 : i32
    %add3A_33 = vector.broadcast %add3A_32 : i32 to vector<16xi32>
    %add3A_34 = arith.addi %iota3A_31, %add3A_33 : vector<16xi32>
    %mul3A_35 = arith.constant 17 : i32
    %mul3A_36 = vector.broadcast %mul3A_35 : i32 to vector<16xi32>
    %mul3A_37 = arith.muli %add3A_34, %mul3A_36 : vector<16xi32>
    %iota3A_38 = tpu.iota {dimensions = array<i32: 0>} : vector<16xi32>
    %add3A_39 = arith.constant 80 : i32
    %add3A_40 = vector.broadcast %add3A_39 : i32 to vector<16xi32>
    %add3A_41 = arith.addi %iota3A_38, %add3A_40 : vector<16xi32>
    %mul3A_42 = arith.constant 17 : i32
    %mul3A_43 = vector.broadcast %mul3A_42 : i32 to vector<16xi32>
    %mul3A_44 = arith.muli %add3A_41, %mul3A_43 : vector<16xi32>
    %iota3A_45 = tpu.iota {dimensions = array<i32: 0>} : vector<16xi32>
    %add3A_46 = arith.constant 96 : i32
    %add3A_47 = vector.broadcast %add3A_46 : i32 to vector<16xi32>
    %add3A_48 = arith.addi %iota3A_45, %add3A_47 : vector<16xi32>
    %mul3A_49 = arith.constant 17 : i32
    %mul3A_50 = vector.broadcast %mul3A_49 : i32 to vector<16xi32>
    %mul3A_51 = arith.muli %add3A_48, %mul3A_50 : vector<16xi32>
    %iota3A_52 = tpu.iota {dimensions = array<i32: 0>} : vector<16xi32>
    %add3A_53 = arith.constant 112 : i32
    %add3A_54 = vector.broadcast %add3A_53 : i32 to vector<16xi32>
    %add3A_55 = arith.addi %iota3A_52, %add3A_54 : vector<16xi32>
    %mul3A_56 = arith.constant 17 : i32
    %mul3A_57 = vector.broadcast %mul3A_56 : i32 to vector<16xi32>
    %mul3A_58 = arith.muli %add3A_55, %mul3A_57 : vector<16xi32>
    "tpu.region"() ({
      %run_scoped3A = tpu.sem_alloc : memref<!tpu.dma_semaphore, #tpu.memory_space<semaphore_mem>>
      %dma_start3A_99 = arith.constant 0 : i32
      %dma_start3A_100 = tpu.memref_slice %arg5[%mul3A_2, %dma_start3A_99] : memref<512x128xi32, #tpu.memory_space<hbm>> -> memref<16x128xi32, #tpu.memory_space<hbm>>
      %dma_start3A_101 = arith.constant 0 : i32
      %dma_start3A_102 = tpu.memref_slice %arg5[%mul3A_2, %dma_start3A_101] : memref<512x128xi32, #tpu.memory_space<hbm>> -> memref<16x128xi32, #tpu.memory_space<hbm>>
      tpu.enqueue_dma source(%dma_start3A_102 : memref<16x128xi32, #tpu.memory_space<hbm>>) target(%arg8 : memref<16x128xi32, #tpu.memory_space<vmem>>) target_semaphore(%run_scoped3A : memref<!tpu.dma_semaphore, #tpu.memory_space<semaphore_mem>>)
      %dma_wait3A_103 = arith.constant 0 : i32
      %dma_wait3A_104 = tpu.memref_slice %arg5[%mul3A_2, %dma_wait3A_103] : memref<512x128xi32, #tpu.memory_space<hbm>> -> memref<16x128xi32, #tpu.memory_space<hbm>>
      %dma_wait3A_105 = arith.constant 0 : i32
      %dma_wait3A_106 = tpu.memref_slice %arg5[%mul3A_2, %dma_wait3A_105] : memref<512x128xi32, #tpu.memory_space<hbm>> -> memref<16x128xi32, #tpu.memory_space<hbm>>
      tpu.wait_dma2 semaphore(%run_scoped3A : memref<!tpu.dma_semaphore, #tpu.memory_space<semaphore_mem>>) src(%dma_wait3A_106 : memref<16x128xi32, #tpu.memory_space<hbm>>) dst(%arg8 : memref<16x128xi32, #tpu.memory_space<vmem>>)
      tpu.yield
    }) : () -> ()
    "tpu.region"() ({
      %run_scoped3A = tpu.sem_alloc : memref<!tpu.dma_semaphore, #tpu.memory_space<semaphore_mem>>
      %dma_start3A_99 = arith.constant 0 : i32
      %dma_start3A_100 = tpu.memref_slice %arg2[%mul3A_2, %dma_start3A_99] : memref<512x256xf32, #tpu.memory_space<hbm>> -> memref<16x256xf32, #tpu.memory_space<hbm>>
      %dma_start3A_101 = arith.constant 0 : i32
      %dma_start3A_102 = tpu.memref_slice %arg2[%mul3A_2, %dma_start3A_101] : memref<512x256xf32, #tpu.memory_space<hbm>> -> memref<16x256xf32, #tpu.memory_space<hbm>>
      tpu.enqueue_dma source(%dma_start3A_102 : memref<16x256xf32, #tpu.memory_space<hbm>>) target(%arg9 : memref<16x256xf32, #tpu.memory_space<vmem>>) target_semaphore(%run_scoped3A : memref<!tpu.dma_semaphore, #tpu.memory_space<semaphore_mem>>)
      %dma_wait3A_103 = arith.constant 0 : i32
      %dma_wait3A_104 = tpu.memref_slice %arg2[%mul3A_2, %dma_wait3A_103] : memref<512x256xf32, #tpu.memory_space<hbm>> -> memref<16x256xf32, #tpu.memory_space<hbm>>
      %dma_wait3A_105 = arith.constant 0 : i32
      %dma_wait3A_106 = tpu.memref_slice %arg2[%mul3A_2, %dma_wait3A_105] : memref<512x256xf32, #tpu.memory_space<hbm>> -> memref<16x256xf32, #tpu.memory_space<hbm>>
      tpu.wait_dma2 semaphore(%run_scoped3A : memref<!tpu.dma_semaphore, #tpu.memory_space<semaphore_mem>>) src(%dma_wait3A_106 : memref<16x256xf32, #tpu.memory_space<hbm>>) dst(%arg9 : memref<16x256xf32, #tpu.memory_space<vmem>>)
      tpu.yield
    }) : () -> ()
    %dma_start3A = arith.constant 0 : i32
    %dma_start3A_59 = arith.constant 0 : i32
    %dma_start3A_60 = tpu.memref_slice %arg8[%dma_start3A, %dma_start3A_59] : memref<16x128xi32, #tpu.memory_space<vmem>> -> memref<1x128xi32, #tpu.memory_space<vmem>>
    %dma_start3A_61 = tpu.memref_squeeze %dma_start3A_60 : memref<1x128xi32, #tpu.memory_space<vmem>> -> memref<128xi32, #tpu.memory_space<vmem>>
    %dma_start3A_62 = arith.constant 0 : i32
    %dma_start3A_63 = arith.constant 0 : i32
    %dma_start3A_64 = tpu.memref_slice %arg3[%dma_start3A_62, %dma_start3A_63] : memref<100000x256xf32, #tpu.memory_space<hbm>> -> memref<100000x256xf32, #tpu.memory_space<hbm>>
    tpu.enqueue_indirect_dma source(%dma_start3A_64 : memref<100000x256xf32, #tpu.memory_space<hbm>>) target(%arg10 : memref<128x256xf32, #tpu.memory_space<vmem>>) offsets(%dma_start3A_61 : memref<128xi32, #tpu.memory_space<vmem>>) semaphore(%arg19 : memref<!tpu.dma_semaphore, #tpu.memory_space<semaphore_mem>>)
    %dma_start3A_65 = arith.constant 0 : i32
    %dma_start3A_66 = arith.constant 0 : i32
    %dma_start3A_67 = tpu.memref_slice %arg8[%dma_start3A_65, %dma_start3A_66] : memref<16x128xi32, #tpu.memory_space<vmem>> -> memref<1x128xi32, #tpu.memory_space<vmem>>
    %dma_start3A_68 = tpu.memref_squeeze %dma_start3A_67 : memref<1x128xi32, #tpu.memory_space<vmem>> -> memref<128xi32, #tpu.memory_space<vmem>>
    %dma_start3A_69 = arith.constant 0 : i32
    %dma_start3A_70 = tpu.memref_slice %arg6[%dma_start3A_69] : memref<100000xf32, #tpu.memory_space<hbm>> -> memref<100000xf32, #tpu.memory_space<hbm>>
    tpu.enqueue_indirect_dma source(%dma_start3A_70 : memref<100000xf32, #tpu.memory_space<hbm>>) target(%arg12 : memref<128xf32, #tpu.memory_space<vmem>>) offsets(%dma_start3A_68 : memref<128xi32, #tpu.memory_space<vmem>>) semaphore(%arg19 : memref<!tpu.dma_semaphore, #tpu.memory_space<semaphore_mem>>)
    %dma_start3A_71 = arith.constant 0 : i32
    %dma_start3A_72 = arith.constant 0 : i32
    %dma_start3A_73 = tpu.memref_slice %arg8[%dma_start3A_71, %dma_start3A_72] : memref<16x128xi32, #tpu.memory_space<vmem>> -> memref<1x128xi32, #tpu.memory_space<vmem>>
    %dma_start3A_74 = tpu.memref_squeeze %dma_start3A_73 : memref<1x128xi32, #tpu.memory_space<vmem>> -> memref<128xi32, #tpu.memory_space<vmem>>
    %dma_start3A_75 = arith.constant 0 : i32
    %dma_start3A_76 = tpu.memref_slice %arg4[%dma_start3A_75] : memref<100000xi32, #tpu.memory_space<hbm>> -> memref<100000xi32, #tpu.memory_space<hbm>>
    tpu.enqueue_indirect_dma source(%dma_start3A_76 : memref<100000xi32, #tpu.memory_space<hbm>>) target(%arg14 : memref<128xi32, #tpu.memory_space<vmem>>) offsets(%dma_start3A_74 : memref<128xi32, #tpu.memory_space<vmem>>) semaphore(%arg19 : memref<!tpu.dma_semaphore, #tpu.memory_space<semaphore_mem>>)
    %scan3A = arith.constant 0 : i32
    %scan3A_77 = arith.constant 8 : i32
    %scan3A_78 = arith.addi %scan3A, %scan3A_77 : i32
    %scan3A_79 = arith.constant 1 : i32
    scf.for %scan3A_99 = %scan3A to %scan3A_78 step %scan3A_79  : i32 {
      %mul3A_100 = arith.constant 1 : i32
      %mul3A_101 = arith.muli %scan3A_99, %mul3A_100 : i32
      %add3A_102 = arith.constant 0 : i32
      %add3A_103 = arith.addi %add3A_102, %mul3A_101 : i32
      %mul3A_104 = arith.constant 2 : i32
      %mul3A_105 = arith.muli %mul3A_104, %add3A_103 : i32
      %add3A_106 = arith.constant 1 : i32
      %add3A_107 = arith.addi %mul3A_105, %add3A_106 : i32
      %dma_start3A_108 = arith.constant 0 : i32
      %dma_start3A_109 = tpu.memref_slice %arg8[%add3A_107, %dma_start3A_108] : memref<16x128xi32, #tpu.memory_space<vmem>> -> memref<1x128xi32, #tpu.memory_space<vmem>>
      %dma_start3A_110 = tpu.memref_squeeze %dma_start3A_109 : memref<1x128xi32, #tpu.memory_space<vmem>> -> memref<128xi32, #tpu.memory_space<vmem>>
      %dma_start3A_111 = arith.constant 0 : i32
      %dma_start3A_112 = arith.constant 0 : i32
      %dma_start3A_113 = tpu.memref_slice %arg3[%dma_start3A_111, %dma_start3A_112] : memref<100000x256xf32, #tpu.memory_space<hbm>> -> memref<100000x256xf32, #tpu.memory_space<hbm>>
      tpu.enqueue_indirect_dma source(%dma_start3A_113 : memref<100000x256xf32, #tpu.memory_space<hbm>>) target(%arg11 : memref<128x256xf32, #tpu.memory_space<vmem>>) offsets(%dma_start3A_110 : memref<128xi32, #tpu.memory_space<vmem>>) semaphore(%arg20 : memref<!tpu.dma_semaphore, #tpu.memory_space<semaphore_mem>>)
      %dma_start3A_114 = arith.constant 0 : i32
      %dma_start3A_115 = tpu.memref_slice %arg8[%add3A_107, %dma_start3A_114] : memref<16x128xi32, #tpu.memory_space<vmem>> -> memref<1x128xi32, #tpu.memory_space<vmem>>
      %dma_start3A_116 = tpu.memref_squeeze %dma_start3A_115 : memref<1x128xi32, #tpu.memory_space<vmem>> -> memref<128xi32, #tpu.memory_space<vmem>>
      %dma_start3A_117 = arith.constant 0 : i32
      %dma_start3A_118 = tpu.memref_slice %arg6[%dma_start3A_117] : memref<100000xf32, #tpu.memory_space<hbm>> -> memref<100000xf32, #tpu.memory_space<hbm>>
      tpu.enqueue_indirect_dma source(%dma_start3A_118 : memref<100000xf32, #tpu.memory_space<hbm>>) target(%arg13 : memref<128xf32, #tpu.memory_space<vmem>>) offsets(%dma_start3A_116 : memref<128xi32, #tpu.memory_space<vmem>>) semaphore(%arg20 : memref<!tpu.dma_semaphore, #tpu.memory_space<semaphore_mem>>)
      %dma_start3A_119 = arith.constant 0 : i32
      %dma_start3A_120 = tpu.memref_slice %arg8[%add3A_107, %dma_start3A_119] : memref<16x128xi32, #tpu.memory_space<vmem>> -> memref<1x128xi32, #tpu.memory_space<vmem>>
      %dma_start3A_121 = tpu.memref_squeeze %dma_start3A_120 : memref<1x128xi32, #tpu.memory_space<vmem>> -> memref<128xi32, #tpu.memory_space<vmem>>
      %dma_start3A_122 = arith.constant 0 : i32
      %dma_start3A_123 = tpu.memref_slice %arg4[%dma_start3A_122] : memref<100000xi32, #tpu.memory_space<hbm>> -> memref<100000xi32, #tpu.memory_space<hbm>>
      tpu.enqueue_indirect_dma source(%dma_start3A_123 : memref<100000xi32, #tpu.memory_space<hbm>>) target(%arg15 : memref<128xi32, #tpu.memory_space<vmem>>) offsets(%dma_start3A_121 : memref<128xi32, #tpu.memory_space<vmem>>) semaphore(%arg20 : memref<!tpu.dma_semaphore, #tpu.memory_space<semaphore_mem>>)
      %dma_wait3A_124 = arith.constant 0 : i32
      %dma_wait3A_125 = tpu.memref_slice %arg8[%mul3A_105, %dma_wait3A_124] : memref<16x128xi32, #tpu.memory_space<vmem>> -> memref<1x128xi32, #tpu.memory_space<vmem>>
      %dma_wait3A_126 = tpu.memref_squeeze %dma_wait3A_125 : memref<1x128xi32, #tpu.memory_space<vmem>> -> memref<128xi32, #tpu.memory_space<vmem>>
      %dma_wait3A_127 = arith.constant 0 : i32
      %dma_wait3A_128 = arith.constant 0 : i32
      %dma_wait3A_129 = tpu.memref_slice %arg3[%dma_wait3A_127, %dma_wait3A_128] : memref<100000x256xf32, #tpu.memory_space<hbm>> -> memref<100000x256xf32, #tpu.memory_space<hbm>>
      tpu.wait_indirect_dma semaphore(%arg19 : memref<!tpu.dma_semaphore, #tpu.memory_space<semaphore_mem>>) src(%dma_wait3A_129 : memref<100000x256xf32, #tpu.memory_space<hbm>>) dst(%arg10 : memref<128x256xf32, #tpu.memory_space<vmem>>)
      %dma_wait3A_130 = arith.constant 0 : i32
      %dma_wait3A_131 = tpu.memref_slice %arg8[%mul3A_105, %dma_wait3A_130] : memref<16x128xi32, #tpu.memory_space<vmem>> -> memref<1x128xi32, #tpu.memory_space<vmem>>
      %dma_wait3A_132 = tpu.memref_squeeze %dma_wait3A_131 : memref<1x128xi32, #tpu.memory_space<vmem>> -> memref<128xi32, #tpu.memory_space<vmem>>
      %dma_wait3A_133 = arith.constant 0 : i32
      %dma_wait3A_134 = tpu.memref_slice %arg6[%dma_wait3A_133] : memref<100000xf32, #tpu.memory_space<hbm>> -> memref<100000xf32, #tpu.memory_space<hbm>>
      tpu.wait_indirect_dma semaphore(%arg19 : memref<!tpu.dma_semaphore, #tpu.memory_space<semaphore_mem>>) src(%dma_wait3A_134 : memref<100000xf32, #tpu.memory_space<hbm>>) dst(%arg12 : memref<128xf32, #tpu.memory_space<vmem>>)
      %dma_wait3A_135 = arith.constant 0 : i32
      %dma_wait3A_136 = tpu.memref_slice %arg8[%mul3A_105, %dma_wait3A_135] : memref<16x128xi32, #tpu.memory_space<vmem>> -> memref<1x128xi32, #tpu.memory_space<vmem>>
      %dma_wait3A_137 = tpu.memref_squeeze %dma_wait3A_136 : memref<1x128xi32, #tpu.memory_space<vmem>> -> memref<128xi32, #tpu.memory_space<vmem>>
      %dma_wait3A_138 = arith.constant 0 : i32
      %dma_wait3A_139 = tpu.memref_slice %arg4[%dma_wait3A_138] : memref<100000xi32, #tpu.memory_space<hbm>> -> memref<100000xi32, #tpu.memory_space<hbm>>
      tpu.wait_indirect_dma semaphore(%arg19 : memref<!tpu.dma_semaphore, #tpu.memory_space<semaphore_mem>>) src(%dma_wait3A_139 : memref<100000xi32, #tpu.memory_space<hbm>>) dst(%arg14 : memref<128xi32, #tpu.memory_space<vmem>>)
      %gt3A = arith.constant 0 : i32
      %gt3A_140 = arith.cmpi sgt, %add3A_103, %gt3A : i32
      %convert_element_type3A = arith.extui %gt3A_140 : i1 to i32
      %cond3A = arith.constant 0 : i32
      %cond3A_141 = arith.cmpi ne, %convert_element_type3A, %cond3A : i32
      scf.if %cond3A_141 {
        %add3A_1946 = arith.addi %mul3A_2, %mul3A_105 : i32
        %sub3A_1947 = arith.constant 2 : i32
        %sub3A_1948 = arith.subi %add3A_1946, %sub3A_1947 : i32
        %dma_wait3A_1949 = arith.constant 0 : i32
        %dma_wait3A_1950 = tpu.memref_slice %arg7[%sub3A_1948, %dma_wait3A_1949] : memref<512x1024xf32, #tpu.memory_space<hbm>> -> memref<1x1024xf32, #tpu.memory_space<hbm>>
        %dma_wait3A_1951 = tpu.memref_squeeze %dma_wait3A_1950 : memref<1x1024xf32, #tpu.memory_space<hbm>> -> memref<1024xf32, #tpu.memory_space<hbm>>
        %dma_wait3A_1952 = arith.constant 0 : i32
        %dma_wait3A_1953 = tpu.memref_slice %arg7[%sub3A_1948, %dma_wait3A_1952] : memref<512x1024xf32, #tpu.memory_space<hbm>> -> memref<1x1024xf32, #tpu.memory_space<hbm>>
        %dma_wait3A_1954 = tpu.memref_squeeze %dma_wait3A_1953 : memref<1x1024xf32, #tpu.memory_space<hbm>> -> memref<1024xf32, #tpu.memory_space<hbm>>
        tpu.wait_dma2 semaphore(%arg21 : memref<!tpu.dma_semaphore, #tpu.memory_space<semaphore_mem>>) src(%arg17 : memref<1024xf32, #tpu.memory_space<vmem>>) dst(%dma_wait3A_1954 : memref<1024xf32, #tpu.memory_space<hbm>>)
      } else {
      }
      %swap3A = arith.constant 0 : index
      %swap3A_142 = tpu.vector_load %arg17[%swap3A] {strides = array<i32>} : memref<1024xf32, #tpu.memory_space<vmem>>, vector<16xf32>,
      tpu.vector_store %arg17[%swap3A], %broadcast_in_dim3A_3 {strides = array<i32>} : memref<1024xf32, #tpu.memory_space<vmem>>, vector<16xf32>,
      %swap3A_143 = arith.constant 16 : index
      %swap3A_144 = tpu.vector_load %arg17[%swap3A_143] {strides = array<i32>} : memref<1024xf32, #tpu.memory_space<vmem>>, vector<16xf32>,
      tpu.vector_store %arg17[%swap3A_143], %broadcast_in_dim3A_3 {strides = array<i32>} : memref<1024xf32, #tpu.memory_space<vmem>>, vector<16xf32>,
      %swap3A_145 = arith.constant 32 : index
      %swap3A_146 = tpu.vector_load %arg17[%swap3A_145] {strides = array<i32>} : memref<1024xf32, #tpu.memory_space<vmem>>, vector<16xf32>,
      tpu.vector_store %arg17[%swap3A_145], %broadcast_in_dim3A_3 {strides = array<i32>} : memref<1024xf32, #tpu.memory_space<vmem>>, vector<16xf32>,
      %swap3A_147 = arith.constant 48 : index
      %swap3A_148 = tpu.vector_load %arg17[%swap3A_147] {strides = array<i32>} : memref<1024xf32, #tpu.memory_space<vmem>>, vector<16xf32>,
      tpu.vector_store %arg17[%swap3A_147], %broadcast_in_dim3A_3 {strides = array<i32>} : memref<1024xf32, #tpu.memory_space<vmem>>, vector<16xf32>,
      %swap3A_149 = arith.constant 64 : index
      %swap3A_150 = tpu.vector_load %arg17[%swap3A_149] {strides = array<i32>} : memref<1024xf32, #tpu.memory_space<vmem>>, vector<16xf32>,
      tpu.vector_store %arg17[%swap3A_149], %broadcast_in_dim3A_3 {strides = array<i32>} : memref<1024xf32, #tpu.memory_space<vmem>>, vector<16xf32>,
      %swap3A_151 = arith.constant 80 : index
      %swap3A_152 = tpu.vector_load %arg17[%swap3A_151] {strides = array<i32>} : memref<1024xf32, #tpu.memory_space<vmem>>, vector<16xf32>,
      tpu.vector_store %arg17[%swap3A_151], %broadcast_in_dim3A_3 {strides = array<i32>} : memref<1024xf32, #tpu.memory_space<vmem>>, vector<16xf32>,
      %swap3A_153 = arith.constant 96 : index
      %swap3A_154 = tpu.vector_load %arg17[%swap3A_153] {strides = array<i32>} : memref<1024xf32, #tpu.memory_space<vmem>>, vector<16xf32>,
      tpu.vector_store %arg17[%swap3A_153], %broadcast_in_dim3A_3 {strides = array<i32>} : memref<1024xf32, #tpu.memory_space<vmem>>, vector<16xf32>,
      %swap3A_155 = arith.constant 112 : index
      %swap3A_156 = tpu.vector_load %arg17[%swap3A_155] {strides = array<i32>} : memref<1024xf32, #tpu.memory_space<vmem>>, vector<16xf32>,
      tpu.vector_store %arg17[%swap3A_155], %broadcast_in_dim3A_3 {strides = array<i32>} : memref<1024xf32, #tpu.memory_space<vmem>>, vector<16xf32>,
      %swap3A_157 = arith.constant 128 : index
      %swap3A_158 = tpu.vector_load %arg17[%swap3A_157] {strides = array<i32>} : memref<1024xf32, #tpu.memory_space<vmem>>, vector<16xf32>,
      tpu.vector_store %arg17[%swap3A_157], %broadcast_in_dim3A_3 {strides = array<i32>} : memref<1024xf32, #tpu.memory_space<vmem>>, vector<16xf32>,
      %swap3A_159 = arith.constant 144 : index
      %swap3A_160 = tpu.vector_load %arg17[%swap3A_159] {strides = array<i32>} : memref<1024xf32, #tpu.memory_space<vmem>>, vector<16xf32>,
      tpu.vector_store %arg17[%swap3A_159], %broadcast_in_dim3A_3 {strides = array<i32>} : memref<1024xf32, #tpu.memory_space<vmem>>, vector<16xf32>,
      %swap3A_161 = arith.constant 160 : index
      %swap3A_162 = tpu.vector_load %arg17[%swap3A_161] {strides = array<i32>} : memref<1024xf32, #tpu.memory_space<vmem>>, vector<16xf32>,
      tpu.vector_store %arg17[%swap3A_161], %broadcast_in_dim3A_3 {strides = array<i32>} : memref<1024xf32, #tpu.memory_space<vmem>>, vector<16xf32>,
      %swap3A_163 = arith.constant 176 : index
      %swap3A_164 = tpu.vector_load %arg17[%swap3A_163] {strides = array<i32>} : memref<1024xf32, #tpu.memory_space<vmem>>, vector<16xf32>,
      tpu.vector_store %arg17[%swap3A_163], %broadcast_in_dim3A_3 {strides = array<i32>} : memref<1024xf32, #tpu.memory_space<vmem>>, vector<16xf32>,
      %swap3A_165 = arith.constant 192 : index
      %swap3A_166 = tpu.vector_load %arg17[%swap3A_165] {strides = array<i32>} : memref<1024xf32, #tpu.memory_space<vmem>>, vector<16xf32>,
      tpu.vector_store %arg17[%swap3A_165], %broadcast_in_dim3A_3 {strides = array<i32>} : memref<1024xf32, #tpu.memory_space<vmem>>, vector<16xf32>,
      %swap3A_167 = arith.constant 208 : index
      %swap3A_168 = tpu.vector_load %arg17[%swap3A_167] {strides = array<i32>} : memref<1024xf32, #tpu.memory_space<vmem>>, vector<16xf32>,
      tpu.vector_store %arg17[%swap3A_167], %broadcast_in_dim3A_3 {strides = array<i32>} : memref<1024xf32, #tpu.memory_space<vmem>>, vector<16xf32>,
      %swap3A_169 = arith.constant 224 : index
      %swap3A_170 = tpu.vector_load %arg17[%swap3A_169] {strides = array<i32>} : memref<1024xf32, #tpu.memory_space<vmem>>, vector<16xf32>,
      tpu.vector_store %arg17[%swap3A_169], %broadcast_in_dim3A_3 {strides = array<i32>} : memref<1024xf32, #tpu.memory_space<vmem>>, vector<16xf32>,
      %swap3A_171 = arith.constant 240 : index
      %swap3A_172 = tpu.vector_load %arg17[%swap3A_171] {strides = array<i32>} : memref<1024xf32, #tpu.memory_space<vmem>>, vector<16xf32>,
      tpu.vector_store %arg17[%swap3A_171], %broadcast_in_dim3A_3 {strides = array<i32>} : memref<1024xf32, #tpu.memory_space<vmem>>, vector<16xf32>,
      %swap3A_173 = arith.constant 256 : index
      %swap3A_174 = tpu.vector_load %arg17[%swap3A_173] {strides = array<i32>} : memref<1024xf32, #tpu.memory_space<vmem>>, vector<16xf32>,
      tpu.vector_store %arg17[%swap3A_173], %broadcast_in_dim3A_3 {strides = array<i32>} : memref<1024xf32, #tpu.memory_space<vmem>>, vector<16xf32>,
      %swap3A_175 = arith.constant 272 : index
      %swap3A_176 = tpu.vector_load %arg17[%swap3A_175] {strides = array<i32>} : memref<1024xf32, #tpu.memory_space<vmem>>, vector<16xf32>,
      tpu.vector_store %arg17[%swap3A_175], %broadcast_in_dim3A_3 {strides = array<i32>} : memref<1024xf32, #tpu.memory_space<vmem>>, vector<16xf32>,
      %swap3A_177 = arith.constant 288 : index
      %swap3A_178 = tpu.vector_load %arg17[%swap3A_177] {strides = array<i32>} : memref<1024xf32, #tpu.memory_space<vmem>>, vector<16xf32>,
      tpu.vector_store %arg17[%swap3A_177], %broadcast_in_dim3A_3 {strides = array<i32>} : memref<1024xf32, #tpu.memory_space<vmem>>, vector<16xf32>,
      %swap3A_179 = arith.constant 304 : index
      %swap3A_180 = tpu.vector_load %arg17[%swap3A_179] {strides = array<i32>} : memref<1024xf32, #tpu.memory_space<vmem>>, vector<16xf32>,
      tpu.vector_store %arg17[%swap3A_179], %broadcast_in_dim3A_3 {strides = array<i32>} : memref<1024xf32, #tpu.memory_space<vmem>>, vector<16xf32>,
      %swap3A_181 = arith.constant 320 : index
      %swap3A_182 = tpu.vector_load %arg17[%swap3A_181] {strides = array<i32>} : memref<1024xf32, #tpu.memory_space<vmem>>, vector<16xf32>,
      tpu.vector_store %arg17[%swap3A_181], %broadcast_in_dim3A_3 {strides = array<i32>} : memref<1024xf32, #tpu.memory_space<vmem>>, vector<16xf32>,
      %swap3A_183 = arith.constant 336 : index
      %swap3A_184 = tpu.vector_load %arg17[%swap3A_183] {strides = array<i32>} : memref<1024xf32, #tpu.memory_space<vmem>>, vector<16xf32>,
      tpu.vector_store %arg17[%swap3A_183], %broadcast_in_dim3A_3 {strides = array<i32>} : memref<1024xf32, #tpu.memory_space<vmem>>, vector<16xf32>,
      %swap3A_185 = arith.constant 352 : index
      %swap3A_186 = tpu.vector_load %arg17[%swap3A_185] {strides = array<i32>} : memref<1024xf32, #tpu.memory_space<vmem>>, vector<16xf32>,
      tpu.vector_store %arg17[%swap3A_185], %broadcast_in_dim3A_3 {strides = array<i32>} : memref<1024xf32, #tpu.memory_space<vmem>>, vector<16xf32>,
      %swap3A_187 = arith.constant 368 : index
      %swap3A_188 = tpu.vector_load %arg17[%swap3A_187] {strides = array<i32>} : memref<1024xf32, #tpu.memory_space<vmem>>, vector<16xf32>,
      tpu.vector_store %arg17[%swap3A_187], %broadcast_in_dim3A_3 {strides = array<i32>} : memref<1024xf32, #tpu.memory_space<vmem>>, vector<16xf32>,
      %swap3A_189 = arith.constant 384 : index
      %swap3A_190 = tpu.vector_load %arg17[%swap3A_189] {strides = array<i32>} : memref<1024xf32, #tpu.memory_space<vmem>>, vector<16xf32>,
      tpu.vector_store %arg17[%swap3A_189], %broadcast_in_dim3A_3 {strides = array<i32>} : memref<1024xf32, #tpu.memory_space<vmem>>, vector<16xf32>,
      %swap3A_191 = arith.constant 400 : index
      %swap3A_192 = tpu.vector_load %arg17[%swap3A_191] {strides = array<i32>} : memref<1024xf32, #tpu.memory_space<vmem>>, vector<16xf32>,
      tpu.vector_store %arg17[%swap3A_191], %broadcast_in_dim3A_3 {strides = array<i32>} : memref<1024xf32, #tpu.memory_space<vmem>>, vector<16xf32>,
      %swap3A_193 = arith.constant 416 : index
      %swap3A_194 = tpu.vector_load %arg17[%swap3A_193] {strides = array<i32>} : memref<1024xf32, #tpu.memory_space<vmem>>, vector<16xf32>,
      tpu.vector_store %arg17[%swap3A_193], %broadcast_in_dim3A_3 {strides = array<i32>} : memref<1024xf32, #tpu.memory_space<vmem>>, vector<16xf32>,
      %swap3A_195 = arith.constant 432 : index
      %swap3A_196 = tpu.vector_load %arg17[%swap3A_195] {strides = array<i32>} : memref<1024xf32, #tpu.memory_space<vmem>>, vector<16xf32>,
      tpu.vector_store %arg17[%swap3A_195], %broadcast_in_dim3A_3 {strides = array<i32>} : memref<1024xf32, #tpu.memory_space<vmem>>, vector<16xf32>,
      %swap3A_197 = arith.constant 448 : index
      %swap3A_198 = tpu.vector_load %arg17[%swap3A_197] {strides = array<i32>} : memref<1024xf32, #tpu.memory_space<vmem>>, vector<16xf32>,
      tpu.vector_store %arg17[%swap3A_197], %broadcast_in_dim3A_3 {strides = array<i32>} : memref<1024xf32, #tpu.memory_space<vmem>>, vector<16xf32>,
      %swap3A_199 = arith.constant 464 : index
      %swap3A_200 = tpu.vector_load %arg17[%swap3A_199] {strides = array<i32>} : memref<1024xf32, #tpu.memory_space<vmem>>, vector<16xf32>,
      tpu.vector_store %arg17[%swap3A_199], %broadcast_in_dim3A_3 {strides = array<i32>} : memref<1024xf32, #tpu.memory_space<vmem>>, vector<16xf32>,
      %swap3A_201 = arith.constant 480 : index
      %swap3A_202 = tpu.vector_load %arg17[%swap3A_201] {strides = array<i32>} : memref<1024xf32, #tpu.memory_space<vmem>>, vector<16xf32>,
      tpu.vector_store %arg17[%swap3A_201], %broadcast_in_dim3A_3 {strides = array<i32>} : memref<1024xf32, #tpu.memory_space<vmem>>, vector<16xf32>,
      %swap3A_203 = arith.constant 496 : index
      %swap3A_204 = tpu.vector_load %arg17[%swap3A_203] {strides = array<i32>} : memref<1024xf32, #tpu.memory_space<vmem>>, vector<16xf32>,
      tpu.vector_store %arg17[%swap3A_203], %broadcast_in_dim3A_3 {strides = array<i32>} : memref<1024xf32, #tpu.memory_space<vmem>>, vector<16xf32>,
      %swap3A_205 = arith.constant 512 : index
      %swap3A_206 = tpu.vector_load %arg17[%swap3A_205] {strides = array<i32>} : memref<1024xf32, #tpu.memory_space<vmem>>, vector<16xf32>,
      tpu.vector_store %arg17[%swap3A_205], %broadcast_in_dim3A_3 {strides = array<i32>} : memref<1024xf32, #tpu.memory_space<vmem>>, vector<16xf32>,
      %swap3A_207 = arith.constant 528 : index
      %swap3A_208 = tpu.vector_load %arg17[%swap3A_207] {strides = array<i32>} : memref<1024xf32, #tpu.memory_space<vmem>>, vector<16xf32>,
      tpu.vector_store %arg17[%swap3A_207], %broadcast_in_dim3A_3 {strides = array<i32>} : memref<1024xf32, #tpu.memory_space<vmem>>, vector<16xf32>,
      %swap3A_209 = arith.constant 544 : index
      %swap3A_210 = tpu.vector_load %arg17[%swap3A_209] {strides = array<i32>} : memref<1024xf32, #tpu.memory_space<vmem>>, vector<16xf32>,
      tpu.vector_store %arg17[%swap3A_209], %broadcast_in_dim3A_3 {strides = array<i32>} : memref<1024xf32, #tpu.memory_space<vmem>>, vector<16xf32>,
      %swap3A_211 = arith.constant 560 : index
      %swap3A_212 = tpu.vector_load %arg17[%swap3A_211] {strides = array<i32>} : memref<1024xf32, #tpu.memory_space<vmem>>, vector<16xf32>,
      tpu.vector_store %arg17[%swap3A_211], %broadcast_in_dim3A_3 {strides = array<i32>} : memref<1024xf32, #tpu.memory_space<vmem>>, vector<16xf32>,
      %swap3A_213 = arith.constant 576 : index
      %swap3A_214 = tpu.vector_load %arg17[%swap3A_213] {strides = array<i32>} : memref<1024xf32, #tpu.memory_space<vmem>>, vector<16xf32>,
      tpu.vector_store %arg17[%swap3A_213], %broadcast_in_dim3A_3 {strides = array<i32>} : memref<1024xf32, #tpu.memory_space<vmem>>, vector<16xf32>,
      %swap3A_215 = arith.constant 592 : index
      %swap3A_216 = tpu.vector_load %arg17[%swap3A_215] {strides = array<i32>} : memref<1024xf32, #tpu.memory_space<vmem>>, vector<16xf32>,
      tpu.vector_store %arg17[%swap3A_215], %broadcast_in_dim3A_3 {strides = array<i32>} : memref<1024xf32, #tpu.memory_space<vmem>>, vector<16xf32>,
      %swap3A_217 = arith.constant 608 : index
      %swap3A_218 = tpu.vector_load %arg17[%swap3A_217] {strides = array<i32>} : memref<1024xf32, #tpu.memory_space<vmem>>, vector<16xf32>,
      tpu.vector_store %arg17[%swap3A_217], %broadcast_in_dim3A_3 {strides = array<i32>} : memref<1024xf32, #tpu.memory_space<vmem>>, vector<16xf32>,
      %swap3A_219 = arith.constant 624 : index
      %swap3A_220 = tpu.vector_load %arg17[%swap3A_219] {strides = array<i32>} : memref<1024xf32, #tpu.memory_space<vmem>>, vector<16xf32>,
      tpu.vector_store %arg17[%swap3A_219], %broadcast_in_dim3A_3 {strides = array<i32>} : memref<1024xf32, #tpu.memory_space<vmem>>, vector<16xf32>,
      %swap3A_221 = arith.constant 640 : index
      %swap3A_222 = tpu.vector_load %arg17[%swap3A_221] {strides = array<i32>} : memref<1024xf32, #tpu.memory_space<vmem>>, vector<16xf32>,
      tpu.vector_store %arg17[%swap3A_221], %broadcast_in_dim3A_3 {strides = array<i32>} : memref<1024xf32, #tpu.memory_space<vmem>>, vector<16xf32>,
      %swap3A_223 = arith.constant 656 : index
      %swap3A_224 = tpu.vector_load %arg17[%swap3A_223] {strides = array<i32>} : memref<1024xf32, #tpu.memory_space<vmem>>, vector<16xf32>,
      tpu.vector_store %arg17[%swap3A_223], %broadcast_in_dim3A_3 {strides = array<i32>} : memref<1024xf32, #tpu.memory_space<vmem>>, vector<16xf32>,
      %swap3A_225 = arith.constant 672 : index
      %swap3A_226 = tpu.vector_load %arg17[%swap3A_225] {strides = array<i32>} : memref<1024xf32, #tpu.memory_space<vmem>>, vector<16xf32>,
      tpu.vector_store %arg17[%swap3A_225], %broadcast_in_dim3A_3 {strides = array<i32>} : memref<1024xf32, #tpu.memory_space<vmem>>, vector<16xf32>,
      %swap3A_227 = arith.constant 688 : index
      %swap3A_228 = tpu.vector_load %arg17[%swap3A_227] {strides = array<i32>} : memref<1024xf32, #tpu.memory_space<vmem>>, vector<16xf32>,
      tpu.vector_store %arg17[%swap3A_227], %broadcast_in_dim3A_3 {strides = array<i32>} : memref<1024xf32, #tpu.memory_space<vmem>>, vector<16xf32>,
      %swap3A_229 = arith.constant 704 : index
      %swap3A_230 = tpu.vector_load %arg17[%swap3A_229] {strides = array<i32>} : memref<1024xf32, #tpu.memory_space<vmem>>, vector<16xf32>,
      tpu.vector_store %arg17[%swap3A_229], %broadcast_in_dim3A_3 {strides = array<i32>} : memref<1024xf32, #tpu.memory_space<vmem>>, vector<16xf32>,
      %swap3A_231 = arith.constant 720 : index
      %swap3A_232 = tpu.vector_load %arg17[%swap3A_231] {strides = array<i32>} : memref<1024xf32, #tpu.memory_space<vmem>>, vector<16xf32>,
      tpu.vector_store %arg17[%swap3A_231], %broadcast_in_dim3A_3 {strides = array<i32>} : memref<1024xf32, #tpu.memory_space<vmem>>, vector<16xf32>,
      %swap3A_233 = arith.constant 736 : index
      %swap3A_234 = tpu.vector_load %arg17[%swap3A_233] {strides = array<i32>} : memref<1024xf32, #tpu.memory_space<vmem>>, vector<16xf32>,
      tpu.vector_store %arg17[%swap3A_233], %broadcast_in_dim3A_3 {strides = array<i32>} : memref<1024xf32, #tpu.memory_space<vmem>>, vector<16xf32>,
      %swap3A_235 = arith.constant 752 : index
      %swap3A_236 = tpu.vector_load %arg17[%swap3A_235] {strides = array<i32>} : memref<1024xf32, #tpu.memory_space<vmem>>, vector<16xf32>,
      tpu.vector_store %arg17[%swap3A_235], %broadcast_in_dim3A_3 {strides = array<i32>} : memref<1024xf32, #tpu.memory_space<vmem>>, vector<16xf32>,
      %swap3A_237 = arith.constant 768 : index
      %swap3A_238 = tpu.vector_load %arg17[%swap3A_237] {strides = array<i32>} : memref<1024xf32, #tpu.memory_space<vmem>>, vector<16xf32>,
      tpu.vector_store %arg17[%swap3A_237], %broadcast_in_dim3A_3 {strides = array<i32>} : memref<1024xf32, #tpu.memory_space<vmem>>, vector<16xf32>,
      %swap3A_239 = arith.constant 784 : index
      %swap3A_240 = tpu.vector_load %arg17[%swap3A_239] {strides = array<i32>} : memref<1024xf32, #tpu.memory_space<vmem>>, vector<16xf32>,
      tpu.vector_store %arg17[%swap3A_239], %broadcast_in_dim3A_3 {strides = array<i32>} : memref<1024xf32, #tpu.memory_space<vmem>>, vector<16xf32>,
      %swap3A_241 = arith.constant 800 : index
      %swap3A_242 = tpu.vector_load %arg17[%swap3A_241] {strides = array<i32>} : memref<1024xf32, #tpu.memory_space<vmem>>, vector<16xf32>,
      tpu.vector_store %arg17[%swap3A_241], %broadcast_in_dim3A_3 {strides = array<i32>} : memref<1024xf32, #tpu.memory_space<vmem>>, vector<16xf32>,
      %swap3A_243 = arith.constant 816 : index
      %swap3A_244 = tpu.vector_load %arg17[%swap3A_243] {strides = array<i32>} : memref<1024xf32, #tpu.memory_space<vmem>>, vector<16xf32>,
      tpu.vector_store %arg17[%swap3A_243], %broadcast_in_dim3A_3 {strides = array<i32>} : memref<1024xf32, #tpu.memory_space<vmem>>, vector<16xf32>,
      %swap3A_245 = arith.constant 832 : index
      %swap3A_246 = tpu.vector_load %arg17[%swap3A_245] {strides = array<i32>} : memref<1024xf32, #tpu.memory_space<vmem>>, vector<16xf32>,
      tpu.vector_store %arg17[%swap3A_245], %broadcast_in_dim3A_3 {strides = array<i32>} : memref<1024xf32, #tpu.memory_space<vmem>>, vector<16xf32>,
      %swap3A_247 = arith.constant 848 : index
      %swap3A_248 = tpu.vector_load %arg17[%swap3A_247] {strides = array<i32>} : memref<1024xf32, #tpu.memory_space<vmem>>, vector<16xf32>,
      tpu.vector_store %arg17[%swap3A_247], %broadcast_in_dim3A_3 {strides = array<i32>} : memref<1024xf32, #tpu.memory_space<vmem>>, vector<16xf32>,
      %swap3A_249 = arith.constant 864 : index
      %swap3A_250 = tpu.vector_load %arg17[%swap3A_249] {strides = array<i32>} : memref<1024xf32, #tpu.memory_space<vmem>>, vector<16xf32>,
      tpu.vector_store %arg17[%swap3A_249], %broadcast_in_dim3A_3 {strides = array<i32>} : memref<1024xf32, #tpu.memory_space<vmem>>, vector<16xf32>,
      %swap3A_251 = arith.constant 880 : index
      %swap3A_252 = tpu.vector_load %arg17[%swap3A_251] {strides = array<i32>} : memref<1024xf32, #tpu.memory_space<vmem>>, vector<16xf32>,
      tpu.vector_store %arg17[%swap3A_251], %broadcast_in_dim3A_3 {strides = array<i32>} : memref<1024xf32, #tpu.memory_space<vmem>>, vector<16xf32>,
      %swap3A_253 = arith.constant 896 : index
      %swap3A_254 = tpu.vector_load %arg17[%swap3A_253] {strides = array<i32>} : memref<1024xf32, #tpu.memory_space<vmem>>, vector<16xf32>,
      tpu.vector_store %arg17[%swap3A_253], %broadcast_in_dim3A_3 {strides = array<i32>} : memref<1024xf32, #tpu.memory_space<vmem>>, vector<16xf32>,
      %swap3A_255 = arith.constant 912 : index
      %swap3A_256 = tpu.vector_load %arg17[%swap3A_255] {strides = array<i32>} : memref<1024xf32, #tpu.memory_space<vmem>>, vector<16xf32>,
      tpu.vector_store %arg17[%swap3A_255], %broadcast_in_dim3A_3 {strides = array<i32>} : memref<1024xf32, #tpu.memory_space<vmem>>, vector<16xf32>,
      %swap3A_257 = arith.constant 928 : index
      %swap3A_258 = tpu.vector_load %arg17[%swap3A_257] {strides = array<i32>} : memref<1024xf32, #tpu.memory_space<vmem>>, vector<16xf32>,
      tpu.vector_store %arg17[%swap3A_257], %broadcast_in_dim3A_3 {strides = array<i32>} : memref<1024xf32, #tpu.memory_space<vmem>>, vector<16xf32>,
      %swap3A_259 = arith.constant 944 : index
      %swap3A_260 = tpu.vector_load %arg17[%swap3A_259] {strides = array<i32>} : memref<1024xf32, #tpu.memory_space<vmem>>, vector<16xf32>,
      tpu.vector_store %arg17[%swap3A_259], %broadcast_in_dim3A_3 {strides = array<i32>} : memref<1024xf32, #tpu.memory_space<vmem>>, vector<16xf32>,
      %swap3A_261 = arith.constant 960 : index
      %swap3A_262 = tpu.vector_load %arg17[%swap3A_261] {strides = array<i32>} : memref<1024xf32, #tpu.memory_space<vmem>>, vector<16xf32>,
      tpu.vector_store %arg17[%swap3A_261], %broadcast_in_dim3A_3 {strides = array<i32>} : memref<1024xf32, #tpu.memory_space<vmem>>, vector<16xf32>,
      %swap3A_263 = arith.constant 976 : index
      %swap3A_264 = tpu.vector_load %arg17[%swap3A_263] {strides = array<i32>} : memref<1024xf32, #tpu.memory_space<vmem>>, vector<16xf32>,
      tpu.vector_store %arg17[%swap3A_263], %broadcast_in_dim3A_3 {strides = array<i32>} : memref<1024xf32, #tpu.memory_space<vmem>>, vector<16xf32>,
      %swap3A_265 = arith.constant 992 : index
      %swap3A_266 = tpu.vector_load %arg17[%swap3A_265] {strides = array<i32>} : memref<1024xf32, #tpu.memory_space<vmem>>, vector<16xf32>,
      tpu.vector_store %arg17[%swap3A_265], %broadcast_in_dim3A_3 {strides = array<i32>} : memref<1024xf32, #tpu.memory_space<vmem>>, vector<16xf32>,
      %swap3A_267 = arith.constant 1008 : index
      %swap3A_268 = tpu.vector_load %arg17[%swap3A_267] {strides = array<i32>} : memref<1024xf32, #tpu.memory_space<vmem>>, vector<16xf32>,
      tpu.vector_store %arg17[%swap3A_267], %broadcast_in_dim3A_3 {strides = array<i32>} : memref<1024xf32, #tpu.memory_space<vmem>>, vector<16xf32>,
      %get3A = arith.index_cast %mul3A_105 : i32 to index
      %get3A_269 = arith.constant 0 : index
      %get3A_270 = tpu.vector_load %arg9[%get3A, %get3A_269] {strides = array<i32>} : memref<16x256xf32, #tpu.memory_space<vmem>>, vector<16xf32>,
      %get3A_271 = arith.index_cast %mul3A_105 : i32 to index
      %get3A_272 = arith.constant 16 : index
      %get3A_273 = tpu.vector_load %arg9[%get3A_271, %get3A_272] {strides = array<i32>} : memref<16x256xf32, #tpu.memory_space<vmem>>, vector<16xf32>,
      %get3A_274 = arith.index_cast %mul3A_105 : i32 to index
      %get3A_275 = arith.constant 32 : index
      %get3A_276 = tpu.vector_load %arg9[%get3A_274, %get3A_275] {strides = array<i32>} : memref<16x256xf32, #tpu.memory_space<vmem>>, vector<16xf32>,
      %get3A_277 = arith.index_cast %mul3A_105 : i32 to index
      %get3A_278 = arith.constant 48 : index
      %get3A_279 = tpu.vector_load %arg9[%get3A_277, %get3A_278] {strides = array<i32>} : memref<16x256xf32, #tpu.memory_space<vmem>>, vector<16xf32>,
      %get3A_280 = arith.index_cast %mul3A_105 : i32 to index
      %get3A_281 = arith.constant 64 : index
      %get3A_282 = tpu.vector_load %arg9[%get3A_280, %get3A_281] {strides = array<i32>} : memref<16x256xf32, #tpu.memory_space<vmem>>, vector<16xf32>,
      %get3A_283 = arith.index_cast %mul3A_105 : i32 to index
      %get3A_284 = arith.constant 80 : index
      %get3A_285 = tpu.vector_load %arg9[%get3A_283, %get3A_284] {strides = array<i32>} : memref<16x256xf32, #tpu.memory_space<vmem>>, vector<16xf32>,
      %get3A_286 = arith.index_cast %mul3A_105 : i32 to index
      %get3A_287 = arith.constant 96 : index
      %get3A_288 = tpu.vector_load %arg9[%get3A_286, %get3A_287] {strides = array<i32>} : memref<16x256xf32, #tpu.memory_space<vmem>>, vector<16xf32>,
      %get3A_289 = arith.index_cast %mul3A_105 : i32 to index
      %get3A_290 = arith.constant 112 : index
      %get3A_291 = tpu.vector_load %arg9[%get3A_289, %get3A_290] {strides = array<i32>} : memref<16x256xf32, #tpu.memory_space<vmem>>, vector<16xf32>,
      %get3A_292 = arith.index_cast %mul3A_105 : i32 to index
      %get3A_293 = arith.constant 128 : index
      %get3A_294 = tpu.vector_load %arg9[%get3A_292, %get3A_293] {strides = array<i32>} : memref<16x256xf32, #tpu.memory_space<vmem>>, vector<16xf32>,
      %get3A_295 = arith.index_cast %mul3A_105 : i32 to index
      %get3A_296 = arith.constant 144 : index
      %get3A_297 = tpu.vector_load %arg9[%get3A_295, %get3A_296] {strides = array<i32>} : memref<16x256xf32, #tpu.memory_space<vmem>>, vector<16xf32>,
      %get3A_298 = arith.index_cast %mul3A_105 : i32 to index
      %get3A_299 = arith.constant 160 : index
      %get3A_300 = tpu.vector_load %arg9[%get3A_298, %get3A_299] {strides = array<i32>} : memref<16x256xf32, #tpu.memory_space<vmem>>, vector<16xf32>,
      %get3A_301 = arith.index_cast %mul3A_105 : i32 to index
      %get3A_302 = arith.constant 176 : index
      %get3A_303 = tpu.vector_load %arg9[%get3A_301, %get3A_302] {strides = array<i32>} : memref<16x256xf32, #tpu.memory_space<vmem>>, vector<16xf32>,
      %get3A_304 = arith.index_cast %mul3A_105 : i32 to index
      %get3A_305 = arith.constant 192 : index
      %get3A_306 = tpu.vector_load %arg9[%get3A_304, %get3A_305] {strides = array<i32>} : memref<16x256xf32, #tpu.memory_space<vmem>>, vector<16xf32>,
      %get3A_307 = arith.index_cast %mul3A_105 : i32 to index
      %get3A_308 = arith.constant 208 : index
      %get3A_309 = tpu.vector_load %arg9[%get3A_307, %get3A_308] {strides = array<i32>} : memref<16x256xf32, #tpu.memory_space<vmem>>, vector<16xf32>,
      %get3A_310 = arith.index_cast %mul3A_105 : i32 to index
      %get3A_311 = arith.constant 224 : index
      %get3A_312 = tpu.vector_load %arg9[%get3A_310, %get3A_311] {strides = array<i32>} : memref<16x256xf32, #tpu.memory_space<vmem>>, vector<16xf32>,
      %get3A_313 = arith.index_cast %mul3A_105 : i32 to index
      %get3A_314 = arith.constant 240 : index
      %get3A_315 = tpu.vector_load %arg9[%get3A_313, %get3A_314] {strides = array<i32>} : memref<16x256xf32, #tpu.memory_space<vmem>>, vector<16xf32>,
      %parallel_loop3A = arith.constant 0 : i32
      %parallel_loop3A_316 = arith.constant 128 : i32
      %parallel_loop3A_317 = arith.constant 1 : i32
      scf.for %parallel_loop3A_1946 = %parallel_loop3A to %parallel_loop3A_316 step %parallel_loop3A_317  : i32 {
        %parallel_loop3A_1947 = arith.index_cast %parallel_loop3A_1946 : i32 to index
        %parallel_loop3A_1948 = arith.constant 0 : index
        %parallel_loop3A_1949 = tpu.vector_load %arg10[%parallel_loop3A_1947, %parallel_loop3A_1948] {strides = array<i32>} : memref<128x256xf32, #tpu.memory_space<vmem>>, vector<16xf32>,
        %parallel_loop3A_1950 = arith.subf %get3A_270, %parallel_loop3A_1949 : vector<16xf32>
        %parallel_loop3A_1951 = arith.mulf %parallel_loop3A_1950, %parallel_loop3A_1950 : vector<16xf32>
        %parallel_loop3A_1952 = arith.addf %broadcast_in_dim3A_3, %parallel_loop3A_1951 : vector<16xf32>
        %parallel_loop3A_1953 = arith.index_cast %parallel_loop3A_1946 : i32 to index
        %parallel_loop3A_1954 = arith.constant 16 : index
        %parallel_loop3A_1955 = tpu.vector_load %arg10[%parallel_loop3A_1953, %parallel_loop3A_1954] {strides = array<i32>} : memref<128x256xf32, #tpu.memory_space<vmem>>, vector<16xf32>,
        %parallel_loop3A_1956 = arith.subf %get3A_273, %parallel_loop3A_1955 : vector<16xf32>
        %parallel_loop3A_1957 = arith.mulf %parallel_loop3A_1956, %parallel_loop3A_1956 : vector<16xf32>
        %parallel_loop3A_1958 = arith.addf %broadcast_in_dim3A_3, %parallel_loop3A_1957 : vector<16xf32>
        %parallel_loop3A_1959 = arith.index_cast %parallel_loop3A_1946 : i32 to index
        %parallel_loop3A_1960 = arith.constant 32 : index
        %parallel_loop3A_1961 = tpu.vector_load %arg10[%parallel_loop3A_1959, %parallel_loop3A_1960] {strides = array<i32>} : memref<128x256xf32, #tpu.memory_space<vmem>>, vector<16xf32>,
        %parallel_loop3A_1962 = arith.subf %get3A_276, %parallel_loop3A_1961 : vector<16xf32>
        %parallel_loop3A_1963 = arith.mulf %parallel_loop3A_1962, %parallel_loop3A_1962 : vector<16xf32>
        %parallel_loop3A_1964 = arith.addf %broadcast_in_dim3A_3, %parallel_loop3A_1963 : vector<16xf32>
        %parallel_loop3A_1965 = arith.index_cast %parallel_loop3A_1946 : i32 to index
        %parallel_loop3A_1966 = arith.constant 48 : index
        %parallel_loop3A_1967 = tpu.vector_load %arg10[%parallel_loop3A_1965, %parallel_loop3A_1966] {strides = array<i32>} : memref<128x256xf32, #tpu.memory_space<vmem>>, vector<16xf32>,
        %parallel_loop3A_1968 = arith.subf %get3A_279, %parallel_loop3A_1967 : vector<16xf32>
        %parallel_loop3A_1969 = arith.mulf %parallel_loop3A_1968, %parallel_loop3A_1968 : vector<16xf32>
        %parallel_loop3A_1970 = arith.addf %broadcast_in_dim3A_3, %parallel_loop3A_1969 : vector<16xf32>
        %parallel_loop3A_1971 = arith.index_cast %parallel_loop3A_1946 : i32 to index
        %parallel_loop3A_1972 = arith.constant 64 : index
        %parallel_loop3A_1973 = tpu.vector_load %arg10[%parallel_loop3A_1971, %parallel_loop3A_1972] {strides = array<i32>} : memref<128x256xf32, #tpu.memory_space<vmem>>, vector<16xf32>,
        %parallel_loop3A_1974 = arith.subf %get3A_282, %parallel_loop3A_1973 : vector<16xf32>
        %parallel_loop3A_1975 = arith.mulf %parallel_loop3A_1974, %parallel_loop3A_1974 : vector<16xf32>
        %parallel_loop3A_1976 = arith.addf %parallel_loop3A_1952, %parallel_loop3A_1975 : vector<16xf32>
        %parallel_loop3A_1977 = arith.index_cast %parallel_loop3A_1946 : i32 to index
        %parallel_loop3A_1978 = arith.constant 80 : index
        %parallel_loop3A_1979 = tpu.vector_load %arg10[%parallel_loop3A_1977, %parallel_loop3A_1978] {strides = array<i32>} : memref<128x256xf32, #tpu.memory_space<vmem>>, vector<16xf32>,
        %parallel_loop3A_1980 = arith.subf %get3A_285, %parallel_loop3A_1979 : vector<16xf32>
        %parallel_loop3A_1981 = arith.mulf %parallel_loop3A_1980, %parallel_loop3A_1980 : vector<16xf32>
        %parallel_loop3A_1982 = arith.addf %parallel_loop3A_1958, %parallel_loop3A_1981 : vector<16xf32>
        %parallel_loop3A_1983 = arith.index_cast %parallel_loop3A_1946 : i32 to index
        %parallel_loop3A_1984 = arith.constant 96 : index
        %parallel_loop3A_1985 = tpu.vector_load %arg10[%parallel_loop3A_1983, %parallel_loop3A_1984] {strides = array<i32>} : memref<128x256xf32, #tpu.memory_space<vmem>>, vector<16xf32>,
        %parallel_loop3A_1986 = arith.subf %get3A_288, %parallel_loop3A_1985 : vector<16xf32>
        %parallel_loop3A_1987 = arith.mulf %parallel_loop3A_1986, %parallel_loop3A_1986 : vector<16xf32>
        %parallel_loop3A_1988 = arith.addf %parallel_loop3A_1964, %parallel_loop3A_1987 : vector<16xf32>
        %parallel_loop3A_1989 = arith.index_cast %parallel_loop3A_1946 : i32 to index
        %parallel_loop3A_1990 = arith.constant 112 : index
        %parallel_loop3A_1991 = tpu.vector_load %arg10[%parallel_loop3A_1989, %parallel_loop3A_1990] {strides = array<i32>} : memref<128x256xf32, #tpu.memory_space<vmem>>, vector<16xf32>,
        %parallel_loop3A_1992 = arith.subf %get3A_291, %parallel_loop3A_1991 : vector<16xf32>
        %parallel_loop3A_1993 = arith.mulf %parallel_loop3A_1992, %parallel_loop3A_1992 : vector<16xf32>
        %parallel_loop3A_1994 = arith.addf %parallel_loop3A_1970, %parallel_loop3A_1993 : vector<16xf32>
        %parallel_loop3A_1995 = arith.index_cast %parallel_loop3A_1946 : i32 to index
        %parallel_loop3A_1996 = arith.constant 128 : index
        %parallel_loop3A_1997 = tpu.vector_load %arg10[%parallel_loop3A_1995, %parallel_loop3A_1996] {strides = array<i32>} : memref<128x256xf32, #tpu.memory_space<vmem>>, vector<16xf32>,
        %parallel_loop3A_1998 = arith.subf %get3A_294, %parallel_loop3A_1997 : vector<16xf32>
        %parallel_loop3A_1999 = arith.mulf %parallel_loop3A_1998, %parallel_loop3A_1998 : vector<16xf32>
        %parallel_loop3A_2000 = arith.addf %parallel_loop3A_1976, %parallel_loop3A_1999 : vector<16xf32>
        %parallel_loop3A_2001 = arith.index_cast %parallel_loop3A_1946 : i32 to index
        %parallel_loop3A_2002 = arith.constant 144 : index
        %parallel_loop3A_2003 = tpu.vector_load %arg10[%parallel_loop3A_2001, %parallel_loop3A_2002] {strides = array<i32>} : memref<128x256xf32, #tpu.memory_space<vmem>>, vector<16xf32>,
        %parallel_loop3A_2004 = arith.subf %get3A_297, %parallel_loop3A_2003 : vector<16xf32>
        %parallel_loop3A_2005 = arith.mulf %parallel_loop3A_2004, %parallel_loop3A_2004 : vector<16xf32>
        %parallel_loop3A_2006 = arith.addf %parallel_loop3A_1982, %parallel_loop3A_2005 : vector<16xf32>
        %parallel_loop3A_2007 = arith.index_cast %parallel_loop3A_1946 : i32 to index
        %parallel_loop3A_2008 = arith.constant 160 : index
        %parallel_loop3A_2009 = tpu.vector_load %arg10[%parallel_loop3A_2007, %parallel_loop3A_2008] {strides = array<i32>} : memref<128x256xf32, #tpu.memory_space<vmem>>, vector<16xf32>,
        %parallel_loop3A_2010 = arith.subf %get3A_300, %parallel_loop3A_2009 : vector<16xf32>
        %parallel_loop3A_2011 = arith.mulf %parallel_loop3A_2010, %parallel_loop3A_2010 : vector<16xf32>
        %parallel_loop3A_2012 = arith.addf %parallel_loop3A_1988, %parallel_loop3A_2011 : vector<16xf32>
        %parallel_loop3A_2013 = arith.index_cast %parallel_loop3A_1946 : i32 to index
        %parallel_loop3A_2014 = arith.constant 176 : index
        %parallel_loop3A_2015 = tpu.vector_load %arg10[%parallel_loop3A_2013, %parallel_loop3A_2014] {strides = array<i32>} : memref<128x256xf32, #tpu.memory_space<vmem>>, vector<16xf32>,
        %parallel_loop3A_2016 = arith.subf %get3A_303, %parallel_loop3A_2015 : vector<16xf32>
        %parallel_loop3A_2017 = arith.mulf %parallel_loop3A_2016, %parallel_loop3A_2016 : vector<16xf32>
        %parallel_loop3A_2018 = arith.addf %parallel_loop3A_1994, %parallel_loop3A_2017 : vector<16xf32>
        %parallel_loop3A_2019 = arith.index_cast %parallel_loop3A_1946 : i32 to index
        %parallel_loop3A_2020 = arith.constant 192 : index
        %parallel_loop3A_2021 = tpu.vector_load %arg10[%parallel_loop3A_2019, %parallel_loop3A_2020] {strides = array<i32>} : memref<128x256xf32, #tpu.memory_space<vmem>>, vector<16xf32>,
        %parallel_loop3A_2022 = arith.subf %get3A_306, %parallel_loop3A_2021 : vector<16xf32>
        %parallel_loop3A_2023 = arith.mulf %parallel_loop3A_2022, %parallel_loop3A_2022 : vector<16xf32>
        %parallel_loop3A_2024 = arith.addf %parallel_loop3A_2000, %parallel_loop3A_2023 : vector<16xf32>
        %parallel_loop3A_2025 = arith.index_cast %parallel_loop3A_1946 : i32 to index
        %parallel_loop3A_2026 = arith.constant 208 : index
        %parallel_loop3A_2027 = tpu.vector_load %arg10[%parallel_loop3A_2025, %parallel_loop3A_2026] {strides = array<i32>} : memref<128x256xf32, #tpu.memory_space<vmem>>, vector<16xf32>,
        %parallel_loop3A_2028 = arith.subf %get3A_309, %parallel_loop3A_2027 : vector<16xf32>
        %parallel_loop3A_2029 = arith.mulf %parallel_loop3A_2028, %parallel_loop3A_2028 : vector<16xf32>
        %parallel_loop3A_2030 = arith.addf %parallel_loop3A_2006, %parallel_loop3A_2029 : vector<16xf32>
        %parallel_loop3A_2031 = arith.index_cast %parallel_loop3A_1946 : i32 to index
        %parallel_loop3A_2032 = arith.constant 224 : index
        %parallel_loop3A_2033 = tpu.vector_load %arg10[%parallel_loop3A_2031, %parallel_loop3A_2032] {strides = array<i32>} : memref<128x256xf32, #tpu.memory_space<vmem>>, vector<16xf32>,
        %parallel_loop3A_2034 = arith.subf %get3A_312, %parallel_loop3A_2033 : vector<16xf32>
        %parallel_loop3A_2035 = arith.mulf %parallel_loop3A_2034, %parallel_loop3A_2034 : vector<16xf32>
        %parallel_loop3A_2036 = arith.addf %parallel_loop3A_2012, %parallel_loop3A_2035 : vector<16xf32>
        %parallel_loop3A_2037 = arith.index_cast %parallel_loop3A_1946 : i32 to index
        %parallel_loop3A_2038 = arith.constant 240 : index
        %parallel_loop3A_2039 = tpu.vector_load %arg10[%parallel_loop3A_2037, %parallel_loop3A_2038] {strides = array<i32>} : memref<128x256xf32, #tpu.memory_space<vmem>>, vector<16xf32>,
        %parallel_loop3A_2040 = arith.subf %get3A_315, %parallel_loop3A_2039 : vector<16xf32>
        %parallel_loop3A_2041 = arith.mulf %parallel_loop3A_2040, %parallel_loop3A_2040 : vector<16xf32>
        %parallel_loop3A_2042 = arith.addf %parallel_loop3A_2018, %parallel_loop3A_2041 : vector<16xf32>
        %parallel_loop3A_2043 = arith.addf %parallel_loop3A_2024, %parallel_loop3A_2030 : vector<16xf32>
        %parallel_loop3A_2044 = arith.addf %parallel_loop3A_2036, %parallel_loop3A_2042 : vector<16xf32>
        %parallel_loop3A_2045 = arith.addf %parallel_loop3A_2043, %parallel_loop3A_2044 : vector<16xf32>
        %parallel_loop3A_2046 = arith.constant 17 : i32
        %parallel_loop3A_2047 = arith.muli %parallel_loop3A_1946, %parallel_loop3A_2046 : i32
        %parallel_loop3A_2048 = arith.index_cast %parallel_loop3A_2047 : i32 to index
        %parallel_loop3A_2049 = tpu.vector_load %arg16[%parallel_loop3A_2048] {strides = array<i32>} : memref<2176xf32, #tpu.memory_space<vmem>>, vector<16xf32>,
        tpu.vector_store %arg16[%parallel_loop3A_2048], %parallel_loop3A_2045 {strides = array<i32>} : memref<2176xf32, #tpu.memory_space<vmem>>, vector<16xf32>,
      } {sc.loop_unroll_factor = 2 : i64, sc.parallel_access}
      %add3A_318 = arith.constant 0 : i32
      %add3A_319 = vector.broadcast %add3A_318 : i32 to vector<16xi32>
      %add3A_320 = arith.addi %mul3A_9, %add3A_319 : vector<16xi32>
      %gather3A = tpu.vector_load_idx %arg16[%add3A_320] : memref<2176xf32, #tpu.memory_space<vmem>>[vector<16xi32>], vector<16xf32>,
      %add3A_321 = arith.constant 1 : i32
      %add3A_322 = vector.broadcast %add3A_321 : i32 to vector<16xi32>
      %add3A_323 = arith.addi %mul3A_9, %add3A_322 : vector<16xi32>
      %gather3A_324 = tpu.vector_load_idx %arg16[%add3A_323] : memref<2176xf32, #tpu.memory_space<vmem>>[vector<16xi32>], vector<16xf32>,
      %add3A_325 = arith.constant 2 : i32
      %add3A_326 = vector.broadcast %add3A_325 : i32 to vector<16xi32>
      %add3A_327 = arith.addi %mul3A_9, %add3A_326 : vector<16xi32>
      %gather3A_328 = tpu.vector_load_idx %arg16[%add3A_327] : memref<2176xf32, #tpu.memory_space<vmem>>[vector<16xi32>], vector<16xf32>,
      %add3A_329 = arith.constant 3 : i32
      %add3A_330 = vector.broadcast %add3A_329 : i32 to vector<16xi32>
      %add3A_331 = arith.addi %mul3A_9, %add3A_330 : vector<16xi32>
      %gather3A_332 = tpu.vector_load_idx %arg16[%add3A_331] : memref<2176xf32, #tpu.memory_space<vmem>>[vector<16xi32>], vector<16xf32>,
      %add3A_333 = arith.constant 4 : i32
      %add3A_334 = vector.broadcast %add3A_333 : i32 to vector<16xi32>
      %add3A_335 = arith.addi %mul3A_9, %add3A_334 : vector<16xi32>
      %gather3A_336 = tpu.vector_load_idx %arg16[%add3A_335] : memref<2176xf32, #tpu.memory_space<vmem>>[vector<16xi32>], vector<16xf32>,
      %add3A_337 = arith.addf %gather3A, %gather3A_336 : vector<16xf32>
      %add3A_338 = arith.constant 5 : i32
      %add3A_339 = vector.broadcast %add3A_338 : i32 to vector<16xi32>
      %add3A_340 = arith.addi %mul3A_9, %add3A_339 : vector<16xi32>
      %gather3A_341 = tpu.vector_load_idx %arg16[%add3A_340] : memref<2176xf32, #tpu.memory_space<vmem>>[vector<16xi32>], vector<16xf32>,
      %add3A_342 = arith.addf %gather3A_324, %gather3A_341 : vector<16xf32>
      %add3A_343 = arith.constant 6 : i32
      %add3A_344 = vector.broadcast %add3A_343 : i32 to vector<16xi32>
      %add3A_345 = arith.addi %mul3A_9, %add3A_344 : vector<16xi32>
      %gather3A_346 = tpu.vector_load_idx %arg16[%add3A_345] : memref<2176xf32, #tpu.memory_space<vmem>>[vector<16xi32>], vector<16xf32>,
      %add3A_347 = arith.addf %gather3A_328, %gather3A_346 : vector<16xf32>
      %add3A_348 = arith.constant 7 : i32
      %add3A_349 = vector.broadcast %add3A_348 : i32 to vector<16xi32>
      %add3A_350 = arith.addi %mul3A_9, %add3A_349 : vector<16xi32>
      %gather3A_351 = tpu.vector_load_idx %arg16[%add3A_350] : memref<2176xf32, #tpu.memory_space<vmem>>[vector<16xi32>], vector<16xf32>,
      %add3A_352 = arith.addf %gather3A_332, %gather3A_351 : vector<16xf32>
      %add3A_353 = arith.constant 8 : i32
      %add3A_354 = vector.broadcast %add3A_353 : i32 to vector<16xi32>
      %add3A_355 = arith.addi %mul3A_9, %add3A_354 : vector<16xi32>
      %gather3A_356 = tpu.vector_load_idx %arg16[%add3A_355] : memref<2176xf32, #tpu.memory_space<vmem>>[vector<16xi32>], vector<16xf32>,
      %add3A_357 = arith.addf %add3A_337, %gather3A_356 : vector<16xf32>
      %add3A_358 = arith.constant 9 : i32
      %add3A_359 = vector.broadcast %add3A_358 : i32 to vector<16xi32>
      %add3A_360 = arith.addi %mul3A_9, %add3A_359 : vector<16xi32>
      %gather3A_361 = tpu.vector_load_idx %arg16[%add3A_360] : memref<2176xf32, #tpu.memory_space<vmem>>[vector<16xi32>], vector<16xf32>,
      %add3A_362 = arith.addf %add3A_342, %gather3A_361 : vector<16xf32>
      %add3A_363 = arith.constant 10 : i32
      %add3A_364 = vector.broadcast %add3A_363 : i32 to vector<16xi32>
      %add3A_365 = arith.addi %mul3A_9, %add3A_364 : vector<16xi32>
      %gather3A_366 = tpu.vector_load_idx %arg16[%add3A_365] : memref<2176xf32, #tpu.memory_space<vmem>>[vector<16xi32>], vector<16xf32>,
      %add3A_367 = arith.addf %add3A_347, %gather3A_366 : vector<16xf32>
      %add3A_368 = arith.constant 11 : i32
      %add3A_369 = vector.broadcast %add3A_368 : i32 to vector<16xi32>
      %add3A_370 = arith.addi %mul3A_9, %add3A_369 : vector<16xi32>
      %gather3A_371 = tpu.vector_load_idx %arg16[%add3A_370] : memref<2176xf32, #tpu.memory_space<vmem>>[vector<16xi32>], vector<16xf32>,
      %add3A_372 = arith.addf %add3A_352, %gather3A_371 : vector<16xf32>
      %add3A_373 = arith.constant 12 : i32
      %add3A_374 = vector.broadcast %add3A_373 : i32 to vector<16xi32>
      %add3A_375 = arith.addi %mul3A_9, %add3A_374 : vector<16xi32>
      %gather3A_376 = tpu.vector_load_idx %arg16[%add3A_375] : memref<2176xf32, #tpu.memory_space<vmem>>[vector<16xi32>], vector<16xf32>,
      %add3A_377 = arith.addf %add3A_357, %gather3A_376 : vector<16xf32>
      %add3A_378 = arith.constant 13 : i32
      %add3A_379 = vector.broadcast %add3A_378 : i32 to vector<16xi32>
      %add3A_380 = arith.addi %mul3A_9, %add3A_379 : vector<16xi32>
      %gather3A_381 = tpu.vector_load_idx %arg16[%add3A_380] : memref<2176xf32, #tpu.memory_space<vmem>>[vector<16xi32>], vector<16xf32>,
      %add3A_382 = arith.addf %add3A_362, %gather3A_381 : vector<16xf32>
      %add3A_383 = arith.constant 14 : i32
      %add3A_384 = vector.broadcast %add3A_383 : i32 to vector<16xi32>
      %add3A_385 = arith.addi %mul3A_9, %add3A_384 : vector<16xi32>
      %gather3A_386 = tpu.vector_load_idx %arg16[%add3A_385] : memref<2176xf32, #tpu.memory_space<vmem>>[vector<16xi32>], vector<16xf32>,
      %add3A_387 = arith.addf %add3A_367, %gather3A_386 : vector<16xf32>
      %add3A_388 = arith.constant 15 : i32
      %add3A_389 = vector.broadcast %add3A_388 : i32 to vector<16xi32>
      %add3A_390 = arith.addi %mul3A_9, %add3A_389 : vector<16xi32>
      %gather3A_391 = tpu.vector_load_idx %arg16[%add3A_390] : memref<2176xf32, #tpu.memory_space<vmem>>[vector<16xi32>], vector<16xf32>,
      %add3A_392 = arith.addf %add3A_372, %gather3A_391 : vector<16xf32>
      %add3A_393 = arith.addf %add3A_377, %add3A_382 : vector<16xf32>
      %add3A_394 = arith.addf %add3A_387, %add3A_392 : vector<16xf32>
      %add3A_395 = arith.addf %add3A_393, %add3A_394 : vector<16xf32>
      %get3A_396 = arith.constant 0 : index
      %get3A_397 = tpu.vector_load %arg12[%get3A_396] {strides = array<i32>} : memref<128xf32, #tpu.memory_space<vmem>>, vector<16xf32>,
      %mul3A_398 = arith.constant 5.000000e-03 : f32
      %mul3A_399 = vector.broadcast %mul3A_398 : f32 to vector<16xf32>
      %mul3A_400 = arith.mulf %mul3A_399, %add3A_395 : vector<16xf32>
      %sub3A_401 = arith.subf %get3A_397, %mul3A_400 : vector<16xf32>
      %exp3A = math.exp %sub3A_401 : vector<16xf32>
      %get3A_402 = arith.constant 0 : index
      %get3A_403 = tpu.vector_load %arg14[%get3A_402] {strides = array<i32>} : memref<128xi32, #tpu.memory_space<vmem>>, vector<16xi32>,
      tpu.vector_store_idx %arg17[%get3A_403], %exp3A {add = true} : memref<1024xf32, #tpu.memory_space<vmem>>[vector<16xi32>], vector<16xf32>,
      %add3A_404 = arith.constant 0 : i32
      %add3A_405 = vector.broadcast %add3A_404 : i32 to vector<16xi32>
      %add3A_406 = arith.addi %mul3A_16, %add3A_405 : vector<16xi32>
      %gather3A_407 = tpu.vector_load_idx %arg16[%add3A_406] : memref<2176xf32, #tpu.memory_space<vmem>>[vector<16xi32>], vector<16xf32>,
      %add3A_408 = arith.constant 1 : i32
      %add3A_409 = vector.broadcast %add3A_408 : i32 to vector<16xi32>
      %add3A_410 = arith.addi %mul3A_16, %add3A_409 : vector<16xi32>
      %gather3A_411 = tpu.vector_load_idx %arg16[%add3A_410] : memref<2176xf32, #tpu.memory_space<vmem>>[vector<16xi32>], vector<16xf32>,
      %add3A_412 = arith.constant 2 : i32
      %add3A_413 = vector.broadcast %add3A_412 : i32 to vector<16xi32>
      %add3A_414 = arith.addi %mul3A_16, %add3A_413 : vector<16xi32>
      %gather3A_415 = tpu.vector_load_idx %arg16[%add3A_414] : memref<2176xf32, #tpu.memory_space<vmem>>[vector<16xi32>], vector<16xf32>,
      %add3A_416 = arith.constant 3 : i32
      %add3A_417 = vector.broadcast %add3A_416 : i32 to vector<16xi32>
      %add3A_418 = arith.addi %mul3A_16, %add3A_417 : vector<16xi32>
      %gather3A_419 = tpu.vector_load_idx %arg16[%add3A_418] : memref<2176xf32, #tpu.memory_space<vmem>>[vector<16xi32>], vector<16xf32>,
      %add3A_420 = arith.constant 4 : i32
      %add3A_421 = vector.broadcast %add3A_420 : i32 to vector<16xi32>
      %add3A_422 = arith.addi %mul3A_16, %add3A_421 : vector<16xi32>
      %gather3A_423 = tpu.vector_load_idx %arg16[%add3A_422] : memref<2176xf32, #tpu.memory_space<vmem>>[vector<16xi32>], vector<16xf32>,
      %add3A_424 = arith.addf %gather3A_407, %gather3A_423 : vector<16xf32>
      %add3A_425 = arith.constant 5 : i32
      %add3A_426 = vector.broadcast %add3A_425 : i32 to vector<16xi32>
      %add3A_427 = arith.addi %mul3A_16, %add3A_426 : vector<16xi32>
      %gather3A_428 = tpu.vector_load_idx %arg16[%add3A_427] : memref<2176xf32, #tpu.memory_space<vmem>>[vector<16xi32>], vector<16xf32>,
      %add3A_429 = arith.addf %gather3A_411, %gather3A_428 : vector<16xf32>
      %add3A_430 = arith.constant 6 : i32
      %add3A_431 = vector.broadcast %add3A_430 : i32 to vector<16xi32>
      %add3A_432 = arith.addi %mul3A_16, %add3A_431 : vector<16xi32>
      %gather3A_433 = tpu.vector_load_idx %arg16[%add3A_432] : memref<2176xf32, #tpu.memory_space<vmem>>[vector<16xi32>], vector<16xf32>,
      %add3A_434 = arith.addf %gather3A_415, %gather3A_433 : vector<16xf32>
      %add3A_435 = arith.constant 7 : i32
      %add3A_436 = vector.broadcast %add3A_435 : i32 to vector<16xi32>
      %add3A_437 = arith.addi %mul3A_16, %add3A_436 : vector<16xi32>
      %gather3A_438 = tpu.vector_load_idx %arg16[%add3A_437] : memref<2176xf32, #tpu.memory_space<vmem>>[vector<16xi32>], vector<16xf32>,
      %add3A_439 = arith.addf %gather3A_419, %gather3A_438 : vector<16xf32>
      %add3A_440 = arith.constant 8 : i32
      %add3A_441 = vector.broadcast %add3A_440 : i32 to vector<16xi32>
      %add3A_442 = arith.addi %mul3A_16, %add3A_441 : vector<16xi32>
      %gather3A_443 = tpu.vector_load_idx %arg16[%add3A_442] : memref<2176xf32, #tpu.memory_space<vmem>>[vector<16xi32>], vector<16xf32>,
      %add3A_444 = arith.addf %add3A_424, %gather3A_443 : vector<16xf32>
      %add3A_445 = arith.constant 9 : i32
      %add3A_446 = vector.broadcast %add3A_445 : i32 to vector<16xi32>
      %add3A_447 = arith.addi %mul3A_16, %add3A_446 : vector<16xi32>
      %gather3A_448 = tpu.vector_load_idx %arg16[%add3A_447] : memref<2176xf32, #tpu.memory_space<vmem>>[vector<16xi32>], vector<16xf32>,
      %add3A_449 = arith.addf %add3A_429, %gather3A_448 : vector<16xf32>
      %add3A_450 = arith.constant 10 : i32
      %add3A_451 = vector.broadcast %add3A_450 : i32 to vector<16xi32>
      %add3A_452 = arith.addi %mul3A_16, %add3A_451 : vector<16xi32>
      %gather3A_453 = tpu.vector_load_idx %arg16[%add3A_452] : memref<2176xf32, #tpu.memory_space<vmem>>[vector<16xi32>], vector<16xf32>,
      %add3A_454 = arith.addf %add3A_434, %gather3A_453 : vector<16xf32>
      %add3A_455 = arith.constant 11 : i32
      %add3A_456 = vector.broadcast %add3A_455 : i32 to vector<16xi32>
      %add3A_457 = arith.addi %mul3A_16, %add3A_456 : vector<16xi32>
      %gather3A_458 = tpu.vector_load_idx %arg16[%add3A_457] : memref<2176xf32, #tpu.memory_space<vmem>>[vector<16xi32>], vector<16xf32>,
      %add3A_459 = arith.addf %add3A_439, %gather3A_458 : vector<16xf32>
      %add3A_460 = arith.constant 12 : i32
      %add3A_461 = vector.broadcast %add3A_460 : i32 to vector<16xi32>
      %add3A_462 = arith.addi %mul3A_16, %add3A_461 : vector<16xi32>
      %gather3A_463 = tpu.vector_load_idx %arg16[%add3A_462] : memref<2176xf32, #tpu.memory_space<vmem>>[vector<16xi32>], vector<16xf32>,
      %add3A_464 = arith.addf %add3A_444, %gather3A_463 : vector<16xf32>
      %add3A_465 = arith.constant 13 : i32
      %add3A_466 = vector.broadcast %add3A_465 : i32 to vector<16xi32>
      %add3A_467 = arith.addi %mul3A_16, %add3A_466 : vector<16xi32>
      %gather3A_468 = tpu.vector_load_idx %arg16[%add3A_467] : memref<2176xf32, #tpu.memory_space<vmem>>[vector<16xi32>], vector<16xf32>,
      %add3A_469 = arith.addf %add3A_449, %gather3A_468 : vector<16xf32>
      %add3A_470 = arith.constant 14 : i32
      %add3A_471 = vector.broadcast %add3A_470 : i32 to vector<16xi32>
      %add3A_472 = arith.addi %mul3A_16, %add3A_471 : vector<16xi32>
      %gather3A_473 = tpu.vector_load_idx %arg16[%add3A_472] : memref<2176xf32, #tpu.memory_space<vmem>>[vector<16xi32>], vector<16xf32>,
      %add3A_474 = arith.addf %add3A_454, %gather3A_473 : vector<16xf32>
      %add3A_475 = arith.constant 15 : i32
      %add3A_476 = vector.broadcast %add3A_475 : i32 to vector<16xi32>
      %add3A_477 = arith.addi %mul3A_16, %add3A_476 : vector<16xi32>
      %gather3A_478 = tpu.vector_load_idx %arg16[%add3A_477] : memref<2176xf32, #tpu.memory_space<vmem>>[vector<16xi32>], vector<16xf32>,
      %add3A_479 = arith.addf %add3A_459, %gather3A_478 : vector<16xf32>
      %add3A_480 = arith.addf %add3A_464, %add3A_469 : vector<16xf32>
      %add3A_481 = arith.addf %add3A_474, %add3A_479 : vector<16xf32>
      %add3A_482 = arith.addf %add3A_480, %add3A_481 : vector<16xf32>
      %get3A_483 = arith.constant 16 : index
      %get3A_484 = tpu.vector_load %arg12[%get3A_483] {strides = array<i32>} : memref<128xf32, #tpu.memory_space<vmem>>, vector<16xf32>,
      %mul3A_485 = arith.constant 5.000000e-03 : f32
      %mul3A_486 = vector.broadcast %mul3A_485 : f32 to vector<16xf32>
      %mul3A_487 = arith.mulf %mul3A_486, %add3A_482 : vector<16xf32>
      %sub3A_488 = arith.subf %get3A_484, %mul3A_487 : vector<16xf32>
      %exp3A_489 = math.exp %sub3A_488 : vector<16xf32>
      %get3A_490 = arith.constant 16 : index
      %get3A_491 = tpu.vector_load %arg14[%get3A_490] {strides = array<i32>} : memref<128xi32, #tpu.memory_space<vmem>>, vector<16xi32>,
      tpu.vector_store_idx %arg17[%get3A_491], %exp3A_489 {add = true} : memref<1024xf32, #tpu.memory_space<vmem>>[vector<16xi32>], vector<16xf32>,
      %add3A_492 = arith.constant 0 : i32
      %add3A_493 = vector.broadcast %add3A_492 : i32 to vector<16xi32>
      %add3A_494 = arith.addi %mul3A_23, %add3A_493 : vector<16xi32>
      %gather3A_495 = tpu.vector_load_idx %arg16[%add3A_494] : memref<2176xf32, #tpu.memory_space<vmem>>[vector<16xi32>], vector<16xf32>,
      %add3A_496 = arith.constant 1 : i32
      %add3A_497 = vector.broadcast %add3A_496 : i32 to vector<16xi32>
      %add3A_498 = arith.addi %mul3A_23, %add3A_497 : vector<16xi32>
      %gather3A_499 = tpu.vector_load_idx %arg16[%add3A_498] : memref<2176xf32, #tpu.memory_space<vmem>>[vector<16xi32>], vector<16xf32>,
      %add3A_500 = arith.constant 2 : i32
      %add3A_501 = vector.broadcast %add3A_500 : i32 to vector<16xi32>
      %add3A_502 = arith.addi %mul3A_23, %add3A_501 : vector<16xi32>
      %gather3A_503 = tpu.vector_load_idx %arg16[%add3A_502] : memref<2176xf32, #tpu.memory_space<vmem>>[vector<16xi32>], vector<16xf32>,
      %add3A_504 = arith.constant 3 : i32
      %add3A_505 = vector.broadcast %add3A_504 : i32 to vector<16xi32>
      %add3A_506 = arith.addi %mul3A_23, %add3A_505 : vector<16xi32>
      %gather3A_507 = tpu.vector_load_idx %arg16[%add3A_506] : memref<2176xf32, #tpu.memory_space<vmem>>[vector<16xi32>], vector<16xf32>,
      %add3A_508 = arith.constant 4 : i32
      %add3A_509 = vector.broadcast %add3A_508 : i32 to vector<16xi32>
      %add3A_510 = arith.addi %mul3A_23, %add3A_509 : vector<16xi32>
      %gather3A_511 = tpu.vector_load_idx %arg16[%add3A_510] : memref<2176xf32, #tpu.memory_space<vmem>>[vector<16xi32>], vector<16xf32>,
      %add3A_512 = arith.addf %gather3A_495, %gather3A_511 : vector<16xf32>
      %add3A_513 = arith.constant 5 : i32
      %add3A_514 = vector.broadcast %add3A_513 : i32 to vector<16xi32>
      %add3A_515 = arith.addi %mul3A_23, %add3A_514 : vector<16xi32>
      %gather3A_516 = tpu.vector_load_idx %arg16[%add3A_515] : memref<2176xf32, #tpu.memory_space<vmem>>[vector<16xi32>], vector<16xf32>,
      %add3A_517 = arith.addf %gather3A_499, %gather3A_516 : vector<16xf32>
      %add3A_518 = arith.constant 6 : i32
      %add3A_519 = vector.broadcast %add3A_518 : i32 to vector<16xi32>
      %add3A_520 = arith.addi %mul3A_23, %add3A_519 : vector<16xi32>
      %gather3A_521 = tpu.vector_load_idx %arg16[%add3A_520] : memref<2176xf32, #tpu.memory_space<vmem>>[vector<16xi32>], vector<16xf32>,
      %add3A_522 = arith.addf %gather3A_503, %gather3A_521 : vector<16xf32>
      %add3A_523 = arith.constant 7 : i32
      %add3A_524 = vector.broadcast %add3A_523 : i32 to vector<16xi32>
      %add3A_525 = arith.addi %mul3A_23, %add3A_524 : vector<16xi32>
      %gather3A_526 = tpu.vector_load_idx %arg16[%add3A_525] : memref<2176xf32, #tpu.memory_space<vmem>>[vector<16xi32>], vector<16xf32>,
      %add3A_527 = arith.addf %gather3A_507, %gather3A_526 : vector<16xf32>
      %add3A_528 = arith.constant 8 : i32
      %add3A_529 = vector.broadcast %add3A_528 : i32 to vector<16xi32>
      %add3A_530 = arith.addi %mul3A_23, %add3A_529 : vector<16xi32>
      %gather3A_531 = tpu.vector_load_idx %arg16[%add3A_530] : memref<2176xf32, #tpu.memory_space<vmem>>[vector<16xi32>], vector<16xf32>,
      %add3A_532 = arith.addf %add3A_512, %gather3A_531 : vector<16xf32>
      %add3A_533 = arith.constant 9 : i32
      %add3A_534 = vector.broadcast %add3A_533 : i32 to vector<16xi32>
      %add3A_535 = arith.addi %mul3A_23, %add3A_534 : vector<16xi32>
      %gather3A_536 = tpu.vector_load_idx %arg16[%add3A_535] : memref<2176xf32, #tpu.memory_space<vmem>>[vector<16xi32>], vector<16xf32>,
      %add3A_537 = arith.addf %add3A_517, %gather3A_536 : vector<16xf32>
      %add3A_538 = arith.constant 10 : i32
      %add3A_539 = vector.broadcast %add3A_538 : i32 to vector<16xi32>
      %add3A_540 = arith.addi %mul3A_23, %add3A_539 : vector<16xi32>
      %gather3A_541 = tpu.vector_load_idx %arg16[%add3A_540] : memref<2176xf32, #tpu.memory_space<vmem>>[vector<16xi32>], vector<16xf32>,
      %add3A_542 = arith.addf %add3A_522, %gather3A_541 : vector<16xf32>
      %add3A_543 = arith.constant 11 : i32
      %add3A_544 = vector.broadcast %add3A_543 : i32 to vector<16xi32>
      %add3A_545 = arith.addi %mul3A_23, %add3A_544 : vector<16xi32>
      %gather3A_546 = tpu.vector_load_idx %arg16[%add3A_545] : memref<2176xf32, #tpu.memory_space<vmem>>[vector<16xi32>], vector<16xf32>,
      %add3A_547 = arith.addf %add3A_527, %gather3A_546 : vector<16xf32>
      %add3A_548 = arith.constant 12 : i32
      %add3A_549 = vector.broadcast %add3A_548 : i32 to vector<16xi32>
      %add3A_550 = arith.addi %mul3A_23, %add3A_549 : vector<16xi32>
      %gather3A_551 = tpu.vector_load_idx %arg16[%add3A_550] : memref<2176xf32, #tpu.memory_space<vmem>>[vector<16xi32>], vector<16xf32>,
      %add3A_552 = arith.addf %add3A_532, %gather3A_551 : vector<16xf32>
      %add3A_553 = arith.constant 13 : i32
      %add3A_554 = vector.broadcast %add3A_553 : i32 to vector<16xi32>
      %add3A_555 = arith.addi %mul3A_23, %add3A_554 : vector<16xi32>
      %gather3A_556 = tpu.vector_load_idx %arg16[%add3A_555] : memref<2176xf32, #tpu.memory_space<vmem>>[vector<16xi32>], vector<16xf32>,
      %add3A_557 = arith.addf %add3A_537, %gather3A_556 : vector<16xf32>
      %add3A_558 = arith.constant 14 : i32
      %add3A_559 = vector.broadcast %add3A_558 : i32 to vector<16xi32>
      %add3A_560 = arith.addi %mul3A_23, %add3A_559 : vector<16xi32>
      %gather3A_561 = tpu.vector_load_idx %arg16[%add3A_560] : memref<2176xf32, #tpu.memory_space<vmem>>[vector<16xi32>], vector<16xf32>,
      %add3A_562 = arith.addf %add3A_542, %gather3A_561 : vector<16xf32>
      %add3A_563 = arith.constant 15 : i32
      %add3A_564 = vector.broadcast %add3A_563 : i32 to vector<16xi32>
      %add3A_565 = arith.addi %mul3A_23, %add3A_564 : vector<16xi32>
      %gather3A_566 = tpu.vector_load_idx %arg16[%add3A_565] : memref<2176xf32, #tpu.memory_space<vmem>>[vector<16xi32>], vector<16xf32>,
      %add3A_567 = arith.addf %add3A_547, %gather3A_566 : vector<16xf32>
      %add3A_568 = arith.addf %add3A_552, %add3A_557 : vector<16xf32>
      %add3A_569 = arith.addf %add3A_562, %add3A_567 : vector<16xf32>
      %add3A_570 = arith.addf %add3A_568, %add3A_569 : vector<16xf32>
      %get3A_571 = arith.constant 32 : index
      %get3A_572 = tpu.vector_load %arg12[%get3A_571] {strides = array<i32>} : memref<128xf32, #tpu.memory_space<vmem>>, vector<16xf32>,
      %mul3A_573 = arith.constant 5.000000e-03 : f32
      %mul3A_574 = vector.broadcast %mul3A_573 : f32 to vector<16xf32>
      %mul3A_575 = arith.mulf %mul3A_574, %add3A_570 : vector<16xf32>
      %sub3A_576 = arith.subf %get3A_572, %mul3A_575 : vector<16xf32>
      %exp3A_577 = math.exp %sub3A_576 : vector<16xf32>
      %get3A_578 = arith.constant 32 : index
      %get3A_579 = tpu.vector_load %arg14[%get3A_578] {strides = array<i32>} : memref<128xi32, #tpu.memory_space<vmem>>, vector<16xi32>,
      tpu.vector_store_idx %arg17[%get3A_579], %exp3A_577 {add = true} : memref<1024xf32, #tpu.memory_space<vmem>>[vector<16xi32>], vector<16xf32>,
      %add3A_580 = arith.constant 0 : i32
      %add3A_581 = vector.broadcast %add3A_580 : i32 to vector<16xi32>
      %add3A_582 = arith.addi %mul3A_30, %add3A_581 : vector<16xi32>
      %gather3A_583 = tpu.vector_load_idx %arg16[%add3A_582] : memref<2176xf32, #tpu.memory_space<vmem>>[vector<16xi32>], vector<16xf32>,
      %add3A_584 = arith.constant 1 : i32
      %add3A_585 = vector.broadcast %add3A_584 : i32 to vector<16xi32>
      %add3A_586 = arith.addi %mul3A_30, %add3A_585 : vector<16xi32>
      %gather3A_587 = tpu.vector_load_idx %arg16[%add3A_586] : memref<2176xf32, #tpu.memory_space<vmem>>[vector<16xi32>], vector<16xf32>,
      %add3A_588 = arith.constant 2 : i32
      %add3A_589 = vector.broadcast %add3A_588 : i32 to vector<16xi32>
      %add3A_590 = arith.addi %mul3A_30, %add3A_589 : vector<16xi32>
      %gather3A_591 = tpu.vector_load_idx %arg16[%add3A_590] : memref<2176xf32, #tpu.memory_space<vmem>>[vector<16xi32>], vector<16xf32>,
      %add3A_592 = arith.constant 3 : i32
      %add3A_593 = vector.broadcast %add3A_592 : i32 to vector<16xi32>
      %add3A_594 = arith.addi %mul3A_30, %add3A_593 : vector<16xi32>
      %gather3A_595 = tpu.vector_load_idx %arg16[%add3A_594] : memref<2176xf32, #tpu.memory_space<vmem>>[vector<16xi32>], vector<16xf32>,
      %add3A_596 = arith.constant 4 : i32
      %add3A_597 = vector.broadcast %add3A_596 : i32 to vector<16xi32>
      %add3A_598 = arith.addi %mul3A_30, %add3A_597 : vector<16xi32>
      %gather3A_599 = tpu.vector_load_idx %arg16[%add3A_598] : memref<2176xf32, #tpu.memory_space<vmem>>[vector<16xi32>], vector<16xf32>,
      %add3A_600 = arith.addf %gather3A_583, %gather3A_599 : vector<16xf32>
      %add3A_601 = arith.constant 5 : i32
      %add3A_602 = vector.broadcast %add3A_601 : i32 to vector<16xi32>
      %add3A_603 = arith.addi %mul3A_30, %add3A_602 : vector<16xi32>
      %gather3A_604 = tpu.vector_load_idx %arg16[%add3A_603] : memref<2176xf32, #tpu.memory_space<vmem>>[vector<16xi32>], vector<16xf32>,
      %add3A_605 = arith.addf %gather3A_587, %gather3A_604 : vector<16xf32>
      %add3A_606 = arith.constant 6 : i32
      %add3A_607 = vector.broadcast %add3A_606 : i32 to vector<16xi32>
      %add3A_608 = arith.addi %mul3A_30, %add3A_607 : vector<16xi32>
      %gather3A_609 = tpu.vector_load_idx %arg16[%add3A_608] : memref<2176xf32, #tpu.memory_space<vmem>>[vector<16xi32>], vector<16xf32>,
      %add3A_610 = arith.addf %gather3A_591, %gather3A_609 : vector<16xf32>
      %add3A_611 = arith.constant 7 : i32
      %add3A_612 = vector.broadcast %add3A_611 : i32 to vector<16xi32>
      %add3A_613 = arith.addi %mul3A_30, %add3A_612 : vector<16xi32>
      %gather3A_614 = tpu.vector_load_idx %arg16[%add3A_613] : memref<2176xf32, #tpu.memory_space<vmem>>[vector<16xi32>], vector<16xf32>,
      %add3A_615 = arith.addf %gather3A_595, %gather3A_614 : vector<16xf32>
      %add3A_616 = arith.constant 8 : i32
      %add3A_617 = vector.broadcast %add3A_616 : i32 to vector<16xi32>
      %add3A_618 = arith.addi %mul3A_30, %add3A_617 : vector<16xi32>
      %gather3A_619 = tpu.vector_load_idx %arg16[%add3A_618] : memref<2176xf32, #tpu.memory_space<vmem>>[vector<16xi32>], vector<16xf32>,
      %add3A_620 = arith.addf %add3A_600, %gather3A_619 : vector<16xf32>
      %add3A_621 = arith.constant 9 : i32
      %add3A_622 = vector.broadcast %add3A_621 : i32 to vector<16xi32>
      %add3A_623 = arith.addi %mul3A_30, %add3A_622 : vector<16xi32>
      %gather3A_624 = tpu.vector_load_idx %arg16[%add3A_623] : memref<2176xf32, #tpu.memory_space<vmem>>[vector<16xi32>], vector<16xf32>,
      %add3A_625 = arith.addf %add3A_605, %gather3A_624 : vector<16xf32>
      %add3A_626 = arith.constant 10 : i32
      %add3A_627 = vector.broadcast %add3A_626 : i32 to vector<16xi32>
      %add3A_628 = arith.addi %mul3A_30, %add3A_627 : vector<16xi32>
      %gather3A_629 = tpu.vector_load_idx %arg16[%add3A_628] : memref<2176xf32, #tpu.memory_space<vmem>>[vector<16xi32>], vector<16xf32>,
      %add3A_630 = arith.addf %add3A_610, %gather3A_629 : vector<16xf32>
      %add3A_631 = arith.constant 11 : i32
      %add3A_632 = vector.broadcast %add3A_631 : i32 to vector<16xi32>
      %add3A_633 = arith.addi %mul3A_30, %add3A_632 : vector<16xi32>
      %gather3A_634 = tpu.vector_load_idx %arg16[%add3A_633] : memref<2176xf32, #tpu.memory_space<vmem>>[vector<16xi32>], vector<16xf32>,
      %add3A_635 = arith.addf %add3A_615, %gather3A_634 : vector<16xf32>
      %add3A_636 = arith.constant 12 : i32
      %add3A_637 = vector.broadcast %add3A_636 : i32 to vector<16xi32>
      %add3A_638 = arith.addi %mul3A_30, %add3A_637 : vector<16xi32>
      %gather3A_639 = tpu.vector_load_idx %arg16[%add3A_638] : memref<2176xf32, #tpu.memory_space<vmem>>[vector<16xi32>], vector<16xf32>,
      %add3A_640 = arith.addf %add3A_620, %gather3A_639 : vector<16xf32>
      %add3A_641 = arith.constant 13 : i32
      %add3A_642 = vector.broadcast %add3A_641 : i32 to vector<16xi32>
      %add3A_643 = arith.addi %mul3A_30, %add3A_642 : vector<16xi32>
      %gather3A_644 = tpu.vector_load_idx %arg16[%add3A_643] : memref<2176xf32, #tpu.memory_space<vmem>>[vector<16xi32>], vector<16xf32>,
      %add3A_645 = arith.addf %add3A_625, %gather3A_644 : vector<16xf32>
      %add3A_646 = arith.constant 14 : i32
      %add3A_647 = vector.broadcast %add3A_646 : i32 to vector<16xi32>
      %add3A_648 = arith.addi %mul3A_30, %add3A_647 : vector<16xi32>
      %gather3A_649 = tpu.vector_load_idx %arg16[%add3A_648] : memref<2176xf32, #tpu.memory_space<vmem>>[vector<16xi32>], vector<16xf32>,
      %add3A_650 = arith.addf %add3A_630, %gather3A_649 : vector<16xf32>
      %add3A_651 = arith.constant 15 : i32
      %add3A_652 = vector.broadcast %add3A_651 : i32 to vector<16xi32>
      %add3A_653 = arith.addi %mul3A_30, %add3A_652 : vector<16xi32>
      %gather3A_654 = tpu.vector_load_idx %arg16[%add3A_653] : memref<2176xf32, #tpu.memory_space<vmem>>[vector<16xi32>], vector<16xf32>,
      %add3A_655 = arith.addf %add3A_635, %gather3A_654 : vector<16xf32>
      %add3A_656 = arith.addf %add3A_640, %add3A_645 : vector<16xf32>
      %add3A_657 = arith.addf %add3A_650, %add3A_655 : vector<16xf32>
      %add3A_658 = arith.addf %add3A_656, %add3A_657 : vector<16xf32>
      %get3A_659 = arith.constant 48 : index
      %get3A_660 = tpu.vector_load %arg12[%get3A_659] {strides = array<i32>} : memref<128xf32, #tpu.memory_space<vmem>>, vector<16xf32>,
      %mul3A_661 = arith.constant 5.000000e-03 : f32
      %mul3A_662 = vector.broadcast %mul3A_661 : f32 to vector<16xf32>
      %mul3A_663 = arith.mulf %mul3A_662, %add3A_658 : vector<16xf32>
      %sub3A_664 = arith.subf %get3A_660, %mul3A_663 : vector<16xf32>
      %exp3A_665 = math.exp %sub3A_664 : vector<16xf32>
      %get3A_666 = arith.constant 48 : index
      %get3A_667 = tpu.vector_load %arg14[%get3A_666] {strides = array<i32>} : memref<128xi32, #tpu.memory_space<vmem>>, vector<16xi32>,
      tpu.vector_store_idx %arg17[%get3A_667], %exp3A_665 {add = true} : memref<1024xf32, #tpu.memory_space<vmem>>[vector<16xi32>], vector<16xf32>,
      %add3A_668 = arith.constant 0 : i32
      %add3A_669 = vector.broadcast %add3A_668 : i32 to vector<16xi32>
      %add3A_670 = arith.addi %mul3A_37, %add3A_669 : vector<16xi32>
      %gather3A_671 = tpu.vector_load_idx %arg16[%add3A_670] : memref<2176xf32, #tpu.memory_space<vmem>>[vector<16xi32>], vector<16xf32>,
      %add3A_672 = arith.constant 1 : i32
      %add3A_673 = vector.broadcast %add3A_672 : i32 to vector<16xi32>
      %add3A_674 = arith.addi %mul3A_37, %add3A_673 : vector<16xi32>
      %gather3A_675 = tpu.vector_load_idx %arg16[%add3A_674] : memref<2176xf32, #tpu.memory_space<vmem>>[vector<16xi32>], vector<16xf32>,
      %add3A_676 = arith.constant 2 : i32
      %add3A_677 = vector.broadcast %add3A_676 : i32 to vector<16xi32>
      %add3A_678 = arith.addi %mul3A_37, %add3A_677 : vector<16xi32>
      %gather3A_679 = tpu.vector_load_idx %arg16[%add3A_678] : memref<2176xf32, #tpu.memory_space<vmem>>[vector<16xi32>], vector<16xf32>,
      %add3A_680 = arith.constant 3 : i32
      %add3A_681 = vector.broadcast %add3A_680 : i32 to vector<16xi32>
      %add3A_682 = arith.addi %mul3A_37, %add3A_681 : vector<16xi32>
      %gather3A_683 = tpu.vector_load_idx %arg16[%add3A_682] : memref<2176xf32, #tpu.memory_space<vmem>>[vector<16xi32>], vector<16xf32>,
      %add3A_684 = arith.constant 4 : i32
      %add3A_685 = vector.broadcast %add3A_684 : i32 to vector<16xi32>
      %add3A_686 = arith.addi %mul3A_37, %add3A_685 : vector<16xi32>
      %gather3A_687 = tpu.vector_load_idx %arg16[%add3A_686] : memref<2176xf32, #tpu.memory_space<vmem>>[vector<16xi32>], vector<16xf32>,
      %add3A_688 = arith.addf %gather3A_671, %gather3A_687 : vector<16xf32>
      %add3A_689 = arith.constant 5 : i32
      %add3A_690 = vector.broadcast %add3A_689 : i32 to vector<16xi32>
      %add3A_691 = arith.addi %mul3A_37, %add3A_690 : vector<16xi32>
      %gather3A_692 = tpu.vector_load_idx %arg16[%add3A_691] : memref<2176xf32, #tpu.memory_space<vmem>>[vector<16xi32>], vector<16xf32>,
      %add3A_693 = arith.addf %gather3A_675, %gather3A_692 : vector<16xf32>
      %add3A_694 = arith.constant 6 : i32
      %add3A_695 = vector.broadcast %add3A_694 : i32 to vector<16xi32>
      %add3A_696 = arith.addi %mul3A_37, %add3A_695 : vector<16xi32>
      %gather3A_697 = tpu.vector_load_idx %arg16[%add3A_696] : memref<2176xf32, #tpu.memory_space<vmem>>[vector<16xi32>], vector<16xf32>,
      %add3A_698 = arith.addf %gather3A_679, %gather3A_697 : vector<16xf32>
      %add3A_699 = arith.constant 7 : i32
      %add3A_700 = vector.broadcast %add3A_699 : i32 to vector<16xi32>
      %add3A_701 = arith.addi %mul3A_37, %add3A_700 : vector<16xi32>
      %gather3A_702 = tpu.vector_load_idx %arg16[%add3A_701] : memref<2176xf32, #tpu.memory_space<vmem>>[vector<16xi32>], vector<16xf32>,
      %add3A_703 = arith.addf %gather3A_683, %gather3A_702 : vector<16xf32>
      %add3A_704 = arith.constant 8 : i32
      %add3A_705 = vector.broadcast %add3A_704 : i32 to vector<16xi32>
      %add3A_706 = arith.addi %mul3A_37, %add3A_705 : vector<16xi32>
      %gather3A_707 = tpu.vector_load_idx %arg16[%add3A_706] : memref<2176xf32, #tpu.memory_space<vmem>>[vector<16xi32>], vector<16xf32>,
      %add3A_708 = arith.addf %add3A_688, %gather3A_707 : vector<16xf32>
      %add3A_709 = arith.constant 9 : i32
      %add3A_710 = vector.broadcast %add3A_709 : i32 to vector<16xi32>
      %add3A_711 = arith.addi %mul3A_37, %add3A_710 : vector<16xi32>
      %gather3A_712 = tpu.vector_load_idx %arg16[%add3A_711] : memref<2176xf32, #tpu.memory_space<vmem>>[vector<16xi32>], vector<16xf32>,
      %add3A_713 = arith.addf %add3A_693, %gather3A_712 : vector<16xf32>
      %add3A_714 = arith.constant 10 : i32
      %add3A_715 = vector.broadcast %add3A_714 : i32 to vector<16xi32>
      %add3A_716 = arith.addi %mul3A_37, %add3A_715 : vector<16xi32>
      %gather3A_717 = tpu.vector_load_idx %arg16[%add3A_716] : memref<2176xf32, #tpu.memory_space<vmem>>[vector<16xi32>], vector<16xf32>,
      %add3A_718 = arith.addf %add3A_698, %gather3A_717 : vector<16xf32>
      %add3A_719 = arith.constant 11 : i32
      %add3A_720 = vector.broadcast %add3A_719 : i32 to vector<16xi32>
      %add3A_721 = arith.addi %mul3A_37, %add3A_720 : vector<16xi32>
      %gather3A_722 = tpu.vector_load_idx %arg16[%add3A_721] : memref<2176xf32, #tpu.memory_space<vmem>>[vector<16xi32>], vector<16xf32>,
      %add3A_723 = arith.addf %add3A_703, %gather3A_722 : vector<16xf32>
      %add3A_724 = arith.constant 12 : i32
      %add3A_725 = vector.broadcast %add3A_724 : i32 to vector<16xi32>
      %add3A_726 = arith.addi %mul3A_37, %add3A_725 : vector<16xi32>
      %gather3A_727 = tpu.vector_load_idx %arg16[%add3A_726] : memref<2176xf32, #tpu.memory_space<vmem>>[vector<16xi32>], vector<16xf32>,
      %add3A_728 = arith.addf %add3A_708, %gather3A_727 : vector<16xf32>
      %add3A_729 = arith.constant 13 : i32
      %add3A_730 = vector.broadcast %add3A_729 : i32 to vector<16xi32>
      %add3A_731 = arith.addi %mul3A_37, %add3A_730 : vector<16xi32>
      %gather3A_732 = tpu.vector_load_idx %arg16[%add3A_731] : memref<2176xf32, #tpu.memory_space<vmem>>[vector<16xi32>], vector<16xf32>,
      %add3A_733 = arith.addf %add3A_713, %gather3A_732 : vector<16xf32>
      %add3A_734 = arith.constant 14 : i32
      %add3A_735 = vector.broadcast %add3A_734 : i32 to vector<16xi32>
      %add3A_736 = arith.addi %mul3A_37, %add3A_735 : vector<16xi32>
      %gather3A_737 = tpu.vector_load_idx %arg16[%add3A_736] : memref<2176xf32, #tpu.memory_space<vmem>>[vector<16xi32>], vector<16xf32>,
      %add3A_738 = arith.addf %add3A_718, %gather3A_737 : vector<16xf32>
      %add3A_739 = arith.constant 15 : i32
      %add3A_740 = vector.broadcast %add3A_739 : i32 to vector<16xi32>
      %add3A_741 = arith.addi %mul3A_37, %add3A_740 : vector<16xi32>
      %gather3A_742 = tpu.vector_load_idx %arg16[%add3A_741] : memref<2176xf32, #tpu.memory_space<vmem>>[vector<16xi32>], vector<16xf32>,
      %add3A_743 = arith.addf %add3A_723, %gather3A_742 : vector<16xf32>
      %add3A_744 = arith.addf %add3A_728, %add3A_733 : vector<16xf32>
      %add3A_745 = arith.addf %add3A_738, %add3A_743 : vector<16xf32>
      %add3A_746 = arith.addf %add3A_744, %add3A_745 : vector<16xf32>
      %get3A_747 = arith.constant 64 : index
      %get3A_748 = tpu.vector_load %arg12[%get3A_747] {strides = array<i32>} : memref<128xf32, #tpu.memory_space<vmem>>, vector<16xf32>,
      %mul3A_749 = arith.constant 5.000000e-03 : f32
      %mul3A_750 = vector.broadcast %mul3A_749 : f32 to vector<16xf32>
      %mul3A_751 = arith.mulf %mul3A_750, %add3A_746 : vector<16xf32>
      %sub3A_752 = arith.subf %get3A_748, %mul3A_751 : vector<16xf32>
      %exp3A_753 = math.exp %sub3A_752 : vector<16xf32>
      %get3A_754 = arith.constant 64 : index
      %get3A_755 = tpu.vector_load %arg14[%get3A_754] {strides = array<i32>} : memref<128xi32, #tpu.memory_space<vmem>>, vector<16xi32>,
      tpu.vector_store_idx %arg17[%get3A_755], %exp3A_753 {add = true} : memref<1024xf32, #tpu.memory_space<vmem>>[vector<16xi32>], vector<16xf32>,
      %add3A_756 = arith.constant 0 : i32
      %add3A_757 = vector.broadcast %add3A_756 : i32 to vector<16xi32>
      %add3A_758 = arith.addi %mul3A_44, %add3A_757 : vector<16xi32>
      %gather3A_759 = tpu.vector_load_idx %arg16[%add3A_758] : memref<2176xf32, #tpu.memory_space<vmem>>[vector<16xi32>], vector<16xf32>,
      %add3A_760 = arith.constant 1 : i32
      %add3A_761 = vector.broadcast %add3A_760 : i32 to vector<16xi32>
      %add3A_762 = arith.addi %mul3A_44, %add3A_761 : vector<16xi32>
      %gather3A_763 = tpu.vector_load_idx %arg16[%add3A_762] : memref<2176xf32, #tpu.memory_space<vmem>>[vector<16xi32>], vector<16xf32>,
      %add3A_764 = arith.constant 2 : i32
      %add3A_765 = vector.broadcast %add3A_764 : i32 to vector<16xi32>
      %add3A_766 = arith.addi %mul3A_44, %add3A_765 : vector<16xi32>
      %gather3A_767 = tpu.vector_load_idx %arg16[%add3A_766] : memref<2176xf32, #tpu.memory_space<vmem>>[vector<16xi32>], vector<16xf32>,
      %add3A_768 = arith.constant 3 : i32
      %add3A_769 = vector.broadcast %add3A_768 : i32 to vector<16xi32>
      %add3A_770 = arith.addi %mul3A_44, %add3A_769 : vector<16xi32>
      %gather3A_771 = tpu.vector_load_idx %arg16[%add3A_770] : memref<2176xf32, #tpu.memory_space<vmem>>[vector<16xi32>], vector<16xf32>,
      %add3A_772 = arith.constant 4 : i32
      %add3A_773 = vector.broadcast %add3A_772 : i32 to vector<16xi32>
      %add3A_774 = arith.addi %mul3A_44, %add3A_773 : vector<16xi32>
      %gather3A_775 = tpu.vector_load_idx %arg16[%add3A_774] : memref<2176xf32, #tpu.memory_space<vmem>>[vector<16xi32>], vector<16xf32>,
      %add3A_776 = arith.addf %gather3A_759, %gather3A_775 : vector<16xf32>
      %add3A_777 = arith.constant 5 : i32
      %add3A_778 = vector.broadcast %add3A_777 : i32 to vector<16xi32>
      %add3A_779 = arith.addi %mul3A_44, %add3A_778 : vector<16xi32>
      %gather3A_780 = tpu.vector_load_idx %arg16[%add3A_779] : memref<2176xf32, #tpu.memory_space<vmem>>[vector<16xi32>], vector<16xf32>,
      %add3A_781 = arith.addf %gather3A_763, %gather3A_780 : vector<16xf32>
      %add3A_782 = arith.constant 6 : i32
      %add3A_783 = vector.broadcast %add3A_782 : i32 to vector<16xi32>
      %add3A_784 = arith.addi %mul3A_44, %add3A_783 : vector<16xi32>
      %gather3A_785 = tpu.vector_load_idx %arg16[%add3A_784] : memref<2176xf32, #tpu.memory_space<vmem>>[vector<16xi32>], vector<16xf32>,
      %add3A_786 = arith.addf %gather3A_767, %gather3A_785 : vector<16xf32>
      %add3A_787 = arith.constant 7 : i32
      %add3A_788 = vector.broadcast %add3A_787 : i32 to vector<16xi32>
      %add3A_789 = arith.addi %mul3A_44, %add3A_788 : vector<16xi32>
      %gather3A_790 = tpu.vector_load_idx %arg16[%add3A_789] : memref<2176xf32, #tpu.memory_space<vmem>>[vector<16xi32>], vector<16xf32>,
      %add3A_791 = arith.addf %gather3A_771, %gather3A_790 : vector<16xf32>
      %add3A_792 = arith.constant 8 : i32
      %add3A_793 = vector.broadcast %add3A_792 : i32 to vector<16xi32>
      %add3A_794 = arith.addi %mul3A_44, %add3A_793 : vector<16xi32>
      %gather3A_795 = tpu.vector_load_idx %arg16[%add3A_794] : memref<2176xf32, #tpu.memory_space<vmem>>[vector<16xi32>], vector<16xf32>,
      %add3A_796 = arith.addf %add3A_776, %gather3A_795 : vector<16xf32>
      %add3A_797 = arith.constant 9 : i32
      %add3A_798 = vector.broadcast %add3A_797 : i32 to vector<16xi32>
      %add3A_799 = arith.addi %mul3A_44, %add3A_798 : vector<16xi32>
      %gather3A_800 = tpu.vector_load_idx %arg16[%add3A_799] : memref<2176xf32, #tpu.memory_space<vmem>>[vector<16xi32>], vector<16xf32>,
      %add3A_801 = arith.addf %add3A_781, %gather3A_800 : vector<16xf32>
      %add3A_802 = arith.constant 10 : i32
      %add3A_803 = vector.broadcast %add3A_802 : i32 to vector<16xi32>
      %add3A_804 = arith.addi %mul3A_44, %add3A_803 : vector<16xi32>
      %gather3A_805 = tpu.vector_load_idx %arg16[%add3A_804] : memref<2176xf32, #tpu.memory_space<vmem>>[vector<16xi32>], vector<16xf32>,
      %add3A_806 = arith.addf %add3A_786, %gather3A_805 : vector<16xf32>
      %add3A_807 = arith.constant 11 : i32
      %add3A_808 = vector.broadcast %add3A_807 : i32 to vector<16xi32>
      %add3A_809 = arith.addi %mul3A_44, %add3A_808 : vector<16xi32>
      %gather3A_810 = tpu.vector_load_idx %arg16[%add3A_809] : memref<2176xf32, #tpu.memory_space<vmem>>[vector<16xi32>], vector<16xf32>,
      %add3A_811 = arith.addf %add3A_791, %gather3A_810 : vector<16xf32>
      %add3A_812 = arith.constant 12 : i32
      %add3A_813 = vector.broadcast %add3A_812 : i32 to vector<16xi32>
      %add3A_814 = arith.addi %mul3A_44, %add3A_813 : vector<16xi32>
      %gather3A_815 = tpu.vector_load_idx %arg16[%add3A_814] : memref<2176xf32, #tpu.memory_space<vmem>>[vector<16xi32>], vector<16xf32>,
      %add3A_816 = arith.addf %add3A_796, %gather3A_815 : vector<16xf32>
      %add3A_817 = arith.constant 13 : i32
      %add3A_818 = vector.broadcast %add3A_817 : i32 to vector<16xi32>
      %add3A_819 = arith.addi %mul3A_44, %add3A_818 : vector<16xi32>
      %gather3A_820 = tpu.vector_load_idx %arg16[%add3A_819] : memref<2176xf32, #tpu.memory_space<vmem>>[vector<16xi32>], vector<16xf32>,
      %add3A_821 = arith.addf %add3A_801, %gather3A_820 : vector<16xf32>
      %add3A_822 = arith.constant 14 : i32
      %add3A_823 = vector.broadcast %add3A_822 : i32 to vector<16xi32>
      %add3A_824 = arith.addi %mul3A_44, %add3A_823 : vector<16xi32>
      %gather3A_825 = tpu.vector_load_idx %arg16[%add3A_824] : memref<2176xf32, #tpu.memory_space<vmem>>[vector<16xi32>], vector<16xf32>,
      %add3A_826 = arith.addf %add3A_806, %gather3A_825 : vector<16xf32>
      %add3A_827 = arith.constant 15 : i32
      %add3A_828 = vector.broadcast %add3A_827 : i32 to vector<16xi32>
      %add3A_829 = arith.addi %mul3A_44, %add3A_828 : vector<16xi32>
      %gather3A_830 = tpu.vector_load_idx %arg16[%add3A_829] : memref<2176xf32, #tpu.memory_space<vmem>>[vector<16xi32>], vector<16xf32>,
      %add3A_831 = arith.addf %add3A_811, %gather3A_830 : vector<16xf32>
      %add3A_832 = arith.addf %add3A_816, %add3A_821 : vector<16xf32>
      %add3A_833 = arith.addf %add3A_826, %add3A_831 : vector<16xf32>
      %add3A_834 = arith.addf %add3A_832, %add3A_833 : vector<16xf32>
      %get3A_835 = arith.constant 80 : index
      %get3A_836 = tpu.vector_load %arg12[%get3A_835] {strides = array<i32>} : memref<128xf32, #tpu.memory_space<vmem>>, vector<16xf32>,
      %mul3A_837 = arith.constant 5.000000e-03 : f32
      %mul3A_838 = vector.broadcast %mul3A_837 : f32 to vector<16xf32>
      %mul3A_839 = arith.mulf %mul3A_838, %add3A_834 : vector<16xf32>
      %sub3A_840 = arith.subf %get3A_836, %mul3A_839 : vector<16xf32>
      %exp3A_841 = math.exp %sub3A_840 : vector<16xf32>
      %get3A_842 = arith.constant 80 : index
      %get3A_843 = tpu.vector_load %arg14[%get3A_842] {strides = array<i32>} : memref<128xi32, #tpu.memory_space<vmem>>, vector<16xi32>,
      tpu.vector_store_idx %arg17[%get3A_843], %exp3A_841 {add = true} : memref<1024xf32, #tpu.memory_space<vmem>>[vector<16xi32>], vector<16xf32>,
      %add3A_844 = arith.constant 0 : i32
      %add3A_845 = vector.broadcast %add3A_844 : i32 to vector<16xi32>
      %add3A_846 = arith.addi %mul3A_51, %add3A_845 : vector<16xi32>
      %gather3A_847 = tpu.vector_load_idx %arg16[%add3A_846] : memref<2176xf32, #tpu.memory_space<vmem>>[vector<16xi32>], vector<16xf32>,
      %add3A_848 = arith.constant 1 : i32
      %add3A_849 = vector.broadcast %add3A_848 : i32 to vector<16xi32>
      %add3A_850 = arith.addi %mul3A_51, %add3A_849 : vector<16xi32>
      %gather3A_851 = tpu.vector_load_idx %arg16[%add3A_850] : memref<2176xf32, #tpu.memory_space<vmem>>[vector<16xi32>], vector<16xf32>,
      %add3A_852 = arith.constant 2 : i32
      %add3A_853 = vector.broadcast %add3A_852 : i32 to vector<16xi32>
      %add3A_854 = arith.addi %mul3A_51, %add3A_853 : vector<16xi32>
      %gather3A_855 = tpu.vector_load_idx %arg16[%add3A_854] : memref<2176xf32, #tpu.memory_space<vmem>>[vector<16xi32>], vector<16xf32>,
      %add3A_856 = arith.constant 3 : i32
      %add3A_857 = vector.broadcast %add3A_856 : i32 to vector<16xi32>
      %add3A_858 = arith.addi %mul3A_51, %add3A_857 : vector<16xi32>
      %gather3A_859 = tpu.vector_load_idx %arg16[%add3A_858] : memref<2176xf32, #tpu.memory_space<vmem>>[vector<16xi32>], vector<16xf32>,
      %add3A_860 = arith.constant 4 : i32
      %add3A_861 = vector.broadcast %add3A_860 : i32 to vector<16xi32>
      %add3A_862 = arith.addi %mul3A_51, %add3A_861 : vector<16xi32>
      %gather3A_863 = tpu.vector_load_idx %arg16[%add3A_862] : memref<2176xf32, #tpu.memory_space<vmem>>[vector<16xi32>], vector<16xf32>,
      %add3A_864 = arith.addf %gather3A_847, %gather3A_863 : vector<16xf32>
      %add3A_865 = arith.constant 5 : i32
      %add3A_866 = vector.broadcast %add3A_865 : i32 to vector<16xi32>
      %add3A_867 = arith.addi %mul3A_51, %add3A_866 : vector<16xi32>
      %gather3A_868 = tpu.vector_load_idx %arg16[%add3A_867] : memref<2176xf32, #tpu.memory_space<vmem>>[vector<16xi32>], vector<16xf32>,
      %add3A_869 = arith.addf %gather3A_851, %gather3A_868 : vector<16xf32>
      %add3A_870 = arith.constant 6 : i32
      %add3A_871 = vector.broadcast %add3A_870 : i32 to vector<16xi32>
      %add3A_872 = arith.addi %mul3A_51, %add3A_871 : vector<16xi32>
      %gather3A_873 = tpu.vector_load_idx %arg16[%add3A_872] : memref<2176xf32, #tpu.memory_space<vmem>>[vector<16xi32>], vector<16xf32>,
      %add3A_874 = arith.addf %gather3A_855, %gather3A_873 : vector<16xf32>
      %add3A_875 = arith.constant 7 : i32
      %add3A_876 = vector.broadcast %add3A_875 : i32 to vector<16xi32>
      %add3A_877 = arith.addi %mul3A_51, %add3A_876 : vector<16xi32>
      %gather3A_878 = tpu.vector_load_idx %arg16[%add3A_877] : memref<2176xf32, #tpu.memory_space<vmem>>[vector<16xi32>], vector<16xf32>,
      %add3A_879 = arith.addf %gather3A_859, %gather3A_878 : vector<16xf32>
      %add3A_880 = arith.constant 8 : i32
      %add3A_881 = vector.broadcast %add3A_880 : i32 to vector<16xi32>
      %add3A_882 = arith.addi %mul3A_51, %add3A_881 : vector<16xi32>
      %gather3A_883 = tpu.vector_load_idx %arg16[%add3A_882] : memref<2176xf32, #tpu.memory_space<vmem>>[vector<16xi32>], vector<16xf32>,
      %add3A_884 = arith.addf %add3A_864, %gather3A_883 : vector<16xf32>
      %add3A_885 = arith.constant 9 : i32
      %add3A_886 = vector.broadcast %add3A_885 : i32 to vector<16xi32>
      %add3A_887 = arith.addi %mul3A_51, %add3A_886 : vector<16xi32>
      %gather3A_888 = tpu.vector_load_idx %arg16[%add3A_887] : memref<2176xf32, #tpu.memory_space<vmem>>[vector<16xi32>], vector<16xf32>,
      %add3A_889 = arith.addf %add3A_869, %gather3A_888 : vector<16xf32>
      %add3A_890 = arith.constant 10 : i32
      %add3A_891 = vector.broadcast %add3A_890 : i32 to vector<16xi32>
      %add3A_892 = arith.addi %mul3A_51, %add3A_891 : vector<16xi32>
      %gather3A_893 = tpu.vector_load_idx %arg16[%add3A_892] : memref<2176xf32, #tpu.memory_space<vmem>>[vector<16xi32>], vector<16xf32>,
      %add3A_894 = arith.addf %add3A_874, %gather3A_893 : vector<16xf32>
      %add3A_895 = arith.constant 11 : i32
      %add3A_896 = vector.broadcast %add3A_895 : i32 to vector<16xi32>
      %add3A_897 = arith.addi %mul3A_51, %add3A_896 : vector<16xi32>
      %gather3A_898 = tpu.vector_load_idx %arg16[%add3A_897] : memref<2176xf32, #tpu.memory_space<vmem>>[vector<16xi32>], vector<16xf32>,
      %add3A_899 = arith.addf %add3A_879, %gather3A_898 : vector<16xf32>
      %add3A_900 = arith.constant 12 : i32
      %add3A_901 = vector.broadcast %add3A_900 : i32 to vector<16xi32>
      %add3A_902 = arith.addi %mul3A_51, %add3A_901 : vector<16xi32>
      %gather3A_903 = tpu.vector_load_idx %arg16[%add3A_902] : memref<2176xf32, #tpu.memory_space<vmem>>[vector<16xi32>], vector<16xf32>,
      %add3A_904 = arith.addf %add3A_884, %gather3A_903 : vector<16xf32>
      %add3A_905 = arith.constant 13 : i32
      %add3A_906 = vector.broadcast %add3A_905 : i32 to vector<16xi32>
      %add3A_907 = arith.addi %mul3A_51, %add3A_906 : vector<16xi32>
      %gather3A_908 = tpu.vector_load_idx %arg16[%add3A_907] : memref<2176xf32, #tpu.memory_space<vmem>>[vector<16xi32>], vector<16xf32>,
      %add3A_909 = arith.addf %add3A_889, %gather3A_908 : vector<16xf32>
      %add3A_910 = arith.constant 14 : i32
      %add3A_911 = vector.broadcast %add3A_910 : i32 to vector<16xi32>
      %add3A_912 = arith.addi %mul3A_51, %add3A_911 : vector<16xi32>
      %gather3A_913 = tpu.vector_load_idx %arg16[%add3A_912] : memref<2176xf32, #tpu.memory_space<vmem>>[vector<16xi32>], vector<16xf32>,
      %add3A_914 = arith.addf %add3A_894, %gather3A_913 : vector<16xf32>
      %add3A_915 = arith.constant 15 : i32
      %add3A_916 = vector.broadcast %add3A_915 : i32 to vector<16xi32>
      %add3A_917 = arith.addi %mul3A_51, %add3A_916 : vector<16xi32>
      %gather3A_918 = tpu.vector_load_idx %arg16[%add3A_917] : memref<2176xf32, #tpu.memory_space<vmem>>[vector<16xi32>], vector<16xf32>,
      %add3A_919 = arith.addf %add3A_899, %gather3A_918 : vector<16xf32>
      %add3A_920 = arith.addf %add3A_904, %add3A_909 : vector<16xf32>
      %add3A_921 = arith.addf %add3A_914, %add3A_919 : vector<16xf32>
      %add3A_922 = arith.addf %add3A_920, %add3A_921 : vector<16xf32>
      %get3A_923 = arith.constant 96 : index
      %get3A_924 = tpu.vector_load %arg12[%get3A_923] {strides = array<i32>} : memref<128xf32, #tpu.memory_space<vmem>>, vector<16xf32>,
      %mul3A_925 = arith.constant 5.000000e-03 : f32
      %mul3A_926 = vector.broadcast %mul3A_925 : f32 to vector<16xf32>
      %mul3A_927 = arith.mulf %mul3A_926, %add3A_922 : vector<16xf32>
      %sub3A_928 = arith.subf %get3A_924, %mul3A_927 : vector<16xf32>
      %exp3A_929 = math.exp %sub3A_928 : vector<16xf32>
      %get3A_930 = arith.constant 96 : index
      %get3A_931 = tpu.vector_load %arg14[%get3A_930] {strides = array<i32>} : memref<128xi32, #tpu.memory_space<vmem>>, vector<16xi32>,
      tpu.vector_store_idx %arg17[%get3A_931], %exp3A_929 {add = true} : memref<1024xf32, #tpu.memory_space<vmem>>[vector<16xi32>], vector<16xf32>,
      %add3A_932 = arith.constant 0 : i32
      %add3A_933 = vector.broadcast %add3A_932 : i32 to vector<16xi32>
      %add3A_934 = arith.addi %mul3A_58, %add3A_933 : vector<16xi32>
      %gather3A_935 = tpu.vector_load_idx %arg16[%add3A_934] : memref<2176xf32, #tpu.memory_space<vmem>>[vector<16xi32>], vector<16xf32>,
      %add3A_936 = arith.constant 1 : i32
      %add3A_937 = vector.broadcast %add3A_936 : i32 to vector<16xi32>
      %add3A_938 = arith.addi %mul3A_58, %add3A_937 : vector<16xi32>
      %gather3A_939 = tpu.vector_load_idx %arg16[%add3A_938] : memref<2176xf32, #tpu.memory_space<vmem>>[vector<16xi32>], vector<16xf32>,
      %add3A_940 = arith.constant 2 : i32
      %add3A_941 = vector.broadcast %add3A_940 : i32 to vector<16xi32>
      %add3A_942 = arith.addi %mul3A_58, %add3A_941 : vector<16xi32>
      %gather3A_943 = tpu.vector_load_idx %arg16[%add3A_942] : memref<2176xf32, #tpu.memory_space<vmem>>[vector<16xi32>], vector<16xf32>,
      %add3A_944 = arith.constant 3 : i32
      %add3A_945 = vector.broadcast %add3A_944 : i32 to vector<16xi32>
      %add3A_946 = arith.addi %mul3A_58, %add3A_945 : vector<16xi32>
      %gather3A_947 = tpu.vector_load_idx %arg16[%add3A_946] : memref<2176xf32, #tpu.memory_space<vmem>>[vector<16xi32>], vector<16xf32>,
      %add3A_948 = arith.constant 4 : i32
      %add3A_949 = vector.broadcast %add3A_948 : i32 to vector<16xi32>
      %add3A_950 = arith.addi %mul3A_58, %add3A_949 : vector<16xi32>
      %gather3A_951 = tpu.vector_load_idx %arg16[%add3A_950] : memref<2176xf32, #tpu.memory_space<vmem>>[vector<16xi32>], vector<16xf32>,
      %add3A_952 = arith.addf %gather3A_935, %gather3A_951 : vector<16xf32>
      %add3A_953 = arith.constant 5 : i32
      %add3A_954 = vector.broadcast %add3A_953 : i32 to vector<16xi32>
      %add3A_955 = arith.addi %mul3A_58, %add3A_954 : vector<16xi32>
      %gather3A_956 = tpu.vector_load_idx %arg16[%add3A_955] : memref<2176xf32, #tpu.memory_space<vmem>>[vector<16xi32>], vector<16xf32>,
      %add3A_957 = arith.addf %gather3A_939, %gather3A_956 : vector<16xf32>
      %add3A_958 = arith.constant 6 : i32
      %add3A_959 = vector.broadcast %add3A_958 : i32 to vector<16xi32>
      %add3A_960 = arith.addi %mul3A_58, %add3A_959 : vector<16xi32>
      %gather3A_961 = tpu.vector_load_idx %arg16[%add3A_960] : memref<2176xf32, #tpu.memory_space<vmem>>[vector<16xi32>], vector<16xf32>,
      %add3A_962 = arith.addf %gather3A_943, %gather3A_961 : vector<16xf32>
      %add3A_963 = arith.constant 7 : i32
      %add3A_964 = vector.broadcast %add3A_963 : i32 to vector<16xi32>
      %add3A_965 = arith.addi %mul3A_58, %add3A_964 : vector<16xi32>
      %gather3A_966 = tpu.vector_load_idx %arg16[%add3A_965] : memref<2176xf32, #tpu.memory_space<vmem>>[vector<16xi32>], vector<16xf32>,
      %add3A_967 = arith.addf %gather3A_947, %gather3A_966 : vector<16xf32>
      %add3A_968 = arith.constant 8 : i32
      %add3A_969 = vector.broadcast %add3A_968 : i32 to vector<16xi32>
      %add3A_970 = arith.addi %mul3A_58, %add3A_969 : vector<16xi32>
      %gather3A_971 = tpu.vector_load_idx %arg16[%add3A_970] : memref<2176xf32, #tpu.memory_space<vmem>>[vector<16xi32>], vector<16xf32>,
      %add3A_972 = arith.addf %add3A_952, %gather3A_971 : vector<16xf32>
      %add3A_973 = arith.constant 9 : i32
      %add3A_974 = vector.broadcast %add3A_973 : i32 to vector<16xi32>
      %add3A_975 = arith.addi %mul3A_58, %add3A_974 : vector<16xi32>
      %gather3A_976 = tpu.vector_load_idx %arg16[%add3A_975] : memref<2176xf32, #tpu.memory_space<vmem>>[vector<16xi32>], vector<16xf32>,
      %add3A_977 = arith.addf %add3A_957, %gather3A_976 : vector<16xf32>
      %add3A_978 = arith.constant 10 : i32
      %add3A_979 = vector.broadcast %add3A_978 : i32 to vector<16xi32>
      %add3A_980 = arith.addi %mul3A_58, %add3A_979 : vector<16xi32>
      %gather3A_981 = tpu.vector_load_idx %arg16[%add3A_980] : memref<2176xf32, #tpu.memory_space<vmem>>[vector<16xi32>], vector<16xf32>,
      %add3A_982 = arith.addf %add3A_962, %gather3A_981 : vector<16xf32>
      %add3A_983 = arith.constant 11 : i32
      %add3A_984 = vector.broadcast %add3A_983 : i32 to vector<16xi32>
      %add3A_985 = arith.addi %mul3A_58, %add3A_984 : vector<16xi32>
      %gather3A_986 = tpu.vector_load_idx %arg16[%add3A_985] : memref<2176xf32, #tpu.memory_space<vmem>>[vector<16xi32>], vector<16xf32>,
      %add3A_987 = arith.addf %add3A_967, %gather3A_986 : vector<16xf32>
      %add3A_988 = arith.constant 12 : i32
      %add3A_989 = vector.broadcast %add3A_988 : i32 to vector<16xi32>
      %add3A_990 = arith.addi %mul3A_58, %add3A_989 : vector<16xi32>
      %gather3A_991 = tpu.vector_load_idx %arg16[%add3A_990] : memref<2176xf32, #tpu.memory_space<vmem>>[vector<16xi32>], vector<16xf32>,
      %add3A_992 = arith.addf %add3A_972, %gather3A_991 : vector<16xf32>
      %add3A_993 = arith.constant 13 : i32
      %add3A_994 = vector.broadcast %add3A_993 : i32 to vector<16xi32>
      %add3A_995 = arith.addi %mul3A_58, %add3A_994 : vector<16xi32>
      %gather3A_996 = tpu.vector_load_idx %arg16[%add3A_995] : memref<2176xf32, #tpu.memory_space<vmem>>[vector<16xi32>], vector<16xf32>,
      %add3A_997 = arith.addf %add3A_977, %gather3A_996 : vector<16xf32>
      %add3A_998 = arith.constant 14 : i32
      %add3A_999 = vector.broadcast %add3A_998 : i32 to vector<16xi32>
      %add3A_1000 = arith.addi %mul3A_58, %add3A_999 : vector<16xi32>
      %gather3A_1001 = tpu.vector_load_idx %arg16[%add3A_1000] : memref<2176xf32, #tpu.memory_space<vmem>>[vector<16xi32>], vector<16xf32>,
      %add3A_1002 = arith.addf %add3A_982, %gather3A_1001 : vector<16xf32>
      %add3A_1003 = arith.constant 15 : i32
      %add3A_1004 = vector.broadcast %add3A_1003 : i32 to vector<16xi32>
      %add3A_1005 = arith.addi %mul3A_58, %add3A_1004 : vector<16xi32>
      %gather3A_1006 = tpu.vector_load_idx %arg16[%add3A_1005] : memref<2176xf32, #tpu.memory_space<vmem>>[vector<16xi32>], vector<16xf32>,
      %add3A_1007 = arith.addf %add3A_987, %gather3A_1006 : vector<16xf32>
      %add3A_1008 = arith.addf %add3A_992, %add3A_997 : vector<16xf32>
      %add3A_1009 = arith.addf %add3A_1002, %add3A_1007 : vector<16xf32>
      %add3A_1010 = arith.addf %add3A_1008, %add3A_1009 : vector<16xf32>
      %get3A_1011 = arith.constant 112 : index
      %get3A_1012 = tpu.vector_load %arg12[%get3A_1011] {strides = array<i32>} : memref<128xf32, #tpu.memory_space<vmem>>, vector<16xf32>,
      %mul3A_1013 = arith.constant 5.000000e-03 : f32
      %mul3A_1014 = vector.broadcast %mul3A_1013 : f32 to vector<16xf32>
      %mul3A_1015 = arith.mulf %mul3A_1014, %add3A_1010 : vector<16xf32>
      %sub3A_1016 = arith.subf %get3A_1012, %mul3A_1015 : vector<16xf32>
      %exp3A_1017 = math.exp %sub3A_1016 : vector<16xf32>
      %get3A_1018 = arith.constant 112 : index
      %get3A_1019 = tpu.vector_load %arg14[%get3A_1018] {strides = array<i32>} : memref<128xi32, #tpu.memory_space<vmem>>, vector<16xi32>,
      tpu.vector_store_idx %arg17[%get3A_1019], %exp3A_1017 {add = true} : memref<1024xf32, #tpu.memory_space<vmem>>[vector<16xi32>], vector<16xf32>,
      %add3A_1020 = arith.addi %mul3A_2, %mul3A_105 : i32
      %dma_start3A_1021 = arith.constant 0 : i32
      %dma_start3A_1022 = tpu.memref_slice %arg7[%add3A_1020, %dma_start3A_1021] : memref<512x1024xf32, #tpu.memory_space<hbm>> -> memref<1x1024xf32, #tpu.memory_space<hbm>>
      %dma_start3A_1023 = tpu.memref_squeeze %dma_start3A_1022 : memref<1x1024xf32, #tpu.memory_space<hbm>> -> memref<1024xf32, #tpu.memory_space<hbm>>
      %dma_start3A_1024 = arith.constant 0 : i32
      %dma_start3A_1025 = tpu.memref_slice %arg7[%add3A_1020, %dma_start3A_1024] : memref<512x1024xf32, #tpu.memory_space<hbm>> -> memref<1x1024xf32, #tpu.memory_space<hbm>>
      %dma_start3A_1026 = tpu.memref_squeeze %dma_start3A_1025 : memref<1x1024xf32, #tpu.memory_space<hbm>> -> memref<1024xf32, #tpu.memory_space<hbm>>
      tpu.enqueue_dma source(%arg17 : memref<1024xf32, #tpu.memory_space<vmem>>) target(%dma_start3A_1026 : memref<1024xf32, #tpu.memory_space<hbm>>) target_semaphore(%arg21 : memref<!tpu.dma_semaphore, #tpu.memory_space<semaphore_mem>>)
      %lt3A = arith.constant 7 : i32
      %lt3A_1027 = arith.cmpi slt, %add3A_103, %lt3A : i32
      %convert_element_type3A_1028 = arith.extui %lt3A_1027 : i1 to i32
      %cond3A_1029 = arith.constant 0 : i32
      %cond3A_1030 = arith.cmpi ne, %convert_element_type3A_1028, %cond3A_1029 : i32
      scf.if %cond3A_1030 {
        %add3A_1946 = arith.constant 2 : i32
        %add3A_1947 = arith.addi %mul3A_105, %add3A_1946 : i32
        %dma_start3A_1948 = arith.constant 0 : i32
        %dma_start3A_1949 = tpu.memref_slice %arg8[%add3A_1947, %dma_start3A_1948] : memref<16x128xi32, #tpu.memory_space<vmem>> -> memref<1x128xi32, #tpu.memory_space<vmem>>
        %dma_start3A_1950 = tpu.memref_squeeze %dma_start3A_1949 : memref<1x128xi32, #tpu.memory_space<vmem>> -> memref<128xi32, #tpu.memory_space<vmem>>
        %dma_start3A_1951 = arith.constant 0 : i32
        %dma_start3A_1952 = arith.constant 0 : i32
        %dma_start3A_1953 = tpu.memref_slice %arg3[%dma_start3A_1951, %dma_start3A_1952] : memref<100000x256xf32, #tpu.memory_space<hbm>> -> memref<100000x256xf32, #tpu.memory_space<hbm>>
        tpu.enqueue_indirect_dma source(%dma_start3A_1953 : memref<100000x256xf32, #tpu.memory_space<hbm>>) target(%arg10 : memref<128x256xf32, #tpu.memory_space<vmem>>) offsets(%dma_start3A_1950 : memref<128xi32, #tpu.memory_space<vmem>>) semaphore(%arg19 : memref<!tpu.dma_semaphore, #tpu.memory_space<semaphore_mem>>)
        %dma_start3A_1954 = arith.constant 0 : i32
        %dma_start3A_1955 = tpu.memref_slice %arg8[%add3A_1947, %dma_start3A_1954] : memref<16x128xi32, #tpu.memory_space<vmem>> -> memref<1x128xi32, #tpu.memory_space<vmem>>
        %dma_start3A_1956 = tpu.memref_squeeze %dma_start3A_1955 : memref<1x128xi32, #tpu.memory_space<vmem>> -> memref<128xi32, #tpu.memory_space<vmem>>
        %dma_start3A_1957 = arith.constant 0 : i32
        %dma_start3A_1958 = tpu.memref_slice %arg6[%dma_start3A_1957] : memref<100000xf32, #tpu.memory_space<hbm>> -> memref<100000xf32, #tpu.memory_space<hbm>>
        tpu.enqueue_indirect_dma source(%dma_start3A_1958 : memref<100000xf32, #tpu.memory_space<hbm>>) target(%arg12 : memref<128xf32, #tpu.memory_space<vmem>>) offsets(%dma_start3A_1956 : memref<128xi32, #tpu.memory_space<vmem>>) semaphore(%arg19 : memref<!tpu.dma_semaphore, #tpu.memory_space<semaphore_mem>>)
        %dma_start3A_1959 = arith.constant 0 : i32
        %dma_start3A_1960 = tpu.memref_slice %arg8[%add3A_1947, %dma_start3A_1959] : memref<16x128xi32, #tpu.memory_space<vmem>> -> memref<1x128xi32, #tpu.memory_space<vmem>>
        %dma_start3A_1961 = tpu.memref_squeeze %dma_start3A_1960 : memref<1x128xi32, #tpu.memory_space<vmem>> -> memref<128xi32, #tpu.memory_space<vmem>>
        %dma_start3A_1962 = arith.constant 0 : i32
        %dma_start3A_1963 = tpu.memref_slice %arg4[%dma_start3A_1962] : memref<100000xi32, #tpu.memory_space<hbm>> -> memref<100000xi32, #tpu.memory_space<hbm>>
        tpu.enqueue_indirect_dma source(%dma_start3A_1963 : memref<100000xi32, #tpu.memory_space<hbm>>) target(%arg14 : memref<128xi32, #tpu.memory_space<vmem>>) offsets(%dma_start3A_1961 : memref<128xi32, #tpu.memory_space<vmem>>) semaphore(%arg19 : memref<!tpu.dma_semaphore, #tpu.memory_space<semaphore_mem>>)
      } else {
      }
      %add3A_1031 = arith.constant 1 : i32
      %add3A_1032 = arith.addi %mul3A_105, %add3A_1031 : i32
      %dma_wait3A_1033 = arith.constant 0 : i32
      %dma_wait3A_1034 = tpu.memref_slice %arg8[%add3A_1032, %dma_wait3A_1033] : memref<16x128xi32, #tpu.memory_space<vmem>> -> memref<1x128xi32, #tpu.memory_space<vmem>>
      %dma_wait3A_1035 = tpu.memref_squeeze %dma_wait3A_1034 : memref<1x128xi32, #tpu.memory_space<vmem>> -> memref<128xi32, #tpu.memory_space<vmem>>
      %dma_wait3A_1036 = arith.constant 0 : i32
      %dma_wait3A_1037 = arith.constant 0 : i32
      %dma_wait3A_1038 = tpu.memref_slice %arg3[%dma_wait3A_1036, %dma_wait3A_1037] : memref<100000x256xf32, #tpu.memory_space<hbm>> -> memref<100000x256xf32, #tpu.memory_space<hbm>>
      tpu.wait_indirect_dma semaphore(%arg20 : memref<!tpu.dma_semaphore, #tpu.memory_space<semaphore_mem>>) src(%dma_wait3A_1038 : memref<100000x256xf32, #tpu.memory_space<hbm>>) dst(%arg11 : memref<128x256xf32, #tpu.memory_space<vmem>>)
      %dma_wait3A_1039 = arith.constant 0 : i32
      %dma_wait3A_1040 = tpu.memref_slice %arg8[%add3A_1032, %dma_wait3A_1039] : memref<16x128xi32, #tpu.memory_space<vmem>> -> memref<1x128xi32, #tpu.memory_space<vmem>>
      %dma_wait3A_1041 = tpu.memref_squeeze %dma_wait3A_1040 : memref<1x128xi32, #tpu.memory_space<vmem>> -> memref<128xi32, #tpu.memory_space<vmem>>
      %dma_wait3A_1042 = arith.constant 0 : i32
      %dma_wait3A_1043 = tpu.memref_slice %arg6[%dma_wait3A_1042] : memref<100000xf32, #tpu.memory_space<hbm>> -> memref<100000xf32, #tpu.memory_space<hbm>>
      tpu.wait_indirect_dma semaphore(%arg20 : memref<!tpu.dma_semaphore, #tpu.memory_space<semaphore_mem>>) src(%dma_wait3A_1043 : memref<100000xf32, #tpu.memory_space<hbm>>) dst(%arg13 : memref<128xf32, #tpu.memory_space<vmem>>)
      %dma_wait3A_1044 = arith.constant 0 : i32
      %dma_wait3A_1045 = tpu.memref_slice %arg8[%add3A_1032, %dma_wait3A_1044] : memref<16x128xi32, #tpu.memory_space<vmem>> -> memref<1x128xi32, #tpu.memory_space<vmem>>
      %dma_wait3A_1046 = tpu.memref_squeeze %dma_wait3A_1045 : memref<1x128xi32, #tpu.memory_space<vmem>> -> memref<128xi32, #tpu.memory_space<vmem>>
      %dma_wait3A_1047 = arith.constant 0 : i32
      %dma_wait3A_1048 = tpu.memref_slice %arg4[%dma_wait3A_1047] : memref<100000xi32, #tpu.memory_space<hbm>> -> memref<100000xi32, #tpu.memory_space<hbm>>
      tpu.wait_indirect_dma semaphore(%arg20 : memref<!tpu.dma_semaphore, #tpu.memory_space<semaphore_mem>>) src(%dma_wait3A_1048 : memref<100000xi32, #tpu.memory_space<hbm>>) dst(%arg15 : memref<128xi32, #tpu.memory_space<vmem>>)
      %add3A_1049 = arith.constant 1 : i32
      %add3A_1050 = arith.addi %mul3A_105, %add3A_1049 : i32
      %gt3A_1051 = arith.constant 0 : i32
      %gt3A_1052 = arith.cmpi sgt, %add3A_103, %gt3A_1051 : i32
      %convert_element_type3A_1053 = arith.extui %gt3A_1052 : i1 to i32
      %cond3A_1054 = arith.constant 0 : i32
      %cond3A_1055 = arith.cmpi ne, %convert_element_type3A_1053, %cond3A_1054 : i32
      scf.if %cond3A_1055 {
        %add3A_1946 = arith.addi %mul3A_2, %add3A_1050 : i32
        %sub3A_1947 = arith.constant 2 : i32
        %sub3A_1948 = arith.subi %add3A_1946, %sub3A_1947 : i32
        %dma_wait3A_1949 = arith.constant 0 : i32
        %dma_wait3A_1950 = tpu.memref_slice %arg7[%sub3A_1948, %dma_wait3A_1949] : memref<512x1024xf32, #tpu.memory_space<hbm>> -> memref<1x1024xf32, #tpu.memory_space<hbm>>
        %dma_wait3A_1951 = tpu.memref_squeeze %dma_wait3A_1950 : memref<1x1024xf32, #tpu.memory_space<hbm>> -> memref<1024xf32, #tpu.memory_space<hbm>>
        %dma_wait3A_1952 = arith.constant 0 : i32
        %dma_wait3A_1953 = tpu.memref_slice %arg7[%sub3A_1948, %dma_wait3A_1952] : memref<512x1024xf32, #tpu.memory_space<hbm>> -> memref<1x1024xf32, #tpu.memory_space<hbm>>
        %dma_wait3A_1954 = tpu.memref_squeeze %dma_wait3A_1953 : memref<1x1024xf32, #tpu.memory_space<hbm>> -> memref<1024xf32, #tpu.memory_space<hbm>>
        tpu.wait_dma2 semaphore(%arg22 : memref<!tpu.dma_semaphore, #tpu.memory_space<semaphore_mem>>) src(%arg18 : memref<1024xf32, #tpu.memory_space<vmem>>) dst(%dma_wait3A_1954 : memref<1024xf32, #tpu.memory_space<hbm>>)
      } else {
      }
      %swap3A_1056 = arith.constant 0 : index
      %swap3A_1057 = tpu.vector_load %arg18[%swap3A_1056] {strides = array<i32>} : memref<1024xf32, #tpu.memory_space<vmem>>, vector<16xf32>,
      tpu.vector_store %arg18[%swap3A_1056], %broadcast_in_dim3A_3 {strides = array<i32>} : memref<1024xf32, #tpu.memory_space<vmem>>, vector<16xf32>,
      %swap3A_1058 = arith.constant 16 : index
      %swap3A_1059 = tpu.vector_load %arg18[%swap3A_1058] {strides = array<i32>} : memref<1024xf32, #tpu.memory_space<vmem>>, vector<16xf32>,
      tpu.vector_store %arg18[%swap3A_1058], %broadcast_in_dim3A_3 {strides = array<i32>} : memref<1024xf32, #tpu.memory_space<vmem>>, vector<16xf32>,
      %swap3A_1060 = arith.constant 32 : index
      %swap3A_1061 = tpu.vector_load %arg18[%swap3A_1060] {strides = array<i32>} : memref<1024xf32, #tpu.memory_space<vmem>>, vector<16xf32>,
      tpu.vector_store %arg18[%swap3A_1060], %broadcast_in_dim3A_3 {strides = array<i32>} : memref<1024xf32, #tpu.memory_space<vmem>>, vector<16xf32>,
      %swap3A_1062 = arith.constant 48 : index
      %swap3A_1063 = tpu.vector_load %arg18[%swap3A_1062] {strides = array<i32>} : memref<1024xf32, #tpu.memory_space<vmem>>, vector<16xf32>,
      tpu.vector_store %arg18[%swap3A_1062], %broadcast_in_dim3A_3 {strides = array<i32>} : memref<1024xf32, #tpu.memory_space<vmem>>, vector<16xf32>,
      %swap3A_1064 = arith.constant 64 : index
      %swap3A_1065 = tpu.vector_load %arg18[%swap3A_1064] {strides = array<i32>} : memref<1024xf32, #tpu.memory_space<vmem>>, vector<16xf32>,
      tpu.vector_store %arg18[%swap3A_1064], %broadcast_in_dim3A_3 {strides = array<i32>} : memref<1024xf32, #tpu.memory_space<vmem>>, vector<16xf32>,
      %swap3A_1066 = arith.constant 80 : index
      %swap3A_1067 = tpu.vector_load %arg18[%swap3A_1066] {strides = array<i32>} : memref<1024xf32, #tpu.memory_space<vmem>>, vector<16xf32>,
      tpu.vector_store %arg18[%swap3A_1066], %broadcast_in_dim3A_3 {strides = array<i32>} : memref<1024xf32, #tpu.memory_space<vmem>>, vector<16xf32>,
      %swap3A_1068 = arith.constant 96 : index
      %swap3A_1069 = tpu.vector_load %arg18[%swap3A_1068] {strides = array<i32>} : memref<1024xf32, #tpu.memory_space<vmem>>, vector<16xf32>,
      tpu.vector_store %arg18[%swap3A_1068], %broadcast_in_dim3A_3 {strides = array<i32>} : memref<1024xf32, #tpu.memory_space<vmem>>, vector<16xf32>,
      %swap3A_1070 = arith.constant 112 : index
      %swap3A_1071 = tpu.vector_load %arg18[%swap3A_1070] {strides = array<i32>} : memref<1024xf32, #tpu.memory_space<vmem>>, vector<16xf32>,
      tpu.vector_store %arg18[%swap3A_1070], %broadcast_in_dim3A_3 {strides = array<i32>} : memref<1024xf32, #tpu.memory_space<vmem>>, vector<16xf32>,
      %swap3A_1072 = arith.constant 128 : index
      %swap3A_1073 = tpu.vector_load %arg18[%swap3A_1072] {strides = array<i32>} : memref<1024xf32, #tpu.memory_space<vmem>>, vector<16xf32>,
      tpu.vector_store %arg18[%swap3A_1072], %broadcast_in_dim3A_3 {strides = array<i32>} : memref<1024xf32, #tpu.memory_space<vmem>>, vector<16xf32>,
      %swap3A_1074 = arith.constant 144 : index
      %swap3A_1075 = tpu.vector_load %arg18[%swap3A_1074] {strides = array<i32>} : memref<1024xf32, #tpu.memory_space<vmem>>, vector<16xf32>,
      tpu.vector_store %arg18[%swap3A_1074], %broadcast_in_dim3A_3 {strides = array<i32>} : memref<1024xf32, #tpu.memory_space<vmem>>, vector<16xf32>,
      %swap3A_1076 = arith.constant 160 : index
      %swap3A_1077 = tpu.vector_load %arg18[%swap3A_1076] {strides = array<i32>} : memref<1024xf32, #tpu.memory_space<vmem>>, vector<16xf32>,
      tpu.vector_store %arg18[%swap3A_1076], %broadcast_in_dim3A_3 {strides = array<i32>} : memref<1024xf32, #tpu.memory_space<vmem>>, vector<16xf32>,
      %swap3A_1078 = arith.constant 176 : index
      %swap3A_1079 = tpu.vector_load %arg18[%swap3A_1078] {strides = array<i32>} : memref<1024xf32, #tpu.memory_space<vmem>>, vector<16xf32>,
      tpu.vector_store %arg18[%swap3A_1078], %broadcast_in_dim3A_3 {strides = array<i32>} : memref<1024xf32, #tpu.memory_space<vmem>>, vector<16xf32>,
      %swap3A_1080 = arith.constant 192 : index
      %swap3A_1081 = tpu.vector_load %arg18[%swap3A_1080] {strides = array<i32>} : memref<1024xf32, #tpu.memory_space<vmem>>, vector<16xf32>,
      tpu.vector_store %arg18[%swap3A_1080], %broadcast_in_dim3A_3 {strides = array<i32>} : memref<1024xf32, #tpu.memory_space<vmem>>, vector<16xf32>,
      %swap3A_1082 = arith.constant 208 : index
      %swap3A_1083 = tpu.vector_load %arg18[%swap3A_1082] {strides = array<i32>} : memref<1024xf32, #tpu.memory_space<vmem>>, vector<16xf32>,
      tpu.vector_store %arg18[%swap3A_1082], %broadcast_in_dim3A_3 {strides = array<i32>} : memref<1024xf32, #tpu.memory_space<vmem>>, vector<16xf32>,
      %swap3A_1084 = arith.constant 224 : index
      %swap3A_1085 = tpu.vector_load %arg18[%swap3A_1084] {strides = array<i32>} : memref<1024xf32, #tpu.memory_space<vmem>>, vector<16xf32>,
      tpu.vector_store %arg18[%swap3A_1084], %broadcast_in_dim3A_3 {strides = array<i32>} : memref<1024xf32, #tpu.memory_space<vmem>>, vector<16xf32>,
      %swap3A_1086 = arith.constant 240 : index
      %swap3A_1087 = tpu.vector_load %arg18[%swap3A_1086] {strides = array<i32>} : memref<1024xf32, #tpu.memory_space<vmem>>, vector<16xf32>,
      tpu.vector_store %arg18[%swap3A_1086], %broadcast_in_dim3A_3 {strides = array<i32>} : memref<1024xf32, #tpu.memory_space<vmem>>, vector<16xf32>,
      %swap3A_1088 = arith.constant 256 : index
      %swap3A_1089 = tpu.vector_load %arg18[%swap3A_1088] {strides = array<i32>} : memref<1024xf32, #tpu.memory_space<vmem>>, vector<16xf32>,
      tpu.vector_store %arg18[%swap3A_1088], %broadcast_in_dim3A_3 {strides = array<i32>} : memref<1024xf32, #tpu.memory_space<vmem>>, vector<16xf32>,
      %swap3A_1090 = arith.constant 272 : index
      %swap3A_1091 = tpu.vector_load %arg18[%swap3A_1090] {strides = array<i32>} : memref<1024xf32, #tpu.memory_space<vmem>>, vector<16xf32>,
      tpu.vector_store %arg18[%swap3A_1090], %broadcast_in_dim3A_3 {strides = array<i32>} : memref<1024xf32, #tpu.memory_space<vmem>>, vector<16xf32>,
      %swap3A_1092 = arith.constant 288 : index
      %swap3A_1093 = tpu.vector_load %arg18[%swap3A_1092] {strides = array<i32>} : memref<1024xf32, #tpu.memory_space<vmem>>, vector<16xf32>,
      tpu.vector_store %arg18[%swap3A_1092], %broadcast_in_dim3A_3 {strides = array<i32>} : memref<1024xf32, #tpu.memory_space<vmem>>, vector<16xf32>,
      %swap3A_1094 = arith.constant 304 : index
      %swap3A_1095 = tpu.vector_load %arg18[%swap3A_1094] {strides = array<i32>} : memref<1024xf32, #tpu.memory_space<vmem>>, vector<16xf32>,
      tpu.vector_store %arg18[%swap3A_1094], %broadcast_in_dim3A_3 {strides = array<i32>} : memref<1024xf32, #tpu.memory_space<vmem>>, vector<16xf32>,
      %swap3A_1096 = arith.constant 320 : index
      %swap3A_1097 = tpu.vector_load %arg18[%swap3A_1096] {strides = array<i32>} : memref<1024xf32, #tpu.memory_space<vmem>>, vector<16xf32>,
      tpu.vector_store %arg18[%swap3A_1096], %broadcast_in_dim3A_3 {strides = array<i32>} : memref<1024xf32, #tpu.memory_space<vmem>>, vector<16xf32>,
      %swap3A_1098 = arith.constant 336 : index
      %swap3A_1099 = tpu.vector_load %arg18[%swap3A_1098] {strides = array<i32>} : memref<1024xf32, #tpu.memory_space<vmem>>, vector<16xf32>,
      tpu.vector_store %arg18[%swap3A_1098], %broadcast_in_dim3A_3 {strides = array<i32>} : memref<1024xf32, #tpu.memory_space<vmem>>, vector<16xf32>,
      %swap3A_1100 = arith.constant 352 : index
      %swap3A_1101 = tpu.vector_load %arg18[%swap3A_1100] {strides = array<i32>} : memref<1024xf32, #tpu.memory_space<vmem>>, vector<16xf32>,
      tpu.vector_store %arg18[%swap3A_1100], %broadcast_in_dim3A_3 {strides = array<i32>} : memref<1024xf32, #tpu.memory_space<vmem>>, vector<16xf32>,
      %swap3A_1102 = arith.constant 368 : index
      %swap3A_1103 = tpu.vector_load %arg18[%swap3A_1102] {strides = array<i32>} : memref<1024xf32, #tpu.memory_space<vmem>>, vector<16xf32>,
      tpu.vector_store %arg18[%swap3A_1102], %broadcast_in_dim3A_3 {strides = array<i32>} : memref<1024xf32, #tpu.memory_space<vmem>>, vector<16xf32>,
      %swap3A_1104 = arith.constant 384 : index
      %swap3A_1105 = tpu.vector_load %arg18[%swap3A_1104] {strides = array<i32>} : memref<1024xf32, #tpu.memory_space<vmem>>, vector<16xf32>,
      tpu.vector_store %arg18[%swap3A_1104], %broadcast_in_dim3A_3 {strides = array<i32>} : memref<1024xf32, #tpu.memory_space<vmem>>, vector<16xf32>,
      %swap3A_1106 = arith.constant 400 : index
      %swap3A_1107 = tpu.vector_load %arg18[%swap3A_1106] {strides = array<i32>} : memref<1024xf32, #tpu.memory_space<vmem>>, vector<16xf32>,
      tpu.vector_store %arg18[%swap3A_1106], %broadcast_in_dim3A_3 {strides = array<i32>} : memref<1024xf32, #tpu.memory_space<vmem>>, vector<16xf32>,
      %swap3A_1108 = arith.constant 416 : index
      %swap3A_1109 = tpu.vector_load %arg18[%swap3A_1108] {strides = array<i32>} : memref<1024xf32, #tpu.memory_space<vmem>>, vector<16xf32>,
      tpu.vector_store %arg18[%swap3A_1108], %broadcast_in_dim3A_3 {strides = array<i32>} : memref<1024xf32, #tpu.memory_space<vmem>>, vector<16xf32>,
      %swap3A_1110 = arith.constant 432 : index
      %swap3A_1111 = tpu.vector_load %arg18[%swap3A_1110] {strides = array<i32>} : memref<1024xf32, #tpu.memory_space<vmem>>, vector<16xf32>,
      tpu.vector_store %arg18[%swap3A_1110], %broadcast_in_dim3A_3 {strides = array<i32>} : memref<1024xf32, #tpu.memory_space<vmem>>, vector<16xf32>,
      %swap3A_1112 = arith.constant 448 : index
      %swap3A_1113 = tpu.vector_load %arg18[%swap3A_1112] {strides = array<i32>} : memref<1024xf32, #tpu.memory_space<vmem>>, vector<16xf32>,
      tpu.vector_store %arg18[%swap3A_1112], %broadcast_in_dim3A_3 {strides = array<i32>} : memref<1024xf32, #tpu.memory_space<vmem>>, vector<16xf32>,
      %swap3A_1114 = arith.constant 464 : index
      %swap3A_1115 = tpu.vector_load %arg18[%swap3A_1114] {strides = array<i32>} : memref<1024xf32, #tpu.memory_space<vmem>>, vector<16xf32>,
      tpu.vector_store %arg18[%swap3A_1114], %broadcast_in_dim3A_3 {strides = array<i32>} : memref<1024xf32, #tpu.memory_space<vmem>>, vector<16xf32>,
      %swap3A_1116 = arith.constant 480 : index
      %swap3A_1117 = tpu.vector_load %arg18[%swap3A_1116] {strides = array<i32>} : memref<1024xf32, #tpu.memory_space<vmem>>, vector<16xf32>,
      tpu.vector_store %arg18[%swap3A_1116], %broadcast_in_dim3A_3 {strides = array<i32>} : memref<1024xf32, #tpu.memory_space<vmem>>, vector<16xf32>,
      %swap3A_1118 = arith.constant 496 : index
      %swap3A_1119 = tpu.vector_load %arg18[%swap3A_1118] {strides = array<i32>} : memref<1024xf32, #tpu.memory_space<vmem>>, vector<16xf32>,
      tpu.vector_store %arg18[%swap3A_1118], %broadcast_in_dim3A_3 {strides = array<i32>} : memref<1024xf32, #tpu.memory_space<vmem>>, vector<16xf32>,
      %swap3A_1120 = arith.constant 512 : index
      %swap3A_1121 = tpu.vector_load %arg18[%swap3A_1120] {strides = array<i32>} : memref<1024xf32, #tpu.memory_space<vmem>>, vector<16xf32>,
      tpu.vector_store %arg18[%swap3A_1120], %broadcast_in_dim3A_3 {strides = array<i32>} : memref<1024xf32, #tpu.memory_space<vmem>>, vector<16xf32>,
      %swap3A_1122 = arith.constant 528 : index
      %swap3A_1123 = tpu.vector_load %arg18[%swap3A_1122] {strides = array<i32>} : memref<1024xf32, #tpu.memory_space<vmem>>, vector<16xf32>,
      tpu.vector_store %arg18[%swap3A_1122], %broadcast_in_dim3A_3 {strides = array<i32>} : memref<1024xf32, #tpu.memory_space<vmem>>, vector<16xf32>,
      %swap3A_1124 = arith.constant 544 : index
      %swap3A_1125 = tpu.vector_load %arg18[%swap3A_1124] {strides = array<i32>} : memref<1024xf32, #tpu.memory_space<vmem>>, vector<16xf32>,
      tpu.vector_store %arg18[%swap3A_1124], %broadcast_in_dim3A_3 {strides = array<i32>} : memref<1024xf32, #tpu.memory_space<vmem>>, vector<16xf32>,
      %swap3A_1126 = arith.constant 560 : index
      %swap3A_1127 = tpu.vector_load %arg18[%swap3A_1126] {strides = array<i32>} : memref<1024xf32, #tpu.memory_space<vmem>>, vector<16xf32>,
      tpu.vector_store %arg18[%swap3A_1126], %broadcast_in_dim3A_3 {strides = array<i32>} : memref<1024xf32, #tpu.memory_space<vmem>>, vector<16xf32>,
      %swap3A_1128 = arith.constant 576 : index
      %swap3A_1129 = tpu.vector_load %arg18[%swap3A_1128] {strides = array<i32>} : memref<1024xf32, #tpu.memory_space<vmem>>, vector<16xf32>,
      tpu.vector_store %arg18[%swap3A_1128], %broadcast_in_dim3A_3 {strides = array<i32>} : memref<1024xf32, #tpu.memory_space<vmem>>, vector<16xf32>,
      %swap3A_1130 = arith.constant 592 : index
      %swap3A_1131 = tpu.vector_load %arg18[%swap3A_1130] {strides = array<i32>} : memref<1024xf32, #tpu.memory_space<vmem>>, vector<16xf32>,
      tpu.vector_store %arg18[%swap3A_1130], %broadcast_in_dim3A_3 {strides = array<i32>} : memref<1024xf32, #tpu.memory_space<vmem>>, vector<16xf32>,
      %swap3A_1132 = arith.constant 608 : index
      %swap3A_1133 = tpu.vector_load %arg18[%swap3A_1132] {strides = array<i32>} : memref<1024xf32, #tpu.memory_space<vmem>>, vector<16xf32>,
      tpu.vector_store %arg18[%swap3A_1132], %broadcast_in_dim3A_3 {strides = array<i32>} : memref<1024xf32, #tpu.memory_space<vmem>>, vector<16xf32>,
      %swap3A_1134 = arith.constant 624 : index
      %swap3A_1135 = tpu.vector_load %arg18[%swap3A_1134] {strides = array<i32>} : memref<1024xf32, #tpu.memory_space<vmem>>, vector<16xf32>,
      tpu.vector_store %arg18[%swap3A_1134], %broadcast_in_dim3A_3 {strides = array<i32>} : memref<1024xf32, #tpu.memory_space<vmem>>, vector<16xf32>,
      %swap3A_1136 = arith.constant 640 : index
      %swap3A_1137 = tpu.vector_load %arg18[%swap3A_1136] {strides = array<i32>} : memref<1024xf32, #tpu.memory_space<vmem>>, vector<16xf32>,
      tpu.vector_store %arg18[%swap3A_1136], %broadcast_in_dim3A_3 {strides = array<i32>} : memref<1024xf32, #tpu.memory_space<vmem>>, vector<16xf32>,
      %swap3A_1138 = arith.constant 656 : index
      %swap3A_1139 = tpu.vector_load %arg18[%swap3A_1138] {strides = array<i32>} : memref<1024xf32, #tpu.memory_space<vmem>>, vector<16xf32>,
      tpu.vector_store %arg18[%swap3A_1138], %broadcast_in_dim3A_3 {strides = array<i32>} : memref<1024xf32, #tpu.memory_space<vmem>>, vector<16xf32>,
      %swap3A_1140 = arith.constant 672 : index
      %swap3A_1141 = tpu.vector_load %arg18[%swap3A_1140] {strides = array<i32>} : memref<1024xf32, #tpu.memory_space<vmem>>, vector<16xf32>,
      tpu.vector_store %arg18[%swap3A_1140], %broadcast_in_dim3A_3 {strides = array<i32>} : memref<1024xf32, #tpu.memory_space<vmem>>, vector<16xf32>,
      %swap3A_1142 = arith.constant 688 : index
      %swap3A_1143 = tpu.vector_load %arg18[%swap3A_1142] {strides = array<i32>} : memref<1024xf32, #tpu.memory_space<vmem>>, vector<16xf32>,
      tpu.vector_store %arg18[%swap3A_1142], %broadcast_in_dim3A_3 {strides = array<i32>} : memref<1024xf32, #tpu.memory_space<vmem>>, vector<16xf32>,
      %swap3A_1144 = arith.constant 704 : index
      %swap3A_1145 = tpu.vector_load %arg18[%swap3A_1144] {strides = array<i32>} : memref<1024xf32, #tpu.memory_space<vmem>>, vector<16xf32>,
      tpu.vector_store %arg18[%swap3A_1144], %broadcast_in_dim3A_3 {strides = array<i32>} : memref<1024xf32, #tpu.memory_space<vmem>>, vector<16xf32>,
      %swap3A_1146 = arith.constant 720 : index
      %swap3A_1147 = tpu.vector_load %arg18[%swap3A_1146] {strides = array<i32>} : memref<1024xf32, #tpu.memory_space<vmem>>, vector<16xf32>,
      tpu.vector_store %arg18[%swap3A_1146], %broadcast_in_dim3A_3 {strides = array<i32>} : memref<1024xf32, #tpu.memory_space<vmem>>, vector<16xf32>,
      %swap3A_1148 = arith.constant 736 : index
      %swap3A_1149 = tpu.vector_load %arg18[%swap3A_1148] {strides = array<i32>} : memref<1024xf32, #tpu.memory_space<vmem>>, vector<16xf32>,
      tpu.vector_store %arg18[%swap3A_1148], %broadcast_in_dim3A_3 {strides = array<i32>} : memref<1024xf32, #tpu.memory_space<vmem>>, vector<16xf32>,
      %swap3A_1150 = arith.constant 752 : index
      %swap3A_1151 = tpu.vector_load %arg18[%swap3A_1150] {strides = array<i32>} : memref<1024xf32, #tpu.memory_space<vmem>>, vector<16xf32>,
      tpu.vector_store %arg18[%swap3A_1150], %broadcast_in_dim3A_3 {strides = array<i32>} : memref<1024xf32, #tpu.memory_space<vmem>>, vector<16xf32>,
      %swap3A_1152 = arith.constant 768 : index
      %swap3A_1153 = tpu.vector_load %arg18[%swap3A_1152] {strides = array<i32>} : memref<1024xf32, #tpu.memory_space<vmem>>, vector<16xf32>,
      tpu.vector_store %arg18[%swap3A_1152], %broadcast_in_dim3A_3 {strides = array<i32>} : memref<1024xf32, #tpu.memory_space<vmem>>, vector<16xf32>,
      %swap3A_1154 = arith.constant 784 : index
      %swap3A_1155 = tpu.vector_load %arg18[%swap3A_1154] {strides = array<i32>} : memref<1024xf32, #tpu.memory_space<vmem>>, vector<16xf32>,
      tpu.vector_store %arg18[%swap3A_1154], %broadcast_in_dim3A_3 {strides = array<i32>} : memref<1024xf32, #tpu.memory_space<vmem>>, vector<16xf32>,
      %swap3A_1156 = arith.constant 800 : index
      %swap3A_1157 = tpu.vector_load %arg18[%swap3A_1156] {strides = array<i32>} : memref<1024xf32, #tpu.memory_space<vmem>>, vector<16xf32>,
      tpu.vector_store %arg18[%swap3A_1156], %broadcast_in_dim3A_3 {strides = array<i32>} : memref<1024xf32, #tpu.memory_space<vmem>>, vector<16xf32>,
      %swap3A_1158 = arith.constant 816 : index
      %swap3A_1159 = tpu.vector_load %arg18[%swap3A_1158] {strides = array<i32>} : memref<1024xf32, #tpu.memory_space<vmem>>, vector<16xf32>,
      tpu.vector_store %arg18[%swap3A_1158], %broadcast_in_dim3A_3 {strides = array<i32>} : memref<1024xf32, #tpu.memory_space<vmem>>, vector<16xf32>,
      %swap3A_1160 = arith.constant 832 : index
      %swap3A_1161 = tpu.vector_load %arg18[%swap3A_1160] {strides = array<i32>} : memref<1024xf32, #tpu.memory_space<vmem>>, vector<16xf32>,
      tpu.vector_store %arg18[%swap3A_1160], %broadcast_in_dim3A_3 {strides = array<i32>} : memref<1024xf32, #tpu.memory_space<vmem>>, vector<16xf32>,
      %swap3A_1162 = arith.constant 848 : index
      %swap3A_1163 = tpu.vector_load %arg18[%swap3A_1162] {strides = array<i32>} : memref<1024xf32, #tpu.memory_space<vmem>>, vector<16xf32>,
      tpu.vector_store %arg18[%swap3A_1162], %broadcast_in_dim3A_3 {strides = array<i32>} : memref<1024xf32, #tpu.memory_space<vmem>>, vector<16xf32>,
      %swap3A_1164 = arith.constant 864 : index
      %swap3A_1165 = tpu.vector_load %arg18[%swap3A_1164] {strides = array<i32>} : memref<1024xf32, #tpu.memory_space<vmem>>, vector<16xf32>,
      tpu.vector_store %arg18[%swap3A_1164], %broadcast_in_dim3A_3 {strides = array<i32>} : memref<1024xf32, #tpu.memory_space<vmem>>, vector<16xf32>,
      %swap3A_1166 = arith.constant 880 : index
      %swap3A_1167 = tpu.vector_load %arg18[%swap3A_1166] {strides = array<i32>} : memref<1024xf32, #tpu.memory_space<vmem>>, vector<16xf32>,
      tpu.vector_store %arg18[%swap3A_1166], %broadcast_in_dim3A_3 {strides = array<i32>} : memref<1024xf32, #tpu.memory_space<vmem>>, vector<16xf32>,
      %swap3A_1168 = arith.constant 896 : index
      %swap3A_1169 = tpu.vector_load %arg18[%swap3A_1168] {strides = array<i32>} : memref<1024xf32, #tpu.memory_space<vmem>>, vector<16xf32>,
      tpu.vector_store %arg18[%swap3A_1168], %broadcast_in_dim3A_3 {strides = array<i32>} : memref<1024xf32, #tpu.memory_space<vmem>>, vector<16xf32>,
      %swap3A_1170 = arith.constant 912 : index
      %swap3A_1171 = tpu.vector_load %arg18[%swap3A_1170] {strides = array<i32>} : memref<1024xf32, #tpu.memory_space<vmem>>, vector<16xf32>,
      tpu.vector_store %arg18[%swap3A_1170], %broadcast_in_dim3A_3 {strides = array<i32>} : memref<1024xf32, #tpu.memory_space<vmem>>, vector<16xf32>,
      %swap3A_1172 = arith.constant 928 : index
      %swap3A_1173 = tpu.vector_load %arg18[%swap3A_1172] {strides = array<i32>} : memref<1024xf32, #tpu.memory_space<vmem>>, vector<16xf32>,
      tpu.vector_store %arg18[%swap3A_1172], %broadcast_in_dim3A_3 {strides = array<i32>} : memref<1024xf32, #tpu.memory_space<vmem>>, vector<16xf32>,
      %swap3A_1174 = arith.constant 944 : index
      %swap3A_1175 = tpu.vector_load %arg18[%swap3A_1174] {strides = array<i32>} : memref<1024xf32, #tpu.memory_space<vmem>>, vector<16xf32>,
      tpu.vector_store %arg18[%swap3A_1174], %broadcast_in_dim3A_3 {strides = array<i32>} : memref<1024xf32, #tpu.memory_space<vmem>>, vector<16xf32>,
      %swap3A_1176 = arith.constant 960 : index
      %swap3A_1177 = tpu.vector_load %arg18[%swap3A_1176] {strides = array<i32>} : memref<1024xf32, #tpu.memory_space<vmem>>, vector<16xf32>,
      tpu.vector_store %arg18[%swap3A_1176], %broadcast_in_dim3A_3 {strides = array<i32>} : memref<1024xf32, #tpu.memory_space<vmem>>, vector<16xf32>,
      %swap3A_1178 = arith.constant 976 : index
      %swap3A_1179 = tpu.vector_load %arg18[%swap3A_1178] {strides = array<i32>} : memref<1024xf32, #tpu.memory_space<vmem>>, vector<16xf32>,
      tpu.vector_store %arg18[%swap3A_1178], %broadcast_in_dim3A_3 {strides = array<i32>} : memref<1024xf32, #tpu.memory_space<vmem>>, vector<16xf32>,
      %swap3A_1180 = arith.constant 992 : index
      %swap3A_1181 = tpu.vector_load %arg18[%swap3A_1180] {strides = array<i32>} : memref<1024xf32, #tpu.memory_space<vmem>>, vector<16xf32>,
      tpu.vector_store %arg18[%swap3A_1180], %broadcast_in_dim3A_3 {strides = array<i32>} : memref<1024xf32, #tpu.memory_space<vmem>>, vector<16xf32>,
      %swap3A_1182 = arith.constant 1008 : index
      %swap3A_1183 = tpu.vector_load %arg18[%swap3A_1182] {strides = array<i32>} : memref<1024xf32, #tpu.memory_space<vmem>>, vector<16xf32>,
      tpu.vector_store %arg18[%swap3A_1182], %broadcast_in_dim3A_3 {strides = array<i32>} : memref<1024xf32, #tpu.memory_space<vmem>>, vector<16xf32>,
      %get3A_1184 = arith.index_cast %add3A_1050 : i32 to index
      %get3A_1185 = arith.constant 0 : index
      %get3A_1186 = tpu.vector_load %arg9[%get3A_1184, %get3A_1185] {strides = array<i32>} : memref<16x256xf32, #tpu.memory_space<vmem>>, vector<16xf32>,
      %get3A_1187 = arith.index_cast %add3A_1050 : i32 to index
      %get3A_1188 = arith.constant 16 : index
      %get3A_1189 = tpu.vector_load %arg9[%get3A_1187, %get3A_1188] {strides = array<i32>} : memref<16x256xf32, #tpu.memory_space<vmem>>, vector<16xf32>,
      %get3A_1190 = arith.index_cast %add3A_1050 : i32 to index
      %get3A_1191 = arith.constant 32 : index
      %get3A_1192 = tpu.vector_load %arg9[%get3A_1190, %get3A_1191] {strides = array<i32>} : memref<16x256xf32, #tpu.memory_space<vmem>>, vector<16xf32>,
      %get3A_1193 = arith.index_cast %add3A_1050 : i32 to index
      %get3A_1194 = arith.constant 48 : index
      %get3A_1195 = tpu.vector_load %arg9[%get3A_1193, %get3A_1194] {strides = array<i32>} : memref<16x256xf32, #tpu.memory_space<vmem>>, vector<16xf32>,
      %get3A_1196 = arith.index_cast %add3A_1050 : i32 to index
      %get3A_1197 = arith.constant 64 : index
      %get3A_1198 = tpu.vector_load %arg9[%get3A_1196, %get3A_1197] {strides = array<i32>} : memref<16x256xf32, #tpu.memory_space<vmem>>, vector<16xf32>,
      %get3A_1199 = arith.index_cast %add3A_1050 : i32 to index
      %get3A_1200 = arith.constant 80 : index
      %get3A_1201 = tpu.vector_load %arg9[%get3A_1199, %get3A_1200] {strides = array<i32>} : memref<16x256xf32, #tpu.memory_space<vmem>>, vector<16xf32>,
      %get3A_1202 = arith.index_cast %add3A_1050 : i32 to index
      %get3A_1203 = arith.constant 96 : index
      %get3A_1204 = tpu.vector_load %arg9[%get3A_1202, %get3A_1203] {strides = array<i32>} : memref<16x256xf32, #tpu.memory_space<vmem>>, vector<16xf32>,
      %get3A_1205 = arith.index_cast %add3A_1050 : i32 to index
      %get3A_1206 = arith.constant 112 : index
      %get3A_1207 = tpu.vector_load %arg9[%get3A_1205, %get3A_1206] {strides = array<i32>} : memref<16x256xf32, #tpu.memory_space<vmem>>, vector<16xf32>,
      %get3A_1208 = arith.index_cast %add3A_1050 : i32 to index
      %get3A_1209 = arith.constant 128 : index
      %get3A_1210 = tpu.vector_load %arg9[%get3A_1208, %get3A_1209] {strides = array<i32>} : memref<16x256xf32, #tpu.memory_space<vmem>>, vector<16xf32>,
      %get3A_1211 = arith.index_cast %add3A_1050 : i32 to index
      %get3A_1212 = arith.constant 144 : index
      %get3A_1213 = tpu.vector_load %arg9[%get3A_1211, %get3A_1212] {strides = array<i32>} : memref<16x256xf32, #tpu.memory_space<vmem>>, vector<16xf32>,
      %get3A_1214 = arith.index_cast %add3A_1050 : i32 to index
      %get3A_1215 = arith.constant 160 : index
      %get3A_1216 = tpu.vector_load %arg9[%get3A_1214, %get3A_1215] {strides = array<i32>} : memref<16x256xf32, #tpu.memory_space<vmem>>, vector<16xf32>,
      %get3A_1217 = arith.index_cast %add3A_1050 : i32 to index
      %get3A_1218 = arith.constant 176 : index
      %get3A_1219 = tpu.vector_load %arg9[%get3A_1217, %get3A_1218] {strides = array<i32>} : memref<16x256xf32, #tpu.memory_space<vmem>>, vector<16xf32>,
      %get3A_1220 = arith.index_cast %add3A_1050 : i32 to index
      %get3A_1221 = arith.constant 192 : index
      %get3A_1222 = tpu.vector_load %arg9[%get3A_1220, %get3A_1221] {strides = array<i32>} : memref<16x256xf32, #tpu.memory_space<vmem>>, vector<16xf32>,
      %get3A_1223 = arith.index_cast %add3A_1050 : i32 to index
      %get3A_1224 = arith.constant 208 : index
      %get3A_1225 = tpu.vector_load %arg9[%get3A_1223, %get3A_1224] {strides = array<i32>} : memref<16x256xf32, #tpu.memory_space<vmem>>, vector<16xf32>,
      %get3A_1226 = arith.index_cast %add3A_1050 : i32 to index
      %get3A_1227 = arith.constant 224 : index
      %get3A_1228 = tpu.vector_load %arg9[%get3A_1226, %get3A_1227] {strides = array<i32>} : memref<16x256xf32, #tpu.memory_space<vmem>>, vector<16xf32>,
      %get3A_1229 = arith.index_cast %add3A_1050 : i32 to index
      %get3A_1230 = arith.constant 240 : index
      %get3A_1231 = tpu.vector_load %arg9[%get3A_1229, %get3A_1230] {strides = array<i32>} : memref<16x256xf32, #tpu.memory_space<vmem>>, vector<16xf32>,
      %parallel_loop3A_1232 = arith.constant 0 : i32
      %parallel_loop3A_1233 = arith.constant 128 : i32
      %parallel_loop3A_1234 = arith.constant 1 : i32
      scf.for %parallel_loop3A_1946 = %parallel_loop3A_1232 to %parallel_loop3A_1233 step %parallel_loop3A_1234  : i32 {
        %parallel_loop3A_1947 = arith.index_cast %parallel_loop3A_1946 : i32 to index
        %parallel_loop3A_1948 = arith.constant 0 : index
        %parallel_loop3A_1949 = tpu.vector_load %arg11[%parallel_loop3A_1947, %parallel_loop3A_1948] {strides = array<i32>} : memref<128x256xf32, #tpu.memory_space<vmem>>, vector<16xf32>,
        %parallel_loop3A_1950 = arith.subf %get3A_1186, %parallel_loop3A_1949 : vector<16xf32>
        %parallel_loop3A_1951 = arith.mulf %parallel_loop3A_1950, %parallel_loop3A_1950 : vector<16xf32>
        %parallel_loop3A_1952 = arith.addf %broadcast_in_dim3A_3, %parallel_loop3A_1951 : vector<16xf32>
        %parallel_loop3A_1953 = arith.index_cast %parallel_loop3A_1946 : i32 to index
        %parallel_loop3A_1954 = arith.constant 16 : index
        %parallel_loop3A_1955 = tpu.vector_load %arg11[%parallel_loop3A_1953, %parallel_loop3A_1954] {strides = array<i32>} : memref<128x256xf32, #tpu.memory_space<vmem>>, vector<16xf32>,
        %parallel_loop3A_1956 = arith.subf %get3A_1189, %parallel_loop3A_1955 : vector<16xf32>
        %parallel_loop3A_1957 = arith.mulf %parallel_loop3A_1956, %parallel_loop3A_1956 : vector<16xf32>
        %parallel_loop3A_1958 = arith.addf %broadcast_in_dim3A_3, %parallel_loop3A_1957 : vector<16xf32>
        %parallel_loop3A_1959 = arith.index_cast %parallel_loop3A_1946 : i32 to index
        %parallel_loop3A_1960 = arith.constant 32 : index
        %parallel_loop3A_1961 = tpu.vector_load %arg11[%parallel_loop3A_1959, %parallel_loop3A_1960] {strides = array<i32>} : memref<128x256xf32, #tpu.memory_space<vmem>>, vector<16xf32>,
        %parallel_loop3A_1962 = arith.subf %get3A_1192, %parallel_loop3A_1961 : vector<16xf32>
        %parallel_loop3A_1963 = arith.mulf %parallel_loop3A_1962, %parallel_loop3A_1962 : vector<16xf32>
        %parallel_loop3A_1964 = arith.addf %broadcast_in_dim3A_3, %parallel_loop3A_1963 : vector<16xf32>
        %parallel_loop3A_1965 = arith.index_cast %parallel_loop3A_1946 : i32 to index
        %parallel_loop3A_1966 = arith.constant 48 : index
        %parallel_loop3A_1967 = tpu.vector_load %arg11[%parallel_loop3A_1965, %parallel_loop3A_1966] {strides = array<i32>} : memref<128x256xf32, #tpu.memory_space<vmem>>, vector<16xf32>,
        %parallel_loop3A_1968 = arith.subf %get3A_1195, %parallel_loop3A_1967 : vector<16xf32>
        %parallel_loop3A_1969 = arith.mulf %parallel_loop3A_1968, %parallel_loop3A_1968 : vector<16xf32>
        %parallel_loop3A_1970 = arith.addf %broadcast_in_dim3A_3, %parallel_loop3A_1969 : vector<16xf32>
        %parallel_loop3A_1971 = arith.index_cast %parallel_loop3A_1946 : i32 to index
        %parallel_loop3A_1972 = arith.constant 64 : index
        %parallel_loop3A_1973 = tpu.vector_load %arg11[%parallel_loop3A_1971, %parallel_loop3A_1972] {strides = array<i32>} : memref<128x256xf32, #tpu.memory_space<vmem>>, vector<16xf32>,
        %parallel_loop3A_1974 = arith.subf %get3A_1198, %parallel_loop3A_1973 : vector<16xf32>
        %parallel_loop3A_1975 = arith.mulf %parallel_loop3A_1974, %parallel_loop3A_1974 : vector<16xf32>
        %parallel_loop3A_1976 = arith.addf %parallel_loop3A_1952, %parallel_loop3A_1975 : vector<16xf32>
        %parallel_loop3A_1977 = arith.index_cast %parallel_loop3A_1946 : i32 to index
        %parallel_loop3A_1978 = arith.constant 80 : index
        %parallel_loop3A_1979 = tpu.vector_load %arg11[%parallel_loop3A_1977, %parallel_loop3A_1978] {strides = array<i32>} : memref<128x256xf32, #tpu.memory_space<vmem>>, vector<16xf32>,
        %parallel_loop3A_1980 = arith.subf %get3A_1201, %parallel_loop3A_1979 : vector<16xf32>
        %parallel_loop3A_1981 = arith.mulf %parallel_loop3A_1980, %parallel_loop3A_1980 : vector<16xf32>
        %parallel_loop3A_1982 = arith.addf %parallel_loop3A_1958, %parallel_loop3A_1981 : vector<16xf32>
        %parallel_loop3A_1983 = arith.index_cast %parallel_loop3A_1946 : i32 to index
        %parallel_loop3A_1984 = arith.constant 96 : index
        %parallel_loop3A_1985 = tpu.vector_load %arg11[%parallel_loop3A_1983, %parallel_loop3A_1984] {strides = array<i32>} : memref<128x256xf32, #tpu.memory_space<vmem>>, vector<16xf32>,
        %parallel_loop3A_1986 = arith.subf %get3A_1204, %parallel_loop3A_1985 : vector<16xf32>
        %parallel_loop3A_1987 = arith.mulf %parallel_loop3A_1986, %parallel_loop3A_1986 : vector<16xf32>
        %parallel_loop3A_1988 = arith.addf %parallel_loop3A_1964, %parallel_loop3A_1987 : vector<16xf32>
        %parallel_loop3A_1989 = arith.index_cast %parallel_loop3A_1946 : i32 to index
        %parallel_loop3A_1990 = arith.constant 112 : index
        %parallel_loop3A_1991 = tpu.vector_load %arg11[%parallel_loop3A_1989, %parallel_loop3A_1990] {strides = array<i32>} : memref<128x256xf32, #tpu.memory_space<vmem>>, vector<16xf32>,
        %parallel_loop3A_1992 = arith.subf %get3A_1207, %parallel_loop3A_1991 : vector<16xf32>
        %parallel_loop3A_1993 = arith.mulf %parallel_loop3A_1992, %parallel_loop3A_1992 : vector<16xf32>
        %parallel_loop3A_1994 = arith.addf %parallel_loop3A_1970, %parallel_loop3A_1993 : vector<16xf32>
        %parallel_loop3A_1995 = arith.index_cast %parallel_loop3A_1946 : i32 to index
        %parallel_loop3A_1996 = arith.constant 128 : index
        %parallel_loop3A_1997 = tpu.vector_load %arg11[%parallel_loop3A_1995, %parallel_loop3A_1996] {strides = array<i32>} : memref<128x256xf32, #tpu.memory_space<vmem>>, vector<16xf32>,
        %parallel_loop3A_1998 = arith.subf %get3A_1210, %parallel_loop3A_1997 : vector<16xf32>
        %parallel_loop3A_1999 = arith.mulf %parallel_loop3A_1998, %parallel_loop3A_1998 : vector<16xf32>
        %parallel_loop3A_2000 = arith.addf %parallel_loop3A_1976, %parallel_loop3A_1999 : vector<16xf32>
        %parallel_loop3A_2001 = arith.index_cast %parallel_loop3A_1946 : i32 to index
        %parallel_loop3A_2002 = arith.constant 144 : index
        %parallel_loop3A_2003 = tpu.vector_load %arg11[%parallel_loop3A_2001, %parallel_loop3A_2002] {strides = array<i32>} : memref<128x256xf32, #tpu.memory_space<vmem>>, vector<16xf32>,
        %parallel_loop3A_2004 = arith.subf %get3A_1213, %parallel_loop3A_2003 : vector<16xf32>
        %parallel_loop3A_2005 = arith.mulf %parallel_loop3A_2004, %parallel_loop3A_2004 : vector<16xf32>
        %parallel_loop3A_2006 = arith.addf %parallel_loop3A_1982, %parallel_loop3A_2005 : vector<16xf32>
        %parallel_loop3A_2007 = arith.index_cast %parallel_loop3A_1946 : i32 to index
        %parallel_loop3A_2008 = arith.constant 160 : index
        %parallel_loop3A_2009 = tpu.vector_load %arg11[%parallel_loop3A_2007, %parallel_loop3A_2008] {strides = array<i32>} : memref<128x256xf32, #tpu.memory_space<vmem>>, vector<16xf32>,
        %parallel_loop3A_2010 = arith.subf %get3A_1216, %parallel_loop3A_2009 : vector<16xf32>
        %parallel_loop3A_2011 = arith.mulf %parallel_loop3A_2010, %parallel_loop3A_2010 : vector<16xf32>
        %parallel_loop3A_2012 = arith.addf %parallel_loop3A_1988, %parallel_loop3A_2011 : vector<16xf32>
        %parallel_loop3A_2013 = arith.index_cast %parallel_loop3A_1946 : i32 to index
        %parallel_loop3A_2014 = arith.constant 176 : index
        %parallel_loop3A_2015 = tpu.vector_load %arg11[%parallel_loop3A_2013, %parallel_loop3A_2014] {strides = array<i32>} : memref<128x256xf32, #tpu.memory_space<vmem>>, vector<16xf32>,
        %parallel_loop3A_2016 = arith.subf %get3A_1219, %parallel_loop3A_2015 : vector<16xf32>
        %parallel_loop3A_2017 = arith.mulf %parallel_loop3A_2016, %parallel_loop3A_2016 : vector<16xf32>
        %parallel_loop3A_2018 = arith.addf %parallel_loop3A_1994, %parallel_loop3A_2017 : vector<16xf32>
        %parallel_loop3A_2019 = arith.index_cast %parallel_loop3A_1946 : i32 to index
        %parallel_loop3A_2020 = arith.constant 192 : index
        %parallel_loop3A_2021 = tpu.vector_load %arg11[%parallel_loop3A_2019, %parallel_loop3A_2020] {strides = array<i32>} : memref<128x256xf32, #tpu.memory_space<vmem>>, vector<16xf32>,
        %parallel_loop3A_2022 = arith.subf %get3A_1222, %parallel_loop3A_2021 : vector<16xf32>
        %parallel_loop3A_2023 = arith.mulf %parallel_loop3A_2022, %parallel_loop3A_2022 : vector<16xf32>
        %parallel_loop3A_2024 = arith.addf %parallel_loop3A_2000, %parallel_loop3A_2023 : vector<16xf32>
        %parallel_loop3A_2025 = arith.index_cast %parallel_loop3A_1946 : i32 to index
        %parallel_loop3A_2026 = arith.constant 208 : index
        %parallel_loop3A_2027 = tpu.vector_load %arg11[%parallel_loop3A_2025, %parallel_loop3A_2026] {strides = array<i32>} : memref<128x256xf32, #tpu.memory_space<vmem>>, vector<16xf32>,
        %parallel_loop3A_2028 = arith.subf %get3A_1225, %parallel_loop3A_2027 : vector<16xf32>
        %parallel_loop3A_2029 = arith.mulf %parallel_loop3A_2028, %parallel_loop3A_2028 : vector<16xf32>
        %parallel_loop3A_2030 = arith.addf %parallel_loop3A_2006, %parallel_loop3A_2029 : vector<16xf32>
        %parallel_loop3A_2031 = arith.index_cast %parallel_loop3A_1946 : i32 to index
        %parallel_loop3A_2032 = arith.constant 224 : index
        %parallel_loop3A_2033 = tpu.vector_load %arg11[%parallel_loop3A_2031, %parallel_loop3A_2032] {strides = array<i32>} : memref<128x256xf32, #tpu.memory_space<vmem>>, vector<16xf32>,
        %parallel_loop3A_2034 = arith.subf %get3A_1228, %parallel_loop3A_2033 : vector<16xf32>
        %parallel_loop3A_2035 = arith.mulf %parallel_loop3A_2034, %parallel_loop3A_2034 : vector<16xf32>
        %parallel_loop3A_2036 = arith.addf %parallel_loop3A_2012, %parallel_loop3A_2035 : vector<16xf32>
        %parallel_loop3A_2037 = arith.index_cast %parallel_loop3A_1946 : i32 to index
        %parallel_loop3A_2038 = arith.constant 240 : index
        %parallel_loop3A_2039 = tpu.vector_load %arg11[%parallel_loop3A_2037, %parallel_loop3A_2038] {strides = array<i32>} : memref<128x256xf32, #tpu.memory_space<vmem>>, vector<16xf32>,
        %parallel_loop3A_2040 = arith.subf %get3A_1231, %parallel_loop3A_2039 : vector<16xf32>
        %parallel_loop3A_2041 = arith.mulf %parallel_loop3A_2040, %parallel_loop3A_2040 : vector<16xf32>
        %parallel_loop3A_2042 = arith.addf %parallel_loop3A_2018, %parallel_loop3A_2041 : vector<16xf32>
        %parallel_loop3A_2043 = arith.addf %parallel_loop3A_2024, %parallel_loop3A_2030 : vector<16xf32>
        %parallel_loop3A_2044 = arith.addf %parallel_loop3A_2036, %parallel_loop3A_2042 : vector<16xf32>
        %parallel_loop3A_2045 = arith.addf %parallel_loop3A_2043, %parallel_loop3A_2044 : vector<16xf32>
        %parallel_loop3A_2046 = arith.constant 17 : i32
        %parallel_loop3A_2047 = arith.muli %parallel_loop3A_1946, %parallel_loop3A_2046 : i32
        %parallel_loop3A_2048 = arith.index_cast %parallel_loop3A_2047 : i32 to index
        %parallel_loop3A_2049 = tpu.vector_load %arg16[%parallel_loop3A_2048] {strides = array<i32>} : memref<2176xf32, #tpu.memory_space<vmem>>, vector<16xf32>,
        tpu.vector_store %arg16[%parallel_loop3A_2048], %parallel_loop3A_2045 {strides = array<i32>} : memref<2176xf32, #tpu.memory_space<vmem>>, vector<16xf32>,
      } {sc.loop_unroll_factor = 2 : i64, sc.parallel_access}
      %add3A_1235 = arith.constant 0 : i32
      %add3A_1236 = vector.broadcast %add3A_1235 : i32 to vector<16xi32>
      %add3A_1237 = arith.addi %mul3A_9, %add3A_1236 : vector<16xi32>
      %gather3A_1238 = tpu.vector_load_idx %arg16[%add3A_1237] : memref<2176xf32, #tpu.memory_space<vmem>>[vector<16xi32>], vector<16xf32>,
      %add3A_1239 = arith.constant 1 : i32
      %add3A_1240 = vector.broadcast %add3A_1239 : i32 to vector<16xi32>
      %add3A_1241 = arith.addi %mul3A_9, %add3A_1240 : vector<16xi32>
      %gather3A_1242 = tpu.vector_load_idx %arg16[%add3A_1241] : memref<2176xf32, #tpu.memory_space<vmem>>[vector<16xi32>], vector<16xf32>,
      %add3A_1243 = arith.constant 2 : i32
      %add3A_1244 = vector.broadcast %add3A_1243 : i32 to vector<16xi32>
      %add3A_1245 = arith.addi %mul3A_9, %add3A_1244 : vector<16xi32>
      %gather3A_1246 = tpu.vector_load_idx %arg16[%add3A_1245] : memref<2176xf32, #tpu.memory_space<vmem>>[vector<16xi32>], vector<16xf32>,
      %add3A_1247 = arith.constant 3 : i32
      %add3A_1248 = vector.broadcast %add3A_1247 : i32 to vector<16xi32>
      %add3A_1249 = arith.addi %mul3A_9, %add3A_1248 : vector<16xi32>
      %gather3A_1250 = tpu.vector_load_idx %arg16[%add3A_1249] : memref<2176xf32, #tpu.memory_space<vmem>>[vector<16xi32>], vector<16xf32>,
      %add3A_1251 = arith.constant 4 : i32
      %add3A_1252 = vector.broadcast %add3A_1251 : i32 to vector<16xi32>
      %add3A_1253 = arith.addi %mul3A_9, %add3A_1252 : vector<16xi32>
      %gather3A_1254 = tpu.vector_load_idx %arg16[%add3A_1253] : memref<2176xf32, #tpu.memory_space<vmem>>[vector<16xi32>], vector<16xf32>,
      %add3A_1255 = arith.addf %gather3A_1238, %gather3A_1254 : vector<16xf32>
      %add3A_1256 = arith.constant 5 : i32
      %add3A_1257 = vector.broadcast %add3A_1256 : i32 to vector<16xi32>
      %add3A_1258 = arith.addi %mul3A_9, %add3A_1257 : vector<16xi32>
      %gather3A_1259 = tpu.vector_load_idx %arg16[%add3A_1258] : memref<2176xf32, #tpu.memory_space<vmem>>[vector<16xi32>], vector<16xf32>,
      %add3A_1260 = arith.addf %gather3A_1242, %gather3A_1259 : vector<16xf32>
      %add3A_1261 = arith.constant 6 : i32
      %add3A_1262 = vector.broadcast %add3A_1261 : i32 to vector<16xi32>
      %add3A_1263 = arith.addi %mul3A_9, %add3A_1262 : vector<16xi32>
      %gather3A_1264 = tpu.vector_load_idx %arg16[%add3A_1263] : memref<2176xf32, #tpu.memory_space<vmem>>[vector<16xi32>], vector<16xf32>,
      %add3A_1265 = arith.addf %gather3A_1246, %gather3A_1264 : vector<16xf32>
      %add3A_1266 = arith.constant 7 : i32
      %add3A_1267 = vector.broadcast %add3A_1266 : i32 to vector<16xi32>
      %add3A_1268 = arith.addi %mul3A_9, %add3A_1267 : vector<16xi32>
      %gather3A_1269 = tpu.vector_load_idx %arg16[%add3A_1268] : memref<2176xf32, #tpu.memory_space<vmem>>[vector<16xi32>], vector<16xf32>,
      %add3A_1270 = arith.addf %gather3A_1250, %gather3A_1269 : vector<16xf32>
      %add3A_1271 = arith.constant 8 : i32
      %add3A_1272 = vector.broadcast %add3A_1271 : i32 to vector<16xi32>
      %add3A_1273 = arith.addi %mul3A_9, %add3A_1272 : vector<16xi32>
      %gather3A_1274 = tpu.vector_load_idx %arg16[%add3A_1273] : memref<2176xf32, #tpu.memory_space<vmem>>[vector<16xi32>], vector<16xf32>,
      %add3A_1275 = arith.addf %add3A_1255, %gather3A_1274 : vector<16xf32>
      %add3A_1276 = arith.constant 9 : i32
      %add3A_1277 = vector.broadcast %add3A_1276 : i32 to vector<16xi32>
      %add3A_1278 = arith.addi %mul3A_9, %add3A_1277 : vector<16xi32>
      %gather3A_1279 = tpu.vector_load_idx %arg16[%add3A_1278] : memref<2176xf32, #tpu.memory_space<vmem>>[vector<16xi32>], vector<16xf32>,
      %add3A_1280 = arith.addf %add3A_1260, %gather3A_1279 : vector<16xf32>
      %add3A_1281 = arith.constant 10 : i32
      %add3A_1282 = vector.broadcast %add3A_1281 : i32 to vector<16xi32>
      %add3A_1283 = arith.addi %mul3A_9, %add3A_1282 : vector<16xi32>
      %gather3A_1284 = tpu.vector_load_idx %arg16[%add3A_1283] : memref<2176xf32, #tpu.memory_space<vmem>>[vector<16xi32>], vector<16xf32>,
      %add3A_1285 = arith.addf %add3A_1265, %gather3A_1284 : vector<16xf32>
      %add3A_1286 = arith.constant 11 : i32
      %add3A_1287 = vector.broadcast %add3A_1286 : i32 to vector<16xi32>
      %add3A_1288 = arith.addi %mul3A_9, %add3A_1287 : vector<16xi32>
      %gather3A_1289 = tpu.vector_load_idx %arg16[%add3A_1288] : memref<2176xf32, #tpu.memory_space<vmem>>[vector<16xi32>], vector<16xf32>,
      %add3A_1290 = arith.addf %add3A_1270, %gather3A_1289 : vector<16xf32>
      %add3A_1291 = arith.constant 12 : i32
      %add3A_1292 = vector.broadcast %add3A_1291 : i32 to vector<16xi32>
      %add3A_1293 = arith.addi %mul3A_9, %add3A_1292 : vector<16xi32>
      %gather3A_1294 = tpu.vector_load_idx %arg16[%add3A_1293] : memref<2176xf32, #tpu.memory_space<vmem>>[vector<16xi32>], vector<16xf32>,
      %add3A_1295 = arith.addf %add3A_1275, %gather3A_1294 : vector<16xf32>
      %add3A_1296 = arith.constant 13 : i32
      %add3A_1297 = vector.broadcast %add3A_1296 : i32 to vector<16xi32>
      %add3A_1298 = arith.addi %mul3A_9, %add3A_1297 : vector<16xi32>
      %gather3A_1299 = tpu.vector_load_idx %arg16[%add3A_1298] : memref<2176xf32, #tpu.memory_space<vmem>>[vector<16xi32>], vector<16xf32>,
      %add3A_1300 = arith.addf %add3A_1280, %gather3A_1299 : vector<16xf32>
      %add3A_1301 = arith.constant 14 : i32
      %add3A_1302 = vector.broadcast %add3A_1301 : i32 to vector<16xi32>
      %add3A_1303 = arith.addi %mul3A_9, %add3A_1302 : vector<16xi32>
      %gather3A_1304 = tpu.vector_load_idx %arg16[%add3A_1303] : memref<2176xf32, #tpu.memory_space<vmem>>[vector<16xi32>], vector<16xf32>,
      %add3A_1305 = arith.addf %add3A_1285, %gather3A_1304 : vector<16xf32>
      %add3A_1306 = arith.constant 15 : i32
      %add3A_1307 = vector.broadcast %add3A_1306 : i32 to vector<16xi32>
      %add3A_1308 = arith.addi %mul3A_9, %add3A_1307 : vector<16xi32>
      %gather3A_1309 = tpu.vector_load_idx %arg16[%add3A_1308] : memref<2176xf32, #tpu.memory_space<vmem>>[vector<16xi32>], vector<16xf32>,
      %add3A_1310 = arith.addf %add3A_1290, %gather3A_1309 : vector<16xf32>
      %add3A_1311 = arith.addf %add3A_1295, %add3A_1300 : vector<16xf32>
      %add3A_1312 = arith.addf %add3A_1305, %add3A_1310 : vector<16xf32>
      %add3A_1313 = arith.addf %add3A_1311, %add3A_1312 : vector<16xf32>
      %get3A_1314 = arith.constant 0 : index
      %get3A_1315 = tpu.vector_load %arg13[%get3A_1314] {strides = array<i32>} : memref<128xf32, #tpu.memory_space<vmem>>, vector<16xf32>,
      %mul3A_1316 = arith.constant 5.000000e-03 : f32
      %mul3A_1317 = vector.broadcast %mul3A_1316 : f32 to vector<16xf32>
      %mul3A_1318 = arith.mulf %mul3A_1317, %add3A_1313 : vector<16xf32>
      %sub3A_1319 = arith.subf %get3A_1315, %mul3A_1318 : vector<16xf32>
      %exp3A_1320 = math.exp %sub3A_1319 : vector<16xf32>
      %get3A_1321 = arith.constant 0 : index
      %get3A_1322 = tpu.vector_load %arg15[%get3A_1321] {strides = array<i32>} : memref<128xi32, #tpu.memory_space<vmem>>, vector<16xi32>,
      tpu.vector_store_idx %arg18[%get3A_1322], %exp3A_1320 {add = true} : memref<1024xf32, #tpu.memory_space<vmem>>[vector<16xi32>], vector<16xf32>,
      %add3A_1323 = arith.constant 0 : i32
      %add3A_1324 = vector.broadcast %add3A_1323 : i32 to vector<16xi32>
      %add3A_1325 = arith.addi %mul3A_16, %add3A_1324 : vector<16xi32>
      %gather3A_1326 = tpu.vector_load_idx %arg16[%add3A_1325] : memref<2176xf32, #tpu.memory_space<vmem>>[vector<16xi32>], vector<16xf32>,
      %add3A_1327 = arith.constant 1 : i32
      %add3A_1328 = vector.broadcast %add3A_1327 : i32 to vector<16xi32>
      %add3A_1329 = arith.addi %mul3A_16, %add3A_1328 : vector<16xi32>
      %gather3A_1330 = tpu.vector_load_idx %arg16[%add3A_1329] : memref<2176xf32, #tpu.memory_space<vmem>>[vector<16xi32>], vector<16xf32>,
      %add3A_1331 = arith.constant 2 : i32
      %add3A_1332 = vector.broadcast %add3A_1331 : i32 to vector<16xi32>
      %add3A_1333 = arith.addi %mul3A_16, %add3A_1332 : vector<16xi32>
      %gather3A_1334 = tpu.vector_load_idx %arg16[%add3A_1333] : memref<2176xf32, #tpu.memory_space<vmem>>[vector<16xi32>], vector<16xf32>,
      %add3A_1335 = arith.constant 3 : i32
      %add3A_1336 = vector.broadcast %add3A_1335 : i32 to vector<16xi32>
      %add3A_1337 = arith.addi %mul3A_16, %add3A_1336 : vector<16xi32>
      %gather3A_1338 = tpu.vector_load_idx %arg16[%add3A_1337] : memref<2176xf32, #tpu.memory_space<vmem>>[vector<16xi32>], vector<16xf32>,
      %add3A_1339 = arith.constant 4 : i32
      %add3A_1340 = vector.broadcast %add3A_1339 : i32 to vector<16xi32>
      %add3A_1341 = arith.addi %mul3A_16, %add3A_1340 : vector<16xi32>
      %gather3A_1342 = tpu.vector_load_idx %arg16[%add3A_1341] : memref<2176xf32, #tpu.memory_space<vmem>>[vector<16xi32>], vector<16xf32>,
      %add3A_1343 = arith.addf %gather3A_1326, %gather3A_1342 : vector<16xf32>
      %add3A_1344 = arith.constant 5 : i32
      %add3A_1345 = vector.broadcast %add3A_1344 : i32 to vector<16xi32>
      %add3A_1346 = arith.addi %mul3A_16, %add3A_1345 : vector<16xi32>
      %gather3A_1347 = tpu.vector_load_idx %arg16[%add3A_1346] : memref<2176xf32, #tpu.memory_space<vmem>>[vector<16xi32>], vector<16xf32>,
      %add3A_1348 = arith.addf %gather3A_1330, %gather3A_1347 : vector<16xf32>
      %add3A_1349 = arith.constant 6 : i32
      %add3A_1350 = vector.broadcast %add3A_1349 : i32 to vector<16xi32>
      %add3A_1351 = arith.addi %mul3A_16, %add3A_1350 : vector<16xi32>
      %gather3A_1352 = tpu.vector_load_idx %arg16[%add3A_1351] : memref<2176xf32, #tpu.memory_space<vmem>>[vector<16xi32>], vector<16xf32>,
      %add3A_1353 = arith.addf %gather3A_1334, %gather3A_1352 : vector<16xf32>
      %add3A_1354 = arith.constant 7 : i32
      %add3A_1355 = vector.broadcast %add3A_1354 : i32 to vector<16xi32>
      %add3A_1356 = arith.addi %mul3A_16, %add3A_1355 : vector<16xi32>
      %gather3A_1357 = tpu.vector_load_idx %arg16[%add3A_1356] : memref<2176xf32, #tpu.memory_space<vmem>>[vector<16xi32>], vector<16xf32>,
      %add3A_1358 = arith.addf %gather3A_1338, %gather3A_1357 : vector<16xf32>
      %add3A_1359 = arith.constant 8 : i32
      %add3A_1360 = vector.broadcast %add3A_1359 : i32 to vector<16xi32>
      %add3A_1361 = arith.addi %mul3A_16, %add3A_1360 : vector<16xi32>
      %gather3A_1362 = tpu.vector_load_idx %arg16[%add3A_1361] : memref<2176xf32, #tpu.memory_space<vmem>>[vector<16xi32>], vector<16xf32>,
      %add3A_1363 = arith.addf %add3A_1343, %gather3A_1362 : vector<16xf32>
      %add3A_1364 = arith.constant 9 : i32
      %add3A_1365 = vector.broadcast %add3A_1364 : i32 to vector<16xi32>
      %add3A_1366 = arith.addi %mul3A_16, %add3A_1365 : vector<16xi32>
      %gather3A_1367 = tpu.vector_load_idx %arg16[%add3A_1366] : memref<2176xf32, #tpu.memory_space<vmem>>[vector<16xi32>], vector<16xf32>,
      %add3A_1368 = arith.addf %add3A_1348, %gather3A_1367 : vector<16xf32>
      %add3A_1369 = arith.constant 10 : i32
      %add3A_1370 = vector.broadcast %add3A_1369 : i32 to vector<16xi32>
      %add3A_1371 = arith.addi %mul3A_16, %add3A_1370 : vector<16xi32>
      %gather3A_1372 = tpu.vector_load_idx %arg16[%add3A_1371] : memref<2176xf32, #tpu.memory_space<vmem>>[vector<16xi32>], vector<16xf32>,
      %add3A_1373 = arith.addf %add3A_1353, %gather3A_1372 : vector<16xf32>
      %add3A_1374 = arith.constant 11 : i32
      %add3A_1375 = vector.broadcast %add3A_1374 : i32 to vector<16xi32>
      %add3A_1376 = arith.addi %mul3A_16, %add3A_1375 : vector<16xi32>
      %gather3A_1377 = tpu.vector_load_idx %arg16[%add3A_1376] : memref<2176xf32, #tpu.memory_space<vmem>>[vector<16xi32>], vector<16xf32>,
      %add3A_1378 = arith.addf %add3A_1358, %gather3A_1377 : vector<16xf32>
      %add3A_1379 = arith.constant 12 : i32
      %add3A_1380 = vector.broadcast %add3A_1379 : i32 to vector<16xi32>
      %add3A_1381 = arith.addi %mul3A_16, %add3A_1380 : vector<16xi32>
      %gather3A_1382 = tpu.vector_load_idx %arg16[%add3A_1381] : memref<2176xf32, #tpu.memory_space<vmem>>[vector<16xi32>], vector<16xf32>,
      %add3A_1383 = arith.addf %add3A_1363, %gather3A_1382 : vector<16xf32>
      %add3A_1384 = arith.constant 13 : i32
      %add3A_1385 = vector.broadcast %add3A_1384 : i32 to vector<16xi32>
      %add3A_1386 = arith.addi %mul3A_16, %add3A_1385 : vector<16xi32>
      %gather3A_1387 = tpu.vector_load_idx %arg16[%add3A_1386] : memref<2176xf32, #tpu.memory_space<vmem>>[vector<16xi32>], vector<16xf32>,
      %add3A_1388 = arith.addf %add3A_1368, %gather3A_1387 : vector<16xf32>
      %add3A_1389 = arith.constant 14 : i32
      %add3A_1390 = vector.broadcast %add3A_1389 : i32 to vector<16xi32>
      %add3A_1391 = arith.addi %mul3A_16, %add3A_1390 : vector<16xi32>
      %gather3A_1392 = tpu.vector_load_idx %arg16[%add3A_1391] : memref<2176xf32, #tpu.memory_space<vmem>>[vector<16xi32>], vector<16xf32>,
      %add3A_1393 = arith.addf %add3A_1373, %gather3A_1392 : vector<16xf32>
      %add3A_1394 = arith.constant 15 : i32
      %add3A_1395 = vector.broadcast %add3A_1394 : i32 to vector<16xi32>
      %add3A_1396 = arith.addi %mul3A_16, %add3A_1395 : vector<16xi32>
      %gather3A_1397 = tpu.vector_load_idx %arg16[%add3A_1396] : memref<2176xf32, #tpu.memory_space<vmem>>[vector<16xi32>], vector<16xf32>,
      %add3A_1398 = arith.addf %add3A_1378, %gather3A_1397 : vector<16xf32>
      %add3A_1399 = arith.addf %add3A_1383, %add3A_1388 : vector<16xf32>
      %add3A_1400 = arith.addf %add3A_1393, %add3A_1398 : vector<16xf32>
      %add3A_1401 = arith.addf %add3A_1399, %add3A_1400 : vector<16xf32>
      %get3A_1402 = arith.constant 16 : index
      %get3A_1403 = tpu.vector_load %arg13[%get3A_1402] {strides = array<i32>} : memref<128xf32, #tpu.memory_space<vmem>>, vector<16xf32>,
      %mul3A_1404 = arith.constant 5.000000e-03 : f32
      %mul3A_1405 = vector.broadcast %mul3A_1404 : f32 to vector<16xf32>
      %mul3A_1406 = arith.mulf %mul3A_1405, %add3A_1401 : vector<16xf32>
      %sub3A_1407 = arith.subf %get3A_1403, %mul3A_1406 : vector<16xf32>
      %exp3A_1408 = math.exp %sub3A_1407 : vector<16xf32>
      %get3A_1409 = arith.constant 16 : index
      %get3A_1410 = tpu.vector_load %arg15[%get3A_1409] {strides = array<i32>} : memref<128xi32, #tpu.memory_space<vmem>>, vector<16xi32>,
      tpu.vector_store_idx %arg18[%get3A_1410], %exp3A_1408 {add = true} : memref<1024xf32, #tpu.memory_space<vmem>>[vector<16xi32>], vector<16xf32>,
      %add3A_1411 = arith.constant 0 : i32
      %add3A_1412 = vector.broadcast %add3A_1411 : i32 to vector<16xi32>
      %add3A_1413 = arith.addi %mul3A_23, %add3A_1412 : vector<16xi32>
      %gather3A_1414 = tpu.vector_load_idx %arg16[%add3A_1413] : memref<2176xf32, #tpu.memory_space<vmem>>[vector<16xi32>], vector<16xf32>,
      %add3A_1415 = arith.constant 1 : i32
      %add3A_1416 = vector.broadcast %add3A_1415 : i32 to vector<16xi32>
      %add3A_1417 = arith.addi %mul3A_23, %add3A_1416 : vector<16xi32>
      %gather3A_1418 = tpu.vector_load_idx %arg16[%add3A_1417] : memref<2176xf32, #tpu.memory_space<vmem>>[vector<16xi32>], vector<16xf32>,
      %add3A_1419 = arith.constant 2 : i32
      %add3A_1420 = vector.broadcast %add3A_1419 : i32 to vector<16xi32>
      %add3A_1421 = arith.addi %mul3A_23, %add3A_1420 : vector<16xi32>
      %gather3A_1422 = tpu.vector_load_idx %arg16[%add3A_1421] : memref<2176xf32, #tpu.memory_space<vmem>>[vector<16xi32>], vector<16xf32>,
      %add3A_1423 = arith.constant 3 : i32
      %add3A_1424 = vector.broadcast %add3A_1423 : i32 to vector<16xi32>
      %add3A_1425 = arith.addi %mul3A_23, %add3A_1424 : vector<16xi32>
      %gather3A_1426 = tpu.vector_load_idx %arg16[%add3A_1425] : memref<2176xf32, #tpu.memory_space<vmem>>[vector<16xi32>], vector<16xf32>,
      %add3A_1427 = arith.constant 4 : i32
      %add3A_1428 = vector.broadcast %add3A_1427 : i32 to vector<16xi32>
      %add3A_1429 = arith.addi %mul3A_23, %add3A_1428 : vector<16xi32>
      %gather3A_1430 = tpu.vector_load_idx %arg16[%add3A_1429] : memref<2176xf32, #tpu.memory_space<vmem>>[vector<16xi32>], vector<16xf32>,
      %add3A_1431 = arith.addf %gather3A_1414, %gather3A_1430 : vector<16xf32>
      %add3A_1432 = arith.constant 5 : i32
      %add3A_1433 = vector.broadcast %add3A_1432 : i32 to vector<16xi32>
      %add3A_1434 = arith.addi %mul3A_23, %add3A_1433 : vector<16xi32>
      %gather3A_1435 = tpu.vector_load_idx %arg16[%add3A_1434] : memref<2176xf32, #tpu.memory_space<vmem>>[vector<16xi32>], vector<16xf32>,
      %add3A_1436 = arith.addf %gather3A_1418, %gather3A_1435 : vector<16xf32>
      %add3A_1437 = arith.constant 6 : i32
      %add3A_1438 = vector.broadcast %add3A_1437 : i32 to vector<16xi32>
      %add3A_1439 = arith.addi %mul3A_23, %add3A_1438 : vector<16xi32>
      %gather3A_1440 = tpu.vector_load_idx %arg16[%add3A_1439] : memref<2176xf32, #tpu.memory_space<vmem>>[vector<16xi32>], vector<16xf32>,
      %add3A_1441 = arith.addf %gather3A_1422, %gather3A_1440 : vector<16xf32>
      %add3A_1442 = arith.constant 7 : i32
      %add3A_1443 = vector.broadcast %add3A_1442 : i32 to vector<16xi32>
      %add3A_1444 = arith.addi %mul3A_23, %add3A_1443 : vector<16xi32>
      %gather3A_1445 = tpu.vector_load_idx %arg16[%add3A_1444] : memref<2176xf32, #tpu.memory_space<vmem>>[vector<16xi32>], vector<16xf32>,
      %add3A_1446 = arith.addf %gather3A_1426, %gather3A_1445 : vector<16xf32>
      %add3A_1447 = arith.constant 8 : i32
      %add3A_1448 = vector.broadcast %add3A_1447 : i32 to vector<16xi32>
      %add3A_1449 = arith.addi %mul3A_23, %add3A_1448 : vector<16xi32>
      %gather3A_1450 = tpu.vector_load_idx %arg16[%add3A_1449] : memref<2176xf32, #tpu.memory_space<vmem>>[vector<16xi32>], vector<16xf32>,
      %add3A_1451 = arith.addf %add3A_1431, %gather3A_1450 : vector<16xf32>
      %add3A_1452 = arith.constant 9 : i32
      %add3A_1453 = vector.broadcast %add3A_1452 : i32 to vector<16xi32>
      %add3A_1454 = arith.addi %mul3A_23, %add3A_1453 : vector<16xi32>
      %gather3A_1455 = tpu.vector_load_idx %arg16[%add3A_1454] : memref<2176xf32, #tpu.memory_space<vmem>>[vector<16xi32>], vector<16xf32>,
      %add3A_1456 = arith.addf %add3A_1436, %gather3A_1455 : vector<16xf32>
      %add3A_1457 = arith.constant 10 : i32
      %add3A_1458 = vector.broadcast %add3A_1457 : i32 to vector<16xi32>
      %add3A_1459 = arith.addi %mul3A_23, %add3A_1458 : vector<16xi32>
      %gather3A_1460 = tpu.vector_load_idx %arg16[%add3A_1459] : memref<2176xf32, #tpu.memory_space<vmem>>[vector<16xi32>], vector<16xf32>,
      %add3A_1461 = arith.addf %add3A_1441, %gather3A_1460 : vector<16xf32>
      %add3A_1462 = arith.constant 11 : i32
      %add3A_1463 = vector.broadcast %add3A_1462 : i32 to vector<16xi32>
      %add3A_1464 = arith.addi %mul3A_23, %add3A_1463 : vector<16xi32>
      %gather3A_1465 = tpu.vector_load_idx %arg16[%add3A_1464] : memref<2176xf32, #tpu.memory_space<vmem>>[vector<16xi32>], vector<16xf32>,
      %add3A_1466 = arith.addf %add3A_1446, %gather3A_1465 : vector<16xf32>
      %add3A_1467 = arith.constant 12 : i32
      %add3A_1468 = vector.broadcast %add3A_1467 : i32 to vector<16xi32>
      %add3A_1469 = arith.addi %mul3A_23, %add3A_1468 : vector<16xi32>
      %gather3A_1470 = tpu.vector_load_idx %arg16[%add3A_1469] : memref<2176xf32, #tpu.memory_space<vmem>>[vector<16xi32>], vector<16xf32>,
      %add3A_1471 = arith.addf %add3A_1451, %gather3A_1470 : vector<16xf32>
      %add3A_1472 = arith.constant 13 : i32
      %add3A_1473 = vector.broadcast %add3A_1472 : i32 to vector<16xi32>
      %add3A_1474 = arith.addi %mul3A_23, %add3A_1473 : vector<16xi32>
      %gather3A_1475 = tpu.vector_load_idx %arg16[%add3A_1474] : memref<2176xf32, #tpu.memory_space<vmem>>[vector<16xi32>], vector<16xf32>,
      %add3A_1476 = arith.addf %add3A_1456, %gather3A_1475 : vector<16xf32>
      %add3A_1477 = arith.constant 14 : i32
      %add3A_1478 = vector.broadcast %add3A_1477 : i32 to vector<16xi32>
      %add3A_1479 = arith.addi %mul3A_23, %add3A_1478 : vector<16xi32>
      %gather3A_1480 = tpu.vector_load_idx %arg16[%add3A_1479] : memref<2176xf32, #tpu.memory_space<vmem>>[vector<16xi32>], vector<16xf32>,
      %add3A_1481 = arith.addf %add3A_1461, %gather3A_1480 : vector<16xf32>
      %add3A_1482 = arith.constant 15 : i32
      %add3A_1483 = vector.broadcast %add3A_1482 : i32 to vector<16xi32>
      %add3A_1484 = arith.addi %mul3A_23, %add3A_1483 : vector<16xi32>
      %gather3A_1485 = tpu.vector_load_idx %arg16[%add3A_1484] : memref<2176xf32, #tpu.memory_space<vmem>>[vector<16xi32>], vector<16xf32>,
      %add3A_1486 = arith.addf %add3A_1466, %gather3A_1485 : vector<16xf32>
      %add3A_1487 = arith.addf %add3A_1471, %add3A_1476 : vector<16xf32>
      %add3A_1488 = arith.addf %add3A_1481, %add3A_1486 : vector<16xf32>
      %add3A_1489 = arith.addf %add3A_1487, %add3A_1488 : vector<16xf32>
      %get3A_1490 = arith.constant 32 : index
      %get3A_1491 = tpu.vector_load %arg13[%get3A_1490] {strides = array<i32>} : memref<128xf32, #tpu.memory_space<vmem>>, vector<16xf32>,
      %mul3A_1492 = arith.constant 5.000000e-03 : f32
      %mul3A_1493 = vector.broadcast %mul3A_1492 : f32 to vector<16xf32>
      %mul3A_1494 = arith.mulf %mul3A_1493, %add3A_1489 : vector<16xf32>
      %sub3A_1495 = arith.subf %get3A_1491, %mul3A_1494 : vector<16xf32>
      %exp3A_1496 = math.exp %sub3A_1495 : vector<16xf32>
      %get3A_1497 = arith.constant 32 : index
      %get3A_1498 = tpu.vector_load %arg15[%get3A_1497] {strides = array<i32>} : memref<128xi32, #tpu.memory_space<vmem>>, vector<16xi32>,
      tpu.vector_store_idx %arg18[%get3A_1498], %exp3A_1496 {add = true} : memref<1024xf32, #tpu.memory_space<vmem>>[vector<16xi32>], vector<16xf32>,
      %add3A_1499 = arith.constant 0 : i32
      %add3A_1500 = vector.broadcast %add3A_1499 : i32 to vector<16xi32>
      %add3A_1501 = arith.addi %mul3A_30, %add3A_1500 : vector<16xi32>
      %gather3A_1502 = tpu.vector_load_idx %arg16[%add3A_1501] : memref<2176xf32, #tpu.memory_space<vmem>>[vector<16xi32>], vector<16xf32>,
      %add3A_1503 = arith.constant 1 : i32
      %add3A_1504 = vector.broadcast %add3A_1503 : i32 to vector<16xi32>
      %add3A_1505 = arith.addi %mul3A_30, %add3A_1504 : vector<16xi32>
      %gather3A_1506 = tpu.vector_load_idx %arg16[%add3A_1505] : memref<2176xf32, #tpu.memory_space<vmem>>[vector<16xi32>], vector<16xf32>,
      %add3A_1507 = arith.constant 2 : i32
      %add3A_1508 = vector.broadcast %add3A_1507 : i32 to vector<16xi32>
      %add3A_1509 = arith.addi %mul3A_30, %add3A_1508 : vector<16xi32>
      %gather3A_1510 = tpu.vector_load_idx %arg16[%add3A_1509] : memref<2176xf32, #tpu.memory_space<vmem>>[vector<16xi32>], vector<16xf32>,
      %add3A_1511 = arith.constant 3 : i32
      %add3A_1512 = vector.broadcast %add3A_1511 : i32 to vector<16xi32>
      %add3A_1513 = arith.addi %mul3A_30, %add3A_1512 : vector<16xi32>
      %gather3A_1514 = tpu.vector_load_idx %arg16[%add3A_1513] : memref<2176xf32, #tpu.memory_space<vmem>>[vector<16xi32>], vector<16xf32>,
      %add3A_1515 = arith.constant 4 : i32
      %add3A_1516 = vector.broadcast %add3A_1515 : i32 to vector<16xi32>
      %add3A_1517 = arith.addi %mul3A_30, %add3A_1516 : vector<16xi32>
      %gather3A_1518 = tpu.vector_load_idx %arg16[%add3A_1517] : memref<2176xf32, #tpu.memory_space<vmem>>[vector<16xi32>], vector<16xf32>,
      %add3A_1519 = arith.addf %gather3A_1502, %gather3A_1518 : vector<16xf32>
      %add3A_1520 = arith.constant 5 : i32
      %add3A_1521 = vector.broadcast %add3A_1520 : i32 to vector<16xi32>
      %add3A_1522 = arith.addi %mul3A_30, %add3A_1521 : vector<16xi32>
      %gather3A_1523 = tpu.vector_load_idx %arg16[%add3A_1522] : memref<2176xf32, #tpu.memory_space<vmem>>[vector<16xi32>], vector<16xf32>,
      %add3A_1524 = arith.addf %gather3A_1506, %gather3A_1523 : vector<16xf32>
      %add3A_1525 = arith.constant 6 : i32
      %add3A_1526 = vector.broadcast %add3A_1525 : i32 to vector<16xi32>
      %add3A_1527 = arith.addi %mul3A_30, %add3A_1526 : vector<16xi32>
      %gather3A_1528 = tpu.vector_load_idx %arg16[%add3A_1527] : memref<2176xf32, #tpu.memory_space<vmem>>[vector<16xi32>], vector<16xf32>,
      %add3A_1529 = arith.addf %gather3A_1510, %gather3A_1528 : vector<16xf32>
      %add3A_1530 = arith.constant 7 : i32
      %add3A_1531 = vector.broadcast %add3A_1530 : i32 to vector<16xi32>
      %add3A_1532 = arith.addi %mul3A_30, %add3A_1531 : vector<16xi32>
      %gather3A_1533 = tpu.vector_load_idx %arg16[%add3A_1532] : memref<2176xf32, #tpu.memory_space<vmem>>[vector<16xi32>], vector<16xf32>,
      %add3A_1534 = arith.addf %gather3A_1514, %gather3A_1533 : vector<16xf32>
      %add3A_1535 = arith.constant 8 : i32
      %add3A_1536 = vector.broadcast %add3A_1535 : i32 to vector<16xi32>
      %add3A_1537 = arith.addi %mul3A_30, %add3A_1536 : vector<16xi32>
      %gather3A_1538 = tpu.vector_load_idx %arg16[%add3A_1537] : memref<2176xf32, #tpu.memory_space<vmem>>[vector<16xi32>], vector<16xf32>,
      %add3A_1539 = arith.addf %add3A_1519, %gather3A_1538 : vector<16xf32>
      %add3A_1540 = arith.constant 9 : i32
      %add3A_1541 = vector.broadcast %add3A_1540 : i32 to vector<16xi32>
      %add3A_1542 = arith.addi %mul3A_30, %add3A_1541 : vector<16xi32>
      %gather3A_1543 = tpu.vector_load_idx %arg16[%add3A_1542] : memref<2176xf32, #tpu.memory_space<vmem>>[vector<16xi32>], vector<16xf32>,
      %add3A_1544 = arith.addf %add3A_1524, %gather3A_1543 : vector<16xf32>
      %add3A_1545 = arith.constant 10 : i32
      %add3A_1546 = vector.broadcast %add3A_1545 : i32 to vector<16xi32>
      %add3A_1547 = arith.addi %mul3A_30, %add3A_1546 : vector<16xi32>
      %gather3A_1548 = tpu.vector_load_idx %arg16[%add3A_1547] : memref<2176xf32, #tpu.memory_space<vmem>>[vector<16xi32>], vector<16xf32>,
      %add3A_1549 = arith.addf %add3A_1529, %gather3A_1548 : vector<16xf32>
      %add3A_1550 = arith.constant 11 : i32
      %add3A_1551 = vector.broadcast %add3A_1550 : i32 to vector<16xi32>
      %add3A_1552 = arith.addi %mul3A_30, %add3A_1551 : vector<16xi32>
      %gather3A_1553 = tpu.vector_load_idx %arg16[%add3A_1552] : memref<2176xf32, #tpu.memory_space<vmem>>[vector<16xi32>], vector<16xf32>,
      %add3A_1554 = arith.addf %add3A_1534, %gather3A_1553 : vector<16xf32>
      %add3A_1555 = arith.constant 12 : i32
      %add3A_1556 = vector.broadcast %add3A_1555 : i32 to vector<16xi32>
      %add3A_1557 = arith.addi %mul3A_30, %add3A_1556 : vector<16xi32>
      %gather3A_1558 = tpu.vector_load_idx %arg16[%add3A_1557] : memref<2176xf32, #tpu.memory_space<vmem>>[vector<16xi32>], vector<16xf32>,
      %add3A_1559 = arith.addf %add3A_1539, %gather3A_1558 : vector<16xf32>
      %add3A_1560 = arith.constant 13 : i32
      %add3A_1561 = vector.broadcast %add3A_1560 : i32 to vector<16xi32>
      %add3A_1562 = arith.addi %mul3A_30, %add3A_1561 : vector<16xi32>
      %gather3A_1563 = tpu.vector_load_idx %arg16[%add3A_1562] : memref<2176xf32, #tpu.memory_space<vmem>>[vector<16xi32>], vector<16xf32>,
      %add3A_1564 = arith.addf %add3A_1544, %gather3A_1563 : vector<16xf32>
      %add3A_1565 = arith.constant 14 : i32
      %add3A_1566 = vector.broadcast %add3A_1565 : i32 to vector<16xi32>
      %add3A_1567 = arith.addi %mul3A_30, %add3A_1566 : vector<16xi32>
      %gather3A_1568 = tpu.vector_load_idx %arg16[%add3A_1567] : memref<2176xf32, #tpu.memory_space<vmem>>[vector<16xi32>], vector<16xf32>,
      %add3A_1569 = arith.addf %add3A_1549, %gather3A_1568 : vector<16xf32>
      %add3A_1570 = arith.constant 15 : i32
      %add3A_1571 = vector.broadcast %add3A_1570 : i32 to vector<16xi32>
      %add3A_1572 = arith.addi %mul3A_30, %add3A_1571 : vector<16xi32>
      %gather3A_1573 = tpu.vector_load_idx %arg16[%add3A_1572] : memref<2176xf32, #tpu.memory_space<vmem>>[vector<16xi32>], vector<16xf32>,
      %add3A_1574 = arith.addf %add3A_1554, %gather3A_1573 : vector<16xf32>
      %add3A_1575 = arith.addf %add3A_1559, %add3A_1564 : vector<16xf32>
      %add3A_1576 = arith.addf %add3A_1569, %add3A_1574 : vector<16xf32>
      %add3A_1577 = arith.addf %add3A_1575, %add3A_1576 : vector<16xf32>
      %get3A_1578 = arith.constant 48 : index
      %get3A_1579 = tpu.vector_load %arg13[%get3A_1578] {strides = array<i32>} : memref<128xf32, #tpu.memory_space<vmem>>, vector<16xf32>,
      %mul3A_1580 = arith.constant 5.000000e-03 : f32
      %mul3A_1581 = vector.broadcast %mul3A_1580 : f32 to vector<16xf32>
      %mul3A_1582 = arith.mulf %mul3A_1581, %add3A_1577 : vector<16xf32>
      %sub3A_1583 = arith.subf %get3A_1579, %mul3A_1582 : vector<16xf32>
      %exp3A_1584 = math.exp %sub3A_1583 : vector<16xf32>
      %get3A_1585 = arith.constant 48 : index
      %get3A_1586 = tpu.vector_load %arg15[%get3A_1585] {strides = array<i32>} : memref<128xi32, #tpu.memory_space<vmem>>, vector<16xi32>,
      tpu.vector_store_idx %arg18[%get3A_1586], %exp3A_1584 {add = true} : memref<1024xf32, #tpu.memory_space<vmem>>[vector<16xi32>], vector<16xf32>,
      %add3A_1587 = arith.constant 0 : i32
      %add3A_1588 = vector.broadcast %add3A_1587 : i32 to vector<16xi32>
      %add3A_1589 = arith.addi %mul3A_37, %add3A_1588 : vector<16xi32>
      %gather3A_1590 = tpu.vector_load_idx %arg16[%add3A_1589] : memref<2176xf32, #tpu.memory_space<vmem>>[vector<16xi32>], vector<16xf32>,
      %add3A_1591 = arith.constant 1 : i32
      %add3A_1592 = vector.broadcast %add3A_1591 : i32 to vector<16xi32>
      %add3A_1593 = arith.addi %mul3A_37, %add3A_1592 : vector<16xi32>
      %gather3A_1594 = tpu.vector_load_idx %arg16[%add3A_1593] : memref<2176xf32, #tpu.memory_space<vmem>>[vector<16xi32>], vector<16xf32>,
      %add3A_1595 = arith.constant 2 : i32
      %add3A_1596 = vector.broadcast %add3A_1595 : i32 to vector<16xi32>
      %add3A_1597 = arith.addi %mul3A_37, %add3A_1596 : vector<16xi32>
      %gather3A_1598 = tpu.vector_load_idx %arg16[%add3A_1597] : memref<2176xf32, #tpu.memory_space<vmem>>[vector<16xi32>], vector<16xf32>,
      %add3A_1599 = arith.constant 3 : i32
      %add3A_1600 = vector.broadcast %add3A_1599 : i32 to vector<16xi32>
      %add3A_1601 = arith.addi %mul3A_37, %add3A_1600 : vector<16xi32>
      %gather3A_1602 = tpu.vector_load_idx %arg16[%add3A_1601] : memref<2176xf32, #tpu.memory_space<vmem>>[vector<16xi32>], vector<16xf32>,
      %add3A_1603 = arith.constant 4 : i32
      %add3A_1604 = vector.broadcast %add3A_1603 : i32 to vector<16xi32>
      %add3A_1605 = arith.addi %mul3A_37, %add3A_1604 : vector<16xi32>
      %gather3A_1606 = tpu.vector_load_idx %arg16[%add3A_1605] : memref<2176xf32, #tpu.memory_space<vmem>>[vector<16xi32>], vector<16xf32>,
      %add3A_1607 = arith.addf %gather3A_1590, %gather3A_1606 : vector<16xf32>
      %add3A_1608 = arith.constant 5 : i32
      %add3A_1609 = vector.broadcast %add3A_1608 : i32 to vector<16xi32>
      %add3A_1610 = arith.addi %mul3A_37, %add3A_1609 : vector<16xi32>
      %gather3A_1611 = tpu.vector_load_idx %arg16[%add3A_1610] : memref<2176xf32, #tpu.memory_space<vmem>>[vector<16xi32>], vector<16xf32>,
      %add3A_1612 = arith.addf %gather3A_1594, %gather3A_1611 : vector<16xf32>
      %add3A_1613 = arith.constant 6 : i32
      %add3A_1614 = vector.broadcast %add3A_1613 : i32 to vector<16xi32>
      %add3A_1615 = arith.addi %mul3A_37, %add3A_1614 : vector<16xi32>
      %gather3A_1616 = tpu.vector_load_idx %arg16[%add3A_1615] : memref<2176xf32, #tpu.memory_space<vmem>>[vector<16xi32>], vector<16xf32>,
      %add3A_1617 = arith.addf %gather3A_1598, %gather3A_1616 : vector<16xf32>
      %add3A_1618 = arith.constant 7 : i32
      %add3A_1619 = vector.broadcast %add3A_1618 : i32 to vector<16xi32>
      %add3A_1620 = arith.addi %mul3A_37, %add3A_1619 : vector<16xi32>
      %gather3A_1621 = tpu.vector_load_idx %arg16[%add3A_1620] : memref<2176xf32, #tpu.memory_space<vmem>>[vector<16xi32>], vector<16xf32>,
      %add3A_1622 = arith.addf %gather3A_1602, %gather3A_1621 : vector<16xf32>
      %add3A_1623 = arith.constant 8 : i32
      %add3A_1624 = vector.broadcast %add3A_1623 : i32 to vector<16xi32>
      %add3A_1625 = arith.addi %mul3A_37, %add3A_1624 : vector<16xi32>
      %gather3A_1626 = tpu.vector_load_idx %arg16[%add3A_1625] : memref<2176xf32, #tpu.memory_space<vmem>>[vector<16xi32>], vector<16xf32>,
      %add3A_1627 = arith.addf %add3A_1607, %gather3A_1626 : vector<16xf32>
      %add3A_1628 = arith.constant 9 : i32
      %add3A_1629 = vector.broadcast %add3A_1628 : i32 to vector<16xi32>
      %add3A_1630 = arith.addi %mul3A_37, %add3A_1629 : vector<16xi32>
      %gather3A_1631 = tpu.vector_load_idx %arg16[%add3A_1630] : memref<2176xf32, #tpu.memory_space<vmem>>[vector<16xi32>], vector<16xf32>,
      %add3A_1632 = arith.addf %add3A_1612, %gather3A_1631 : vector<16xf32>
      %add3A_1633 = arith.constant 10 : i32
      %add3A_1634 = vector.broadcast %add3A_1633 : i32 to vector<16xi32>
      %add3A_1635 = arith.addi %mul3A_37, %add3A_1634 : vector<16xi32>
      %gather3A_1636 = tpu.vector_load_idx %arg16[%add3A_1635] : memref<2176xf32, #tpu.memory_space<vmem>>[vector<16xi32>], vector<16xf32>,
      %add3A_1637 = arith.addf %add3A_1617, %gather3A_1636 : vector<16xf32>
      %add3A_1638 = arith.constant 11 : i32
      %add3A_1639 = vector.broadcast %add3A_1638 : i32 to vector<16xi32>
      %add3A_1640 = arith.addi %mul3A_37, %add3A_1639 : vector<16xi32>
      %gather3A_1641 = tpu.vector_load_idx %arg16[%add3A_1640] : memref<2176xf32, #tpu.memory_space<vmem>>[vector<16xi32>], vector<16xf32>,
      %add3A_1642 = arith.addf %add3A_1622, %gather3A_1641 : vector<16xf32>
      %add3A_1643 = arith.constant 12 : i32
      %add3A_1644 = vector.broadcast %add3A_1643 : i32 to vector<16xi32>
      %add3A_1645 = arith.addi %mul3A_37, %add3A_1644 : vector<16xi32>
      %gather3A_1646 = tpu.vector_load_idx %arg16[%add3A_1645] : memref<2176xf32, #tpu.memory_space<vmem>>[vector<16xi32>], vector<16xf32>,
      %add3A_1647 = arith.addf %add3A_1627, %gather3A_1646 : vector<16xf32>
      %add3A_1648 = arith.constant 13 : i32
      %add3A_1649 = vector.broadcast %add3A_1648 : i32 to vector<16xi32>
      %add3A_1650 = arith.addi %mul3A_37, %add3A_1649 : vector<16xi32>
      %gather3A_1651 = tpu.vector_load_idx %arg16[%add3A_1650] : memref<2176xf32, #tpu.memory_space<vmem>>[vector<16xi32>], vector<16xf32>,
      %add3A_1652 = arith.addf %add3A_1632, %gather3A_1651 : vector<16xf32>
      %add3A_1653 = arith.constant 14 : i32
      %add3A_1654 = vector.broadcast %add3A_1653 : i32 to vector<16xi32>
      %add3A_1655 = arith.addi %mul3A_37, %add3A_1654 : vector<16xi32>
      %gather3A_1656 = tpu.vector_load_idx %arg16[%add3A_1655] : memref<2176xf32, #tpu.memory_space<vmem>>[vector<16xi32>], vector<16xf32>,
      %add3A_1657 = arith.addf %add3A_1637, %gather3A_1656 : vector<16xf32>
      %add3A_1658 = arith.constant 15 : i32
      %add3A_1659 = vector.broadcast %add3A_1658 : i32 to vector<16xi32>
      %add3A_1660 = arith.addi %mul3A_37, %add3A_1659 : vector<16xi32>
      %gather3A_1661 = tpu.vector_load_idx %arg16[%add3A_1660] : memref<2176xf32, #tpu.memory_space<vmem>>[vector<16xi32>], vector<16xf32>,
      %add3A_1662 = arith.addf %add3A_1642, %gather3A_1661 : vector<16xf32>
      %add3A_1663 = arith.addf %add3A_1647, %add3A_1652 : vector<16xf32>
      %add3A_1664 = arith.addf %add3A_1657, %add3A_1662 : vector<16xf32>
      %add3A_1665 = arith.addf %add3A_1663, %add3A_1664 : vector<16xf32>
      %get3A_1666 = arith.constant 64 : index
      %get3A_1667 = tpu.vector_load %arg13[%get3A_1666] {strides = array<i32>} : memref<128xf32, #tpu.memory_space<vmem>>, vector<16xf32>,
      %mul3A_1668 = arith.constant 5.000000e-03 : f32
      %mul3A_1669 = vector.broadcast %mul3A_1668 : f32 to vector<16xf32>
      %mul3A_1670 = arith.mulf %mul3A_1669, %add3A_1665 : vector<16xf32>
      %sub3A_1671 = arith.subf %get3A_1667, %mul3A_1670 : vector<16xf32>
      %exp3A_1672 = math.exp %sub3A_1671 : vector<16xf32>
      %get3A_1673 = arith.constant 64 : index
      %get3A_1674 = tpu.vector_load %arg15[%get3A_1673] {strides = array<i32>} : memref<128xi32, #tpu.memory_space<vmem>>, vector<16xi32>,
      tpu.vector_store_idx %arg18[%get3A_1674], %exp3A_1672 {add = true} : memref<1024xf32, #tpu.memory_space<vmem>>[vector<16xi32>], vector<16xf32>,
      %add3A_1675 = arith.constant 0 : i32
      %add3A_1676 = vector.broadcast %add3A_1675 : i32 to vector<16xi32>
      %add3A_1677 = arith.addi %mul3A_44, %add3A_1676 : vector<16xi32>
      %gather3A_1678 = tpu.vector_load_idx %arg16[%add3A_1677] : memref<2176xf32, #tpu.memory_space<vmem>>[vector<16xi32>], vector<16xf32>,
      %add3A_1679 = arith.constant 1 : i32
      %add3A_1680 = vector.broadcast %add3A_1679 : i32 to vector<16xi32>
      %add3A_1681 = arith.addi %mul3A_44, %add3A_1680 : vector<16xi32>
      %gather3A_1682 = tpu.vector_load_idx %arg16[%add3A_1681] : memref<2176xf32, #tpu.memory_space<vmem>>[vector<16xi32>], vector<16xf32>,
      %add3A_1683 = arith.constant 2 : i32
      %add3A_1684 = vector.broadcast %add3A_1683 : i32 to vector<16xi32>
      %add3A_1685 = arith.addi %mul3A_44, %add3A_1684 : vector<16xi32>
      %gather3A_1686 = tpu.vector_load_idx %arg16[%add3A_1685] : memref<2176xf32, #tpu.memory_space<vmem>>[vector<16xi32>], vector<16xf32>,
      %add3A_1687 = arith.constant 3 : i32
      %add3A_1688 = vector.broadcast %add3A_1687 : i32 to vector<16xi32>
      %add3A_1689 = arith.addi %mul3A_44, %add3A_1688 : vector<16xi32>
      %gather3A_1690 = tpu.vector_load_idx %arg16[%add3A_1689] : memref<2176xf32, #tpu.memory_space<vmem>>[vector<16xi32>], vector<16xf32>,
      %add3A_1691 = arith.constant 4 : i32
      %add3A_1692 = vector.broadcast %add3A_1691 : i32 to vector<16xi32>
      %add3A_1693 = arith.addi %mul3A_44, %add3A_1692 : vector<16xi32>
      %gather3A_1694 = tpu.vector_load_idx %arg16[%add3A_1693] : memref<2176xf32, #tpu.memory_space<vmem>>[vector<16xi32>], vector<16xf32>,
      %add3A_1695 = arith.addf %gather3A_1678, %gather3A_1694 : vector<16xf32>
      %add3A_1696 = arith.constant 5 : i32
      %add3A_1697 = vector.broadcast %add3A_1696 : i32 to vector<16xi32>
      %add3A_1698 = arith.addi %mul3A_44, %add3A_1697 : vector<16xi32>
      %gather3A_1699 = tpu.vector_load_idx %arg16[%add3A_1698] : memref<2176xf32, #tpu.memory_space<vmem>>[vector<16xi32>], vector<16xf32>,
      %add3A_1700 = arith.addf %gather3A_1682, %gather3A_1699 : vector<16xf32>
      %add3A_1701 = arith.constant 6 : i32
      %add3A_1702 = vector.broadcast %add3A_1701 : i32 to vector<16xi32>
      %add3A_1703 = arith.addi %mul3A_44, %add3A_1702 : vector<16xi32>
      %gather3A_1704 = tpu.vector_load_idx %arg16[%add3A_1703] : memref<2176xf32, #tpu.memory_space<vmem>>[vector<16xi32>], vector<16xf32>,
      %add3A_1705 = arith.addf %gather3A_1686, %gather3A_1704 : vector<16xf32>
      %add3A_1706 = arith.constant 7 : i32
      %add3A_1707 = vector.broadcast %add3A_1706 : i32 to vector<16xi32>
      %add3A_1708 = arith.addi %mul3A_44, %add3A_1707 : vector<16xi32>
      %gather3A_1709 = tpu.vector_load_idx %arg16[%add3A_1708] : memref<2176xf32, #tpu.memory_space<vmem>>[vector<16xi32>], vector<16xf32>,
      %add3A_1710 = arith.addf %gather3A_1690, %gather3A_1709 : vector<16xf32>
      %add3A_1711 = arith.constant 8 : i32
      %add3A_1712 = vector.broadcast %add3A_1711 : i32 to vector<16xi32>
      %add3A_1713 = arith.addi %mul3A_44, %add3A_1712 : vector<16xi32>
      %gather3A_1714 = tpu.vector_load_idx %arg16[%add3A_1713] : memref<2176xf32, #tpu.memory_space<vmem>>[vector<16xi32>], vector<16xf32>,
      %add3A_1715 = arith.addf %add3A_1695, %gather3A_1714 : vector<16xf32>
      %add3A_1716 = arith.constant 9 : i32
      %add3A_1717 = vector.broadcast %add3A_1716 : i32 to vector<16xi32>
      %add3A_1718 = arith.addi %mul3A_44, %add3A_1717 : vector<16xi32>
      %gather3A_1719 = tpu.vector_load_idx %arg16[%add3A_1718] : memref<2176xf32, #tpu.memory_space<vmem>>[vector<16xi32>], vector<16xf32>,
      %add3A_1720 = arith.addf %add3A_1700, %gather3A_1719 : vector<16xf32>
      %add3A_1721 = arith.constant 10 : i32
      %add3A_1722 = vector.broadcast %add3A_1721 : i32 to vector<16xi32>
      %add3A_1723 = arith.addi %mul3A_44, %add3A_1722 : vector<16xi32>
      %gather3A_1724 = tpu.vector_load_idx %arg16[%add3A_1723] : memref<2176xf32, #tpu.memory_space<vmem>>[vector<16xi32>], vector<16xf32>,
      %add3A_1725 = arith.addf %add3A_1705, %gather3A_1724 : vector<16xf32>
      %add3A_1726 = arith.constant 11 : i32
      %add3A_1727 = vector.broadcast %add3A_1726 : i32 to vector<16xi32>
      %add3A_1728 = arith.addi %mul3A_44, %add3A_1727 : vector<16xi32>
      %gather3A_1729 = tpu.vector_load_idx %arg16[%add3A_1728] : memref<2176xf32, #tpu.memory_space<vmem>>[vector<16xi32>], vector<16xf32>,
      %add3A_1730 = arith.addf %add3A_1710, %gather3A_1729 : vector<16xf32>
      %add3A_1731 = arith.constant 12 : i32
      %add3A_1732 = vector.broadcast %add3A_1731 : i32 to vector<16xi32>
      %add3A_1733 = arith.addi %mul3A_44, %add3A_1732 : vector<16xi32>
      %gather3A_1734 = tpu.vector_load_idx %arg16[%add3A_1733] : memref<2176xf32, #tpu.memory_space<vmem>>[vector<16xi32>], vector<16xf32>,
      %add3A_1735 = arith.addf %add3A_1715, %gather3A_1734 : vector<16xf32>
      %add3A_1736 = arith.constant 13 : i32
      %add3A_1737 = vector.broadcast %add3A_1736 : i32 to vector<16xi32>
      %add3A_1738 = arith.addi %mul3A_44, %add3A_1737 : vector<16xi32>
      %gather3A_1739 = tpu.vector_load_idx %arg16[%add3A_1738] : memref<2176xf32, #tpu.memory_space<vmem>>[vector<16xi32>], vector<16xf32>,
      %add3A_1740 = arith.addf %add3A_1720, %gather3A_1739 : vector<16xf32>
      %add3A_1741 = arith.constant 14 : i32
      %add3A_1742 = vector.broadcast %add3A_1741 : i32 to vector<16xi32>
      %add3A_1743 = arith.addi %mul3A_44, %add3A_1742 : vector<16xi32>
      %gather3A_1744 = tpu.vector_load_idx %arg16[%add3A_1743] : memref<2176xf32, #tpu.memory_space<vmem>>[vector<16xi32>], vector<16xf32>,
      %add3A_1745 = arith.addf %add3A_1725, %gather3A_1744 : vector<16xf32>
      %add3A_1746 = arith.constant 15 : i32
      %add3A_1747 = vector.broadcast %add3A_1746 : i32 to vector<16xi32>
      %add3A_1748 = arith.addi %mul3A_44, %add3A_1747 : vector<16xi32>
      %gather3A_1749 = tpu.vector_load_idx %arg16[%add3A_1748] : memref<2176xf32, #tpu.memory_space<vmem>>[vector<16xi32>], vector<16xf32>,
      %add3A_1750 = arith.addf %add3A_1730, %gather3A_1749 : vector<16xf32>
      %add3A_1751 = arith.addf %add3A_1735, %add3A_1740 : vector<16xf32>
      %add3A_1752 = arith.addf %add3A_1745, %add3A_1750 : vector<16xf32>
      %add3A_1753 = arith.addf %add3A_1751, %add3A_1752 : vector<16xf32>
      %get3A_1754 = arith.constant 80 : index
      %get3A_1755 = tpu.vector_load %arg13[%get3A_1754] {strides = array<i32>} : memref<128xf32, #tpu.memory_space<vmem>>, vector<16xf32>,
      %mul3A_1756 = arith.constant 5.000000e-03 : f32
      %mul3A_1757 = vector.broadcast %mul3A_1756 : f32 to vector<16xf32>
      %mul3A_1758 = arith.mulf %mul3A_1757, %add3A_1753 : vector<16xf32>
      %sub3A_1759 = arith.subf %get3A_1755, %mul3A_1758 : vector<16xf32>
      %exp3A_1760 = math.exp %sub3A_1759 : vector<16xf32>
      %get3A_1761 = arith.constant 80 : index
      %get3A_1762 = tpu.vector_load %arg15[%get3A_1761] {strides = array<i32>} : memref<128xi32, #tpu.memory_space<vmem>>, vector<16xi32>,
      tpu.vector_store_idx %arg18[%get3A_1762], %exp3A_1760 {add = true} : memref<1024xf32, #tpu.memory_space<vmem>>[vector<16xi32>], vector<16xf32>,
      %add3A_1763 = arith.constant 0 : i32
      %add3A_1764 = vector.broadcast %add3A_1763 : i32 to vector<16xi32>
      %add3A_1765 = arith.addi %mul3A_51, %add3A_1764 : vector<16xi32>
      %gather3A_1766 = tpu.vector_load_idx %arg16[%add3A_1765] : memref<2176xf32, #tpu.memory_space<vmem>>[vector<16xi32>], vector<16xf32>,
      %add3A_1767 = arith.constant 1 : i32
      %add3A_1768 = vector.broadcast %add3A_1767 : i32 to vector<16xi32>
      %add3A_1769 = arith.addi %mul3A_51, %add3A_1768 : vector<16xi32>
      %gather3A_1770 = tpu.vector_load_idx %arg16[%add3A_1769] : memref<2176xf32, #tpu.memory_space<vmem>>[vector<16xi32>], vector<16xf32>,
      %add3A_1771 = arith.constant 2 : i32
      %add3A_1772 = vector.broadcast %add3A_1771 : i32 to vector<16xi32>
      %add3A_1773 = arith.addi %mul3A_51, %add3A_1772 : vector<16xi32>
      %gather3A_1774 = tpu.vector_load_idx %arg16[%add3A_1773] : memref<2176xf32, #tpu.memory_space<vmem>>[vector<16xi32>], vector<16xf32>,
      %add3A_1775 = arith.constant 3 : i32
      %add3A_1776 = vector.broadcast %add3A_1775 : i32 to vector<16xi32>
      %add3A_1777 = arith.addi %mul3A_51, %add3A_1776 : vector<16xi32>
      %gather3A_1778 = tpu.vector_load_idx %arg16[%add3A_1777] : memref<2176xf32, #tpu.memory_space<vmem>>[vector<16xi32>], vector<16xf32>,
      %add3A_1779 = arith.constant 4 : i32
      %add3A_1780 = vector.broadcast %add3A_1779 : i32 to vector<16xi32>
      %add3A_1781 = arith.addi %mul3A_51, %add3A_1780 : vector<16xi32>
      %gather3A_1782 = tpu.vector_load_idx %arg16[%add3A_1781] : memref<2176xf32, #tpu.memory_space<vmem>>[vector<16xi32>], vector<16xf32>,
      %add3A_1783 = arith.addf %gather3A_1766, %gather3A_1782 : vector<16xf32>
      %add3A_1784 = arith.constant 5 : i32
      %add3A_1785 = vector.broadcast %add3A_1784 : i32 to vector<16xi32>
      %add3A_1786 = arith.addi %mul3A_51, %add3A_1785 : vector<16xi32>
      %gather3A_1787 = tpu.vector_load_idx %arg16[%add3A_1786] : memref<2176xf32, #tpu.memory_space<vmem>>[vector<16xi32>], vector<16xf32>,
      %add3A_1788 = arith.addf %gather3A_1770, %gather3A_1787 : vector<16xf32>
      %add3A_1789 = arith.constant 6 : i32
      %add3A_1790 = vector.broadcast %add3A_1789 : i32 to vector<16xi32>
      %add3A_1791 = arith.addi %mul3A_51, %add3A_1790 : vector<16xi32>
      %gather3A_1792 = tpu.vector_load_idx %arg16[%add3A_1791] : memref<2176xf32, #tpu.memory_space<vmem>>[vector<16xi32>], vector<16xf32>,
      %add3A_1793 = arith.addf %gather3A_1774, %gather3A_1792 : vector<16xf32>
      %add3A_1794 = arith.constant 7 : i32
      %add3A_1795 = vector.broadcast %add3A_1794 : i32 to vector<16xi32>
      %add3A_1796 = arith.addi %mul3A_51, %add3A_1795 : vector<16xi32>
      %gather3A_1797 = tpu.vector_load_idx %arg16[%add3A_1796] : memref<2176xf32, #tpu.memory_space<vmem>>[vector<16xi32>], vector<16xf32>,
      %add3A_1798 = arith.addf %gather3A_1778, %gather3A_1797 : vector<16xf32>
      %add3A_1799 = arith.constant 8 : i32
      %add3A_1800 = vector.broadcast %add3A_1799 : i32 to vector<16xi32>
      %add3A_1801 = arith.addi %mul3A_51, %add3A_1800 : vector<16xi32>
      %gather3A_1802 = tpu.vector_load_idx %arg16[%add3A_1801] : memref<2176xf32, #tpu.memory_space<vmem>>[vector<16xi32>], vector<16xf32>,
      %add3A_1803 = arith.addf %add3A_1783, %gather3A_1802 : vector<16xf32>
      %add3A_1804 = arith.constant 9 : i32
      %add3A_1805 = vector.broadcast %add3A_1804 : i32 to vector<16xi32>
      %add3A_1806 = arith.addi %mul3A_51, %add3A_1805 : vector<16xi32>
      %gather3A_1807 = tpu.vector_load_idx %arg16[%add3A_1806] : memref<2176xf32, #tpu.memory_space<vmem>>[vector<16xi32>], vector<16xf32>,
      %add3A_1808 = arith.addf %add3A_1788, %gather3A_1807 : vector<16xf32>
      %add3A_1809 = arith.constant 10 : i32
      %add3A_1810 = vector.broadcast %add3A_1809 : i32 to vector<16xi32>
      %add3A_1811 = arith.addi %mul3A_51, %add3A_1810 : vector<16xi32>
      %gather3A_1812 = tpu.vector_load_idx %arg16[%add3A_1811] : memref<2176xf32, #tpu.memory_space<vmem>>[vector<16xi32>], vector<16xf32>,
      %add3A_1813 = arith.addf %add3A_1793, %gather3A_1812 : vector<16xf32>
      %add3A_1814 = arith.constant 11 : i32
      %add3A_1815 = vector.broadcast %add3A_1814 : i32 to vector<16xi32>
      %add3A_1816 = arith.addi %mul3A_51, %add3A_1815 : vector<16xi32>
      %gather3A_1817 = tpu.vector_load_idx %arg16[%add3A_1816] : memref<2176xf32, #tpu.memory_space<vmem>>[vector<16xi32>], vector<16xf32>,
      %add3A_1818 = arith.addf %add3A_1798, %gather3A_1817 : vector<16xf32>
      %add3A_1819 = arith.constant 12 : i32
      %add3A_1820 = vector.broadcast %add3A_1819 : i32 to vector<16xi32>
      %add3A_1821 = arith.addi %mul3A_51, %add3A_1820 : vector<16xi32>
      %gather3A_1822 = tpu.vector_load_idx %arg16[%add3A_1821] : memref<2176xf32, #tpu.memory_space<vmem>>[vector<16xi32>], vector<16xf32>,
      %add3A_1823 = arith.addf %add3A_1803, %gather3A_1822 : vector<16xf32>
      %add3A_1824 = arith.constant 13 : i32
      %add3A_1825 = vector.broadcast %add3A_1824 : i32 to vector<16xi32>
      %add3A_1826 = arith.addi %mul3A_51, %add3A_1825 : vector<16xi32>
      %gather3A_1827 = tpu.vector_load_idx %arg16[%add3A_1826] : memref<2176xf32, #tpu.memory_space<vmem>>[vector<16xi32>], vector<16xf32>,
      %add3A_1828 = arith.addf %add3A_1808, %gather3A_1827 : vector<16xf32>
      %add3A_1829 = arith.constant 14 : i32
      %add3A_1830 = vector.broadcast %add3A_1829 : i32 to vector<16xi32>
      %add3A_1831 = arith.addi %mul3A_51, %add3A_1830 : vector<16xi32>
      %gather3A_1832 = tpu.vector_load_idx %arg16[%add3A_1831] : memref<2176xf32, #tpu.memory_space<vmem>>[vector<16xi32>], vector<16xf32>,
      %add3A_1833 = arith.addf %add3A_1813, %gather3A_1832 : vector<16xf32>
      %add3A_1834 = arith.constant 15 : i32
      %add3A_1835 = vector.broadcast %add3A_1834 : i32 to vector<16xi32>
      %add3A_1836 = arith.addi %mul3A_51, %add3A_1835 : vector<16xi32>
      %gather3A_1837 = tpu.vector_load_idx %arg16[%add3A_1836] : memref<2176xf32, #tpu.memory_space<vmem>>[vector<16xi32>], vector<16xf32>,
      %add3A_1838 = arith.addf %add3A_1818, %gather3A_1837 : vector<16xf32>
      %add3A_1839 = arith.addf %add3A_1823, %add3A_1828 : vector<16xf32>
      %add3A_1840 = arith.addf %add3A_1833, %add3A_1838 : vector<16xf32>
      %add3A_1841 = arith.addf %add3A_1839, %add3A_1840 : vector<16xf32>
      %get3A_1842 = arith.constant 96 : index
      %get3A_1843 = tpu.vector_load %arg13[%get3A_1842] {strides = array<i32>} : memref<128xf32, #tpu.memory_space<vmem>>, vector<16xf32>,
      %mul3A_1844 = arith.constant 5.000000e-03 : f32
      %mul3A_1845 = vector.broadcast %mul3A_1844 : f32 to vector<16xf32>
      %mul3A_1846 = arith.mulf %mul3A_1845, %add3A_1841 : vector<16xf32>
      %sub3A_1847 = arith.subf %get3A_1843, %mul3A_1846 : vector<16xf32>
      %exp3A_1848 = math.exp %sub3A_1847 : vector<16xf32>
      %get3A_1849 = arith.constant 96 : index
      %get3A_1850 = tpu.vector_load %arg15[%get3A_1849] {strides = array<i32>} : memref<128xi32, #tpu.memory_space<vmem>>, vector<16xi32>,
      tpu.vector_store_idx %arg18[%get3A_1850], %exp3A_1848 {add = true} : memref<1024xf32, #tpu.memory_space<vmem>>[vector<16xi32>], vector<16xf32>,
      %add3A_1851 = arith.constant 0 : i32
      %add3A_1852 = vector.broadcast %add3A_1851 : i32 to vector<16xi32>
      %add3A_1853 = arith.addi %mul3A_58, %add3A_1852 : vector<16xi32>
      %gather3A_1854 = tpu.vector_load_idx %arg16[%add3A_1853] : memref<2176xf32, #tpu.memory_space<vmem>>[vector<16xi32>], vector<16xf32>,
      %add3A_1855 = arith.constant 1 : i32
      %add3A_1856 = vector.broadcast %add3A_1855 : i32 to vector<16xi32>
      %add3A_1857 = arith.addi %mul3A_58, %add3A_1856 : vector<16xi32>
      %gather3A_1858 = tpu.vector_load_idx %arg16[%add3A_1857] : memref<2176xf32, #tpu.memory_space<vmem>>[vector<16xi32>], vector<16xf32>,
      %add3A_1859 = arith.constant 2 : i32
      %add3A_1860 = vector.broadcast %add3A_1859 : i32 to vector<16xi32>
      %add3A_1861 = arith.addi %mul3A_58, %add3A_1860 : vector<16xi32>
      %gather3A_1862 = tpu.vector_load_idx %arg16[%add3A_1861] : memref<2176xf32, #tpu.memory_space<vmem>>[vector<16xi32>], vector<16xf32>,
      %add3A_1863 = arith.constant 3 : i32
      %add3A_1864 = vector.broadcast %add3A_1863 : i32 to vector<16xi32>
      %add3A_1865 = arith.addi %mul3A_58, %add3A_1864 : vector<16xi32>
      %gather3A_1866 = tpu.vector_load_idx %arg16[%add3A_1865] : memref<2176xf32, #tpu.memory_space<vmem>>[vector<16xi32>], vector<16xf32>,
      %add3A_1867 = arith.constant 4 : i32
      %add3A_1868 = vector.broadcast %add3A_1867 : i32 to vector<16xi32>
      %add3A_1869 = arith.addi %mul3A_58, %add3A_1868 : vector<16xi32>
      %gather3A_1870 = tpu.vector_load_idx %arg16[%add3A_1869] : memref<2176xf32, #tpu.memory_space<vmem>>[vector<16xi32>], vector<16xf32>,
      %add3A_1871 = arith.addf %gather3A_1854, %gather3A_1870 : vector<16xf32>
      %add3A_1872 = arith.constant 5 : i32
      %add3A_1873 = vector.broadcast %add3A_1872 : i32 to vector<16xi32>
      %add3A_1874 = arith.addi %mul3A_58, %add3A_1873 : vector<16xi32>
      %gather3A_1875 = tpu.vector_load_idx %arg16[%add3A_1874] : memref<2176xf32, #tpu.memory_space<vmem>>[vector<16xi32>], vector<16xf32>,
      %add3A_1876 = arith.addf %gather3A_1858, %gather3A_1875 : vector<16xf32>
      %add3A_1877 = arith.constant 6 : i32
      %add3A_1878 = vector.broadcast %add3A_1877 : i32 to vector<16xi32>
      %add3A_1879 = arith.addi %mul3A_58, %add3A_1878 : vector<16xi32>
      %gather3A_1880 = tpu.vector_load_idx %arg16[%add3A_1879] : memref<2176xf32, #tpu.memory_space<vmem>>[vector<16xi32>], vector<16xf32>,
      %add3A_1881 = arith.addf %gather3A_1862, %gather3A_1880 : vector<16xf32>
      %add3A_1882 = arith.constant 7 : i32
      %add3A_1883 = vector.broadcast %add3A_1882 : i32 to vector<16xi32>
      %add3A_1884 = arith.addi %mul3A_58, %add3A_1883 : vector<16xi32>
      %gather3A_1885 = tpu.vector_load_idx %arg16[%add3A_1884] : memref<2176xf32, #tpu.memory_space<vmem>>[vector<16xi32>], vector<16xf32>,
      %add3A_1886 = arith.addf %gather3A_1866, %gather3A_1885 : vector<16xf32>
      %add3A_1887 = arith.constant 8 : i32
      %add3A_1888 = vector.broadcast %add3A_1887 : i32 to vector<16xi32>
      %add3A_1889 = arith.addi %mul3A_58, %add3A_1888 : vector<16xi32>
      %gather3A_1890 = tpu.vector_load_idx %arg16[%add3A_1889] : memref<2176xf32, #tpu.memory_space<vmem>>[vector<16xi32>], vector<16xf32>,
      %add3A_1891 = arith.addf %add3A_1871, %gather3A_1890 : vector<16xf32>
      %add3A_1892 = arith.constant 9 : i32
      %add3A_1893 = vector.broadcast %add3A_1892 : i32 to vector<16xi32>
      %add3A_1894 = arith.addi %mul3A_58, %add3A_1893 : vector<16xi32>
      %gather3A_1895 = tpu.vector_load_idx %arg16[%add3A_1894] : memref<2176xf32, #tpu.memory_space<vmem>>[vector<16xi32>], vector<16xf32>,
      %add3A_1896 = arith.addf %add3A_1876, %gather3A_1895 : vector<16xf32>
      %add3A_1897 = arith.constant 10 : i32
      %add3A_1898 = vector.broadcast %add3A_1897 : i32 to vector<16xi32>
      %add3A_1899 = arith.addi %mul3A_58, %add3A_1898 : vector<16xi32>
      %gather3A_1900 = tpu.vector_load_idx %arg16[%add3A_1899] : memref<2176xf32, #tpu.memory_space<vmem>>[vector<16xi32>], vector<16xf32>,
      %add3A_1901 = arith.addf %add3A_1881, %gather3A_1900 : vector<16xf32>
      %add3A_1902 = arith.constant 11 : i32
      %add3A_1903 = vector.broadcast %add3A_1902 : i32 to vector<16xi32>
      %add3A_1904 = arith.addi %mul3A_58, %add3A_1903 : vector<16xi32>
      %gather3A_1905 = tpu.vector_load_idx %arg16[%add3A_1904] : memref<2176xf32, #tpu.memory_space<vmem>>[vector<16xi32>], vector<16xf32>,
      %add3A_1906 = arith.addf %add3A_1886, %gather3A_1905 : vector<16xf32>
      %add3A_1907 = arith.constant 12 : i32
      %add3A_1908 = vector.broadcast %add3A_1907 : i32 to vector<16xi32>
      %add3A_1909 = arith.addi %mul3A_58, %add3A_1908 : vector<16xi32>
      %gather3A_1910 = tpu.vector_load_idx %arg16[%add3A_1909] : memref<2176xf32, #tpu.memory_space<vmem>>[vector<16xi32>], vector<16xf32>,
      %add3A_1911 = arith.addf %add3A_1891, %gather3A_1910 : vector<16xf32>
      %add3A_1912 = arith.constant 13 : i32
      %add3A_1913 = vector.broadcast %add3A_1912 : i32 to vector<16xi32>
      %add3A_1914 = arith.addi %mul3A_58, %add3A_1913 : vector<16xi32>
      %gather3A_1915 = tpu.vector_load_idx %arg16[%add3A_1914] : memref<2176xf32, #tpu.memory_space<vmem>>[vector<16xi32>], vector<16xf32>,
      %add3A_1916 = arith.addf %add3A_1896, %gather3A_1915 : vector<16xf32>
      %add3A_1917 = arith.constant 14 : i32
      %add3A_1918 = vector.broadcast %add3A_1917 : i32 to vector<16xi32>
      %add3A_1919 = arith.addi %mul3A_58, %add3A_1918 : vector<16xi32>
      %gather3A_1920 = tpu.vector_load_idx %arg16[%add3A_1919] : memref<2176xf32, #tpu.memory_space<vmem>>[vector<16xi32>], vector<16xf32>,
      %add3A_1921 = arith.addf %add3A_1901, %gather3A_1920 : vector<16xf32>
      %add3A_1922 = arith.constant 15 : i32
      %add3A_1923 = vector.broadcast %add3A_1922 : i32 to vector<16xi32>
      %add3A_1924 = arith.addi %mul3A_58, %add3A_1923 : vector<16xi32>
      %gather3A_1925 = tpu.vector_load_idx %arg16[%add3A_1924] : memref<2176xf32, #tpu.memory_space<vmem>>[vector<16xi32>], vector<16xf32>,
      %add3A_1926 = arith.addf %add3A_1906, %gather3A_1925 : vector<16xf32>
      %add3A_1927 = arith.addf %add3A_1911, %add3A_1916 : vector<16xf32>
      %add3A_1928 = arith.addf %add3A_1921, %add3A_1926 : vector<16xf32>
      %add3A_1929 = arith.addf %add3A_1927, %add3A_1928 : vector<16xf32>
      %get3A_1930 = arith.constant 112 : index
      %get3A_1931 = tpu.vector_load %arg13[%get3A_1930] {strides = array<i32>} : memref<128xf32, #tpu.memory_space<vmem>>, vector<16xf32>,
      %mul3A_1932 = arith.constant 5.000000e-03 : f32
      %mul3A_1933 = vector.broadcast %mul3A_1932 : f32 to vector<16xf32>
      %mul3A_1934 = arith.mulf %mul3A_1933, %add3A_1929 : vector<16xf32>
      %sub3A_1935 = arith.subf %get3A_1931, %mul3A_1934 : vector<16xf32>
      %exp3A_1936 = math.exp %sub3A_1935 : vector<16xf32>
      %get3A_1937 = arith.constant 112 : index
      %get3A_1938 = tpu.vector_load %arg15[%get3A_1937] {strides = array<i32>} : memref<128xi32, #tpu.memory_space<vmem>>, vector<16xi32>,
      tpu.vector_store_idx %arg18[%get3A_1938], %exp3A_1936 {add = true} : memref<1024xf32, #tpu.memory_space<vmem>>[vector<16xi32>], vector<16xf32>,
      %add3A_1939 = arith.addi %mul3A_2, %add3A_1050 : i32
      %dma_start3A_1940 = arith.constant 0 : i32
      %dma_start3A_1941 = tpu.memref_slice %arg7[%add3A_1939, %dma_start3A_1940] : memref<512x1024xf32, #tpu.memory_space<hbm>> -> memref<1x1024xf32, #tpu.memory_space<hbm>>
      %dma_start3A_1942 = tpu.memref_squeeze %dma_start3A_1941 : memref<1x1024xf32, #tpu.memory_space<hbm>> -> memref<1024xf32, #tpu.memory_space<hbm>>
      %dma_start3A_1943 = arith.constant 0 : i32
      %dma_start3A_1944 = tpu.memref_slice %arg7[%add3A_1939, %dma_start3A_1943] : memref<512x1024xf32, #tpu.memory_space<hbm>> -> memref<1x1024xf32, #tpu.memory_space<hbm>>
      %dma_start3A_1945 = tpu.memref_squeeze %dma_start3A_1944 : memref<1x1024xf32, #tpu.memory_space<hbm>> -> memref<1024xf32, #tpu.memory_space<hbm>>
      tpu.enqueue_dma source(%arg18 : memref<1024xf32, #tpu.memory_space<vmem>>) target(%dma_start3A_1945 : memref<1024xf32, #tpu.memory_space<hbm>>) target_semaphore(%arg22 : memref<!tpu.dma_semaphore, #tpu.memory_space<semaphore_mem>>)
    }
    %scan3A_80 = arith.constant 8 : i32
    %add3A_81 = arith.constant 16 : i32
    %add3A_82 = arith.addi %mul3A_2, %add3A_81 : i32
    %sub3A = arith.constant 2 : i32
    %sub3A_83 = arith.subi %add3A_82, %sub3A : i32
    %dma_wait3A = arith.constant 0 : i32
    %dma_wait3A_84 = tpu.memref_slice %arg7[%sub3A_83, %dma_wait3A] : memref<512x1024xf32, #tpu.memory_space<hbm>> -> memref<1x1024xf32, #tpu.memory_space<hbm>>
    %dma_wait3A_85 = tpu.memref_squeeze %dma_wait3A_84 : memref<1x1024xf32, #tpu.memory_space<hbm>> -> memref<1024xf32, #tpu.memory_space<hbm>>
    %dma_wait3A_86 = arith.constant 0 : i32
    %dma_wait3A_87 = tpu.memref_slice %arg7[%sub3A_83, %dma_wait3A_86] : memref<512x1024xf32, #tpu.memory_space<hbm>> -> memref<1x1024xf32, #tpu.memory_space<hbm>>
    %dma_wait3A_88 = tpu.memref_squeeze %dma_wait3A_87 : memref<1x1024xf32, #tpu.memory_space<hbm>> -> memref<1024xf32, #tpu.memory_space<hbm>>
    tpu.wait_dma2 semaphore(%arg21 : memref<!tpu.dma_semaphore, #tpu.memory_space<semaphore_mem>>) src(%arg17 : memref<1024xf32, #tpu.memory_space<vmem>>) dst(%dma_wait3A_88 : memref<1024xf32, #tpu.memory_space<hbm>>)
    %add3A_89 = arith.constant 16 : i32
    %add3A_90 = arith.addi %mul3A_2, %add3A_89 : i32
    %sub3A_91 = arith.constant 1 : i32
    %sub3A_92 = arith.subi %add3A_90, %sub3A_91 : i32
    %dma_wait3A_93 = arith.constant 0 : i32
    %dma_wait3A_94 = tpu.memref_slice %arg7[%sub3A_92, %dma_wait3A_93] : memref<512x1024xf32, #tpu.memory_space<hbm>> -> memref<1x1024xf32, #tpu.memory_space<hbm>>
    %dma_wait3A_95 = tpu.memref_squeeze %dma_wait3A_94 : memref<1x1024xf32, #tpu.memory_space<hbm>> -> memref<1024xf32, #tpu.memory_space<hbm>>
    %dma_wait3A_96 = arith.constant 0 : i32
    %dma_wait3A_97 = tpu.memref_slice %arg7[%sub3A_92, %dma_wait3A_96] : memref<512x1024xf32, #tpu.memory_space<hbm>> -> memref<1x1024xf32, #tpu.memory_space<hbm>>
    %dma_wait3A_98 = tpu.memref_squeeze %dma_wait3A_97 : memref<1x1024xf32, #tpu.memory_space<hbm>> -> memref<1024xf32, #tpu.memory_space<hbm>>
    tpu.wait_dma2 semaphore(%arg22 : memref<!tpu.dma_semaphore, #tpu.memory_space<semaphore_mem>>) src(%arg18 : memref<1024xf32, #tpu.memory_space<vmem>>) dst(%dma_wait3A_98 : memref<1024xf32, #tpu.memory_space<hbm>>)
    return
  }
}

module attributes {stable_mosaic.version = 14 : i64} {
  func.func @_finalize_body(%arg0: i32, %arg1: memref<256x1024xf32, #tpu.memory_space<vmem>>, %arg2: memref<256x1000xf32, #tpu.memory_space<vmem>>) attributes {dimension_semantics = [#tpu.dimension_semantics<arbitrary>], iteration_bounds = array<i64: 2>, scalar_prefetch = 0 : i64, scratch_operands = 0 : i64, tpu.core_type = #tpu.core_type<tc>, window_params = [{transform_indices = @transform_0, window_bounds = array<i64: 256, 1024>}, {transform_indices = @transform_1, window_bounds = array<i64: 256, 1000>}]} {
    %get3A = arith.constant 0 : index
    %get3A_0 = arith.constant 0 : index
    %get3A_1 = vector.load %arg1[%get3A, %get3A_0] : memref<256x1024xf32, #tpu.memory_space<vmem>>, vector<256x1024xf32>
    %eq3A = arith.constant 0.000000e+00 : f32
    %eq3A_2 = vector.broadcast %eq3A : f32 to vector<256x1024xf32>
    %eq3A_3 = arith.cmpf oeq, %get3A_1, %eq3A_2 : vector<256x1024xf32>
    %jit3A = arith.constant 1.000000e-10 : f32
    %broadcast_in_dim3A = vector.broadcast %jit3A : f32 to vector<256x1024xf32>
    %select_n3A = arith.select %eq3A_3, %broadcast_in_dim3A, %get3A_1 : vector<256x1024xi1>, vector<256x1024xf32>
    %iota3A = tpu.iota {dimensions = array<i32: 1>} : vector<256x1024xi32>
    %lt3A = arith.constant 1000 : i32
    %lt3A_4 = vector.broadcast %lt3A : i32 to vector<256x1024xi32>
    %lt3A_5 = arith.cmpi slt, %iota3A, %lt3A_4 : vector<256x1024xi32>
    %jit3A_6 = arith.constant 0.000000e+00 : f32
    %broadcast_in_dim3A_7 = vector.broadcast %jit3A_6 : f32 to vector<256x1024xf32>
    %select_n3A_8 = arith.select %lt3A_5, %select_n3A, %broadcast_in_dim3A_7 : vector<256x1024xi1>, vector<256x1024xf32>
    %reduce_sum3A = arith.constant dense<0.000000e+00> : vector<256xf32>
    %reduce_sum3A_9 = vector.multi_reduction <add>, %select_n3A_8, %reduce_sum3A [1] : vector<256x1024xf32> to vector<256xf32>
    %broadcast_in_dim3A_10 = vector.shape_cast %reduce_sum3A_9 : vector<256xf32> to vector<256x1xf32>
    %div3A = vector.broadcast %broadcast_in_dim3A_10 : vector<256x1xf32> to vector<256x1024xf32>
    %div3A_11 = arith.divf %select_n3A, %div3A : vector<256x1024xf32>
    %log3A = math.log %div3A_11 : vector<256x1024xf32>
    %slice3A = vector.extract_strided_slice %log3A {offsets = [0, 0], sizes = [256, 1000], strides = [1, 1]} : vector<256x1024xf32> to vector<256x1000xf32>
    %swap3A = arith.constant 0 : index
    %swap3A_12 = arith.constant 0 : index
    %swap3A_13 = vector.load %arg2[%swap3A, %swap3A_12] : memref<256x1000xf32, #tpu.memory_space<vmem>>, vector<256x1000xf32>
    tpu.vector_store %arg2[%swap3A, %swap3A_12], %slice3A {strides = array<i32>} : memref<256x1000xf32, #tpu.memory_space<vmem>>, vector<256x1000xf32>,
    return
  }
  func.func @transform_0(%arg0: i32) -> (i32, i32) {
    %c0_i32 = arith.constant 0 : i32
    %c0_i32_0 = arith.constant 0 : i32
    return %arg0, %c0_i32 : i32, i32
  }
  func.func @transform_1(%arg0: i32) -> (i32, i32) {
    %c0_i32 = arith.constant 0 : i32
    %c0_i32_0 = arith.constant 0 : i32
    return %arg0, %c0_i32 : i32, i32
  }
}

</mosaic_0001>

<sc_bundles>
// kernel: kernel.4.cloned.1.call-start
scs
__scs_entry_jumppad:
0x0: {  	(pc) =	sbr.rel $0x88, $3  }
0x1: {  	(tag) =	ssettag $0x0;
	lr =	simm.s32 $0x1  }
0x2: {  	[smem:$0x3F9C] =	sst lr;
	_ =	strace $0xD0000000  }
0x3: {  	_ = 	snop  }
0x4: {  	_ = 	snop  }
0x5: {  	_ = 	snop  }
0x6: {  	_ = 	snop  }
0x7: {  	_ = 	snop  }
__scs_overlays_trampoline_lowered:
0x8: {  	[smem:$0x3FAB] =	sst s0  }
0x9: {  	[smem:$0x3FAC] =	sst s1  }
0xa: {  	[smem:$0x3FAD] =	sst s2  }
0xb: {  	[smem:$0x3FAE] =	sst s3  }
0xc: {  	[smem:$0x3FAF] =	sst s4  }
0xd: {  	[smem:$0x3FB0] =	sst s5  }
0xe: {  	[smem:$0x3FB1] =	sst s6  }
0xf: {  	[smem:$0x3FB2] =	sst s7  }
0x10: {  	[smem:$0x3FB3] =	sst s8  }
0x11: {  	[smem:$0x3FB4] =	sst s9;
	s0 =	simm.s32 @!p0 $0x0  }
0x12: {  	s1 =	sld [smem:$0x3F9A];
	s0 =	simm.s32 @p0 $0x1  }
0x13: {  	[smem:$0x3FB5] =	sst s0;
	s0 =	simm.s32 @!p1 $0x0  }
0x14: {  	s2 =	sld [smem:$0x3F99];
	s0 =	simm.s32 @p1 $0x1  }
0x15: {  	[smem:$0x3FB6] =	sst s0;
	s0 =	simm.s32 @!p2 $0x0  }
0x16: {  	s3 =	sld [smem:$0x3FDB];
	s0 =	simm.s32 @p2 $0x1  }
0x17: {  	s4 =	simm.s32 $0x1BF5;
	[smem:$0x3FB8] =	sst s0  }
0x18: {  	s0 =	sld [smem:$0x3F9B];
	_ =	swait.ge [sflag:s4], $0x0  }
0x19: {  	s7 =	sld [smem:$0x3F9C]  }
0x1a: {  	s8 =	sadd.s32 $0xFFFFE003, lr  }
0x1b: {  	s9 =	sadd.s32 $0xFFFFFEF7, lr;
	s5 =	simm.s32 $0xFFFFFFFF;
	p2 =	slt.u32 s8, $0xFFFFF086  }
0x1c: {  	p1 =	slt.u32 s9, $0xF7A;
	s5 =	simm.s32 @!p2 $0x0  }
0x1d: {  	s5 =	simm.s32 @p1 $0x1;
	p0 =	seq.s32 s7, s2  }
0x1e: {  	s7 =	smul.u32 @!p0 $0xF7A, s2;
	p2 =	seq.s32 @!p0 s5, $0x0  }
0x1f: {  	s9 =	smul.u32 $0xF7A, s1;
	s8 =	simm.s32 @!p0 $0x1BF5;
	p2 =	por !p2, p0  }
0x20: {  	[sflag:s8] =	ssyncset.s32 @!p0 $0xFFFFF086;
	s6 =	sadd.s32 @!p0 s3, s7;
	s7 =	simm.s32 @!p0 $0x108  }
0x21: {  	s3 =	sadd.s32 s3, s9;
	s6 =	sadd.s32 @!p0 $0x88, s6;
	s7 =	simm.s32 @p2 $0x1082  }
0x22: {  	[simem:s7], [sflag:s8] =	dma.local @!p0 [hbm:s6], $0xF7A  }
0x23: {  	s9 =	sor.u32 $0xD0000000, s2;
	s6 =	simm.s32 $0x108;
	_ =	swait.ge @!p0 [sflag:s8], $0x0  }
0x24: {  	s3 =	sadd.s32 $0x88, s3;
	s6 =	simm.s32 @!p1 $0x1082;
	[sflag:s4] =	ssyncset.s32 $0xFFFFF086  }
0x25: {  	[simem:s6], [sflag:s4] =	dma.local [hbm:s3], $0xF7A  }
0x26: {  	[smem:$0x3F9C] =	sst s1;
	(tag) =	ssettag s2;
	_ =	strace s9  }
0x27: {  	s1 =	sld [smem:$0x3FAC]  }
0x28: {  	s2 =	sld [smem:$0x3FAD]  }
0x29: {  	s4 =	sld [smem:$0x3FAF]  }
0x2a: {  	p0 =	seq.s32 s5, $0x0;
	s5 =	sld [smem:$0x3FB0]  }
0x2b: {  	s6 =	sld [smem:$0x3FB1]  }
0x2c: {  	s7 =	sld [smem:$0x3FB2]  }
0x2d: {  	s3 =	simm.s32 $0x108;
	s8 =	sld [smem:$0x3FB3]  }
0x2e: {  	s3 =	simm.s32 @!p0 $0x1082;
	s9 =	sld [smem:$0x3FB4]  }
0x2f: {  	lr =	sadd.s32 s0, s3;
	s0 =	sld [smem:$0x3FAB]  }
0x30: {  	s3 =	sld [smem:$0x3FAE]  }
0x31: {  	[smem:$0x3FB7] =	sst s10  }
0x32: {  	s10 =	sld [smem:$0x3FB5];
	_ =	sdelay $0x3  }
0x33: {  	p0 =	seq.s32 s10, $0x1;
	s10 =	sld [smem:$0x3FB7];
	_ =	sdelay $0x3  }
0x34: {  	[smem:$0x3FB7] =	sst s10  }
0x35: {  	s10 =	sld [smem:$0x3FB6];
	_ =	sdelay $0x3  }
0x36: {  	p1 =	seq.s32 s10, $0x1;
	s10 =	sld [smem:$0x3FB7];
	_ =	sdelay $0x3  }
0x37: {  	[smem:$0x3FB7] =	sst s10  }
0x38: {  	s10 =	sld [smem:$0x3FB8]  }
0x39: {  	_ = 	snop;
	(pc) =	sbr.ind lr, $3  }
0x3a: {  	_ = 	snop  }
0x3b: {  	_ = 	snop  }
0x3c: {  	p2 =	seq.s32 s10, $0x1;
	s10 =	sld [smem:$0x3FB7]  }
0x3d: {  	_ =	shalt  }
0x3e: {  	_ =	shalt  }
0x3f: {  	_ =	shalt  }
0x40: {  	_ =	shalt  }
0x41: {  	_ =	shalt  }
0x42: {  	_ =	shalt  }
0x43: {  	_ =	shalt  }
0x44: {  	_ =	shalt  }
0x45: {  	_ =	shalt  }
0x46: {  	_ =	shalt  }
0x47: {  	_ =	shalt  }
0x48: {  	_ =	shalt  }
0x49: {  	_ =	shalt  }
0x4a: {  	_ =	shalt  }
0x4b: {  	_ =	shalt  }
0x4c: {  	_ =	shalt  }
0x4d: {  	_ =	shalt  }
0x4e: {  	_ =	shalt  }
0x4f: {  	_ =	shalt  }
0x50: {  	_ =	shalt  }
0x51: {  	_ =	shalt  }
0x52: {  	_ =	shalt  }
0x53: {  	_ =	shalt  }
0x54: {  	_ =	shalt  }
0x55: {  	_ =	shalt  }
0x56: {  	_ =	shalt  }
0x57: {  	_ =	shalt  }
0x58: {  	_ =	shalt  }
0x59: {  	_ =	shalt  }
0x5a: {  	_ =	shalt  }
0x5b: {  	_ =	shalt  }
0x5c: {  	_ =	shalt  }
0x5d: {  	_ =	shalt  }
0x5e: {  	_ =	shalt  }
0x5f: {  	_ =	shalt  }
0x60: {  	_ =	shalt  }
0x61: {  	_ =	shalt  }
0x62: {  	_ =	shalt  }
0x63: {  	_ =	shalt  }
0x64: {  	_ =	shalt  }
0x65: {  	_ =	shalt  }
0x66: {  	_ =	shalt  }
0x67: {  	_ =	shalt  }
0x68: {  	_ =	shalt  }
0x69: {  	_ =	shalt  }
0x6a: {  	_ =	shalt  }
0x6b: {  	_ =	shalt  }
0x6c: {  	_ =	shalt  }
0x6d: {  	_ =	shalt  }
0x6e: {  	_ =	shalt  }
0x6f: {  	_ =	shalt  }
0x70: {  	_ =	shalt  }
0x71: {  	_ =	shalt  }
0x72: {  	_ =	shalt  }
0x73: {  	_ =	shalt  }
0x74: {  	_ =	shalt  }
0x75: {  	_ =	shalt  }
0x76: {  	_ =	shalt  }
0x77: {  	_ =	shalt  }
0x78: {  	_ =	shalt  }
0x79: {  	_ =	shalt  }
0x7a: {  	_ =	shalt  }
0x7b: {  	_ =	shalt  }
0x7c: {  	_ =	shalt  }
0x7d: {  	_ =	shalt  }
0x7e: {  	_ =	shalt  }
0x7f: {  	_ =	shalt  }
0x80: {  	_ =	shalt  }
0x81: {  	_ =	shalt  }
0x82: {  	_ =	shalt  }
0x83: {  	_ =	shalt  }
0x84: {  	_ =	shalt  }
0x85: {  	_ =	shalt  }
0x86: {  	_ =	shalt  }
0x87: {  	_ =	shalt  }
.Lfunc_end0:
.L_simem_size_0:
called_computation_lowered:
.L_overlay_start_0:
0x88: {  	s2 =	sld [smem:$0x3FD9]  }
0x89: {  	s3 =	sld [smem:$0x3FFE];
	_ =	sdelay $0x1  }
0x8a: {  	s1 =	srdreg.scid  }
0x8b: {  	s0 =	sand.u32 $0x1, s1  }
0x8c: {  	s17 =	sshll.u32 s0, $0xA;
	s2 =	sadd.s32 s3, s2  }
0x8d: {  	s2 =	sadd.s32 s2, s17  }
0x8e: {  	[smem:$0x3FC3] =	sst s2  }
0x8f: {  	_ = 	snop  }
0x90: {  	s2 =	sld [smem:$0x3FC9]  }
0x91: {  	s18 =	sld [smem:$0x3FC8]  }
0x92: {  	s4 =	sld [smem:$0x3FC7]  }
0x93: {  	s5 =	sld [smem:$0x3FC6]  }
0x94: {  	s6 =	sld [smem:$0x3FC5];
	(tm) =	ssettm $0x1  }
0x95: {  	s7 =	sld [smem:$0x3FFB];
	_ =	sdelay $0x3  }
0x96: {  	_ =	strace s7  }
0x97: {  	s7 =	sld [smem:$0x3FFC];
	_ =	sdelay $0x3  }
0x98: {  	_ =	strace s7  }
0x99: {  	s7 =	sld [smem:$0x3FFD];
	_ =	sdelay $0x3  }
0x9a: {  	_ =	strace s7  }
0x9b: {  	_ =	strace $0x8FFFFFFF  }
0x9c: {  	s19 =	sld [smem:$0x3FDB];
	_ =	sdelay $0x1  }
0x9d: {  	s8 =	simm.s32 $_scs_section_size  }
0x9e: {  	s9 =	simm.s32 $_size__tile_overlayer_lowered;
	s10 =	simm.s32 $_tile_overlayer_lowered  }
0x9f: {  	s22 =	simm.s32 $0x1BFF;
	s21 =	sshll.u32 s10, $0x1;
	s7 =	sadd.s32 s8, s19  }
0xa0: {  	s11 =	simm.s32 $0x0;
	s20 =	sshll.u32 s9, $0x1;
	s9 =	sadd.s32 s21, s7  }
0xa1: {  	[timem:s11], [sflag:s22] =	dma.local [hbm:s9], s20  }
0xa2: {  	_ =	swait.ge [sflag:s22], s20  }
0xa3: {  	s8 =	ssub.s32 $0x0, s20;
	[sflag:s22] =	ssyncset.done $0x0  }
0xa4: {  	[sflag:s22] =	ssyncadd.s32 s8;
	_ =	sdelay $0x1  }
0xa5: {  	s23 =	simm.s32 $0x1B8B  }
0xa6: {  	_ =	swait.ge [sflag:s23], $0x1  }
0xa7: {  	[sflag:s23] =	ssyncset.done $0x0  }
0xa8: {  	s25 =	simm.s32 $0x1B8E;
	s24 =	sld [smem:$0x3FFE];
	[sflag:s23] =	ssyncadd.s32 $0xFFFFFFFF  }
0xa9: {  	s26 =	simm.s32 $execute0_lowered;
	[smem:$0x3FD2] =	sst s25  }
0xaa: {  	s9 =	sshll.u32 s26, $0x1;
	_ =	strace $0x80000046;
	[dreg:$0x1] =	wrdreg $0xFFFFFFFF  }
0xab: {  	s28 =	simm.s32 $_size_execute0_lowered;
	s7 =	sadd.s32 s7, s9;
	[dreg:$0x0] =	wrdreg $0x0  }
0xac: {  	s9 =	sshll.u32 s28, $0x1;
	[dreg:$0x2] =	wrdreg s7  }
0xad: {  	[dreg:$0x3] =	wrdreg s9  }
0xae: {  	[dreg:$0x4] =	wrdreg $0xC0  }
0xaf: {  	_ =	task [dreg:s11], $0x5FFFF  }
0xb0: {  	[dreg:$0x1] =	wrdreg $0xFFFFFFFF  }
0xb1: {  	[dreg:$0x0] =	wrdreg $0x60  }
0xb2: {  	[dreg:$0x2] =	wrdreg s2  }
0xb3: {  	[dreg:$0x3] =	wrdreg s18  }
0xb4: {  	[dreg:$0x4] =	wrdreg s4  }
0xb5: {  	[dreg:$0x5] =	wrdreg s5  }
0xb6: {  	[dreg:$0x6] =	wrdreg s6  }
0xb7: {  	[dreg:$0x7] =	wrdreg s24  }
0xb8: {  	[dreg:$0x8] =	wrdreg $0x9  }
0xb9: {  	_ =	task.clear_ibuf [dreg:s11], $0x9FFFF;
	_ =	strace $0x90000046  }
0xba: {  	s29 =	simm.s32 $0x9;
	_ =	strace $0x80000048  }
0xbb: {  	_ =	swait.ge [sflag:s29], $0x1  }
0xbc: {  	[sflag:s29] =	ssyncadd.s32 $0xFFFFFFFF  }
0xbd: {  	_ =	strace $0x90000048  }
0xbe: {  	_ =	sfence  }
0xbf: {  	s30 =	sld [smem:$0x0];
	_ =	sdelay $0x2  }
0xc0: {  	s31 =	sshll.u32 s1, $0xD;
	s1 =	sshrl.u32 s1, $0x2  }
0xc1: {  	s3 =	sand.u32 $0x4000, s31;
	s1 =	sadd.s32 s1, s30  }
0xc2: {  	s0 =	sor.u32 s3, s0;
	s1 =	sshll.u32 s1, $0x11  }
0xc3: {  	s0 =	sor.u32 s1, s0  }
0xc4: {  	s0 =	sadd.s32 $0x8F2B, s0  }
0xc5: {  	[sflag:s0] =	ssyncadd.remote.s32 $0x1  }
0xc6: {  	_ =	sfence.sel $0xFFFF  }
0xc7: {  	[dreg:$0x0] =	wrdreg $0xFFFFFFFF;
	(pc) =	sbr.abs _section_cstart, $3  }
0xc8: {  	[dreg:$0x1] =	wrdreg $0xFFFFFFFF  }
0xc9: {  	_ =	task.clear_ibuf [dreg:s11], $0x2FFFF;
	_ =	strace $0x9FFFFFFF  }
0xca: {  	(tm) =	ssettm $0x7FFFFFFF  }
0xcb: {  	_ =	shalt  }
tec
execute0_lowered:
.L_overlay_start_1:
0x0: {  	(tag) =	ssettag $0x1  }
0x1: {  	s0 =	rddreg [dreg:$0x0]  }
0x2: {  	s1 =	rddreg [dreg:$0x1]  }
0x3: {  	s2 =	rddreg [dreg:$0x2]  }
0x4: {  	s4 =	rddreg [dreg:$0x3]  }
0x5: {  	s3 =	rddreg [dreg:$0x4]  }
0x6: {  	s6 =	rddreg [dreg:$0x5];
	s5 =	simm.s32 $0x0;
	s7 =	srdreg.scid  }
0x7: {  	s9 =	stileid.u32;
	s30 =	simm.s32 $0x80;
	s22 =	simm.s32 $0x11000  }
0x8: {  	s23 =	simm.s32 $0x11880;
	s24 =	simm.s32 $0x11980;
	s28 =	simm.s32 $0x12280  }
0x9: {  	s29 =	simm.s32 $0x400;
	s31 =	simm.s32 $0x2;
	s7 =	sand.u32 $0x1, s7  }
0xa: {  	s9 =	sshll.u32 s9, $0x5;
	s8 =	ssub.s32 $0x2, s7;
	s7 =	sshll.u32 s7, $0x4  }
0xb: {  	[smem:$0x7FF] =	sst s5;
	s6 =	sadd.s32 $0x600, s6;
	s7 =	sor.u32 s7, s9  }
0xc: {  	_ =	strace $0x80000047;
	s10 =	sshrl.u32 s8, $0x1;
	s9 =	sshll.u32 s7, $0x4  }
0xd: {  	s8 =	ssub.s32 s8, s10;
	s25 =	sshll.u32 s7, $0x5;
	s4 =	sadd.s32 s4, s9  }
0xe: {  	v3 =	vlaneseq.u32;
	s0 =	sadd.s32 s0, s25;
	s26 =	smax.u32 s8, $0x1;
	[dreg:$0x7] =	wrdreg s4  }
0xf: {  	vm0 =	vmmov $0xffff;
	v4 =	vimm.f32 $0.0e+00;
	v0 =	vshrl.u32 v3, $0x3;
	s25 =	simm.s32 $0x1;
	s9 =	simm.s32 $0x0;
	[dreg:$0x8] =	wrdreg s0  }
0x10: {  	v1 =	vand.u32 $0x7, v3;
	v3 =	vor.u32 $0x8, v3;
	v2 =	vmul.u32 $0x8, v0;
	[dreg:$0x9] =	wrdreg s26;
	s26 =	simm.s32 $0x11A00;
	s0 =	simm.s32 $0x12680  }
.LBB2_1:
0x11: {  	[dreg:$0xa] =	wrdreg s9  }
0x12: {  	s4 =	rddreg [dreg:$0x7];
	s8 =	simm.s32 $0x5  }
0x13: {  	[tilespmem:s5], [sflag:$0x5] =	stream.linear.gather [hbm4b:s4+s5], $0x800, $0x38;
	[tilespmem:$0x12A80] =	vst v63  }
0x14: {  	_ =	swait.ge [sflag:s8], $0x800  }
0x15: {  	[sflag:s8] =	ssyncset.done $0x0  }
0x16: {  	s17 =	simm.s32 $0x800;
	s16 =	rddreg [dreg:$0x8];
	[sflag:s8] =	ssyncadd.s32 $0xFFFFF800  }
0x17: {  	[tilespmem:s17], [sflag:$0x5] =	stream.linear.gather [hbm4b:s16+s5], $0x1000, $0x38;
	[tilespmem:$0x12A80] =	vst v63  }
0x18: {  	_ =	swait.ge [sflag:s8], $0x1000  }
0x19: {  	[sflag:s8] =	ssyncset.done $0x0  }
0x1a: {  	[sflag:s8] =	ssyncadd.s32 $0xFFFFF000  }
0x1b: {  	v0 =	vld [tilespmem:$0x0];
	_ =	sdelay $0x4  }
0x1c: {  	v5 =	vshll.u32 v0, $0x1  }
0x1d: {  	v0 =	vand.u32 $0x7, v0;
	v5 =	vand.u32 $0xFFFFFFF0, v5  }
0x1e: {  	v0 =	vor.u32 v0, v5  }
0x1f: {  	v5 =	vperm.xlane v0, v1;
	_ =	sdelay $0x1  }
0x20: {  	v0 =	vperm.xlane v0, v3;
	v5 =	vadd.s32 v2, v5;
	_ =	sdelay $0x1  }
0x21: {  	v0 =	vadd.s32 v2, v0;
	_ =	sdelay $0x1  }
0x22: {  	s18 =	simm.s32 $0x1800  }
0x23: {  	[tilespmem:s18], [sflag:$0x1] =	stream.indirect_vreg.gather [hbm4b:s1+s5], $0x80, v5, vm0, $0xb8;
	[tilespmem:$0x12A80] =	vst v63  }
0x24: {  	s19 =	simm.s32 $0x2000  }
0x25: {  	[tilespmem:s19], [sflag:$0x1] =	stream.indirect_vreg.gather [hbm4b:s1+s5], $0x80, v0, vm0, $0xb8;
	[tilespmem:$0x12A80] =	vst v63  }
0x26: {  	v0 =	vld [tilespmem:$0x10];
	_ =	sdelay $0x4  }
0x27: {  	v5 =	vshll.u32 v0, $0x1  }
0x28: {  	v0 =	vand.u32 $0x7, v0;
	v5 =	vand.u32 $0xFFFFFFF0, v5  }
0x29: {  	v0 =	vor.u32 v0, v5  }
0x2a: {  	v5 =	vperm.xlane v0, v1;
	_ =	sdelay $0x1  }
0x2b: {  	v0 =	vperm.xlane v0, v3;
	v5 =	vadd.s32 v2, v5;
	_ =	sdelay $0x1  }
0x2c: {  	v0 =	vadd.s32 v2, v0;
	_ =	sdelay $0x1  }
0x2d: {  	s20 =	simm.s32 $0x2800  }
0x2e: {  	[tilespmem:s20], [sflag:$0x1] =	stream.indirect_vreg.gather [hbm4b:s1+s5], $0x80, v5, vm0, $0xb8;
	[tilespmem:$0x12A80] =	vst v63  }
0x2f: {  	s21 =	simm.s32 $0x3000  }
0x30: {  	[tilespmem:s21], [sflag:$0x1] =	stream.indirect_vreg.gather [hbm4b:s1+s5], $0x80, v0, vm0, $0xb8;
	[tilespmem:$0x12A80] =	vst v63  }
0x31: {  	v0 =	vld [tilespmem:$0x20];
	_ =	sdelay $0x4  }
0x32: {  	v5 =	vshll.u32 v0, $0x1  }
0x33: {  	v0 =	vand.u32 $0x7, v0;
	v5 =	vand.u32 $0xFFFFFFF0, v5  }
0x34: {  	v0 =	vor.u32 v0, v5  }
0x35: {  	v5 =	vperm.xlane v0, v1;
	_ =	sdelay $0x1  }
0x36: {  	v0 =	vperm.xlane v0, v3;
	v5 =	vadd.s32 v2, v5;
	_ =	sdelay $0x1  }
0x37: {  	v0 =	vadd.s32 v2, v0;
	_ =	sdelay $0x1  }
0x38: {  	s8 =	simm.s32 $0x3800  }
0x39: {  	[tilespmem:s8], [sflag:$0x1] =	stream.indirect_vreg.gather [hbm4b:s1+s5], $0x80, v5, vm0, $0xb8;
	[tilespmem:$0x12A80] =	vst v63  }
0x3a: {  	s9 =	simm.s32 $0x4000  }
0x3b: {  	[tilespmem:s9], [sflag:$0x1] =	stream.indirect_vreg.gather [hbm4b:s1+s5], $0x80, v0, vm0, $0xb8;
	[tilespmem:$0x12A80] =	vst v63  }
0x3c: {  	v0 =	vld [tilespmem:$0x30];
	_ =	sdelay $0x4  }
0x3d: {  	v5 =	vshll.u32 v0, $0x1  }
0x3e: {  	v0 =	vand.u32 $0x7, v0;
	v5 =	vand.u32 $0xFFFFFFF0, v5  }
0x3f: {  	v0 =	vor.u32 v0, v5  }
0x40: {  	v5 =	vperm.xlane v0, v1;
	_ =	sdelay $0x1  }
0x41: {  	v0 =	vperm.xlane v0, v3;
	v5 =	vadd.s32 v2, v5;
	_ =	sdelay $0x1  }
0x42: {  	v0 =	vadd.s32 v2, v0;
	_ =	sdelay $0x1  }
0x43: {  	s10 =	simm.s32 $0x4800  }
0x44: {  	[tilespmem:s10], [sflag:$0x1] =	stream.indirect_vreg.gather [hbm4b:s1+s5], $0x80, v5, vm0, $0xb8;
	[tilespmem:$0x12A80] =	vst v63  }
0x45: {  	s11 =	simm.s32 $0x5000  }
0x46: {  	[tilespmem:s11], [sflag:$0x1] =	stream.indirect_vreg.gather [hbm4b:s1+s5], $0x80, v0, vm0, $0xb8;
	[tilespmem:$0x12A80] =	vst v63  }
0x47: {  	v0 =	vld [tilespmem:$0x40];
	_ =	sdelay $0x4  }
0x48: {  	v5 =	vshll.u32 v0, $0x1  }
0x49: {  	v0 =	vand.u32 $0x7, v0;
	v5 =	vand.u32 $0xFFFFFFF0, v5  }
0x4a: {  	v0 =	vor.u32 v0, v5  }
0x4b: {  	v5 =	vperm.xlane v0, v1;
	_ =	sdelay $0x1  }
0x4c: {  	v0 =	vperm.xlane v0, v3;
	v5 =	vadd.s32 v2, v5;
	_ =	sdelay $0x1  }
0x4d: {  	v0 =	vadd.s32 v2, v0;
	_ =	sdelay $0x1  }
0x4e: {  	s12 =	simm.s32 $0x5800  }
0x4f: {  	[tilespmem:s12], [sflag:$0x1] =	stream.indirect_vreg.gather [hbm4b:s1+s5], $0x80, v5, vm0, $0xb8;
	[tilespmem:$0x12A80] =	vst v63  }
0x50: {  	s13 =	simm.s32 $0x6000  }
0x51: {  	[tilespmem:s13], [sflag:$0x1] =	stream.indirect_vreg.gather [hbm4b:s1+s5], $0x80, v0, vm0, $0xb8;
	[tilespmem:$0x12A80] =	vst v63  }
0x52: {  	v0 =	vld [tilespmem:$0x50];
	_ =	sdelay $0x4  }
0x53: {  	v5 =	vshll.u32 v0, $0x1  }
0x54: {  	v0 =	vand.u32 $0x7, v0;
	v5 =	vand.u32 $0xFFFFFFF0, v5  }
0x55: {  	v0 =	vor.u32 v0, v5  }
0x56: {  	v5 =	vperm.xlane v0, v1;
	_ =	sdelay $0x1  }
0x57: {  	v0 =	vperm.xlane v0, v3;
	v5 =	vadd.s32 v2, v5;
	_ =	sdelay $0x1  }
0x58: {  	v0 =	vadd.s32 v2, v0;
	_ =	sdelay $0x1  }
0x59: {  	s14 =	simm.s32 $0x6800  }
0x5a: {  	[tilespmem:s14], [sflag:$0x1] =	stream.indirect_vreg.gather [hbm4b:s1+s5], $0x80, v5, vm0, $0xb8;
	[tilespmem:$0x12A80] =	vst v63  }
0x5b: {  	s15 =	simm.s32 $0x7000  }
0x5c: {  	[tilespmem:s15], [sflag:$0x1] =	stream.indirect_vreg.gather [hbm4b:s1+s5], $0x80, v0, vm0, $0xb8;
	[tilespmem:$0x12A80] =	vst v63  }
0x5d: {  	v0 =	vld [tilespmem:$0x60];
	_ =	sdelay $0x4  }
0x5e: {  	v5 =	vshll.u32 v0, $0x1  }
0x5f: {  	v0 =	vand.u32 $0x7, v0;
	v5 =	vand.u32 $0xFFFFFFF0, v5  }
0x60: {  	v0 =	vor.u32 v0, v5  }
0x61: {  	v5 =	vperm.xlane v0, v1;
	_ =	sdelay $0x1  }
0x62: {  	v0 =	vperm.xlane v0, v3;
	v5 =	vadd.s32 v2, v5;
	_ =	sdelay $0x1  }
0x63: {  	v0 =	vadd.s32 v2, v0;
	_ =	sdelay $0x1  }
0x64: {  	s16 =	simm.s32 $0x7800  }
0x65: {  	[tilespmem:s16], [sflag:$0x1] =	stream.indirect_vreg.gather [hbm4b:s1+s5], $0x80, v5, vm0, $0xb8;
	[tilespmem:$0x12A80] =	vst v63  }
0x66: {  	s17 =	simm.s32 $0x8000  }
0x67: {  	[tilespmem:s17], [sflag:$0x1] =	stream.indirect_vreg.gather [hbm4b:s1+s5], $0x80, v0, vm0, $0xb8;
	[tilespmem:$0x12A80] =	vst v63  }
0x68: {  	v0 =	vld [tilespmem:$0x70];
	_ =	sdelay $0x4  }
0x69: {  	v5 =	vshll.u32 v0, $0x1  }
0x6a: {  	v0 =	vand.u32 $0x7, v0;
	v5 =	vand.u32 $0xFFFFFFF0, v5  }
0x6b: {  	v0 =	vor.u32 v0, v5  }
0x6c: {  	v5 =	vperm.xlane v0, v1;
	_ =	sdelay $0x1  }
0x6d: {  	v0 =	vperm.xlane v0, v3;
	v5 =	vadd.s32 v2, v5;
	_ =	sdelay $0x1  }
0x6e: {  	v0 =	vadd.s32 v2, v0;
	_ =	sdelay $0x1  }
0x6f: {  	s18 =	simm.s32 $0x8800  }
0x70: {  	[tilespmem:s18], [sflag:$0x1] =	stream.indirect_vreg.gather [hbm4b:s1+s5], $0x80, v5, vm0, $0xb8;
	[tilespmem:$0x12A80] =	vst v63  }
0x71: {  	s19 =	simm.s32 $0x9000  }
0x72: {  	[tilespmem:s19], [sflag:$0x1] =	stream.indirect_vreg.gather [hbm4b:s1+s5], $0x80, v0, vm0, $0xb8;
	[tilespmem:$0x12A80] =	vst v63  }
0x73: {  	s20 =	simm.s32 $0x11800  }
0x74: {  	[tilespmem:s20], [sflag:$0x1] =	stream.indirect.gather [hbm4b:s3+s30], $0x1, s5, s30, $0xb8;
	[tilespmem:$0x12A80] =	vst v63  }
0x75: {  	s4 =	simm.s32 $0x0;
	s21 =	simm.s32 $0x11900  }
0x76: {  	[tilespmem:s21], [sflag:$0x1] =	stream.indirect.gather [hbm4b:s2+s30], $0x1, s5, s30, $0xb8;
	[tilespmem:$0x12A80] =	vst v63  }
.LBB2_2:
0x77: {  	s12 =	sshllo.u32 s4, $0x1  }
0x78: {  	s8 =	sshll.u32 s12, $0x7  }
0x79: {  	s9 =	sand.u32 $0x3FFFFF80, s8  }
0x7a: {  	v0 =	vld [tilespmem:s9+$0x0];
	_ =	sdelay $0x4  }
0x7b: {  	v5 =	vshll.u32 v0, $0x1  }
0x7c: {  	v0 =	vand.u32 $0x7, v0;
	v5 =	vand.u32 $0xFFFFFFF0, v5  }
0x7d: {  	v0 =	vor.u32 v0, v5  }
0x7e: {  	v5 =	vperm.xlane v0, v1;
	_ =	sdelay $0x1  }
0x7f: {  	v0 =	vperm.xlane v0, v3;
	v5 =	vadd.s32 v2, v5;
	_ =	sdelay $0x1  }
0x80: {  	v0 =	vadd.s32 v2, v0;
	_ =	sdelay $0x1  }
0x81: {  	s10 =	simm.s32 $0x9800  }
0x82: {  	[tilespmem:s10], [sflag:$0x2] =	stream.indirect_vreg.gather [hbm4b:s1+s5], $0x80, v5, vm0, $0xb8;
	[tilespmem:$0x12A80] =	vst v63  }
0x83: {  	s15 =	simm.s32 $0xA000  }
0x84: {  	[tilespmem:s15], [sflag:$0x2] =	stream.indirect_vreg.gather [hbm4b:s1+s5], $0x80, v0, vm0, $0xb8;
	[tilespmem:$0x12A80] =	vst v63  }
0x85: {  	v0 =	vld [tilespmem:s9+$0x10];
	_ =	sdelay $0x4  }
0x86: {  	v5 =	vshll.u32 v0, $0x1  }
0x87: {  	v0 =	vand.u32 $0x7, v0;
	v5 =	vand.u32 $0xFFFFFFF0, v5  }
0x88: {  	v0 =	vor.u32 v0, v5  }
0x89: {  	v5 =	vperm.xlane v0, v1;
	_ =	sdelay $0x1  }
0x8a: {  	v0 =	vperm.xlane v0, v3;
	v5 =	vadd.s32 v2, v5;
	_ =	sdelay $0x1  }
0x8b: {  	v0 =	vadd.s32 v2, v0;
	_ =	sdelay $0x1  }
0x8c: {  	s16 =	simm.s32 $0xA800  }
0x8d: {  	[tilespmem:s16], [sflag:$0x2] =	stream.indirect_vreg.gather [hbm4b:s1+s5], $0x80, v5, vm0, $0xb8;
	[tilespmem:$0x12A80] =	vst v63  }
0x8e: {  	s17 =	simm.s32 $0xB000  }
0x8f: {  	[tilespmem:s17], [sflag:$0x2] =	stream.indirect_vreg.gather [hbm4b:s1+s5], $0x80, v0, vm0, $0xb8;
	[tilespmem:$0x12A80] =	vst v63  }
0x90: {  	v0 =	vld [tilespmem:s9+$0x20];
	_ =	sdelay $0x4  }
0x91: {  	v5 =	vshll.u32 v0, $0x1  }
0x92: {  	v0 =	vand.u32 $0x7, v0;
	v5 =	vand.u32 $0xFFFFFFF0, v5  }
0x93: {  	v0 =	vor.u32 v0, v5  }
0x94: {  	v5 =	vperm.xlane v0, v1;
	_ =	sdelay $0x1  }
0x95: {  	v0 =	vperm.xlane v0, v3;
	v5 =	vadd.s32 v2, v5;
	_ =	sdelay $0x1  }
0x96: {  	v0 =	vadd.s32 v2, v0;
	_ =	sdelay $0x1  }
0x97: {  	s18 =	simm.s32 $0xB800  }
0x98: {  	[tilespmem:s18], [sflag:$0x2] =	stream.indirect_vreg.gather [hbm4b:s1+s5], $0x80, v5, vm0, $0xb8;
	[tilespmem:$0x12A80] =	vst v63  }
0x99: {  	s19 =	simm.s32 $0xC000  }
0x9a: {  	[tilespmem:s19], [sflag:$0x2] =	stream.indirect_vreg.gather [hbm4b:s1+s5], $0x80, v0, vm0, $0xb8;
	[tilespmem:$0x12A80] =	vst v63  }
0x9b: {  	v0 =	vld [tilespmem:s9+$0x30];
	_ =	sdelay $0x4  }
0x9c: {  	v5 =	vshll.u32 v0, $0x1  }
0x9d: {  	v0 =	vand.u32 $0x7, v0;
	v5 =	vand.u32 $0xFFFFFFF0, v5  }
0x9e: {  	v0 =	vor.u32 v0, v5  }
0x9f: {  	v5 =	vperm.xlane v0, v1;
	_ =	sdelay $0x1  }
0xa0: {  	v0 =	vperm.xlane v0, v3;
	v5 =	vadd.s32 v2, v5;
	_ =	sdelay $0x1  }
0xa1: {  	v0 =	vadd.s32 v2, v0;
	_ =	sdelay $0x1  }
0xa2: {  	s20 =	simm.s32 $0xC800  }
0xa3: {  	[tilespmem:s20], [sflag:$0x2] =	stream.indirect_vreg.gather [hbm4b:s1+s5], $0x80, v5, vm0, $0xb8;
	[tilespmem:$0x12A80] =	vst v63  }
0xa4: {  	s21 =	simm.s32 $0xD000  }
0xa5: {  	[tilespmem:s21], [sflag:$0x2] =	stream.indirect_vreg.gather [hbm4b:s1+s5], $0x80, v0, vm0, $0xb8;
	[tilespmem:$0x12A80] =	vst v63  }
0xa6: {  	v0 =	vld [tilespmem:s9+$0x40];
	_ =	sdelay $0x4  }
0xa7: {  	v5 =	vshll.u32 v0, $0x1  }
0xa8: {  	v0 =	vand.u32 $0x7, v0;
	v5 =	vand.u32 $0xFFFFFFF0, v5  }
0xa9: {  	v0 =	vor.u32 v0, v5  }
0xaa: {  	v5 =	vperm.xlane v0, v1;
	_ =	sdelay $0x1  }
0xab: {  	v0 =	vperm.xlane v0, v3;
	v5 =	vadd.s32 v2, v5;
	_ =	sdelay $0x1  }
0xac: {  	v0 =	vadd.s32 v2, v0;
	_ =	sdelay $0x1  }
0xad: {  	s11 =	simm.s32 $0xD800  }
0xae: {  	[tilespmem:s11], [sflag:$0x2] =	stream.indirect_vreg.gather [hbm4b:s1+s5], $0x80, v5, vm0, $0xb8;
	[tilespmem:$0x12A80] =	vst v63  }
0xaf: {  	s13 =	simm.s32 $0xE000  }
0xb0: {  	[tilespmem:s13], [sflag:$0x2] =	stream.indirect_vreg.gather [hbm4b:s1+s5], $0x80, v0, vm0, $0xb8;
	[tilespmem:$0x12A80] =	vst v63  }
0xb1: {  	v0 =	vld [tilespmem:s9+$0x50];
	_ =	sdelay $0x4  }
0xb2: {  	v5 =	vshll.u32 v0, $0x1  }
0xb3: {  	v0 =	vand.u32 $0x7, v0;
	v5 =	vand.u32 $0xFFFFFFF0, v5  }
0xb4: {  	v0 =	vor.u32 v0, v5  }
0xb5: {  	v5 =	vperm.xlane v0, v1;
	_ =	sdelay $0x1  }
0xb6: {  	v0 =	vperm.xlane v0, v3;
	v5 =	vadd.s32 v2, v5;
	_ =	sdelay $0x1  }
0xb7: {  	v0 =	vadd.s32 v2, v0;
	_ =	sdelay $0x1  }
0xb8: {  	s14 =	simm.s32 $0xE800  }
0xb9: {  	[tilespmem:s14], [sflag:$0x2] =	stream.indirect_vreg.gather [hbm4b:s1+s5], $0x80, v5, vm0, $0xb8;
	[tilespmem:$0x12A80] =	vst v63  }
0xba: {  	s15 =	simm.s32 $0xF000  }
0xbb: {  	[tilespmem:s15], [sflag:$0x2] =	stream.indirect_vreg.gather [hbm4b:s1+s5], $0x80, v0, vm0, $0xb8;
	[tilespmem:$0x12A80] =	vst v63  }
0xbc: {  	v0 =	vld [tilespmem:s9+$0x60];
	_ =	sdelay $0x4  }
0xbd: {  	v5 =	vshll.u32 v0, $0x1  }
0xbe: {  	v0 =	vand.u32 $0x7, v0;
	v5 =	vand.u32 $0xFFFFFFF0, v5  }
0xbf: {  	v0 =	vor.u32 v0, v5  }
0xc0: {  	v5 =	vperm.xlane v0, v1;
	_ =	sdelay $0x1  }
0xc1: {  	v0 =	vperm.xlane v0, v3;
	v5 =	vadd.s32 v2, v5;
	_ =	sdelay $0x1  }
0xc2: {  	v0 =	vadd.s32 v2, v0;
	_ =	sdelay $0x1  }
0xc3: {  	s16 =	simm.s32 $0xF800  }
0xc4: {  	[tilespmem:s16], [sflag:$0x2] =	stream.indirect_vreg.gather [hbm4b:s1+s5], $0x80, v5, vm0, $0xb8;
	[tilespmem:$0x12A80] =	vst v63  }
0xc5: {  	s17 =	simm.s32 $0x10000  }
0xc6: {  	[tilespmem:s17], [sflag:$0x2] =	stream.indirect_vreg.gather [hbm4b:s1+s5], $0x80, v0, vm0, $0xb8;
	[tilespmem:$0x12A80] =	vst v63  }
0xc7: {  	v0 =	vld [tilespmem:s9+$0x70];
	_ =	sdelay $0x4  }
0xc8: {  	v5 =	vshll.u32 v0, $0x1  }
0xc9: {  	v0 =	vand.u32 $0x7, v0;
	v5 =	vand.u32 $0xFFFFFFF0, v5  }
0xca: {  	v0 =	vor.u32 v0, v5  }
0xcb: {  	v5 =	vperm.xlane v0, v1;
	_ =	sdelay $0x1  }
0xcc: {  	v0 =	vperm.xlane v0, v3;
	v5 =	vadd.s32 v2, v5;
	_ =	sdelay $0x1  }
0xcd: {  	v0 =	vadd.s32 v2, v0;
	_ =	sdelay $0x1  }
0xce: {  	s18 =	simm.s32 $0x10800  }
0xcf: {  	[tilespmem:s18], [sflag:$0x2] =	stream.indirect_vreg.gather [hbm4b:s1+s5], $0x80, v5, vm0, $0xb8;
	[tilespmem:$0x12A80] =	vst v63  }
0xd0: {  	_ = 	snop  }
0xd1: {  	[tilespmem:s22], [sflag:$0x2] =	stream.indirect_vreg.gather [hbm4b:s1+s5], $0x80, v0, vm0, $0xb8;
	[tilespmem:$0x12A80] =	vst v63  }
0xd2: {  	_ = 	snop  }
0xd3: {  	[tilespmem:s23], [sflag:$0x2] =	stream.indirect.gather [hbm4b:s3+s30], $0x1, s9, s30, $0xb8;
	[tilespmem:$0x12A80] =	vst v63  }
0xd4: {  	_ = 	snop  }
0xd5: {  	[tilespmem:s24], [sflag:$0x2] =	stream.indirect.gather [hbm4b:s2+s30], $0x1, s9, s30, $0xb8;
	[tilespmem:$0x12A80] =	vst v63  }
0xd6: {  	_ =	swait.ge [sflag:s25], $0x8000  }
0xd7: {  	[sflag:s25] =	ssyncset.done $0x0  }
0xd8: {  	[sflag:s25] =	ssyncadd.s32 $0xFFFF8000  }
0xd9: {  	_ =	swait.ge [sflag:s25], $0x80  }
0xda: {  	[sflag:s25] =	ssyncset.done $0x0  }
0xdb: {  	[sflag:s25] =	ssyncadd.s32 $0xFFFFFF80  }
0xdc: {  	_ =	swait.ge [sflag:s25], $0x80  }
0xdd: {  	p0 =	seq.s32 s4, $0x0;
	[sflag:s25] =	ssyncset.done $0x0  }
0xde: {  	s9 =	simm.s32 @!p0 $0x3;
	[sflag:s25] =	ssyncadd.s32 $0xFFFFFF80  }
0xdf: {  	_ =	swait.ge @!p0 [sflag:s9], $0x400  }
0xe0: {  	[sflag:s9] =	ssyncset.done @!p0 $0x0  }
0xe1: {  	[sflag:s9] =	ssyncadd.s32 @!p0 $0xFFFFFC00  }
0xe2: {  	[tilespmem:$0x12280] =	vst v4  }
0xe3: {  	[tilespmem:$0x12290] =	vst v4  }
0xe4: {  	[tilespmem:$0x122A0] =	vst v4  }
0xe5: {  	[tilespmem:$0x122B0] =	vst v4  }
0xe6: {  	[tilespmem:$0x122C0] =	vst v4  }
0xe7: {  	[tilespmem:$0x122D0] =	vst v4  }
0xe8: {  	[tilespmem:$0x122E0] =	vst v4  }
0xe9: {  	[tilespmem:$0x122F0] =	vst v4  }
0xea: {  	[tilespmem:$0x12300] =	vst v4  }
0xeb: {  	[tilespmem:$0x12310] =	vst v4  }
0xec: {  	[tilespmem:$0x12320] =	vst v4  }
0xed: {  	[tilespmem:$0x12330] =	vst v4  }
0xee: {  	[tilespmem:$0x12340] =	vst v4  }
0xef: {  	[tilespmem:$0x12350] =	vst v4  }
0xf0: {  	[tilespmem:$0x12360] =	vst v4  }
0xf1: {  	[tilespmem:$0x12370] =	vst v4  }
0xf2: {  	[tilespmem:$0x12380] =	vst v4  }
0xf3: {  	[tilespmem:$0x12390] =	vst v4  }
0xf4: {  	[tilespmem:$0x123A0] =	vst v4  }
0xf5: {  	[tilespmem:$0x123B0] =	vst v4  }
0xf6: {  	[tilespmem:$0x123C0] =	vst v4  }
0xf7: {  	[tilespmem:$0x123D0] =	vst v4  }
0xf8: {  	[tilespmem:$0x123E0] =	vst v4  }
0xf9: {  	[tilespmem:$0x123F0] =	vst v4  }
0xfa: {  	[tilespmem:$0x12400] =	vst v4  }
0xfb: {  	[tilespmem:$0x12410] =	vst v4  }
0xfc: {  	[tilespmem:$0x12420] =	vst v4  }
0xfd: {  	[tilespmem:$0x12430] =	vst v4  }
0xfe: {  	[tilespmem:$0x12440] =	vst v4  }
0xff: {  	[tilespmem:$0x12450] =	vst v4  }
0x100: {  	[tilespmem:$0x12460] =	vst v4  }
0x101: {  	[tilespmem:$0x12470] =	vst v4  }
0x102: {  	[tilespmem:$0x12480] =	vst v4  }
0x103: {  	[tilespmem:$0x12490] =	vst v4  }
0x104: {  	[tilespmem:$0x124A0] =	vst v4  }
0x105: {  	[tilespmem:$0x124B0] =	vst v4  }
0x106: {  	[tilespmem:$0x124C0] =	vst v4  }
0x107: {  	[tilespmem:$0x124D0] =	vst v4  }
0x108: {  	[tilespmem:$0x124E0] =	vst v4  }
0x109: {  	[tilespmem:$0x124F0] =	vst v4  }
0x10a: {  	[tilespmem:$0x12500] =	vst v4  }
0x10b: {  	[tilespmem:$0x12510] =	vst v4  }
0x10c: {  	[tilespmem:$0x12520] =	vst v4  }
0x10d: {  	[tilespmem:$0x12530] =	vst v4  }
0x10e: {  	[tilespmem:$0x12540] =	vst v4  }
0x10f: {  	[tilespmem:$0x12550] =	vst v4  }
0x110: {  	[tilespmem:$0x12560] =	vst v4  }
0x111: {  	[tilespmem:$0x12570] =	vst v4  }
0x112: {  	[tilespmem:$0x12580] =	vst v4  }
0x113: {  	[tilespmem:$0x12590] =	vst v4  }
0x114: {  	[tilespmem:$0x125A0] =	vst v4  }
0x115: {  	[tilespmem:$0x125B0] =	vst v4  }
0x116: {  	[tilespmem:$0x125C0] =	vst v4  }
0x117: {  	[tilespmem:$0x125D0] =	vst v4  }
0x118: {  	[tilespmem:$0x125E0] =	vst v4  }
0x119: {  	[tilespmem:$0x125F0] =	vst v4  }
0x11a: {  	[tilespmem:$0x12600] =	vst v4  }
0x11b: {  	[tilespmem:$0x12610] =	vst v4  }
0x11c: {  	[tilespmem:$0x12620] =	vst v4  }
0x11d: {  	[tilespmem:$0x12630] =	vst v4  }
0x11e: {  	s13 =	simm.s32 $0x0;
	[tilespmem:$0x12640] =	vst v4  }
0x11f: {  	s13 =	sand.u32 $0x7800, s13;
	s14 =	simm.s32 $0x80;
	[tilespmem:$0x12650] =	vst v4  }
0x120: {  	s13 =	sadd.s32 $0x1800, s13;
	s14 =	sand.u32 $0x380, s14;
	[tilespmem:$0x12660] =	vst v4  }
0x121: {  	s14 =	sor.u32 s14, s13;
	[tilespmem:$0x12670] =	vst v4  }
0x122: {  	v16 =	vld [tilespmem:s14+$0x460]  }
0x123: {  	v21 =	vld [tilespmem:s14+$0x430]  }
0x124: {  	v22 =	vld [tilespmem:s14+$0x450]  }
0x125: {  	v24 =	vld [tilespmem:s14+$0x70]  }
0x126: {  	v26 =	vld [tilespmem:s14+$0x420]  }
0x127: {  	v27 =	vld [tilespmem:s14+$0x30]  }
0x128: {  	v25 =	vld [tilespmem:s14+$0x410]  }
0x129: {  	v28 =	vld [tilespmem:s14+$0x60]  }
0x12a: {  	s19 =	sshll.u32 s4, $0x9;
	v29 =	vld [tilespmem:s14+$0x40]  }
0x12b: {  	s11 =	sshll.u32 s4, $0x8;
	s9 =	sand.u32 $0x800, s19;
	v30 =	vld [tilespmem:s14+$0x20]  }
0x12c: {  	s20 =	sand.u32 $0x300, s11;
	s9 =	sadd.s32 $0x800, s9;
	v32 =	vld [tilespmem:s14+$0x10]  }
0x12d: {  	s10 =	sor.u32 s20, s9;
	v33 =	vld [tilespmem:s14+$0x50]  }
0x12e: {  	v10 =	vld [tilespmem:s10+$0x0]  }
0x12f: {  	v11 =	vld [tilespmem:s10+$0x10]  }
0x130: {  	v12 =	vld [tilespmem:s10+$0x20]  }
0x131: {  	v13 =	vld [tilespmem:s10+$0x30]  }
0x132: {  	v14 =	vld [tilespmem:s10+$0x40]  }
0x133: {  	v15 =	vld [tilespmem:s10+$0x50]  }
0x134: {  	v17 =	vld [tilespmem:s10+$0x60]  }
0x135: {  	v18 =	vld [tilespmem:s10+$0x70]  }
0x136: {  	v9 =	vld [tilespmem:s10+$0x400]  }
0x137: {  	v5 =	vld [tilespmem:s10+$0x410]  }
0x138: {  	v19 =	vld [tilespmem:s10+$0x420]  }
0x139: {  	v6 =	vld [tilespmem:s10+$0x430]  }
0x13a: {  	v8 =	vld [tilespmem:s10+$0x440]  }
0x13b: {  	v7 =	vld [tilespmem:s10+$0x450]  }
0x13c: {  	s21 =	simm.s32 $0x0;
	v0 =	vld [tilespmem:s10+$0x460]  }
0x13d: {  	v20 =	vld [tilespmem:s10+$0x470];
	s10 =	sand.u32 $0x300, s21  }
0x13e: {  	v36 =	vld [tilespmem:s14+$0x0];
	s13 =	sor.u32 s10, s13  }
0x13f: {  	v23 =	vld [tilespmem:s13+$0x420];
	v34 =	vsub.f32 v6, v21;
	v21 =	vsub.f32 v18, v24  }
0x140: {  	v31 =	vld [tilespmem:s13+$0x30];
	v24 =	vsub.f32 v5, v25;
	v30 =	vsub.f32 v12, v30  }
0x141: {  	v37 =	vld [tilespmem:s13+$0x70];
	v28 =	vsub.f32 v17, v28;
	v29 =	vsub.f32 v14, v29  }
0x142: {  	v38 =	vld [tilespmem:s13+$0x0];
	v39 =	vsub.f32 v7, v22;
	v32 =	vsub.f32 v11, v32  }
0x143: {  	v61 =	vld [tilespmem:s13+$0x60];
	v33 =	vsub.f32 v15, v33;
	v26 =	vsub.f32 v19, v26  }
0x144: {  	v62 =	vld [tilespmem:s13+$0x400];
	v35 =	vsub.f32 v19, v23;
	v23 =	vsub.f32 v0, v16;
	v16 =	vmul.f32 v34, v34  }
0x145: {  	v47 =	vld [tilespmem:s13+$0x10];
	v27 =	vsub.f32 v13, v27;
	v25 =	vmul.f32 v24, v24;
	v40 =	vmul.f32 v30, v30  }
0x146: {  	v45 =	vld [tilespmem:s13+$0x470];
	v43 =	vmul.f32 v28, v28;
	v24 =	vmul.f32 v29, v29;
	v28 =	vsub.f32 v10, v36  }
0x147: {  	v30 =	vld [tilespmem:s13+$0x20];
	v32 =	vmul.f32 v32, v32;
	v31 =	vsub.f32 v13, v31;
	v38 =	vsub.f32 v10, v38  }
0x148: {  	v29 =	vld [tilespmem:s13+$0x40];
	v33 =	vmul.f32 v33, v33;
	v37 =	vsub.f32 v18, v37;
	v49 =	vsub.f32 v17, v61  }
0x149: {  	v46 =	vld [tilespmem:s13+$0x50];
	v36 =	vsub.f32 v9, v62;
	v34 =	vmul.f32 v39, v39;
	v27 =	vmul.f32 v27, v27  }
0x14a: {  	v48 =	vld [tilespmem:s14+$0x470];
	v47 =	vsub.f32 v11, v47;
	v23 =	vmul.f32 v23, v23;
	v22 =	vmul.f32 v35, v35  }
0x14b: {  	v42 =	vld [tilespmem:s13+$0x440];
	v35 =	vmul.f32 v26, v26;
	v41 =	vadd.f32 v33, v32;
	v44 =	vadd.f32 v43, v40  }
0x14c: {  	v33 =	vld [tilespmem:s14+$0x400];
	v43 =	vmul.f32 v38, v38;
	v38 =	vsub.f32 v20, v45;
	v39 =	vmul.f32 v36, v36  }
0x14d: {  	v32 =	vmul.f32 v49, v49;
	v40 =	vld [tilespmem:s14+$0x440];
	v26 =	vsub.f32 v12, v30;
	v63 =	vsub.f32 v14, v29  }
0x14e: {  	s15 =	simm.s32 $0x11A11;
	s16 =	simm.s32 $0x0;
	s17 =	simm.s32 $0x180;
	v45 =	vsub.f32 v15, v46;
	v30 =	vmul.f32 v31, v31;
	v31 =	vmul.f32 v37, v37;
	v29 =	vld [tilespmem:s13+$0x410]  }
0x14f: {  	s18 =	simm.s32 $0x200;
	s10 =	sshll.u32 s4, $0x1;
	v36 =	vsub.f32 v20, v48;
	s14 =	simm.s32 $0x11A11;
	v37 =	vld [tilespmem:s13+$0x430];
	v26 =	vmul.f32 v26, v26;
	v46 =	vmul.f32 v63, v63  }
.LBB2_3:
0x150: {  	s19 =	sand.u32 $0x7800, s18;
	s16 =	sadd.s32 $0x2, s16;
	v47 =	vmul.f32 v47, v47;
	v25 =	vadd.f32 v25, v41;
	v35 =	vadd.f32 v35, v44;
	s15 =	sadd.s32 $0x22, s15  }
0x151: {  	s20 =	sadd.s32 $0xFFFFFF80, s17;
	s21 =	sadd.s32 $0x1800, s19;
	s19 =	sand.u32 $0x380, s17;
	v41 =	vadd.f32 v46, v43;
	v43 =	vmul.f32 v45, v45;
	v42 =	vsub.f32 v8, v42;
	v44 =	vld [tilespmem:s13+$0x460]  }
0x152: {  	v30 =	vadd.f32 v31, v30;
	v28 =	vmul.f32 v28, v28;
	s20 =	sand.u32 $0x300, s20;
	p1 =	slt.u32 s16, $0x7E;
	s19 =	sor.u32 s19, s21;
	v31 =	vld [tilespmem:s13+$0x450];
	v35 =	vadd.f32 v23, v35  }
0x153: {  	v38 =	vmul.f32 v38, v38;
	v33 =	vsub.f32 v9, v33;
	s13 =	sor.u32 s20, s21;
	v23 =	vld [tilespmem:s19+$0x460];
	v43 =	vadd.f32 v43, v47  }
0x154: {  	v21 =	vmul.f32 v21, v21;
	v24 =	vadd.f32 v24, v28;
	v34 =	vadd.f32 v34, v25;
	v45 =	vld [tilespmem:s19+$0x430]  }
0x155: {  	v25 =	vadd.f32 v39, v41;
	v39 =	vmul.f32 v42, v42;
	v40 =	vsub.f32 v8, v40;
	v28 =	vld [tilespmem:s19+$0x450]  }
0x156: {  	v29 =	vsub.f32 v5, v29;
	v33 =	vmul.f32 v33, v33;
	v37 =	vsub.f32 v6, v37;
	v41 =	vld [tilespmem:s13+$0x420]  }
0x157: {  	v36 =	vmul.f32 v36, v36;
	v25 =	vadd.f32 v39, v25;
	v42 =	vld [tilespmem:s19+$0x70];
	v31 =	vsub.f32 v7, v31  }
0x158: {  	v26 =	vadd.f32 v32, v26;
	v29 =	vmul.f32 v29, v29;
	v32 =	vmul.f32 v37, v37;
	v39 =	vld [tilespmem:s19+$0x420]  }
0x159: {  	v24 =	vadd.f32 v33, v24;
	v44 =	vsub.f32 v0, v44;
	v37 =	vld [tilespmem:s19+$0x30];
	v31 =	vmul.f32 v31, v31  }
0x15a: {  	v22 =	vadd.f32 v22, v26;
	v26 =	vadd.f32 v32, v30;
	v30 =	vmul.f32 v40, v40;
	v33 =	vld [tilespmem:s19+$0x410]  }
0x15b: {  	v27 =	vadd.f32 v21, v27;
	v44 =	vmul.f32 v44, v44;
	v40 =	vsub.f32 v6, v45;
	v32 =	vld [tilespmem:s19+$0x60]  }
0x15c: {  	v29 =	vadd.f32 v29, v43;
	v41 =	vsub.f32 v19, v41;
	v45 =	vld [tilespmem:s19+$0x40]  }
0x15d: {  	v26 =	vadd.f32 v38, v26;
	v40 =	vmul.f32 v40, v40;
	v21 =	vsub.f32 v18, v42;
	v43 =	vld [tilespmem:s19+$0x20]  }
0x15e: {  	v23 =	vsub.f32 v0, v23;
	v22 =	vadd.f32 v44, v22;
	v38 =	vld [tilespmem:s13+$0x30]  }
0x15f: {  	v29 =	vadd.f32 v31, v29;
	v42 =	vld [tilespmem:s19+$0x10];
	v33 =	vsub.f32 v5, v33  }
0x160: {  	v23 =	vmul.f32 v23, v23;
	v26 =	vadd.f32 v26, v22;
	v31 =	vld [tilespmem:s19+$0x50];
	v32 =	vsub.f32 v17, v32  }
0x161: {  	v27 =	vadd.f32 v16, v27;
	v16 =	vmov v40;
	v44 =	vld [tilespmem:s19+$0x0];
	v22 =	vsub.f32 v14, v45  }
0x162: {  	v29 =	vadd.f32 v29, v25;
	v40 =	vld [tilespmem:s13+$0x70];
	v43 =	vsub.f32 v12, v43  }
0x163: {  	v27 =	vadd.f32 v36, v27;
	v46 =	vsub.f32 v7, v28;
	v25 =	vmul.f32 v33, v33;
	v45 =	vld [tilespmem:s13+$0x60]  }
0x164: {  	v30 =	vadd.f32 v30, v24;
	v32 =	vmul.f32 v32, v32;
	v33 =	vld [tilespmem:s13+$0x0];
	v36 =	vmul.f32 v43, v43  }
0x165: {  	v27 =	vadd.f32 v27, v35;
	v24 =	vmul.f32 v22, v22;
	v42 =	vsub.f32 v11, v42;
	v43 =	vld [tilespmem:s13+$0x20]  }
0x166: {  	v26 =	vadd.f32 v26, v29;
	v22 =	vmul.f32 v41, v41;
	v31 =	vsub.f32 v15, v31;
	v47 =	vld [tilespmem:s13+$0x40]  }
0x167: {  	v35 =	vsub.f32 v19, v39;
	v28 =	vsub.f32 v10, v44;
	v29 =	vmul.f32 v42, v42;
	v48 =	vld [tilespmem:s13+$0x470]  }
0x168: {  	v38 =	vsub.f32 v13, v38;
	v41 =	vmul.f32 v31, v31;
	v39 =	vld [tilespmem:s13+$0x400];
	[tilespmem:s14+$0xFFFFFFEF] =	vst v26;
	v26 =	vadd.f32 v34, v30  }
0x169: {  	v35 =	vmul.f32 v35, v35;
	v31 =	vsub.f32 v18, v40;
	v49 =	vsub.f32 v10, v33;
	v50 =	vld [tilespmem:s13+$0x50]  }
0x16a: {  	v30 =	vmul.f32 v38, v38;
	v40 =	vld [tilespmem:s13+$0x10];
	v33 =	vsub.f32 v12, v43;
	v27 =	vadd.f32 v27, v26  }
0x16b: {  	v37 =	vsub.f32 v13, v37;
	v31 =	vmul.f32 v31, v31;
	v41 =	vadd.f32 v41, v29;
	v51 =	vld [tilespmem:s19+$0x470]  }
.Ltmp0:
0x16c: {  	v53 =	vsub.f32 v17, v45;
	v52 =	vsub.f32 v14, v47;
	v26 =	vmul.f32 v33, v33;
	v33 =	vld [tilespmem:s19+$0x400];
	[tilespmem:s14+$0x0] =	vst v27;
	s14 =	smov.u32 s15;
	(pc) =	sbr.rel @p1 .LBB2_3-.Ltmp0, $4  }
0x16d: {  	v44 =	vadd.f32 v32, v36;
	v34 =	vmul.f32 v46, v46;
	v39 =	vsub.f32 v9, v39;
	v42 =	vld [tilespmem:s13+$0x440]  }
0x16e: {  	v43 =	vmul.f32 v49, v49;
	v38 =	vsub.f32 v20, v48;
	v27 =	vmul.f32 v37, v37;
	v29 =	vld [tilespmem:s13+$0x410]  }
0x16f: {  	v45 =	vsub.f32 v15, v50;
	v47 =	vsub.f32 v11, v40;
	v39 =	vmul.f32 v39, v39;
	v37 =	vld [tilespmem:s13+$0x430]  }
0x170: {  	s18 =	sadd.s32 $0x200, s18;
	s17 =	sadd.s32 $0x100, s17;
	v32 =	vmul.f32 v53, v53;
	v46 =	vmul.f32 v52, v52;
	v40 =	vld [tilespmem:s19+$0x440];
	v36 =	vsub.f32 v20, v51  }
0x171: {  	v10 =	vmul.f32 v47, v47;
	v11 =	vadd.f32 v25, v41;
	v12 =	vadd.f32 v35, v44  }
0x172: {  	v14 =	vmul.f32 v45, v45;
	v17 =	vadd.f32 v31, v30;
	v9 =	vsub.f32 v9, v33  }
0x173: {  	v19 =	vmul.f32 v28, v28;
	v13 =	vadd.f32 v46, v43;
	v15 =	vsub.f32 v8, v42  }
0x174: {  	v18 =	vld [tilespmem:s13+$0x450];
	v49 =	vadd.f32 v32, v26;
	v12 =	vadd.f32 v23, v12  }
0x175: {  	v20 =	vmul.f32 v38, v38;
	v10 =	vadd.f32 v14, v10;
	v14 =	vld [tilespmem:s13+$0x460];
	v19 =	vadd.f32 v24, v19  }
0x176: {  	v11 =	vadd.f32 v34, v11;
	v5 =	vsub.f32 v5, v29;
	v9 =	vmul.f32 v9, v9  }
0x177: {  	v13 =	vadd.f32 v39, v13;
	v15 =	vmul.f32 v15, v15;
	v6 =	vsub.f32 v6, v37  }
0x178: {  	v21 =	vmul.f32 v21, v21;
	v50 =	vadd.f32 v22, v49;
	v8 =	vsub.f32 v8, v40  }
0x179: {  	v9 =	vadd.f32 v9, v19;
	v13 =	vadd.f32 v15, v13;
	v6 =	vmul.f32 v6, v6  }
0x17a: {  	v5 =	vmul.f32 v5, v5;
	v7 =	vsub.f32 v7, v18;
	v0 =	vsub.f32 v0, v14  }
0x17b: {  	v15 =	vmul.f32 v36, v36;
	v6 =	vadd.f32 v6, v17;
	v14 =	vadd.f32 v21, v27  }
0x17c: {  	v5 =	vadd.f32 v5, v10;
	v7 =	vmul.f32 v7, v7;
	v0 =	vmul.f32 v0, v0  }
0x17d: {  	v8 =	vmul.f32 v8, v8;
	v6 =	vadd.f32 v20, v6;
	v10 =	vadd.f32 v16, v14  }
0x17e: {  	v5 =	vadd.f32 v7, v5;
	v0 =	vadd.f32 v0, v50  }
0x17f: {  	v8 =	vadd.f32 v8, v9;
	v7 =	vadd.f32 v15, v10  }
0x180: {  	v0 =	vadd.f32 v6, v0;
	v6 =	vadd.f32 v5, v13;
	v5 =	vlaneseq.u32  }
0x181: {  	v5 =	vmul.u32 $0x11, v5  }
0x182: {  	v8 =	vadd.f32 v11, v8;
	v7 =	vadd.f32 v7, v12  }
0x183: {  	v0 =	vadd.f32 v0, v6;
	v9 =	vadd.s32 $0x1, v5  }
0x184: {  	v6 =	vadd.f32 v7, v8;
	v7 =	vadd.s32 $0x2, v5  }
0x185: {  	v8 =	vadd.s32 $0x3, v5;
	[tilespmem:s14+$0xFFFFFFEF] =	vst v0  }
0x186: {  	v10 =	vadd.s32 $0x4, v5;
	[tilespmem:s14+$0x0] =	vst v6  }
0x187: {  	v11 =	vadd.s32 $0x5, v5;
	v0 =	vld.idx.msk [tilespmem:v5+s26+$0x0], $0xffff  }
0x188: {  	v12 =	vadd.s32 $0x6, v5;
	v6 =	vld.idx.msk [tilespmem:v9+s26+$0x0], $0xffff  }
0x189: {  	v13 =	vadd.s32 $0x7, v5;
	[tilespmem:$0x1F8C0] =	vst v7;
	v7 =	vld.idx.msk [tilespmem:v7+s26+$0x0], $0xffff  }
0x18a: {  	v14 =	vadd.s32 $0x8, v5;
	[tilespmem:$0x1F8D0] =	vst v8;
	v8 =	vld.idx.msk [tilespmem:v8+s26+$0x0], $0xffff  }
0x18b: {  	v15 =	vadd.s32 $0x9, v5;
	[tilespmem:$0x1F8B0] =	vst v9;
	v9 =	vld.idx.msk [tilespmem:v10+s26+$0x0], $0xffff  }
0x18c: {  	v51 =	vadd.s32 $0xA, v5;
	[tilespmem:$0x1F8E0] =	vst v10;
	v10 =	vld.idx.msk [tilespmem:v11+s26+$0x0], $0xffff  }
0x18d: {  	v52 =	vadd.s32 $0xB, v5;
	[tilespmem:$0x1F8F0] =	vst v11;
	v11 =	vld.idx.msk [tilespmem:v12+s26+$0x0], $0xffff  }
0x18e: {  	v53 =	vadd.s32 $0xC, v5;
	[tilespmem:$0x1F900] =	vst v12;
	v12 =	vld.idx.msk [tilespmem:v13+s26+$0x0], $0xffff  }
0x18f: {  	v54 =	vadd.s32 $0xD, v5;
	[tilespmem:$0x1F910] =	vst v13;
	v13 =	vld.idx.msk [tilespmem:v14+s26+$0x0], $0xffff  }
0x190: {  	v55 =	vadd.s32 $0xE, v5;
	[tilespmem:$0x1F920] =	vst v14;
	v14 =	vld.idx.msk [tilespmem:v15+s26+$0x0], $0xffff  }
0x191: {  	v56 =	vadd.s32 $0xF, v5;
	[tilespmem:$0x1F930] =	vst v15;
	v15 =	vld.idx.msk [tilespmem:v51+s26+$0x0], $0xffff  }
0x192: {  	v57 =	vld.idx.msk [tilespmem:v52+s26+$0x0], $0xffff  }
0x193: {  	v58 =	vld.idx.msk [tilespmem:v53+s26+$0x0], $0xffff  }
0x194: {  	v59 =	vld.idx.msk [tilespmem:v54+s26+$0x0], $0xffff  }
0x195: {  	v60 =	vld.idx.msk [tilespmem:v55+s26+$0x0], $0xffff  }
0x196: {  	v0 =	vadd.f32 v9, v0;
	v6 =	vadd.f32 v10, v6;
	v9 =	vld.idx.msk [tilespmem:v56+s26+$0x0], $0xffff  }
0x197: {  	v7 =	vadd.f32 v11, v7;
	v8 =	vadd.f32 v12, v8  }
0x198: {  	v0 =	vadd.f32 v13, v0;
	v6 =	vadd.f32 v14, v6  }
0x199: {  	v7 =	vadd.f32 v15, v7;
	v8 =	vadd.f32 v57, v8  }
0x19a: {  	v0 =	vadd.f32 v58, v0;
	v6 =	vadd.f32 v59, v6  }
0x19b: {  	v7 =	vadd.f32 v60, v7;
	v8 =	vadd.f32 v9, v8;
	_ =	sdelay $0x1  }
0x19c: {  	v0 =	vadd.f32 v6, v0;
	v6 =	vadd.f32 v8, v7  }
0x19d: {  	v7 =	vld [tilespmem:$0x11800]  }
0x19e: {  	v0 =	vadd.f32 v6, v0;
	_ =	sdelay $0x1  }
0x19f: {  	v0 =	vmul.f32 $4.999999890e-03, v0;
	_ =	sdelay $0x1  }
0x1a0: {  	v0 =	vsub.f32 v7, v0;
	_ =	sdelay $0x1  }
0x1a1: {  	v0 =	vmul.f32 $1.442695020e+00, v0;
	_ =	sdelay $0x1  }
0x1a2: {  	(erf) = vpow2.f32 v0;
	_ =	sdelay $0x1  }
0x1a3: {  	v0 =	vld [tilespmem:$0x11900];
	_ =	sdelay $0x3  }
0x1a4: {  	v7 =	vadd.s32 $0x110, v5  }
0x1a5: {  	v8 =	vadd.s32 $0x111, v5  }
0x1a6: {  	v9 =	vadd.s32 $0x112, v5  }
0x1a7: {  	v10 =	vadd.s32 $0x113, v5;
	v6 =	vpop (erf)  }
0x1a8: {  	v11 =	vadd.s32 $0x114, v5;
	[tilespmem:v0+s28+$0x0] =	vst.idx.add.f32.msk $0xffff, v6  }
0x1a9: {  	v12 =	vadd.s32 $0x115, v5;
	v0 =	vld.idx.msk [tilespmem:v7+s26+$0x0], $0xffff  }
0x1aa: {  	v13 =	vadd.s32 $0x116, v5;
	v6 =	vld.idx.msk [tilespmem:v8+s26+$0x0], $0xffff  }
0x1ab: {  	v14 =	vadd.s32 $0x117, v5;
	[tilespmem:$0x1F9A0] =	vst v7;
	v7 =	vld.idx.msk [tilespmem:v9+s26+$0x0], $0xffff  }
0x1ac: {  	v15 =	vadd.s32 $0x118, v5;
	[tilespmem:$0x1F9B0] =	vst v8;
	v8 =	vld.idx.msk [tilespmem:v10+s26+$0x0], $0xffff  }
0x1ad: {  	v61 =	vadd.s32 $0x119, v5;
	[tilespmem:$0x1F9C0] =	vst v9;
	v9 =	vld.idx.msk [tilespmem:v11+s26+$0x0], $0xffff  }
0x1ae: {  	v62 =	vadd.s32 $0x11A, v5;
	[tilespmem:$0x1F9D0] =	vst v10;
	v10 =	vld.idx.msk [tilespmem:v12+s26+$0x0], $0xffff  }
0x1af: {  	v63 =	vadd.s32 $0x11B, v5;
	[tilespmem:$0x1F9E0] =	vst v11;
	v11 =	vld.idx.msk [tilespmem:v13+s26+$0x0], $0xffff  }
0x1b0: {  	v24 =	vadd.s32 $0x11C, v5;
	[tilespmem:$0x1F9F0] =	vst v12;
	v12 =	vld.idx.msk [tilespmem:v14+s26+$0x0], $0xffff  }
0x1b1: {  	v25 =	vadd.s32 $0x11D, v5;
	[tilespmem:$0x1FA00] =	vst v13;
	v13 =	vld.idx.msk [tilespmem:v15+s26+$0x0], $0xffff  }
0x1b2: {  	v26 =	vadd.s32 $0x11E, v5;
	[tilespmem:$0x1FA10] =	vst v14;
	v14 =	vld.idx.msk [tilespmem:v61+s26+$0x0], $0xffff  }
0x1b3: {  	v27 =	vadd.s32 $0x11F, v5;
	[tilespmem:$0x1FA20] =	vst v15;
	v15 =	vld.idx.msk [tilespmem:v62+s26+$0x0], $0xffff  }
0x1b4: {  	v28 =	vld.idx.msk [tilespmem:v63+s26+$0x0], $0xffff  }
0x1b5: {  	v29 =	vld.idx.msk [tilespmem:v24+s26+$0x0], $0xffff  }
0x1b6: {  	v30 =	vld.idx.msk [tilespmem:v25+s26+$0x0], $0xffff  }
0x1b7: {  	v31 =	vld.idx.msk [tilespmem:v26+s26+$0x0], $0xffff  }
0x1b8: {  	v0 =	vadd.f32 v9, v0;
	v6 =	vadd.f32 v10, v6;
	v9 =	vld.idx.msk [tilespmem:v27+s26+$0x0], $0xffff  }
0x1b9: {  	v7 =	vadd.f32 v11, v7;
	v8 =	vadd.f32 v12, v8  }
0x1ba: {  	v0 =	vadd.f32 v13, v0;
	v6 =	vadd.f32 v14, v6  }
0x1bb: {  	v7 =	vadd.f32 v15, v7;
	v8 =	vadd.f32 v28, v8  }
0x1bc: {  	v0 =	vadd.f32 v29, v0;
	v6 =	vadd.f32 v30, v6  }
0x1bd: {  	v7 =	vadd.f32 v31, v7;
	v8 =	vadd.f32 v9, v8;
	_ =	sdelay $0x1  }
0x1be: {  	v0 =	vadd.f32 v6, v0;
	v6 =	vadd.f32 v8, v7  }
0x1bf: {  	v7 =	vld [tilespmem:$0x11810]  }
0x1c0: {  	v0 =	vadd.f32 v6, v0;
	_ =	sdelay $0x1  }
0x1c1: {  	v0 =	vmul.f32 $4.999999890e-03, v0;
	_ =	sdelay $0x1  }
0x1c2: {  	v0 =	vsub.f32 v7, v0;
	_ =	sdelay $0x1  }
0x1c3: {  	v0 =	vmul.f32 $1.442695020e+00, v0;
	_ =	sdelay $0x1  }
0x1c4: {  	(erf) = vpow2.f32 v0;
	_ =	sdelay $0x1  }
0x1c5: {  	v0 =	vld [tilespmem:$0x11910];
	_ =	sdelay $0x3  }
0x1c6: {  	v7 =	vadd.s32 $0x220, v5  }
0x1c7: {  	v8 =	vadd.s32 $0x221, v5  }
0x1c8: {  	v9 =	vadd.s32 $0x222, v5  }
0x1c9: {  	v10 =	vadd.s32 $0x223, v5;
	v6 =	vpop (erf)  }
0x1ca: {  	v11 =	vadd.s32 $0x224, v5;
	[tilespmem:v0+s28+$0x0] =	vst.idx.add.f32.msk $0xffff, v6  }
0x1cb: {  	v12 =	vadd.s32 $0x225, v5;
	v0 =	vld.idx.msk [tilespmem:v7+s26+$0x0], $0xffff  }
0x1cc: {  	v13 =	vadd.s32 $0x226, v5;
	v6 =	vld.idx.msk [tilespmem:v8+s26+$0x0], $0xffff  }
0x1cd: {  	v14 =	vadd.s32 $0x227, v5;
	[tilespmem:$0x1FAA0] =	vst v7;
	v7 =	vld.idx.msk [tilespmem:v9+s26+$0x0], $0xffff  }
0x1ce: {  	v15 =	vadd.s32 $0x228, v5;
	[tilespmem:$0x1FAB0] =	vst v8;
	v8 =	vld.idx.msk [tilespmem:v10+s26+$0x0], $0xffff  }
0x1cf: {  	v32 =	vadd.s32 $0x229, v5;
	[tilespmem:$0x1FAC0] =	vst v9;
	v9 =	vld.idx.msk [tilespmem:v11+s26+$0x0], $0xffff  }
0x1d0: {  	v33 =	vadd.s32 $0x22A, v5;
	[tilespmem:$0x1FAD0] =	vst v10;
	v10 =	vld.idx.msk [tilespmem:v12+s26+$0x0], $0xffff  }
0x1d1: {  	v34 =	vadd.s32 $0x22B, v5;
	[tilespmem:$0x1FAE0] =	vst v11;
	v11 =	vld.idx.msk [tilespmem:v13+s26+$0x0], $0xffff  }
0x1d2: {  	v35 =	vadd.s32 $0x22C, v5;
	[tilespmem:$0x1FAF0] =	vst v12;
	v12 =	vld.idx.msk [tilespmem:v14+s26+$0x0], $0xffff  }
0x1d3: {  	v36 =	vadd.s32 $0x22D, v5;
	[tilespmem:$0x1FB00] =	vst v13;
	v13 =	vld.idx.msk [tilespmem:v15+s26+$0x0], $0xffff  }
0x1d4: {  	v37 =	vadd.s32 $0x22E, v5;
	[tilespmem:$0x1FB10] =	vst v14;
	v14 =	vld.idx.msk [tilespmem:v32+s26+$0x0], $0xffff  }
0x1d5: {  	v38 =	vadd.s32 $0x22F, v5;
	[tilespmem:$0x1FB20] =	vst v15;
	v15 =	vld.idx.msk [tilespmem:v33+s26+$0x0], $0xffff  }
0x1d6: {  	v39 =	vld.idx.msk [tilespmem:v34+s26+$0x0], $0xffff  }
0x1d7: {  	v40 =	vld.idx.msk [tilespmem:v35+s26+$0x0], $0xffff  }
0x1d8: {  	v41 =	vld.idx.msk [tilespmem:v36+s26+$0x0], $0xffff  }
0x1d9: {  	v42 =	vld.idx.msk [tilespmem:v37+s26+$0x0], $0xffff  }
0x1da: {  	v0 =	vadd.f32 v9, v0;
	v6 =	vadd.f32 v10, v6;
	v9 =	vld.idx.msk [tilespmem:v38+s26+$0x0], $0xffff  }
0x1db: {  	v7 =	vadd.f32 v11, v7;
	v8 =	vadd.f32 v12, v8  }
0x1dc: {  	v0 =	vadd.f32 v13, v0;
	v6 =	vadd.f32 v14, v6  }
0x1dd: {  	v7 =	vadd.f32 v15, v7;
	v8 =	vadd.f32 v39, v8  }
0x1de: {  	v0 =	vadd.f32 v40, v0;
	v6 =	vadd.f32 v41, v6  }
0x1df: {  	v7 =	vadd.f32 v42, v7;
	v8 =	vadd.f32 v9, v8;
	_ =	sdelay $0x1  }
0x1e0: {  	v0 =	vadd.f32 v6, v0;
	v6 =	vadd.f32 v8, v7  }
0x1e1: {  	v7 =	vld [tilespmem:$0x11820]  }
0x1e2: {  	v0 =	vadd.f32 v6, v0;
	_ =	sdelay $0x1  }
0x1e3: {  	v0 =	vmul.f32 $4.999999890e-03, v0;
	_ =	sdelay $0x1  }
0x1e4: {  	v0 =	vsub.f32 v7, v0;
	_ =	sdelay $0x1  }
0x1e5: {  	v0 =	vmul.f32 $1.442695020e+00, v0;
	_ =	sdelay $0x1  }
0x1e6: {  	(erf) = vpow2.f32 v0;
	_ =	sdelay $0x1  }
0x1e7: {  	v0 =	vld [tilespmem:$0x11920];
	_ =	sdelay $0x3  }
0x1e8: {  	v7 =	vadd.s32 $0x330, v5  }
0x1e9: {  	v8 =	vadd.s32 $0x331, v5  }
0x1ea: {  	v9 =	vadd.s32 $0x332, v5  }
0x1eb: {  	v10 =	vadd.s32 $0x333, v5;
	v6 =	vpop (erf)  }
0x1ec: {  	v11 =	vadd.s32 $0x334, v5;
	[tilespmem:v0+s28+$0x0] =	vst.idx.add.f32.msk $0xffff, v6  }
0x1ed: {  	v12 =	vadd.s32 $0x335, v5;
	v0 =	vld.idx.msk [tilespmem:v7+s26+$0x0], $0xffff  }
0x1ee: {  	v13 =	vadd.s32 $0x336, v5;
	v6 =	vld.idx.msk [tilespmem:v8+s26+$0x0], $0xffff  }
0x1ef: {  	v14 =	vadd.s32 $0x337, v5;
	[tilespmem:$0x1FBA0] =	vst v7;
	v7 =	vld.idx.msk [tilespmem:v9+s26+$0x0], $0xffff  }
0x1f0: {  	v15 =	vadd.s32 $0x338, v5;
	[tilespmem:$0x1FBB0] =	vst v8;
	v8 =	vld.idx.msk [tilespmem:v10+s26+$0x0], $0xffff  }
0x1f1: {  	v43 =	vadd.s32 $0x339, v5;
	[tilespmem:$0x1FBC0] =	vst v9;
	v9 =	vld.idx.msk [tilespmem:v11+s26+$0x0], $0xffff  }
0x1f2: {  	v44 =	vadd.s32 $0x33A, v5;
	[tilespmem:$0x1FBD0] =	vst v10;
	v10 =	vld.idx.msk [tilespmem:v12+s26+$0x0], $0xffff  }
0x1f3: {  	v45 =	vadd.s32 $0x33B, v5;
	[tilespmem:$0x1FBE0] =	vst v11;
	v11 =	vld.idx.msk [tilespmem:v13+s26+$0x0], $0xffff  }
0x1f4: {  	v46 =	vadd.s32 $0x33C, v5;
	[tilespmem:$0x1FBF0] =	vst v12;
	v12 =	vld.idx.msk [tilespmem:v14+s26+$0x0], $0xffff  }
0x1f5: {  	v47 =	vadd.s32 $0x33D, v5;
	[tilespmem:$0x1FC00] =	vst v13;
	v13 =	vld.idx.msk [tilespmem:v15+s26+$0x0], $0xffff  }
0x1f6: {  	v48 =	vadd.s32 $0x33E, v5;
	[tilespmem:$0x1FC10] =	vst v14;
	v14 =	vld.idx.msk [tilespmem:v43+s26+$0x0], $0xffff  }
0x1f7: {  	v49 =	vadd.s32 $0x33F, v5;
	[tilespmem:$0x1FC20] =	vst v15;
	v15 =	vld.idx.msk [tilespmem:v44+s26+$0x0], $0xffff  }
0x1f8: {  	v50 =	vld.idx.msk [tilespmem:v45+s26+$0x0], $0xffff  }
0x1f9: {  	[tilespmem:$0x1F940] =	vst v51;
	v51 =	vld.idx.msk [tilespmem:v46+s26+$0x0], $0xffff  }
0x1fa: {  	[tilespmem:$0x1F950] =	vst v52;
	v52 =	vld.idx.msk [tilespmem:v47+s26+$0x0], $0xffff  }
0x1fb: {  	[tilespmem:$0x1F960] =	vst v53;
	v53 =	vld.idx.msk [tilespmem:v48+s26+$0x0], $0xffff  }
0x1fc: {  	v0 =	vadd.f32 v9, v0;
	v6 =	vadd.f32 v10, v6;
	v9 =	vld.idx.msk [tilespmem:v49+s26+$0x0], $0xffff  }
0x1fd: {  	v7 =	vadd.f32 v11, v7;
	v8 =	vadd.f32 v12, v8  }
0x1fe: {  	v0 =	vadd.f32 v13, v0;
	v6 =	vadd.f32 v14, v6  }
0x1ff: {  	v7 =	vadd.f32 v15, v7;
	v8 =	vadd.f32 v50, v8  }
0x200: {  	v0 =	vadd.f32 v51, v0;
	v6 =	vadd.f32 v52, v6  }
0x201: {  	v7 =	vadd.f32 v53, v7;
	v8 =	vadd.f32 v9, v8;
	_ =	sdelay $0x1  }
0x202: {  	v0 =	vadd.f32 v6, v0;
	v6 =	vadd.f32 v8, v7  }
0x203: {  	v7 =	vld [tilespmem:$0x11830]  }
0x204: {  	v0 =	vadd.f32 v6, v0;
	_ =	sdelay $0x1  }
0x205: {  	v0 =	vmul.f32 $4.999999890e-03, v0;
	_ =	sdelay $0x1  }
0x206: {  	v0 =	vsub.f32 v7, v0;
	_ =	sdelay $0x1  }
0x207: {  	v0 =	vmul.f32 $1.442695020e+00, v0;
	_ =	sdelay $0x1  }
0x208: {  	(erf) = vpow2.f32 v0;
	_ =	sdelay $0x1  }
0x209: {  	v0 =	vld [tilespmem:$0x11930];
	_ =	sdelay $0x3  }
0x20a: {  	v7 =	vadd.s32 $0x440, v5  }
0x20b: {  	v8 =	vadd.s32 $0x441, v5  }
0x20c: {  	v9 =	vadd.s32 $0x442, v5  }
0x20d: {  	[tilespmem:$0x1F970] =	vst v54;
	v10 =	vadd.s32 $0x443, v5;
	v6 =	vpop (erf)  }
0x20e: {  	v11 =	vadd.s32 $0x444, v5;
	[tilespmem:v0+s28+$0x0] =	vst.idx.add.f32.msk $0xffff, v6  }
0x20f: {  	[tilespmem:$0x1F980] =	vst v55;
	v12 =	vadd.s32 $0x445, v5;
	v0 =	vld.idx.msk [tilespmem:v7+s26+$0x0], $0xffff  }
0x210: {  	[tilespmem:$0x1F990] =	vst v56;
	v13 =	vadd.s32 $0x446, v5;
	v6 =	vld.idx.msk [tilespmem:v8+s26+$0x0], $0xffff  }
0x211: {  	v14 =	vadd.s32 $0x447, v5;
	[tilespmem:$0x1FCA0] =	vst v7;
	v7 =	vld.idx.msk [tilespmem:v9+s26+$0x0], $0xffff  }
0x212: {  	v15 =	vadd.s32 $0x448, v5;
	[tilespmem:$0x1FCB0] =	vst v8;
	v8 =	vld.idx.msk [tilespmem:v10+s26+$0x0], $0xffff  }
0x213: {  	v54 =	vadd.s32 $0x449, v5;
	[tilespmem:$0x1FCC0] =	vst v9;
	v9 =	vld.idx.msk [tilespmem:v11+s26+$0x0], $0xffff  }
0x214: {  	v55 =	vadd.s32 $0x44A, v5;
	[tilespmem:$0x1FCD0] =	vst v10;
	v10 =	vld.idx.msk [tilespmem:v12+s26+$0x0], $0xffff  }
0x215: {  	v56 =	vadd.s32 $0x44B, v5;
	[tilespmem:$0x1FCE0] =	vst v11;
	v11 =	vld.idx.msk [tilespmem:v13+s26+$0x0], $0xffff  }
0x216: {  	v57 =	vadd.s32 $0x44C, v5;
	[tilespmem:$0x1FCF0] =	vst v12;
	v12 =	vld.idx.msk [tilespmem:v14+s26+$0x0], $0xffff  }
0x217: {  	v58 =	vadd.s32 $0x44D, v5;
	[tilespmem:$0x1FD00] =	vst v13;
	v13 =	vld.idx.msk [tilespmem:v15+s26+$0x0], $0xffff  }
0x218: {  	v59 =	vadd.s32 $0x44E, v5;
	[tilespmem:$0x1FD10] =	vst v14;
	v14 =	vld.idx.msk [tilespmem:v54+s26+$0x0], $0xffff  }
0x219: {  	v60 =	vadd.s32 $0x44F, v5;
	[tilespmem:$0x1FD20] =	vst v15;
	v15 =	vld.idx.msk [tilespmem:v55+s26+$0x0], $0xffff  }
0x21a: {  	[tilespmem:$0x1FA30] =	vst v61;
	v61 =	vld.idx.msk [tilespmem:v56+s26+$0x0], $0xffff  }
0x21b: {  	[tilespmem:$0x1FA40] =	vst v62;
	v62 =	vld.idx.msk [tilespmem:v57+s26+$0x0], $0xffff  }
0x21c: {  	[tilespmem:$0x1FA50] =	vst v63;
	v63 =	vld.idx.msk [tilespmem:v58+s26+$0x0], $0xffff  }
0x21d: {  	v23 =	vld.idx.msk [tilespmem:v59+s26+$0x0], $0xffff  }
0x21e: {  	v0 =	vadd.f32 v9, v0;
	v6 =	vadd.f32 v10, v6;
	v9 =	vld.idx.msk [tilespmem:v60+s26+$0x0], $0xffff  }
0x21f: {  	v7 =	vadd.f32 v11, v7;
	v8 =	vadd.f32 v12, v8  }
0x220: {  	v0 =	vadd.f32 v13, v0;
	v6 =	vadd.f32 v14, v6  }
0x221: {  	v7 =	vadd.f32 v15, v7;
	v8 =	vadd.f32 v61, v8  }
0x222: {  	v0 =	vadd.f32 v62, v0;
	v6 =	vadd.f32 v63, v6  }
0x223: {  	v7 =	vadd.f32 v23, v7;
	v8 =	vadd.f32 v9, v8;
	_ =	sdelay $0x1  }
0x224: {  	v0 =	vadd.f32 v6, v0;
	v6 =	vadd.f32 v8, v7  }
0x225: {  	v7 =	vld [tilespmem:$0x11840]  }
0x226: {  	v0 =	vadd.f32 v6, v0;
	_ =	sdelay $0x1  }
0x227: {  	v0 =	vmul.f32 $4.999999890e-03, v0;
	_ =	sdelay $0x1  }
0x228: {  	v0 =	vsub.f32 v7, v0;
	_ =	sdelay $0x1  }
0x229: {  	v0 =	vmul.f32 $1.442695020e+00, v0;
	_ =	sdelay $0x1  }
0x22a: {  	(erf) = vpow2.f32 v0;
	_ =	sdelay $0x1  }
0x22b: {  	v0 =	vld [tilespmem:$0x11940];
	_ =	sdelay $0x3  }
0x22c: {  	v7 =	vadd.s32 $0x550, v5  }
0x22d: {  	v8 =	vadd.s32 $0x551, v5  }
0x22e: {  	[tilespmem:$0x1FA60] =	vst v24;
	v9 =	vadd.s32 $0x552, v5  }
0x22f: {  	[tilespmem:$0x1FA70] =	vst v25;
	v10 =	vadd.s32 $0x553, v5;
	v6 =	vpop (erf)  }
0x230: {  	v11 =	vadd.s32 $0x554, v5;
	[tilespmem:v0+s28+$0x0] =	vst.idx.add.f32.msk $0xffff, v6  }
0x231: {  	[tilespmem:$0x1FA80] =	vst v26;
	v12 =	vadd.s32 $0x555, v5;
	v0 =	vld.idx.msk [tilespmem:v7+s26+$0x0], $0xffff  }
0x232: {  	[tilespmem:$0x1FA90] =	vst v27;
	v13 =	vadd.s32 $0x556, v5;
	v6 =	vld.idx.msk [tilespmem:v8+s26+$0x0], $0xffff  }
0x233: {  	v14 =	vadd.s32 $0x557, v5;
	[tilespmem:$0x1FDA0] =	vst v7;
	v7 =	vld.idx.msk [tilespmem:v9+s26+$0x0], $0xffff  }
0x234: {  	v15 =	vadd.s32 $0x558, v5;
	[tilespmem:$0x1FDB0] =	vst v8;
	v8 =	vld.idx.msk [tilespmem:v10+s26+$0x0], $0xffff  }
0x235: {  	v24 =	vadd.s32 $0x559, v5;
	[tilespmem:$0x1FDC0] =	vst v9;
	v9 =	vld.idx.msk [tilespmem:v11+s26+$0x0], $0xffff  }
0x236: {  	v25 =	vadd.s32 $0x55A, v5;
	[tilespmem:$0x1FDD0] =	vst v10;
	v10 =	vld.idx.msk [tilespmem:v12+s26+$0x0], $0xffff  }
0x237: {  	v26 =	vadd.s32 $0x55B, v5;
	[tilespmem:$0x1FDE0] =	vst v11;
	v11 =	vld.idx.msk [tilespmem:v13+s26+$0x0], $0xffff  }
0x238: {  	v27 =	vadd.s32 $0x55C, v5;
	[tilespmem:$0x1FDF0] =	vst v12;
	v12 =	vld.idx.msk [tilespmem:v14+s26+$0x0], $0xffff  }
0x239: {  	v28 =	vadd.s32 $0x55D, v5;
	[tilespmem:$0x1FE00] =	vst v13;
	v13 =	vld.idx.msk [tilespmem:v15+s26+$0x0], $0xffff  }
0x23a: {  	v29 =	vadd.s32 $0x55E, v5;
	[tilespmem:$0x1FE10] =	vst v14;
	v14 =	vld.idx.msk [tilespmem:v24+s26+$0x0], $0xffff  }
0x23b: {  	v30 =	vadd.s32 $0x55F, v5;
	[tilespmem:$0x1FE20] =	vst v15;
	v15 =	vld.idx.msk [tilespmem:v25+s26+$0x0], $0xffff  }
0x23c: {  	v31 =	vld.idx.msk [tilespmem:v26+s26+$0x0], $0xffff  }
0x23d: {  	[tilespmem:$0x1FB30] =	vst v32;
	v32 =	vld.idx.msk [tilespmem:v27+s26+$0x0], $0xffff  }
0x23e: {  	[tilespmem:$0x1FB40] =	vst v33;
	v33 =	vld.idx.msk [tilespmem:v28+s26+$0x0], $0xffff  }
0x23f: {  	[tilespmem:$0x1FB50] =	vst v34;
	v34 =	vld.idx.msk [tilespmem:v29+s26+$0x0], $0xffff  }
0x240: {  	v0 =	vadd.f32 v9, v0;
	v6 =	vadd.f32 v10, v6;
	v9 =	vld.idx.msk [tilespmem:v30+s26+$0x0], $0xffff  }
0x241: {  	v7 =	vadd.f32 v11, v7;
	v8 =	vadd.f32 v12, v8  }
0x242: {  	v0 =	vadd.f32 v13, v0;
	v6 =	vadd.f32 v14, v6  }
0x243: {  	v7 =	vadd.f32 v15, v7;
	v8 =	vadd.f32 v31, v8  }
0x244: {  	v0 =	vadd.f32 v32, v0;
	v6 =	vadd.f32 v33, v6  }
0x245: {  	v7 =	vadd.f32 v34, v7;
	v8 =	vadd.f32 v9, v8;
	_ =	sdelay $0x1  }
0x246: {  	v0 =	vadd.f32 v6, v0;
	v6 =	vadd.f32 v8, v7  }
0x247: {  	v7 =	vld [tilespmem:$0x11850]  }
0x248: {  	v0 =	vadd.f32 v6, v0;
	_ =	sdelay $0x1  }
0x249: {  	v0 =	vmul.f32 $4.999999890e-03, v0;
	_ =	sdelay $0x1  }
0x24a: {  	v0 =	vsub.f32 v7, v0;
	_ =	sdelay $0x1  }
0x24b: {  	v0 =	vmul.f32 $1.442695020e+00, v0;
	_ =	sdelay $0x1  }
0x24c: {  	(erf) = vpow2.f32 v0;
	_ =	sdelay $0x1  }
0x24d: {  	v0 =	vld [tilespmem:$0x11950];
	_ =	sdelay $0x3  }
0x24e: {  	v7 =	vadd.s32 $0x660, v5  }
0x24f: {  	v8 =	vadd.s32 $0x661, v5  }
0x250: {  	[tilespmem:$0x1FB60] =	vst v35;
	v9 =	vadd.s32 $0x662, v5  }
0x251: {  	[tilespmem:$0x1FB70] =	vst v36;
	v10 =	vadd.s32 $0x663, v5;
	v6 =	vpop (erf)  }
0x252: {  	v11 =	vadd.s32 $0x664, v5;
	[tilespmem:v0+s28+$0x0] =	vst.idx.add.f32.msk $0xffff, v6  }
0x253: {  	[tilespmem:$0x1FB80] =	vst v37;
	v12 =	vadd.s32 $0x665, v5;
	v0 =	vld.idx.msk [tilespmem:v7+s26+$0x0], $0xffff  }
0x254: {  	[tilespmem:$0x1FB90] =	vst v38;
	v13 =	vadd.s32 $0x666, v5;
	v6 =	vld.idx.msk [tilespmem:v8+s26+$0x0], $0xffff  }
0x255: {  	v14 =	vadd.s32 $0x667, v5;
	[tilespmem:$0x1FEA0] =	vst v7;
	v7 =	vld.idx.msk [tilespmem:v9+s26+$0x0], $0xffff  }
0x256: {  	v15 =	vadd.s32 $0x668, v5;
	[tilespmem:$0x1FEB0] =	vst v8;
	v8 =	vld.idx.msk [tilespmem:v10+s26+$0x0], $0xffff  }
0x257: {  	v35 =	vadd.s32 $0x669, v5;
	[tilespmem:$0x1FEC0] =	vst v9;
	v9 =	vld.idx.msk [tilespmem:v11+s26+$0x0], $0xffff  }
0x258: {  	v36 =	vadd.s32 $0x66A, v5;
	[tilespmem:$0x1FED0] =	vst v10;
	v10 =	vld.idx.msk [tilespmem:v12+s26+$0x0], $0xffff  }
0x259: {  	v37 =	vadd.s32 $0x66B, v5;
	[tilespmem:$0x1FEE0] =	vst v11;
	v11 =	vld.idx.msk [tilespmem:v13+s26+$0x0], $0xffff  }
0x25a: {  	v38 =	vadd.s32 $0x66C, v5;
	[tilespmem:$0x1FEF0] =	vst v12;
	v12 =	vld.idx.msk [tilespmem:v14+s26+$0x0], $0xffff  }
0x25b: {  	v39 =	vadd.s32 $0x66D, v5;
	[tilespmem:$0x1FF00] =	vst v13;
	v13 =	vld.idx.msk [tilespmem:v15+s26+$0x0], $0xffff  }
0x25c: {  	v40 =	vadd.s32 $0x66E, v5;
	[tilespmem:$0x1FF10] =	vst v14;
	v14 =	vld.idx.msk [tilespmem:v35+s26+$0x0], $0xffff  }
0x25d: {  	v41 =	vadd.s32 $0x66F, v5;
	[tilespmem:$0x1FF20] =	vst v15;
	v15 =	vld.idx.msk [tilespmem:v36+s26+$0x0], $0xffff  }
0x25e: {  	v42 =	vld.idx.msk [tilespmem:v37+s26+$0x0], $0xffff  }
0x25f: {  	[tilespmem:$0x1FC30] =	vst v43;
	v43 =	vld.idx.msk [tilespmem:v38+s26+$0x0], $0xffff  }
0x260: {  	[tilespmem:$0x1FC40] =	vst v44;
	v44 =	vld.idx.msk [tilespmem:v39+s26+$0x0], $0xffff  }
0x261: {  	[tilespmem:$0x1FC50] =	vst v45;
	v45 =	vld.idx.msk [tilespmem:v40+s26+$0x0], $0xffff  }
0x262: {  	v0 =	vadd.f32 v9, v0;
	v6 =	vadd.f32 v10, v6;
	v9 =	vld.idx.msk [tilespmem:v41+s26+$0x0], $0xffff  }
0x263: {  	v7 =	vadd.f32 v11, v7;
	v8 =	vadd.f32 v12, v8  }
0x264: {  	v0 =	vadd.f32 v13, v0;
	v6 =	vadd.f32 v14, v6  }
0x265: {  	v7 =	vadd.f32 v15, v7;
	v8 =	vadd.f32 v42, v8  }
0x266: {  	v0 =	vadd.f32 v43, v0;
	v6 =	vadd.f32 v44, v6  }
0x267: {  	v7 =	vadd.f32 v45, v7;
	v8 =	vadd.f32 v9, v8;
	_ =	sdelay $0x1  }
0x268: {  	v0 =	vadd.f32 v6, v0;
	v6 =	vadd.f32 v8, v7  }
0x269: {  	v7 =	vld [tilespmem:$0x11860]  }
0x26a: {  	v0 =	vadd.f32 v6, v0;
	_ =	sdelay $0x1  }
0x26b: {  	v0 =	vmul.f32 $4.999999890e-03, v0;
	_ =	sdelay $0x1  }
0x26c: {  	v0 =	vsub.f32 v7, v0;
	_ =	sdelay $0x1  }
0x26d: {  	v0 =	vmul.f32 $1.442695020e+00, v0;
	_ =	sdelay $0x1  }
0x26e: {  	(erf) = vpow2.f32 v0;
	_ =	sdelay $0x1  }
0x26f: {  	v0 =	vld [tilespmem:$0x11960];
	_ =	sdelay $0x3  }
0x270: {  	v7 =	vadd.s32 $0x770, v5  }
0x271: {  	v8 =	vadd.s32 $0x771, v5  }
0x272: {  	v9 =	vadd.s32 $0x772, v5  }
0x273: {  	[tilespmem:$0x1FC60] =	vst v46;
	v10 =	vadd.s32 $0x773, v5;
	v6 =	vpop (erf)  }
0x274: {  	v11 =	vadd.s32 $0x774, v5;
	[tilespmem:v0+s28+$0x0] =	vst.idx.add.f32.msk $0xffff, v6  }
0x275: {  	[tilespmem:$0x1FC70] =	vst v47;
	v12 =	vadd.s32 $0x775, v5;
	v15 =	vld.idx.msk [tilespmem:v7+s26+$0x0], $0xffff  }
0x276: {  	[tilespmem:$0x1FC80] =	vst v48;
	v14 =	vadd.s32 $0x77E, v5;
	v46 =	vld.idx.msk [tilespmem:v8+s26+$0x0], $0xffff  }
0x277: {  	[tilespmem:$0x1FC90] =	vst v49;
	v0 =	vadd.s32 $0x776, v5;
	v47 =	vld.idx.msk [tilespmem:v9+s26+$0x0], $0xffff  }
0x278: {  	[tilespmem:$0x1FD80] =	vst v59;
	v6 =	vadd.s32 $0x777, v5;
	v48 =	vld.idx.msk [tilespmem:v10+s26+$0x0], $0xffff  }
0x279: {  	[tilespmem:$0x1FFA0] =	vst v7;
	v7 =	vadd.s32 $0x778, v5;
	v49 =	vld.idx.msk [tilespmem:v11+s26+$0x0], $0xffff  }
0x27a: {  	[tilespmem:$0x1FFB0] =	vst v8;
	v8 =	vadd.s32 $0x779, v5;
	v50 =	vld.idx.msk [tilespmem:v12+s26+$0x0], $0xffff  }
0x27b: {  	[tilespmem:$0x1FFC0] =	vst v9;
	v9 =	vadd.s32 $0x77A, v5;
	v59 =	vld.idx.msk [tilespmem:v14+s26+$0x0], $0xffff  }
0x27c: {  	[tilespmem:$0x1FFD0] =	vst v10;
	v10 =	vadd.s32 $0x77B, v5;
	v51 =	vld.idx.msk [tilespmem:v0+s26+$0x0], $0xffff  }
0x27d: {  	[tilespmem:$0x1FFE0] =	vst v11;
	v11 =	vadd.s32 $0x77C, v5;
	v52 =	vld.idx.msk [tilespmem:v6+s26+$0x0], $0xffff  }
0x27e: {  	[tilespmem:$0x1FFF0] =	vst v12;
	v12 =	vadd.s32 $0x77D, v5;
	v53 =	vld.idx.msk [tilespmem:v7+s26+$0x0], $0xffff  }
0x27f: {  	[tilespmem:$0x1FD30] =	vst v54;
	v13 =	vadd.s32 $0x77F, v5;
	v54 =	vld.idx.msk [tilespmem:v8+s26+$0x0], $0xffff  }
0x280: {  	[tilespmem:$0x1FD40] =	vst v55;
	v55 =	vld.idx.msk [tilespmem:v9+s26+$0x0], $0xffff  }
0x281: {  	[tilespmem:$0x1FD50] =	vst v56;
	v56 =	vld.idx.msk [tilespmem:v10+s26+$0x0], $0xffff  }
0x282: {  	[tilespmem:$0x1FD60] =	vst v57;
	v57 =	vld.idx.msk [tilespmem:v11+s26+$0x0], $0xffff  }
0x283: {  	[tilespmem:$0x1FD70] =	vst v58;
	v58 =	vld.idx.msk [tilespmem:v12+s26+$0x0], $0xffff  }
0x284: {  	[tilespmem:$0x1FD90] =	vst v60;
	v60 =	vld.idx.msk [tilespmem:v13+s26+$0x0], $0xffff;
	v15 =	vadd.f32 v49, v15;
	v16 =	vadd.f32 v50, v46  }
0x285: {  	v17 =	vadd.f32 v51, v47;
	v18 =	vadd.f32 v52, v48  }
0x286: {  	v15 =	vadd.f32 v53, v15;
	v16 =	vadd.f32 v54, v16  }
0x287: {  	v17 =	vadd.f32 v55, v17;
	v18 =	vadd.f32 v56, v18  }
0x288: {  	v15 =	vadd.f32 v57, v15;
	v16 =	vadd.f32 v58, v16  }
0x289: {  	v17 =	vadd.f32 v59, v17;
	v18 =	vadd.f32 v60, v18;
	_ =	sdelay $0x1  }
0x28a: {  	v15 =	vadd.f32 v16, v15;
	v61 =	vadd.f32 v18, v17  }
0x28b: {  	v62 =	vld [tilespmem:$0x11870]  }
0x28c: {  	v15 =	vadd.f32 v61, v15;
	_ =	sdelay $0x1  }
0x28d: {  	v15 =	vmul.f32 $4.999999890e-03, v15;
	_ =	sdelay $0x1  }
0x28e: {  	[tilespmem:$0x1FE30] =	vst v24;
	v15 =	vsub.f32 v62, v15  }
0x28f: {  	[tilespmem:$0x1FE40] =	vst v25  }
0x290: {  	[tilespmem:$0x1FE50] =	vst v26;
	v15 =	vmul.f32 $1.442695020e+00, v15  }
0x291: {  	[tilespmem:$0x1FE60] =	vst v27  }
0x292: {  	[tilespmem:$0x1FE70] =	vst v28;
	(erf) = vpow2.f32 v15  }
0x293: {  	[tilespmem:$0x1FE80] =	vst v29  }
0x294: {  	[tilespmem:$0x1FE90] =	vst v30;
	v15 =	vld [tilespmem:$0x11970]  }
0x295: {  	[tilespmem:$0x1FF30] =	vst v35  }
0x296: {  	[tilespmem:$0x1FF40] =	vst v36  }
0x297: {  	[tilespmem:$0x1FF50] =	vst v37  }
0x298: {  	p1 =	seq.s32 s4, $0x7;
	[tilespmem:$0x1FF60] =	vst v38  }
.Ltmp1:
0x299: {  	s10 =	sadd.s32 s7, s10;
	s21 =	sshll.u32 s4, $0x5;
	[tilespmem:$0x1FF70] =	vst v39;
	(pc) =	sbr.rel @p1 .LBB2_6-.Ltmp1, $4  }
0x29a: {  	s10 =	sshll.u32 s10, $0x7;
	s13 =	sand.u32 $0x60, s21;
	[tilespmem:$0x1FF80] =	vst v40  }
0x29b: {  	s10 =	sand.u32 $0xFC00, s10;
	s13 =	sadd.s32 s6, s13;
	[tilespmem:$0x1FF90] =	vst v41;
	v63 =	vpop (erf)  }
0x29c: {  	s13 =	sadd.s32 s10, s13;
	[tilespmem:v15+s28+$0x0] =	vst.idx.add.f32.msk $0xffff, v63  }
0x29d: {  	[hbm4b:s13+s30] =	stream.strided.scatter [tilespmem:s28], [sflag:$0x3], $0x400, s29, s30, $0x38;
	[tilespmem:$0x12A80] =	vst v63  }
0x29e: {  	s11 =	sand.u32 $0x3FFFFF00, s11  }
0x29f: {  	v15 =	vld [tilespmem:s11+$0x100];
	_ =	sdelay $0x4  }
0x2a0: {  	v16 =	vshll.u32 v15, $0x1  }
0x2a1: {  	v15 =	vand.u32 $0x7, v15;
	v16 =	vand.u32 $0xFFFFFFF0, v16  }
0x2a2: {  	v15 =	vor.u32 v15, v16  }
0x2a3: {  	v16 =	vperm.xlane v15, v1;
	_ =	sdelay $0x1  }
0x2a4: {  	v15 =	vperm.xlane v15, v3;
	v16 =	vadd.s32 v2, v16;
	_ =	sdelay $0x1  }
0x2a5: {  	v15 =	vadd.s32 v2, v15;
	_ =	sdelay $0x1  }
0x2a6: {  	s13 =	simm.s32 $0x1800  }
0x2a7: {  	[tilespmem:s13], [sflag:$0x1] =	stream.indirect_vreg.gather [hbm4b:s1+s5], $0x80, v16, vm0, $0xb8;
	[tilespmem:$0x12A80] =	vst v63  }
0x2a8: {  	s21 =	simm.s32 $0x2000  }
0x2a9: {  	[tilespmem:s21], [sflag:$0x1] =	stream.indirect_vreg.gather [hbm4b:s1+s5], $0x80, v15, vm0, $0xb8;
	[tilespmem:$0x12A80] =	vst v63  }
0x2aa: {  	v15 =	vld [tilespmem:s11+$0x110];
	_ =	sdelay $0x4  }
0x2ab: {  	v57 =	vshll.u32 v15, $0x1  }
0x2ac: {  	v15 =	vand.u32 $0x7, v15;
	v16 =	vand.u32 $0xFFFFFFF0, v57  }
0x2ad: {  	v15 =	vor.u32 v15, v16  }
0x2ae: {  	v16 =	vperm.xlane v15, v1;
	_ =	sdelay $0x1  }
0x2af: {  	v15 =	vperm.xlane v15, v3;
	v16 =	vadd.s32 v2, v16;
	_ =	sdelay $0x1  }
0x2b0: {  	v15 =	vadd.s32 v2, v15;
	_ =	sdelay $0x1  }
0x2b1: {  	s14 =	simm.s32 $0x2800  }
0x2b2: {  	[tilespmem:s14], [sflag:$0x1] =	stream.indirect_vreg.gather [hbm4b:s1+s5], $0x80, v16, vm0, $0xb8;
	[tilespmem:$0x12A80] =	vst v63  }
0x2b3: {  	s15 =	simm.s32 $0x3000  }
0x2b4: {  	[tilespmem:s15], [sflag:$0x1] =	stream.indirect_vreg.gather [hbm4b:s1+s5], $0x80, v15, vm0, $0xb8;
	[tilespmem:$0x12A80] =	vst v63  }
0x2b5: {  	v15 =	vld [tilespmem:s11+$0x120];
	_ =	sdelay $0x4  }
0x2b6: {  	v58 =	vshll.u32 v15, $0x1  }
0x2b7: {  	v15 =	vand.u32 $0x7, v15;
	v16 =	vand.u32 $0xFFFFFFF0, v58  }
0x2b8: {  	v15 =	vor.u32 v15, v16  }
0x2b9: {  	v16 =	vperm.xlane v15, v1;
	_ =	sdelay $0x1  }
0x2ba: {  	v15 =	vperm.xlane v15, v3;
	v16 =	vadd.s32 v2, v16;
	_ =	sdelay $0x1  }
0x2bb: {  	v15 =	vadd.s32 v2, v15;
	_ =	sdelay $0x1  }
0x2bc: {  	s16 =	simm.s32 $0x3800  }
0x2bd: {  	[tilespmem:s16], [sflag:$0x1] =	stream.indirect_vreg.gather [hbm4b:s1+s5], $0x80, v16, vm0, $0xb8;
	[tilespmem:$0x12A80] =	vst v63  }
0x2be: {  	s17 =	simm.s32 $0x4000  }
0x2bf: {  	[tilespmem:s17], [sflag:$0x1] =	stream.indirect_vreg.gather [hbm4b:s1+s5], $0x80, v15, vm0, $0xb8;
	[tilespmem:$0x12A80] =	vst v63  }
0x2c0: {  	v15 =	vld [tilespmem:s11+$0x130];
	_ =	sdelay $0x4  }
0x2c1: {  	v59 =	vshll.u32 v15, $0x1  }
0x2c2: {  	v15 =	vand.u32 $0x7, v15;
	v16 =	vand.u32 $0xFFFFFFF0, v59  }
0x2c3: {  	v15 =	vor.u32 v15, v16  }
0x2c4: {  	v16 =	vperm.xlane v15, v1;
	_ =	sdelay $0x1  }
0x2c5: {  	v15 =	vperm.xlane v15, v3;
	v16 =	vadd.s32 v2, v16;
	_ =	sdelay $0x1  }
0x2c6: {  	v15 =	vadd.s32 v2, v15;
	_ =	sdelay $0x1  }
0x2c7: {  	s18 =	simm.s32 $0x4800  }
0x2c8: {  	[tilespmem:s18], [sflag:$0x1] =	stream.indirect_vreg.gather [hbm4b:s1+s5], $0x80, v16, vm0, $0xb8;
	[tilespmem:$0x12A80] =	vst v63  }
0x2c9: {  	s19 =	simm.s32 $0x5000  }
0x2ca: {  	[tilespmem:s19], [sflag:$0x1] =	stream.indirect_vreg.gather [hbm4b:s1+s5], $0x80, v15, vm0, $0xb8;
	[tilespmem:$0x12A80] =	vst v63  }
0x2cb: {  	v15 =	vld [tilespmem:s11+$0x140];
	_ =	sdelay $0x4  }
0x2cc: {  	v60 =	vshll.u32 v15, $0x1  }
0x2cd: {  	v15 =	vand.u32 $0x7, v15;
	v16 =	vand.u32 $0xFFFFFFF0, v60  }
0x2ce: {  	v15 =	vor.u32 v15, v16  }
0x2cf: {  	v16 =	vperm.xlane v15, v1;
	_ =	sdelay $0x1  }
0x2d0: {  	v15 =	vperm.xlane v15, v3;
	v16 =	vadd.s32 v2, v16;
	_ =	sdelay $0x1  }
0x2d1: {  	v15 =	vadd.s32 v2, v15;
	_ =	sdelay $0x1  }
0x2d2: {  	s20 =	simm.s32 $0x5800  }
0x2d3: {  	[tilespmem:s20], [sflag:$0x1] =	stream.indirect_vreg.gather [hbm4b:s1+s5], $0x80, v16, vm0, $0xb8;
	[tilespmem:$0x12A80] =	vst v63  }
0x2d4: {  	s21 =	simm.s32 $0x6000  }
0x2d5: {  	[tilespmem:s21], [sflag:$0x1] =	stream.indirect_vreg.gather [hbm4b:s1+s5], $0x80, v15, vm0, $0xb8;
	[tilespmem:$0x12A80] =	vst v63  }
0x2d6: {  	v15 =	vld [tilespmem:s11+$0x150];
	_ =	sdelay $0x4  }
0x2d7: {  	v61 =	vshll.u32 v15, $0x1  }
0x2d8: {  	v15 =	vand.u32 $0x7, v15;
	v16 =	vand.u32 $0xFFFFFFF0, v61  }
0x2d9: {  	v15 =	vor.u32 v15, v16  }
0x2da: {  	v16 =	vperm.xlane v15, v1;
	_ =	sdelay $0x1  }
0x2db: {  	v15 =	vperm.xlane v15, v3;
	v16 =	vadd.s32 v2, v16;
	_ =	sdelay $0x1  }
0x2dc: {  	v15 =	vadd.s32 v2, v15;
	_ =	sdelay $0x1  }
0x2dd: {  	s14 =	simm.s32 $0x6800  }
0x2de: {  	[tilespmem:s14], [sflag:$0x1] =	stream.indirect_vreg.gather [hbm4b:s1+s5], $0x80, v16, vm0, $0xb8;
	[tilespmem:$0x12A80] =	vst v63  }
0x2df: {  	s15 =	simm.s32 $0x7000  }
0x2e0: {  	[tilespmem:s15], [sflag:$0x1] =	stream.indirect_vreg.gather [hbm4b:s1+s5], $0x80, v15, vm0, $0xb8;
	[tilespmem:$0x12A80] =	vst v63  }
0x2e1: {  	v15 =	vld [tilespmem:s11+$0x160];
	_ =	sdelay $0x4  }
0x2e2: {  	v62 =	vshll.u32 v15, $0x1  }
0x2e3: {  	v15 =	vand.u32 $0x7, v15;
	v16 =	vand.u32 $0xFFFFFFF0, v62  }
0x2e4: {  	v15 =	vor.u32 v15, v16  }
0x2e5: {  	v16 =	vperm.xlane v15, v1;
	_ =	sdelay $0x1  }
0x2e6: {  	v15 =	vperm.xlane v15, v3;
	v16 =	vadd.s32 v2, v16;
	_ =	sdelay $0x1  }
0x2e7: {  	v15 =	vadd.s32 v2, v15;
	_ =	sdelay $0x1  }
0x2e8: {  	s16 =	simm.s32 $0x7800  }
0x2e9: {  	[tilespmem:s16], [sflag:$0x1] =	stream.indirect_vreg.gather [hbm4b:s1+s5], $0x80, v16, vm0, $0xb8;
	[tilespmem:$0x12A80] =	vst v63  }
0x2ea: {  	s17 =	simm.s32 $0x8000  }
0x2eb: {  	[tilespmem:s17], [sflag:$0x1] =	stream.indirect_vreg.gather [hbm4b:s1+s5], $0x80, v15, vm0, $0xb8;
	[tilespmem:$0x12A80] =	vst v63  }
0x2ec: {  	v15 =	vld [tilespmem:s11+$0x170];
	_ =	sdelay $0x4  }
0x2ed: {  	v63 =	vshll.u32 v15, $0x1  }
0x2ee: {  	v15 =	vand.u32 $0x7, v15;
	v16 =	vand.u32 $0xFFFFFFF0, v63  }
0x2ef: {  	v15 =	vor.u32 v15, v16  }
0x2f0: {  	v16 =	vperm.xlane v15, v1;
	_ =	sdelay $0x1  }
0x2f1: {  	v15 =	vperm.xlane v15, v3;
	v16 =	vadd.s32 v2, v16;
	_ =	sdelay $0x1  }
0x2f2: {  	v15 =	vadd.s32 v2, v15;
	_ =	sdelay $0x1  }
0x2f3: {  	s18 =	simm.s32 $0x8800  }
0x2f4: {  	[tilespmem:s18], [sflag:$0x1] =	stream.indirect_vreg.gather [hbm4b:s1+s5], $0x80, v16, vm0, $0xb8;
	[tilespmem:$0x12A80] =	vst v63  }
0x2f5: {  	s19 =	simm.s32 $0x9000  }
0x2f6: {  	[tilespmem:s19], [sflag:$0x1] =	stream.indirect_vreg.gather [hbm4b:s1+s5], $0x80, v15, vm0, $0xb8;
	[tilespmem:$0x12A80] =	vst v63  }
0x2f7: {  	s20 =	simm.s32 $0x11800;
	s11 =	sadd.s32 $0x100, s11  }
0x2f8: {  	[tilespmem:s20], [sflag:$0x1] =	stream.indirect.gather [hbm4b:s3+s30], $0x1, s11, s30, $0xb8;
	[tilespmem:$0x12A80] =	vst v63  }
0x2f9: {  	s21 =	simm.s32 $0x11900  }
0x2fa: {  	[tilespmem:s21], [sflag:$0x1] =	stream.indirect.gather [hbm4b:s2+s30], $0x1, s11, s30, $0xb8;
	[tilespmem:$0x12A80] =	vst v63  }
.LBB2_6:
0x2fb: {  	_ =	swait.ge [sflag:s31], $0x8000  }
0x2fc: {  	[sflag:s31] =	ssyncset.done $0x0  }
0x2fd: {  	[sflag:s31] =	ssyncadd.s32 $0xFFFF8000  }
0x2fe: {  	_ =	swait.ge [sflag:s31], $0x80  }
0x2ff: {  	[sflag:s31] =	ssyncset.done $0x0  }
0x300: {  	[sflag:s31] =	ssyncadd.s32 $0xFFFFFF80  }
0x301: {  	_ =	swait.ge [sflag:s31], $0x80  }
0x302: {  	[sflag:s31] =	ssyncset.done $0x0  }
0x303: {  	s11 =	simm.s32 @!p0 $0x4;
	[sflag:s31] =	ssyncadd.s32 $0xFFFFFF80  }
0x304: {  	_ =	swait.ge @!p0 [sflag:s11], $0x400  }
0x305: {  	[sflag:s11] =	ssyncset.done @!p0 $0x0  }
0x306: {  	[sflag:s11] =	ssyncadd.s32 @!p0 $0xFFFFFC00  }
0x307: {  	[tilespmem:$0x12680] =	vst v4  }
0x308: {  	[tilespmem:$0x12690] =	vst v4  }
0x309: {  	[tilespmem:$0x126A0] =	vst v4  }
0x30a: {  	[tilespmem:$0x126B0] =	vst v4  }
0x30b: {  	[tilespmem:$0x126C0] =	vst v4  }
0x30c: {  	[tilespmem:$0x126D0] =	vst v4  }
0x30d: {  	[tilespmem:$0x126E0] =	vst v4  }
0x30e: {  	[tilespmem:$0x126F0] =	vst v4  }
0x30f: {  	[tilespmem:$0x12700] =	vst v4  }
0x310: {  	[tilespmem:$0x12710] =	vst v4  }
0x311: {  	[tilespmem:$0x12720] =	vst v4  }
0x312: {  	[tilespmem:$0x12730] =	vst v4  }
0x313: {  	[tilespmem:$0x12740] =	vst v4  }
0x314: {  	[tilespmem:$0x12750] =	vst v4  }
0x315: {  	[tilespmem:$0x12760] =	vst v4  }
0x316: {  	[tilespmem:$0x12770] =	vst v4  }
0x317: {  	[tilespmem:$0x12780] =	vst v4  }
0x318: {  	[tilespmem:$0x12790] =	vst v4  }
0x319: {  	[tilespmem:$0x127A0] =	vst v4  }
0x31a: {  	[tilespmem:$0x127B0] =	vst v4  }
0x31b: {  	[tilespmem:$0x127C0] =	vst v4  }
0x31c: {  	[tilespmem:$0x127D0] =	vst v4  }
0x31d: {  	[tilespmem:$0x127E0] =	vst v4  }
0x31e: {  	[tilespmem:$0x127F0] =	vst v4  }
0x31f: {  	[tilespmem:$0x12800] =	vst v4  }
0x320: {  	[tilespmem:$0x12810] =	vst v4  }
0x321: {  	[tilespmem:$0x12820] =	vst v4  }
0x322: {  	[tilespmem:$0x12830] =	vst v4  }
0x323: {  	[tilespmem:$0x12840] =	vst v4  }
0x324: {  	[tilespmem:$0x12850] =	vst v4  }
0x325: {  	[tilespmem:$0x12860] =	vst v4  }
0x326: {  	[tilespmem:$0x12870] =	vst v4  }
0x327: {  	[tilespmem:$0x12880] =	vst v4  }
0x328: {  	[tilespmem:$0x12890] =	vst v4  }
0x329: {  	[tilespmem:$0x128A0] =	vst v4  }
0x32a: {  	[tilespmem:$0x128B0] =	vst v4  }
0x32b: {  	[tilespmem:$0x128C0] =	vst v4  }
0x32c: {  	[tilespmem:$0x128D0] =	vst v4  }
0x32d: {  	[tilespmem:$0x128E0] =	vst v4  }
0x32e: {  	[tilespmem:$0x128F0] =	vst v4  }
0x32f: {  	[tilespmem:$0x12900] =	vst v4  }
0x330: {  	[tilespmem:$0x12910] =	vst v4  }
0x331: {  	[tilespmem:$0x12920] =	vst v4  }
0x332: {  	[tilespmem:$0x12930] =	vst v4  }
0x333: {  	[tilespmem:$0x12940] =	vst v4  }
0x334: {  	[tilespmem:$0x12950] =	vst v4  }
0x335: {  	[tilespmem:$0x12960] =	vst v4  }
0x336: {  	[tilespmem:$0x12970] =	vst v4  }
0x337: {  	[tilespmem:$0x12980] =	vst v4  }
0x338: {  	[tilespmem:$0x12990] =	vst v4  }
0x339: {  	[tilespmem:$0x129A0] =	vst v4  }
0x33a: {  	[tilespmem:$0x129B0] =	vst v4  }
0x33b: {  	[tilespmem:$0x129C0] =	vst v4  }
0x33c: {  	[tilespmem:$0x129D0] =	vst v4  }
0x33d: {  	[tilespmem:$0x129E0] =	vst v4  }
0x33e: {  	[tilespmem:$0x129F0] =	vst v4  }
0x33f: {  	[tilespmem:$0x12A00] =	vst v4  }
0x340: {  	[tilespmem:$0x12A10] =	vst v4  }
0x341: {  	[tilespmem:$0x12A20] =	vst v4  }
0x342: {  	[tilespmem:$0x12A30] =	vst v4  }
0x343: {  	[tilespmem:$0x12A40] =	vst v4  }
0x344: {  	[tilespmem:$0x12A50] =	vst v4  }
0x345: {  	s8 =	sand.u32 $0x380, s8;
	[tilespmem:$0x12A60] =	vst v4  }
0x346: {  	s8 =	sadd.s32 s8, s9;
	[tilespmem:$0x12A70] =	vst v4  }
0x347: {  	v21 =	vld [tilespmem:s8+$0x0]  }
0x348: {  	v22 =	vld [tilespmem:s8+$0x10]  }
0x349: {  	v23 =	vld [tilespmem:s8+$0x20]  }
0x34a: {  	v24 =	vld [tilespmem:s8+$0x30]  }
0x34b: {  	v25 =	vld [tilespmem:s8+$0x40]  }
0x34c: {  	v26 =	vld [tilespmem:s8+$0x50]  }
0x34d: {  	v27 =	vld [tilespmem:s8+$0x60]  }
0x34e: {  	v28 =	vld [tilespmem:s8+$0x70]  }
0x34f: {  	v20 =	vld [tilespmem:s8+$0x400]  }
0x350: {  	v15 =	vld [tilespmem:s8+$0x410]  }
0x351: {  	v30 =	vld [tilespmem:s8+$0x420]  }
0x352: {  	v16 =	vld [tilespmem:s8+$0x430]  }
0x353: {  	s18 =	simm.s32 $0x0;
	v19 =	vld [tilespmem:s8+$0x440]  }
0x354: {  	s19 =	simm.s32 $0x80;
	s9 =	sand.u32 $0x7800, s18;
	v17 =	vld [tilespmem:s8+$0x450]  }
0x355: {  	s20 =	sand.u32 $0x380, s19;
	s13 =	sadd.s32 $0x9800, s9;
	v18 =	vld [tilespmem:s8+$0x460]  }
0x356: {  	s9 =	sor.u32 s20, s13;
	v31 =	vld [tilespmem:s8+$0x470]  }
0x357: {  	v29 =	vld [tilespmem:s9+$0x460]  }
0x358: {  	v32 =	vld [tilespmem:s9+$0x430]  }
0x359: {  	v33 =	vld [tilespmem:s9+$0x450]  }
0x35a: {  	v35 =	vld [tilespmem:s9+$0x70]  }
0x35b: {  	v37 =	vld [tilespmem:s9+$0x420]  }
0x35c: {  	v38 =	vld [tilespmem:s9+$0x30]  }
0x35d: {  	v36 =	vld [tilespmem:s9+$0x410]  }
0x35e: {  	v39 =	vld [tilespmem:s9+$0x60]  }
0x35f: {  	v40 =	vld [tilespmem:s9+$0x40]  }
0x360: {  	v41 =	vld [tilespmem:s9+$0x20]  }
0x361: {  	s21 =	simm.s32 $0x0;
	v43 =	vld [tilespmem:s9+$0x10]  }
0x362: {  	s8 =	sand.u32 $0x300, s21;
	v44 =	vld [tilespmem:s9+$0x50]  }
0x363: {  	v47 =	vld [tilespmem:s9+$0x0];
	s8 =	sor.u32 s8, s13  }
0x364: {  	v34 =	vld [tilespmem:s8+$0x420];
	v45 =	vsub.f32 v16, v32;
	v32 =	vsub.f32 v28, v35  }
0x365: {  	v42 =	vld [tilespmem:s8+$0x30];
	v58 =	vsub.f32 v18, v29;
	v59 =	vsub.f32 v15, v36  }
0x366: {  	v48 =	vld [tilespmem:s8+$0x70];
	v41 =	vsub.f32 v23, v41;
	v39 =	vsub.f32 v27, v39  }
0x367: {  	v49 =	vld [tilespmem:s8+$0x0];
	v40 =	vsub.f32 v25, v40;
	v50 =	vsub.f32 v17, v33  }
0x368: {  	v60 =	vld [tilespmem:s8+$0x20];
	v43 =	vsub.f32 v22, v43;
	v44 =	vsub.f32 v26, v44  }
0x369: {  	v61 =	vld [tilespmem:s8+$0x40];
	v46 =	vsub.f32 v30, v34;
	v29 =	vmul.f32 v45, v45;
	v34 =	vmul.f32 v58, v58  }
0x36a: {  	v57 =	vld [tilespmem:s8+$0x10];
	v37 =	vsub.f32 v30, v37;
	v36 =	vmul.f32 v59, v59;
	v52 =	vmul.f32 v41, v41  }
0x36b: {  	v56 =	vld [tilespmem:s8+$0x50];
	v38 =	vsub.f32 v24, v38;
	v54 =	vmul.f32 v39, v39;
	v35 =	vmul.f32 v40, v40  }
0x36c: {  	v45 =	vld [tilespmem:s8+$0x60];
	v39 =	vsub.f32 v21, v47;
	v43 =	vmul.f32 v43, v43;
	v42 =	vsub.f32 v24, v42  }
0x36d: {  	v47 =	vld [tilespmem:s8+$0x400];
	v51 =	vmul.f32 v44, v44;
	v49 =	vsub.f32 v21, v49;
	v62 =	vsub.f32 v28, v48  }
0x36e: {  	v48 =	vmul.f32 v37, v37;
	v63 =	vsub.f32 v23, v60;
	v59 =	vld [tilespmem:s9+$0x470];
	v40 =	vsub.f32 v25, v61  }
0x36f: {  	v38 =	vmul.f32 v38, v38;
	v58 =	vsub.f32 v22, v57;
	v33 =	vmul.f32 v46, v46;
	v46 =	vld [tilespmem:s8+$0x470]  }
0x370: {  	v56 =	vsub.f32 v26, v56;
	v41 =	vmul.f32 v42, v42;
	v53 =	vadd.f32 v51, v43;
	v51 =	vld [tilespmem:s8+$0x440]  }
0x371: {  	v44 =	vmul.f32 v62, v62;
	v37 =	vmul.f32 v63, v63;
	v55 =	vadd.f32 v54, v52;
	v42 =	vld [tilespmem:s8+$0x410]  }
0x372: {  	v54 =	vmul.f32 v49, v49;
	v49 =	vld [tilespmem:s8+$0x430];
	v60 =	vsub.f32 v27, v45;
	v61 =	vsub.f32 v20, v47  }
0x373: {  	s14 =	simm.s32 $0x180;
	s15 =	simm.s32 $0x200;
	v57 =	vmul.f32 v40, v40;
	v45 =	vld [tilespmem:s9+$0x400];
	v47 =	vmul.f32 v50, v50;
	v40 =	vsub.f32 v31, v59  }
0x374: {  	s11 =	simm.s32 $0x11A11;
	s13 =	simm.s32 $0x0;
	v52 =	vld [tilespmem:s9+$0x440];
	s9 =	simm.s32 $0x11A11;
	v43 =	vsub.f32 v31, v46;
	v50 =	vmul.f32 v61, v61;
	v46 =	vmul.f32 v60, v60  }
.LBB2_7:
0x375: {  	s16 =	sand.u32 $0x7800, s15;
	s13 =	sadd.s32 $0x2, s13;
	v58 =	vmul.f32 v58, v58;
	v36 =	vadd.f32 v36, v53;
	v48 =	vadd.f32 v48, v55;
	s11 =	sadd.s32 $0x22, s11  }
0x376: {  	s17 =	sadd.s32 $0xFFFFFF80, s14;
	s18 =	sadd.s32 $0x9800, s16;
	s16 =	sand.u32 $0x380, s14;
	v53 =	vadd.f32 v57, v54;
	v54 =	vmul.f32 v56, v56;
	v51 =	vsub.f32 v19, v51;
	v55 =	vld [tilespmem:s8+$0x460]  }
0x377: {  	v41 =	vadd.f32 v44, v41;
	v39 =	vmul.f32 v39, v39;
	s17 =	sand.u32 $0x300, s17;
	p0 =	slt.u32 s13, $0x7E;
	s16 =	sor.u32 s16, s18;
	v44 =	vld [tilespmem:s8+$0x450];
	v48 =	vadd.f32 v34, v48  }
0x378: {  	v43 =	vmul.f32 v43, v43;
	v45 =	vsub.f32 v20, v45;
	s8 =	sor.u32 s17, s18;
	v34 =	vld [tilespmem:s16+$0x460];
	v54 =	vadd.f32 v54, v58  }
0x379: {  	v32 =	vmul.f32 v32, v32;
	v35 =	vadd.f32 v35, v39;
	v47 =	vadd.f32 v47, v36;
	v56 =	vld [tilespmem:s16+$0x430]  }
0x37a: {  	v36 =	vadd.f32 v50, v53;
	v50 =	vmul.f32 v51, v51;
	v51 =	vsub.f32 v19, v52;
	v39 =	vld [tilespmem:s16+$0x450]  }
0x37b: {  	v42 =	vsub.f32 v15, v42;
	v45 =	vmul.f32 v45, v45;
	v49 =	vsub.f32 v16, v49;
	v52 =	vld [tilespmem:s8+$0x420]  }
0x37c: {  	v40 =	vmul.f32 v40, v40;
	v36 =	vadd.f32 v50, v36;
	v53 =	vld [tilespmem:s16+$0x70];
	v44 =	vsub.f32 v17, v44  }
0x37d: {  	v37 =	vadd.f32 v46, v37;
	v42 =	vmul.f32 v42, v42;
	v46 =	vmul.f32 v49, v49;
	v50 =	vld [tilespmem:s16+$0x420]  }
0x37e: {  	v35 =	vadd.f32 v45, v35;
	v55 =	vsub.f32 v18, v55;
	v49 =	vld [tilespmem:s16+$0x30];
	v44 =	vmul.f32 v44, v44  }
0x37f: {  	v33 =	vadd.f32 v33, v37;
	v37 =	vadd.f32 v46, v41;
	v41 =	vmul.f32 v51, v51;
	v45 =	vld [tilespmem:s16+$0x410]  }
0x380: {  	v38 =	vadd.f32 v32, v38;
	v55 =	vmul.f32 v55, v55;
	v51 =	vsub.f32 v16, v56;
	v46 =	vld [tilespmem:s16+$0x60]  }
0x381: {  	v42 =	vadd.f32 v42, v54;
	v52 =	vsub.f32 v30, v52;
	v56 =	vld [tilespmem:s16+$0x40]  }
0x382: {  	v37 =	vadd.f32 v43, v37;
	v51 =	vmul.f32 v51, v51;
	v32 =	vsub.f32 v28, v53;
	v54 =	vld [tilespmem:s16+$0x20]  }
0x383: {  	v34 =	vsub.f32 v18, v34;
	v33 =	vadd.f32 v55, v33;
	v43 =	vld [tilespmem:s8+$0x30]  }
0x384: {  	v42 =	vadd.f32 v44, v42;
	v53 =	vld [tilespmem:s16+$0x10];
	v45 =	vsub.f32 v15, v45  }
0x385: {  	v34 =	vmul.f32 v34, v34;
	v37 =	vadd.f32 v37, v33;
	v44 =	vld [tilespmem:s16+$0x50];
	v46 =	vsub.f32 v27, v46  }
0x386: {  	v38 =	vadd.f32 v29, v38;
	v29 =	vmov v51;
	v55 =	vld [tilespmem:s16+$0x0];
	v33 =	vsub.f32 v25, v56  }
0x387: {  	v42 =	vadd.f32 v42, v36;
	v51 =	vld [tilespmem:s8+$0x70];
	v54 =	vsub.f32 v23, v54  }
0x388: {  	v38 =	vadd.f32 v40, v38;
	v57 =	vsub.f32 v17, v39;
	v36 =	vmul.f32 v45, v45;
	v56 =	vld [tilespmem:s8+$0x60]  }
0x389: {  	v41 =	vadd.f32 v41, v35;
	v46 =	vmul.f32 v46, v46;
	v40 =	vld [tilespmem:s8+$0x0];
	v54 =	vmul.f32 v54, v54  }
0x38a: {  	v38 =	vadd.f32 v38, v48;
	v35 =	vmul.f32 v33, v33;
	v53 =	vsub.f32 v22, v53;
	v45 =	vld [tilespmem:s8+$0x20]  }
0x38b: {  	v37 =	vadd.f32 v37, v42;
	v33 =	vmul.f32 v52, v52;
	v44 =	vsub.f32 v26, v44;
	v58 =	vld [tilespmem:s8+$0x40]  }
0x38c: {  	v48 =	vsub.f32 v30, v50;
	v39 =	vsub.f32 v21, v55;
	v42 =	vmul.f32 v53, v53;
	v52 =	vld [tilespmem:s8+$0x470]  }
0x38d: {  	v43 =	vsub.f32 v24, v43;
	v53 =	vmul.f32 v44, v44;
	v50 =	vld [tilespmem:s8+$0x400];
	[tilespmem:s9+$0xFFFFFFEF] =	vst v37;
	v37 =	vadd.f32 v47, v41  }
0x38e: {  	v48 =	vmul.f32 v48, v48;
	v44 =	vsub.f32 v28, v51;
	v40 =	vsub.f32 v21, v40;
	v59 =	vld [tilespmem:s8+$0x50]  }
0x38f: {  	v41 =	vmul.f32 v43, v43;
	v60 =	vld [tilespmem:s8+$0x10];
	v45 =	vsub.f32 v23, v45;
	v38 =	vadd.f32 v38, v37  }
0x390: {  	v49 =	vsub.f32 v24, v49;
	v44 =	vmul.f32 v44, v44;
	v53 =	vadd.f32 v53, v42;
	v61 =	vld [tilespmem:s16+$0x470]  }
.Ltmp2:
0x391: {  	v63 =	vsub.f32 v27, v56;
	v62 =	vsub.f32 v25, v58;
	v37 =	vmul.f32 v45, v45;
	v45 =	vld [tilespmem:s16+$0x400];
	[tilespmem:s9+$0x0] =	vst v38;
	s9 =	smov.u32 s11;
	(pc) =	sbr.rel @p0 .LBB2_7-.Ltmp2, $4  }
0x392: {  	v55 =	vadd.f32 v46, v54;
	v47 =	vmul.f32 v57, v57;
	v50 =	vsub.f32 v20, v50;
	v51 =	vld [tilespmem:s8+$0x440]  }
0x393: {  	v54 =	vmul.f32 v40, v40;
	v43 =	vsub.f32 v31, v52;
	v38 =	vmul.f32 v49, v49;
	v42 =	vld [tilespmem:s8+$0x410]  }
0x394: {  	v56 =	vsub.f32 v26, v59;
	v58 =	vsub.f32 v22, v60;
	v50 =	vmul.f32 v50, v50;
	v49 =	vld [tilespmem:s8+$0x430]  }
0x395: {  	s15 =	sadd.s32 $0x200, s15;
	s14 =	sadd.s32 $0x100, s14;
	v46 =	vmul.f32 v63, v63;
	v57 =	vmul.f32 v62, v62;
	v52 =	vld [tilespmem:s16+$0x440];
	v40 =	vsub.f32 v31, v61  }
0x396: {  	v21 =	vadd.f32 v36, v53;
	v22 =	vadd.f32 v48, v55;
	v23 =	vmul.f32 v58, v58  }
0x397: {  	v24 =	vmul.f32 v56, v56;
	v26 =	vadd.f32 v44, v41;
	v20 =	vsub.f32 v20, v45  }
0x398: {  	v39 =	vmul.f32 v39, v39;
	v25 =	vadd.f32 v57, v54;
	v28 =	vsub.f32 v19, v51  }
0x399: {  	v27 =	vld [tilespmem:s8+$0x450];
	v22 =	vadd.f32 v34, v22;
	v23 =	vadd.f32 v24, v23  }
0x39a: {  	v30 =	vld [tilespmem:s8+$0x460];
	v44 =	vmul.f32 v32, v32;
	v24 =	vadd.f32 v35, v39;
	v21 =	vadd.f32 v47, v21  }
0x39b: {  	v15 =	vsub.f32 v15, v42;
	v20 =	vmul.f32 v20, v20;
	v42 =	vadd.f32 v46, v37  }
0x39c: {  	v25 =	vadd.f32 v50, v25;
	v28 =	vmul.f32 v28, v28;
	v16 =	vsub.f32 v16, v49  }
0x39d: {  	v45 =	vmul.f32 v43, v43;
	v41 =	vsub.f32 v19, v52;
	v20 =	vadd.f32 v20, v24  }
0x39e: {  	v15 =	vmul.f32 v15, v15;
	v24 =	vadd.f32 v44, v38;
	v25 =	vadd.f32 v28, v25  }
0x39f: {  	v17 =	vsub.f32 v17, v27;
	v18 =	vsub.f32 v18, v30;
	v16 =	vmul.f32 v16, v16  }
0x3a0: {  	v47 =	vmul.f32 v40, v40;
	v27 =	vadd.f32 v33, v42;
	v46 =	vadd.f32 v29, v24  }
0x3a1: {  	v15 =	vadd.f32 v15, v23;
	v19 =	vmul.f32 v41, v41;
	v16 =	vadd.f32 v16, v26  }
0x3a2: {  	v17 =	vmul.f32 v17, v17;
	v18 =	vmul.f32 v18, v18;
	v48 =	vadd.f32 v47, v46  }
0x3a3: {  	v19 =	vadd.f32 v19, v20;
	v16 =	vadd.f32 v45, v16  }
0x3a4: {  	v18 =	vadd.f32 v18, v27;
	v15 =	vadd.f32 v17, v15  }
0x3a5: {  	v17 =	vadd.f32 v48, v22;
	v49 =	vadd.f32 v21, v19  }
0x3a6: {  	v16 =	vadd.f32 v16, v18;
	v15 =	vadd.f32 v15, v25  }
0x3a7: {  	v50 =	vadd.f32 v17, v49  }
0x3a8: {  	v15 =	vadd.f32 v16, v15  }
0x3a9: {  	[tilespmem:s9+$0x0] =	vst v50  }
0x3aa: {  	[tilespmem:s9+$0xFFFFFFEF] =	vst v15  }
0x3ab: {  	v5 =	vld.idx.msk [tilespmem:v5+s26+$0x0], $0xffff  }
0x3ac: {  	v15 =	vld [tilespmem:$0x1F8B0]  }
0x3ad: {  	v16 =	vld [tilespmem:$0x1F8C0]  }
0x3ae: {  	v51 =	vld [tilespmem:$0x1F8D0]  }
0x3af: {  	v52 =	vld [tilespmem:$0x1F8E0]  }
0x3b0: {  	v53 =	vld [tilespmem:$0x1F8F0]  }
0x3b1: {  	v54 =	vld [tilespmem:$0x1F900]  }
0x3b2: {  	v55 =	vld [tilespmem:$0x1F910]  }
0x3b3: {  	v56 =	vld [tilespmem:$0x1F920]  }
0x3b4: {  	v57 =	vld [tilespmem:$0x1F930]  }
0x3b5: {  	v58 =	vld [tilespmem:$0x1F940]  }
0x3b6: {  	v59 =	vld [tilespmem:$0x1F950]  }
0x3b7: {  	v60 =	vld [tilespmem:$0x1F960]  }
0x3b8: {  	v61 =	vld [tilespmem:$0x1F970]  }
0x3b9: {  	v62 =	vld [tilespmem:$0x1F980]  }
0x3ba: {  	v63 =	vld [tilespmem:$0x1F990]  }
0x3bb: {  	v15 =	vld.idx.msk [tilespmem:v15+s26+$0x0], $0xffff  }
0x3bc: {  	v16 =	vld.idx.msk [tilespmem:v16+s26+$0x0], $0xffff  }
0x3bd: {  	v17 =	vld.idx.msk [tilespmem:v51+s26+$0x0], $0xffff  }
0x3be: {  	v18 =	vld.idx.msk [tilespmem:v52+s26+$0x0], $0xffff  }
0x3bf: {  	v19 =	vld.idx.msk [tilespmem:v53+s26+$0x0], $0xffff  }
0x3c0: {  	v20 =	vld.idx.msk [tilespmem:v54+s26+$0x0], $0xffff  }
0x3c1: {  	v21 =	vld.idx.msk [tilespmem:v55+s26+$0x0], $0xffff  }
0x3c2: {  	v22 =	vld.idx.msk [tilespmem:v56+s26+$0x0], $0xffff  }
0x3c3: {  	v23 =	vld.idx.msk [tilespmem:v57+s26+$0x0], $0xffff  }
0x3c4: {  	v24 =	vld.idx.msk [tilespmem:v58+s26+$0x0], $0xffff  }
0x3c5: {  	v25 =	vld.idx.msk [tilespmem:v59+s26+$0x0], $0xffff  }
0x3c6: {  	v26 =	vld.idx.msk [tilespmem:v60+s26+$0x0], $0xffff  }
0x3c7: {  	v27 =	vld.idx.msk [tilespmem:v61+s26+$0x0], $0xffff  }
0x3c8: {  	v28 =	vld.idx.msk [tilespmem:v62+s26+$0x0], $0xffff  }
0x3c9: {  	v5 =	vadd.f32 v18, v5;
	v15 =	vadd.f32 v19, v15;
	v18 =	vld.idx.msk [tilespmem:v63+s26+$0x0], $0xffff  }
0x3ca: {  	v16 =	vadd.f32 v20, v16;
	v17 =	vadd.f32 v21, v17  }
0x3cb: {  	v5 =	vadd.f32 v22, v5;
	v15 =	vadd.f32 v23, v15  }
0x3cc: {  	v16 =	vadd.f32 v24, v16;
	v17 =	vadd.f32 v25, v17  }
0x3cd: {  	v5 =	vadd.f32 v26, v5;
	v15 =	vadd.f32 v27, v15  }
0x3ce: {  	v16 =	vadd.f32 v28, v16;
	v17 =	vadd.f32 v18, v17;
	_ =	sdelay $0x1  }
0x3cf: {  	v5 =	vadd.f32 v15, v5;
	v28 =	vadd.f32 v17, v16  }
0x3d0: {  	v29 =	vld [tilespmem:$0x11880]  }
0x3d1: {  	v5 =	vadd.f32 v28, v5;
	_ =	sdelay $0x1  }
0x3d2: {  	v31 =	vld [tilespmem:$0x1F9B0];
	v5 =	vmul.f32 $4.999999890e-03, v5  }
0x3d3: {  	v32 =	vld [tilespmem:$0x1F9C0]  }
0x3d4: {  	v33 =	vld [tilespmem:$0x1F9D0];
	v5 =	vsub.f32 v29, v5  }
0x3d5: {  	v34 =	vld [tilespmem:$0x1F9E0]  }
0x3d6: {  	v35 =	vld [tilespmem:$0x1F9F0];
	v5 =	vmul.f32 $1.442695020e+00, v5  }
0x3d7: {  	v36 =	vld [tilespmem:$0x1FA00]  }
0x3d8: {  	v37 =	vld [tilespmem:$0x1FA10];
	(erf) = vpow2.f32 v5  }
0x3d9: {  	v38 =	vld [tilespmem:$0x1FA20]  }
0x3da: {  	v5 =	vld [tilespmem:$0x11980]  }
0x3db: {  	v39 =	vld [tilespmem:$0x1FA30]  }
0x3dc: {  	v40 =	vld [tilespmem:$0x1FA40]  }
0x3dd: {  	v41 =	vld [tilespmem:$0x1FA50]  }
0x3de: {  	v42 =	vld [tilespmem:$0x1FA60]  }
0x3df: {  	v43 =	vld [tilespmem:$0x1FA70]  }
0x3e0: {  	v44 =	vld [tilespmem:$0x1FA80]  }
0x3e1: {  	v45 =	vld [tilespmem:$0x1FA90];
	v30 =	vpop (erf)  }
0x3e2: {  	[tilespmem:v5+s0+$0x0] =	vst.idx.add.f32.msk $0xffff, v30  }
0x3e3: {  	v5 =	vld [tilespmem:$0x1F9A0]  }
0x3e4: {  	v15 =	vld.idx.msk [tilespmem:v31+s26+$0x0], $0xffff  }
0x3e5: {  	v16 =	vld.idx.msk [tilespmem:v32+s26+$0x0], $0xffff  }
0x3e6: {  	v17 =	vld.idx.msk [tilespmem:v33+s26+$0x0], $0xffff  }
0x3e7: {  	v18 =	vld.idx.msk [tilespmem:v34+s26+$0x0], $0xffff  }
0x3e8: {  	v19 =	vld.idx.msk [tilespmem:v35+s26+$0x0], $0xffff  }
0x3e9: {  	v20 =	vld.idx.msk [tilespmem:v36+s26+$0x0], $0xffff  }
0x3ea: {  	v21 =	vld.idx.msk [tilespmem:v37+s26+$0x0], $0xffff  }
0x3eb: {  	v22 =	vld.idx.msk [tilespmem:v38+s26+$0x0], $0xffff  }
0x3ec: {  	v23 =	vld.idx.msk [tilespmem:v39+s26+$0x0], $0xffff  }
0x3ed: {  	v24 =	vld.idx.msk [tilespmem:v40+s26+$0x0], $0xffff  }
0x3ee: {  	v5 =	vld.idx.msk [tilespmem:v5+s26+$0x0], $0xffff  }
0x3ef: {  	v25 =	vld.idx.msk [tilespmem:v41+s26+$0x0], $0xffff  }
0x3f0: {  	v26 =	vld.idx.msk [tilespmem:v42+s26+$0x0], $0xffff  }
0x3f1: {  	v27 =	vld.idx.msk [tilespmem:v43+s26+$0x0], $0xffff  }
0x3f2: {  	v28 =	vld.idx.msk [tilespmem:v44+s26+$0x0], $0xffff;
	v15 =	vadd.f32 v19, v15  }
0x3f3: {  	v16 =	vadd.f32 v20, v16;
	v5 =	vadd.f32 v18, v5;
	v18 =	vld.idx.msk [tilespmem:v45+s26+$0x0], $0xffff  }
0x3f4: {  	v17 =	vadd.f32 v21, v17  }
0x3f5: {  	v15 =	vadd.f32 v23, v15;
	v16 =	vadd.f32 v24, v16  }
0x3f6: {  	v17 =	vadd.f32 v25, v17;
	v5 =	vadd.f32 v22, v5  }
0x3f7: {  	v15 =	vadd.f32 v27, v15;
	v16 =	vadd.f32 v28, v16  }
0x3f8: {  	v5 =	vadd.f32 v26, v5;
	v17 =	vadd.f32 v18, v17;
	_ =	sdelay $0x1  }
0x3f9: {  	v5 =	vadd.f32 v15, v5;
	v46 =	vadd.f32 v17, v16  }
0x3fa: {  	v47 =	vld [tilespmem:$0x11890]  }
0x3fb: {  	v5 =	vadd.f32 v46, v5;
	_ =	sdelay $0x1  }
0x3fc: {  	v49 =	vld [tilespmem:$0x1FAB0];
	v5 =	vmul.f32 $4.999999890e-03, v5  }
0x3fd: {  	v50 =	vld [tilespmem:$0x1FAC0]  }
0x3fe: {  	v51 =	vld [tilespmem:$0x1FAD0];
	v5 =	vsub.f32 v47, v5  }
0x3ff: {  	v52 =	vld [tilespmem:$0x1FAE0]  }
0x400: {  	v53 =	vld [tilespmem:$0x1FAF0];
	v5 =	vmul.f32 $1.442695020e+00, v5  }
0x401: {  	v54 =	vld [tilespmem:$0x1FB00]  }
0x402: {  	v55 =	vld [tilespmem:$0x1FB10];
	(erf) = vpow2.f32 v5  }
0x403: {  	v56 =	vld [tilespmem:$0x1FB20]  }
0x404: {  	v5 =	vld [tilespmem:$0x11990]  }
0x405: {  	v57 =	vld [tilespmem:$0x1FB30]  }
0x406: {  	v58 =	vld [tilespmem:$0x1FB40]  }
0x407: {  	v59 =	vld [tilespmem:$0x1FB50]  }
0x408: {  	v60 =	vld [tilespmem:$0x1FB60]  }
0x409: {  	v61 =	vld [tilespmem:$0x1FB70]  }
0x40a: {  	v62 =	vld [tilespmem:$0x1FB80]  }
0x40b: {  	v63 =	vld [tilespmem:$0x1FB90];
	v48 =	vpop (erf)  }
0x40c: {  	[tilespmem:v5+s0+$0x0] =	vst.idx.add.f32.msk $0xffff, v48  }
0x40d: {  	v5 =	vld [tilespmem:$0x1FAA0]  }
0x40e: {  	v15 =	vld.idx.msk [tilespmem:v49+s26+$0x0], $0xffff  }
0x40f: {  	v16 =	vld.idx.msk [tilespmem:v50+s26+$0x0], $0xffff  }
0x410: {  	v17 =	vld.idx.msk [tilespmem:v51+s26+$0x0], $0xffff  }
0x411: {  	v18 =	vld.idx.msk [tilespmem:v52+s26+$0x0], $0xffff  }
0x412: {  	v19 =	vld.idx.msk [tilespmem:v53+s26+$0x0], $0xffff  }
0x413: {  	v20 =	vld.idx.msk [tilespmem:v54+s26+$0x0], $0xffff  }
0x414: {  	v21 =	vld.idx.msk [tilespmem:v55+s26+$0x0], $0xffff  }
0x415: {  	v22 =	vld.idx.msk [tilespmem:v56+s26+$0x0], $0xffff  }
0x416: {  	v23 =	vld.idx.msk [tilespmem:v57+s26+$0x0], $0xffff  }
0x417: {  	v24 =	vld.idx.msk [tilespmem:v58+s26+$0x0], $0xffff  }
0x418: {  	v5 =	vld.idx.msk [tilespmem:v5+s26+$0x0], $0xffff  }
0x419: {  	v25 =	vld.idx.msk [tilespmem:v59+s26+$0x0], $0xffff  }
0x41a: {  	v26 =	vld.idx.msk [tilespmem:v60+s26+$0x0], $0xffff  }
0x41b: {  	v27 =	vld.idx.msk [tilespmem:v61+s26+$0x0], $0xffff  }
0x41c: {  	v28 =	vld.idx.msk [tilespmem:v62+s26+$0x0], $0xffff;
	v15 =	vadd.f32 v19, v15  }
0x41d: {  	v16 =	vadd.f32 v20, v16;
	v5 =	vadd.f32 v18, v5;
	v18 =	vld.idx.msk [tilespmem:v63+s26+$0x0], $0xffff  }
0x41e: {  	v17 =	vadd.f32 v21, v17  }
0x41f: {  	v15 =	vadd.f32 v23, v15;
	v16 =	vadd.f32 v24, v16  }
0x420: {  	v17 =	vadd.f32 v25, v17;
	v5 =	vadd.f32 v22, v5  }
0x421: {  	v15 =	vadd.f32 v27, v15;
	v16 =	vadd.f32 v28, v16  }
0x422: {  	v5 =	vadd.f32 v26, v5;
	v17 =	vadd.f32 v18, v17;
	_ =	sdelay $0x1  }
0x423: {  	v5 =	vadd.f32 v15, v5;
	v28 =	vadd.f32 v17, v16  }
0x424: {  	v29 =	vld [tilespmem:$0x118A0]  }
0x425: {  	v5 =	vadd.f32 v28, v5;
	_ =	sdelay $0x1  }
0x426: {  	v31 =	vld [tilespmem:$0x1FBB0];
	v5 =	vmul.f32 $4.999999890e-03, v5  }
0x427: {  	v32 =	vld [tilespmem:$0x1FBC0]  }
0x428: {  	v33 =	vld [tilespmem:$0x1FBD0];
	v5 =	vsub.f32 v29, v5  }
0x429: {  	v34 =	vld [tilespmem:$0x1FBE0]  }
0x42a: {  	v35 =	vld [tilespmem:$0x1FBF0];
	v5 =	vmul.f32 $1.442695020e+00, v5  }
0x42b: {  	v36 =	vld [tilespmem:$0x1FC00]  }
0x42c: {  	v37 =	vld [tilespmem:$0x1FC10];
	(erf) = vpow2.f32 v5  }
0x42d: {  	v38 =	vld [tilespmem:$0x1FC20]  }
0x42e: {  	v5 =	vld [tilespmem:$0x119A0]  }
0x42f: {  	v39 =	vld [tilespmem:$0x1FC30]  }
0x430: {  	v40 =	vld [tilespmem:$0x1FC40]  }
0x431: {  	v41 =	vld [tilespmem:$0x1FC50]  }
0x432: {  	v42 =	vld [tilespmem:$0x1FC60]  }
0x433: {  	v43 =	vld [tilespmem:$0x1FC70]  }
0x434: {  	v44 =	vld [tilespmem:$0x1FC80]  }
0x435: {  	v45 =	vld [tilespmem:$0x1FC90];
	v30 =	vpop (erf)  }
0x436: {  	[tilespmem:v5+s0+$0x0] =	vst.idx.add.f32.msk $0xffff, v30  }
0x437: {  	v5 =	vld [tilespmem:$0x1FBA0]  }
0x438: {  	v15 =	vld.idx.msk [tilespmem:v31+s26+$0x0], $0xffff  }
0x439: {  	v16 =	vld.idx.msk [tilespmem:v32+s26+$0x0], $0xffff  }
0x43a: {  	v17 =	vld.idx.msk [tilespmem:v33+s26+$0x0], $0xffff  }
0x43b: {  	v18 =	vld.idx.msk [tilespmem:v34+s26+$0x0], $0xffff  }
0x43c: {  	v19 =	vld.idx.msk [tilespmem:v35+s26+$0x0], $0xffff  }
0x43d: {  	v20 =	vld.idx.msk [tilespmem:v36+s26+$0x0], $0xffff  }
0x43e: {  	v21 =	vld.idx.msk [tilespmem:v37+s26+$0x0], $0xffff  }
0x43f: {  	v22 =	vld.idx.msk [tilespmem:v38+s26+$0x0], $0xffff  }
0x440: {  	v23 =	vld.idx.msk [tilespmem:v39+s26+$0x0], $0xffff  }
0x441: {  	v24 =	vld.idx.msk [tilespmem:v40+s26+$0x0], $0xffff  }
0x442: {  	v5 =	vld.idx.msk [tilespmem:v5+s26+$0x0], $0xffff  }
0x443: {  	v25 =	vld.idx.msk [tilespmem:v41+s26+$0x0], $0xffff  }
0x444: {  	v26 =	vld.idx.msk [tilespmem:v42+s26+$0x0], $0xffff  }
0x445: {  	v27 =	vld.idx.msk [tilespmem:v43+s26+$0x0], $0xffff  }
0x446: {  	v28 =	vld.idx.msk [tilespmem:v44+s26+$0x0], $0xffff;
	v15 =	vadd.f32 v19, v15  }
0x447: {  	v16 =	vadd.f32 v20, v16;
	v5 =	vadd.f32 v18, v5;
	v18 =	vld.idx.msk [tilespmem:v45+s26+$0x0], $0xffff  }
0x448: {  	v17 =	vadd.f32 v21, v17  }
0x449: {  	v15 =	vadd.f32 v23, v15;
	v16 =	vadd.f32 v24, v16  }
0x44a: {  	v17 =	vadd.f32 v25, v17;
	v5 =	vadd.f32 v22, v5  }
0x44b: {  	v15 =	vadd.f32 v27, v15;
	v16 =	vadd.f32 v28, v16  }
0x44c: {  	v5 =	vadd.f32 v26, v5;
	v17 =	vadd.f32 v18, v17;
	_ =	sdelay $0x1  }
0x44d: {  	v5 =	vadd.f32 v15, v5;
	v46 =	vadd.f32 v17, v16  }
0x44e: {  	v47 =	vld [tilespmem:$0x118B0]  }
0x44f: {  	v5 =	vadd.f32 v46, v5;
	_ =	sdelay $0x1  }
0x450: {  	v49 =	vld [tilespmem:$0x1FCB0];
	v5 =	vmul.f32 $4.999999890e-03, v5  }
0x451: {  	v50 =	vld [tilespmem:$0x1FCC0]  }
0x452: {  	v51 =	vld [tilespmem:$0x1FCD0];
	v5 =	vsub.f32 v47, v5  }
0x453: {  	v52 =	vld [tilespmem:$0x1FCE0]  }
0x454: {  	v53 =	vld [tilespmem:$0x1FCF0];
	v5 =	vmul.f32 $1.442695020e+00, v5  }
0x455: {  	v54 =	vld [tilespmem:$0x1FD00]  }
0x456: {  	v55 =	vld [tilespmem:$0x1FD10];
	(erf) = vpow2.f32 v5  }
0x457: {  	v56 =	vld [tilespmem:$0x1FD20]  }
0x458: {  	v5 =	vld [tilespmem:$0x119B0]  }
0x459: {  	v57 =	vld [tilespmem:$0x1FD30]  }
0x45a: {  	v58 =	vld [tilespmem:$0x1FD40]  }
0x45b: {  	v59 =	vld [tilespmem:$0x1FD50]  }
0x45c: {  	v60 =	vld [tilespmem:$0x1FD60]  }
0x45d: {  	v61 =	vld [tilespmem:$0x1FD70]  }
0x45e: {  	v62 =	vld [tilespmem:$0x1FD80]  }
0x45f: {  	v63 =	vld [tilespmem:$0x1FD90];
	v48 =	vpop (erf)  }
0x460: {  	[tilespmem:v5+s0+$0x0] =	vst.idx.add.f32.msk $0xffff, v48  }
0x461: {  	v5 =	vld [tilespmem:$0x1FCA0]  }
0x462: {  	v15 =	vld.idx.msk [tilespmem:v49+s26+$0x0], $0xffff  }
0x463: {  	v16 =	vld.idx.msk [tilespmem:v50+s26+$0x0], $0xffff  }
0x464: {  	v17 =	vld.idx.msk [tilespmem:v51+s26+$0x0], $0xffff  }
0x465: {  	v18 =	vld.idx.msk [tilespmem:v52+s26+$0x0], $0xffff  }
0x466: {  	v19 =	vld.idx.msk [tilespmem:v53+s26+$0x0], $0xffff  }
0x467: {  	v20 =	vld.idx.msk [tilespmem:v54+s26+$0x0], $0xffff  }
0x468: {  	v21 =	vld.idx.msk [tilespmem:v55+s26+$0x0], $0xffff  }
0x469: {  	v22 =	vld.idx.msk [tilespmem:v56+s26+$0x0], $0xffff  }
0x46a: {  	v23 =	vld.idx.msk [tilespmem:v57+s26+$0x0], $0xffff  }
0x46b: {  	v24 =	vld.idx.msk [tilespmem:v58+s26+$0x0], $0xffff  }
0x46c: {  	v5 =	vld.idx.msk [tilespmem:v5+s26+$0x0], $0xffff  }
0x46d: {  	v25 =	vld.idx.msk [tilespmem:v59+s26+$0x0], $0xffff  }
0x46e: {  	v26 =	vld.idx.msk [tilespmem:v60+s26+$0x0], $0xffff  }
0x46f: {  	v27 =	vld.idx.msk [tilespmem:v61+s26+$0x0], $0xffff  }
0x470: {  	v28 =	vld.idx.msk [tilespmem:v62+s26+$0x0], $0xffff;
	v15 =	vadd.f32 v19, v15  }
0x471: {  	v16 =	vadd.f32 v20, v16;
	v5 =	vadd.f32 v18, v5;
	v18 =	vld.idx.msk [tilespmem:v63+s26+$0x0], $0xffff  }
0x472: {  	v17 =	vadd.f32 v21, v17  }
0x473: {  	v15 =	vadd.f32 v23, v15;
	v16 =	vadd.f32 v24, v16  }
0x474: {  	v17 =	vadd.f32 v25, v17;
	v5 =	vadd.f32 v22, v5  }
0x475: {  	v15 =	vadd.f32 v27, v15;
	v16 =	vadd.f32 v28, v16  }
0x476: {  	v5 =	vadd.f32 v26, v5;
	v17 =	vadd.f32 v18, v17;
	_ =	sdelay $0x1  }
0x477: {  	v5 =	vadd.f32 v15, v5;
	v20 =	vadd.f32 v17, v16  }
0x478: {  	v21 =	vld [tilespmem:$0x118C0]  }
0x479: {  	v5 =	vadd.f32 v20, v5;
	_ =	sdelay $0x1  }
0x47a: {  	v29 =	vld [tilespmem:$0x1FE10];
	v5 =	vmul.f32 $4.999999890e-03, v5  }
0x47b: {  	v30 =	vld [tilespmem:$0x1FE20]  }
0x47c: {  	v31 =	vld [tilespmem:$0x1FE30];
	v5 =	vsub.f32 v21, v5  }
0x47d: {  	v32 =	vld [tilespmem:$0x1FE40]  }
0x47e: {  	v33 =	vld [tilespmem:$0x1FE50];
	v5 =	vmul.f32 $1.442695020e+00, v5  }
0x47f: {  	v34 =	vld [tilespmem:$0x1FE60]  }
0x480: {  	v35 =	vld [tilespmem:$0x1FE70];
	(erf) = vpow2.f32 v5  }
0x481: {  	v36 =	vld [tilespmem:$0x1FE80]  }
0x482: {  	v5 =	vld [tilespmem:$0x119C0]  }
0x483: {  	v37 =	vld [tilespmem:$0x1FE90]  }
0x484: {  	v23 =	vld [tilespmem:$0x1FDB0]  }
0x485: {  	v24 =	vld [tilespmem:$0x1FDC0]  }
0x486: {  	v25 =	vld [tilespmem:$0x1FDD0]  }
0x487: {  	v26 =	vld [tilespmem:$0x1FDE0]  }
0x488: {  	v27 =	vld [tilespmem:$0x1FDF0]  }
0x489: {  	v28 =	vld [tilespmem:$0x1FE00];
	v22 =	vpop (erf)  }
0x48a: {  	[tilespmem:v5+s0+$0x0] =	vst.idx.add.f32.msk $0xffff, v22  }
0x48b: {  	v5 =	vld [tilespmem:$0x1FDA0]  }
0x48c: {  	v15 =	vld.idx.msk [tilespmem:v23+s26+$0x0], $0xffff  }
0x48d: {  	v16 =	vld.idx.msk [tilespmem:v24+s26+$0x0], $0xffff  }
0x48e: {  	v17 =	vld.idx.msk [tilespmem:v25+s26+$0x0], $0xffff  }
0x48f: {  	v18 =	vld.idx.msk [tilespmem:v26+s26+$0x0], $0xffff  }
0x490: {  	v19 =	vld.idx.msk [tilespmem:v27+s26+$0x0], $0xffff  }
0x491: {  	v20 =	vld.idx.msk [tilespmem:v28+s26+$0x0], $0xffff  }
0x492: {  	v21 =	vld.idx.msk [tilespmem:v29+s26+$0x0], $0xffff  }
0x493: {  	v22 =	vld.idx.msk [tilespmem:v30+s26+$0x0], $0xffff  }
0x494: {  	v23 =	vld.idx.msk [tilespmem:v31+s26+$0x0], $0xffff  }
0x495: {  	v24 =	vld.idx.msk [tilespmem:v32+s26+$0x0], $0xffff  }
0x496: {  	v5 =	vld.idx.msk [tilespmem:v5+s26+$0x0], $0xffff  }
0x497: {  	v25 =	vld.idx.msk [tilespmem:v33+s26+$0x0], $0xffff  }
0x498: {  	v26 =	vld.idx.msk [tilespmem:v34+s26+$0x0], $0xffff  }
0x499: {  	v27 =	vld.idx.msk [tilespmem:v35+s26+$0x0], $0xffff  }
0x49a: {  	v28 =	vld.idx.msk [tilespmem:v36+s26+$0x0], $0xffff;
	v15 =	vadd.f32 v19, v15  }
0x49b: {  	v16 =	vadd.f32 v20, v16;
	v5 =	vadd.f32 v18, v5;
	v18 =	vld.idx.msk [tilespmem:v37+s26+$0x0], $0xffff  }
0x49c: {  	v17 =	vadd.f32 v21, v17  }
0x49d: {  	v15 =	vadd.f32 v23, v15;
	v16 =	vadd.f32 v24, v16  }
0x49e: {  	v17 =	vadd.f32 v25, v17;
	v5 =	vadd.f32 v22, v5  }
0x49f: {  	v15 =	vadd.f32 v27, v15;
	v16 =	vadd.f32 v28, v16  }
0x4a0: {  	v5 =	vadd.f32 v26, v5;
	v17 =	vadd.f32 v18, v17;
	_ =	sdelay $0x1  }
0x4a1: {  	v5 =	vadd.f32 v15, v5;
	v38 =	vadd.f32 v17, v16  }
0x4a2: {  	v39 =	vld [tilespmem:$0x118D0]  }
0x4a3: {  	v5 =	vadd.f32 v38, v5;
	_ =	sdelay $0x1  }
0x4a4: {  	v41 =	vld [tilespmem:$0x1FEB0];
	v5 =	vmul.f32 $4.999999890e-03, v5  }
0x4a5: {  	v42 =	vld [tilespmem:$0x1FEC0]  }
0x4a6: {  	v43 =	vld [tilespmem:$0x1FED0];
	v5 =	vsub.f32 v39, v5  }
0x4a7: {  	v44 =	vld [tilespmem:$0x1FEE0]  }
0x4a8: {  	v45 =	vld [tilespmem:$0x1FEF0];
	v5 =	vmul.f32 $1.442695020e+00, v5  }
0x4a9: {  	v46 =	vld [tilespmem:$0x1FF00]  }
0x4aa: {  	v47 =	vld [tilespmem:$0x1FF10];
	(erf) = vpow2.f32 v5  }
0x4ab: {  	v48 =	vld [tilespmem:$0x1FF20]  }
0x4ac: {  	v5 =	vld [tilespmem:$0x119D0]  }
0x4ad: {  	v49 =	vld [tilespmem:$0x1FF30]  }
0x4ae: {  	v50 =	vld [tilespmem:$0x1FF40]  }
0x4af: {  	v51 =	vld [tilespmem:$0x1FF50]  }
0x4b0: {  	v52 =	vld [tilespmem:$0x1FF60]  }
0x4b1: {  	v53 =	vld [tilespmem:$0x1FF70]  }
0x4b2: {  	v54 =	vld [tilespmem:$0x1FF80]  }
0x4b3: {  	v55 =	vld [tilespmem:$0x1FF90];
	v40 =	vpop (erf)  }
0x4b4: {  	[tilespmem:v5+s0+$0x0] =	vst.idx.add.f32.msk $0xffff, v40  }
0x4b5: {  	v5 =	vld [tilespmem:$0x1FEA0]  }
0x4b6: {  	v15 =	vld.idx.msk [tilespmem:v41+s26+$0x0], $0xffff  }
0x4b7: {  	v16 =	vld.idx.msk [tilespmem:v42+s26+$0x0], $0xffff  }
0x4b8: {  	v17 =	vld.idx.msk [tilespmem:v43+s26+$0x0], $0xffff  }
0x4b9: {  	v18 =	vld.idx.msk [tilespmem:v44+s26+$0x0], $0xffff  }
0x4ba: {  	v19 =	vld.idx.msk [tilespmem:v45+s26+$0x0], $0xffff  }
0x4bb: {  	v20 =	vld.idx.msk [tilespmem:v46+s26+$0x0], $0xffff  }
0x4bc: {  	v21 =	vld.idx.msk [tilespmem:v47+s26+$0x0], $0xffff  }
0x4bd: {  	v22 =	vld.idx.msk [tilespmem:v48+s26+$0x0], $0xffff  }
0x4be: {  	v23 =	vld.idx.msk [tilespmem:v49+s26+$0x0], $0xffff  }
0x4bf: {  	v24 =	vld.idx.msk [tilespmem:v50+s26+$0x0], $0xffff  }
0x4c0: {  	v5 =	vld.idx.msk [tilespmem:v5+s26+$0x0], $0xffff  }
0x4c1: {  	v25 =	vld.idx.msk [tilespmem:v51+s26+$0x0], $0xffff  }
0x4c2: {  	v26 =	vld.idx.msk [tilespmem:v52+s26+$0x0], $0xffff  }
0x4c3: {  	v27 =	vld.idx.msk [tilespmem:v53+s26+$0x0], $0xffff  }
0x4c4: {  	v28 =	vld.idx.msk [tilespmem:v54+s26+$0x0], $0xffff;
	v15 =	vadd.f32 v19, v15  }
0x4c5: {  	v16 =	vadd.f32 v20, v16;
	v5 =	vadd.f32 v18, v5;
	v18 =	vld.idx.msk [tilespmem:v55+s26+$0x0], $0xffff  }
0x4c6: {  	v17 =	vadd.f32 v21, v17  }
0x4c7: {  	v15 =	vadd.f32 v23, v15;
	v16 =	vadd.f32 v24, v16  }
0x4c8: {  	v17 =	vadd.f32 v25, v17;
	v5 =	vadd.f32 v22, v5  }
0x4c9: {  	v15 =	vadd.f32 v27, v15;
	v16 =	vadd.f32 v28, v16  }
0x4ca: {  	v5 =	vadd.f32 v26, v5;
	v17 =	vadd.f32 v18, v17;
	_ =	sdelay $0x1  }
0x4cb: {  	v5 =	vadd.f32 v15, v5;
	v56 =	vadd.f32 v17, v16  }
0x4cc: {  	v57 =	vld [tilespmem:$0x118E0]  }
0x4cd: {  	v5 =	vadd.f32 v56, v5;
	_ =	sdelay $0x1  }
0x4ce: {  	v5 =	vmul.f32 $4.999999890e-03, v5;
	_ =	sdelay $0x1  }
0x4cf: {  	v5 =	vsub.f32 v57, v5;
	_ =	sdelay $0x1  }
0x4d0: {  	v5 =	vmul.f32 $1.442695020e+00, v5;
	_ =	sdelay $0x1  }
0x4d1: {  	(erf) = vpow2.f32 v5;
	_ =	sdelay $0x1  }
0x4d2: {  	v5 =	vld [tilespmem:$0x119E0];
	_ =	sdelay $0x1  }
0x4d3: {  	v59 =	vld [tilespmem:$0x1FFB0]  }
0x4d4: {  	v60 =	vld [tilespmem:$0x1FFC0]  }
0x4d5: {  	v61 =	vld [tilespmem:$0x1FFD0]  }
0x4d6: {  	v62 =	vld [tilespmem:$0x1FFE0]  }
0x4d7: {  	v63 =	vld [tilespmem:$0x1FFF0]  }
0x4d8: {  	v58 =	vpop (erf)  }
0x4d9: {  	[tilespmem:v5+s0+$0x0] =	vst.idx.add.f32.msk $0xffff, v58  }
0x4da: {  	v5 =	vld [tilespmem:$0x1FFA0]  }
0x4db: {  	v15 =	vld.idx.msk [tilespmem:v59+s26+$0x0], $0xffff  }
0x4dc: {  	v16 =	vld.idx.msk [tilespmem:v60+s26+$0x0], $0xffff  }
0x4dd: {  	v17 =	vld.idx.msk [tilespmem:v61+s26+$0x0], $0xffff  }
0x4de: {  	v18 =	vld.idx.msk [tilespmem:v62+s26+$0x0], $0xffff  }
0x4df: {  	v19 =	vld.idx.msk [tilespmem:v63+s26+$0x0], $0xffff  }
0x4e0: {  	v0 =	vld.idx.msk [tilespmem:v0+s26+$0x0], $0xffff  }
0x4e1: {  	v6 =	vld.idx.msk [tilespmem:v6+s26+$0x0], $0xffff  }
0x4e2: {  	v7 =	vld.idx.msk [tilespmem:v7+s26+$0x0], $0xffff  }
0x4e3: {  	v8 =	vld.idx.msk [tilespmem:v8+s26+$0x0], $0xffff  }
0x4e4: {  	v9 =	vld.idx.msk [tilespmem:v9+s26+$0x0], $0xffff  }
0x4e5: {  	v10 =	vld.idx.msk [tilespmem:v10+s26+$0x0], $0xffff  }
0x4e6: {  	v5 =	vld.idx.msk [tilespmem:v5+s26+$0x0], $0xffff  }
0x4e7: {  	v11 =	vld.idx.msk [tilespmem:v11+s26+$0x0], $0xffff  }
0x4e8: {  	v14 =	vld.idx.msk [tilespmem:v14+s26+$0x0], $0xffff  }
0x4e9: {  	v13 =	vld.idx.msk [tilespmem:v13+s26+$0x0], $0xffff  }
0x4ea: {  	v12 =	vld.idx.msk [tilespmem:v12+s26+$0x0], $0xffff;
	v0 =	vadd.f32 v0, v16;
	v6 =	vadd.f32 v6, v17  }
0x4eb: {  	v15 =	vadd.f32 v19, v15;
	v5 =	vadd.f32 v18, v5  }
0x4ec: {  	v0 =	vadd.f32 v9, v0;
	v6 =	vadd.f32 v10, v6  }
0x4ed: {  	v5 =	vadd.f32 v7, v5;
	v7 =	vadd.f32 v8, v15  }
0x4ee: {  	v0 =	vadd.f32 v14, v0;
	v6 =	vadd.f32 v13, v6  }
0x4ef: {  	v5 =	vadd.f32 v11, v5;
	v7 =	vadd.f32 v12, v7;
	_ =	sdelay $0x1  }
0x4f0: {  	v0 =	vadd.f32 v6, v0;
	v5 =	vadd.f32 v7, v5  }
0x4f1: {  	v6 =	vld [tilespmem:$0x118F0]  }
0x4f2: {  	v0 =	vadd.f32 v0, v5;
	_ =	sdelay $0x1  }
0x4f3: {  	v0 =	vmul.f32 $4.999999890e-03, v0;
	_ =	sdelay $0x1  }
0x4f4: {  	v0 =	vsub.f32 v6, v0;
	_ =	sdelay $0x1  }
0x4f5: {  	v0 =	vmul.f32 $1.442695020e+00, v0;
	_ =	sdelay $0x1  }
0x4f6: {  	(erf) = vpow2.f32 v0;
	_ =	sdelay $0x1  }
0x4f7: {  	v0 =	vld [tilespmem:$0x119F0];
	_ =	sdelay $0x2  }
0x4f8: {  	s4 =	sadd.s32 $0x1, s4  }
0x4f9: {  	p0 =	sne.s32 s4, $0x8  }
.Ltmp3:
0x4fa: {  	s21 =	sshll.u32 s12, $0x4;
	(pc) =	sbr.rel @p0 .LBB2_2-.Ltmp3, $4  }
0x4fb: {  	s8 =	sand.u32 $0x70, s21  }
0x4fc: {  	s8 =	sadd.s32 s6, s8;
	v5 =	vpop (erf)  }
0x4fd: {  	s8 =	sadd.s32 s10, s8;
	[tilespmem:v0+s0+$0x0] =	vst.idx.add.f32.msk $0xffff, v5  }
0x4fe: {  	[hbm4b:s8+s30] =	stream.strided.scatter [tilespmem:s0], [sflag:$0x4], $0x400, s29, s30, $0x38;
	[tilespmem:$0x12A80] =	vst v63  }
0x4ff: {  	s4 =	simm.s32 $0x3  }
0x500: {  	_ =	swait.ge [sflag:s4], $0x400  }
0x501: {  	[sflag:s4] =	ssyncset.done $0x0  }
0x502: {  	s8 =	simm.s32 $0x4;
	[sflag:s4] =	ssyncadd.s32 $0xFFFFFC00  }
0x503: {  	_ =	swait.ge [sflag:s8], $0x400  }
0x504: {  	s9 =	rddreg [dreg:$0xa]  }
0x505: {  	s21 =	rddreg [dreg:$0x9];
	s9 =	sadd.s32 $0x1, s9  }
0x506: {  	p0 =	sne.s32 s9, s21  }
.Ltmp4:
0x507: {  	_ = 	snop;
	(pc) =	sbr.rel @p0 .LBB2_1-.Ltmp4, $3  }
0x508: {  	_ =	sdelay $0x1  }
0x509: {  	[sflag:s8] =	ssyncset.done $0x0  }
0x50a: {  	[sflag:s8] =	ssyncadd.s32 $0xFFFFFC00  }
0x50b: {  	_ =	sfence.sel $0x180000  }
0x50c: {  	[bflag:$0x0] =	sbarrier.arrive $0xFFFF  }
0x50d: {  	_ =	strace $0x90000047  }
0x50e: {  	s0 =	stileid.u32;
	[bflag:$0x2] =	sbarrier.arrive $0xFFFF  }
0x50f: {  	p0 =	sne.s32 s0, $0x0;
	s0 =	rddreg [dreg:$0x6]  }
0x510: {  	s0 =	sadd.s32 @!p0 $0x100000, s0  }
0x511: {  	[sflag:s0] =	ssyncadd.tile.s32 @!p0 $0x1;
	_ =	shalt  }
.Lfunc_end2:
_tile_overlayer_lowered:
.L_overlay_start_2:
0x512: {  	(tag) =	ssettag $0x2  }
0x513: {  	s0 =	rddreg [dreg:$0x0];
	s2 =	stileid.u32  }
0x514: {  	s1 =	rddreg [dreg:$0x1];
	p0 =	sne.s32 s2, $0x0  }
0x515: {  	s3 =	rddreg [dreg:$0x2];
	[bflag:$0x3] =	sbarrier.arrive $0xFFFF;
	s2 =	simm.s32 @!p0 $0x1C05  }
0x516: {  	[timem:s3], [sflag:s2] =	dma.local @!p0 [hbm:s0], s1  }
0x517: {  	s0 =	simm.s32 @!p0 $0x5  }
0x518: {  	_ =	swait.ge @!p0 [sflag:s0], s1  }
0x519: {  	s1 =	ssub.s32 @!p0 $0x0, s1;
	[sflag:s0] =	ssyncset.done @!p0 $0x0  }
0x51a: {  	[sflag:s0] =	ssyncadd.s32 @!p0 s1  }
0x51b: {  	[bflag:$0x3] =	sbarrier.arrive $0xFFFF  }
0x51c: {  	_ =	shalt  }

</sc_bundles>
